<compile_context>
chip_gen: v7x
topology: tpu7x:2x2x1
jax: 0.10.2.dev20260603
libtpu: 0.0.44.dev20260713+nightly
codegen_flags: <defaults>
</compile_context>

<pallas_src>
import functools

import jax
import jax.numpy as jnp
from jax import lax
from jax.experimental import pallas as pl
from jax.experimental.pallas import tpu as pltpu
from jax.experimental.pallas import tpu_sc as plsc

F32 = jnp.float32
_INV_S = 1.0 / (1.0 + 1e-5) ** 0.5
_MAXN = 1.0 - 1e-5
_PREC = lax.Precision.HIGHEST


def _rnorm(x):
    return jnp.maximum(jnp.sqrt(jnp.sum(x * x, axis=-1, keepdims=True)), 1e-15)


def _artanh(x):
    x = jnp.clip(x, -1.0 + 1e-7, 1.0 - 1e-7)
    return 0.5 * (jnp.log1p(x) - jnp.log1p(-x))


def _proj(x):
    n = _rnorm(x)
    return jnp.where(n > _MAXN, x / n * _MAXN, x)


def _expmap0(u):
    n = _rnorm(u)
    return jnp.tanh(n) * u / n


def _logmap0(p):
    n = _rnorm(p)
    return _artanh(n) * p / n


def _mobius_add(x, y):
    x2 = jnp.sum(x * x, -1, keepdims=True)
    y2 = jnp.sum(y * y, -1, keepdims=True)
    xy = jnp.sum(x * y, -1, keepdims=True)
    num = (1 + 2 * xy + y2) * x + (1 - x2) * y
    den = 1 + 2 * xy + x2 * y2
    return num / jnp.maximum(den, 1e-15)


def _matvecT(x, W):
    return lax.dot_general(x, W, (((1,), (1,)), ((), ())),
                           precision=_PREC, preferred_element_type=F32)


def _mobius_matvec_block(y, W):
    xn = _rnorm(y)
    mx = _matvecT(y, W)
    mn = _rnorm(mx)
    return jnp.tanh(mn / xn * _artanh(xn)) * mx / mn



def _stage_a_body(x_ref, w1_ref, b1_ref, w2_ref, b2_ref, gw_ref, gb_ref,
                  out_ref):
    x = x_ref[0]
    h = jax.nn.relu((_matvecT(x, w1_ref[0]) + b1_ref[0]) * _INV_S)
    h = jax.nn.relu((_matvecT(h, w2_ref[0]) + b2_ref[0]) * _INV_S)
    y = _proj(_expmap0(h))
    mv = _proj(_mobius_matvec_block(y, gw_ref[...]))
    gb = _proj(_expmap0(gb_ref[...]))
    h2 = _proj(_mobius_add(mv, gb))
    out_ref[...] = _logmap0(h2)


def _run_stage_a(Xs, TW1, Tb1, TW2, Tb2, gW, gb, NP):
    T, P, d = Xs.shape
    BR = 624
    PB = P // BR
    grid = (T, PB)
    return pl.pallas_call(
        _stage_a_body,
        grid=grid,
        in_specs=[
            pl.BlockSpec((1, BR, d), lambda t, i: (t, i, 0)),
            pl.BlockSpec((1, d, d), lambda t, i: (t, 0, 0)),
            pl.BlockSpec((1, 1, d), lambda t, i: (t, 0, 0)),
            pl.BlockSpec((1, d, d), lambda t, i: (t, 0, 0)),
            pl.BlockSpec((1, 1, d), lambda t, i: (t, 0, 0)),
            pl.BlockSpec((d, d), lambda t, i: (0, 0)),
            pl.BlockSpec((1, d), lambda t, i: (0, 0)),
        ],
        out_specs=pl.BlockSpec((BR, d), lambda t, i: (t * PB + i, 0)),
        out_shape=jax.ShapeDtypeStruct((NP, d), F32),
    )(Xs, TW1, Tb1, TW2, Tb2, gW, gb)



def _stage_d_body(p0_ref, p1_ref, xt_ref, gw_ref, gb_ref, out_ref):
    agg = p0_ref[0] + p1_ref[0] + xt_ref[...]
    h = _proj(_expmap0(agg))
    h = _proj(_expmap0(jax.nn.relu(_logmap0(h))))
    mv = _proj(_mobius_matvec_block(h, gw_ref[...]))
    gb = _proj(_expmap0(gb_ref[...]))
    out_ref[...] = _logmap0(_proj(_mobius_add(mv, gb)))


def _run_stage_d(parts, xt1, gW, gb):
    NP, d = xt1.shape
    BR = 624
    grid = (NP // BR,)
    return pl.pallas_call(
        _stage_d_body,
        grid=grid,
        in_specs=[
            pl.BlockSpec((1, BR, d), lambda i: (0, i, 0)),
            pl.BlockSpec((1, BR, d), lambda i: (1, i, 0)),
            pl.BlockSpec((BR, d), lambda i: (i, 0)),
            pl.BlockSpec((d, d), lambda i: (0, 0)),
            pl.BlockSpec((1, d), lambda i: (0, 0)),
        ],
        out_specs=pl.BlockSpec((BR, d), lambda i: (i, 0)),
        out_shape=jax.ShapeDtypeStruct((NP, d), F32),
    )(parts, parts, xt1, gW, gb)



def _stage_f_body(p0_ref, p1_ref, xt_ref, sel_ref, o1_ref, o2_ref, acc_ref):
    i = pl.program_id(0)
    SEL = acc_ref.shape[0]
    B = o1_ref.shape[0]

    @pl.when(i == 0)
    def _():
        acc_ref[...] = jnp.zeros_like(acc_ref)

    blk = p0_ref[0] + p1_ref[0] + xt_ref[...]
    BR = blk.shape[0]
    col = lax.broadcasted_iota(jnp.int32, (SEL, BR), 1) + i * BR
    oh = (sel_ref[...] == col).astype(F32)
    acc_ref[...] += lax.dot_general(oh, blk, (((1,), (0,)), ((), ())),
                                    precision=_PREC,
                                    preferred_element_type=F32)

    @pl.when(i == pl.num_programs(0) - 1)
    def _():
        agg = acc_ref[...]
        h = _proj(_expmap0(agg))
        h = _proj(_expmap0(jax.nn.relu(_logmap0(h))))
        res = _proj(_expmap0(_logmap0(h)))
        o1_ref[...] = res[:B]
        o2_ref[...] = res[B:2 * B]


def _run_stage_f(parts, xt2, sel, B):
    NP, d = xt2.shape
    SEL = sel.shape[0]
    BR = 624
    sel_b = jnp.broadcast_to(sel[:, None], (SEL, BR)).astype(jnp.int32)
    grid = (NP // BR,)
    return pl.pallas_call(
        _stage_f_body,
        grid=grid,
        in_specs=[
            pl.BlockSpec((1, BR, d), lambda i: (0, i, 0)),
            pl.BlockSpec((1, BR, d), lambda i: (1, i, 0)),
            pl.BlockSpec((BR, d), lambda i: (i, 0)),
            pl.BlockSpec((SEL, BR), lambda i: (0, 0)),
        ],
        out_specs=[
            pl.BlockSpec((B, d), lambda i: (0, 0)),
            pl.BlockSpec((B, d), lambda i: (0, 0)),
        ],
        out_shape=[
            jax.ShapeDtypeStruct((B, d), F32),
            jax.ShapeDtypeStruct((B, d), F32),
        ],
        scratch_shapes=[pltpu.VMEM((SEL, d), F32)],
    )(parts, parts, xt2, sel_b)



_CH = 128


def _sc_remap(srcp, dstp, qp):
    EP = srcp.shape[0]
    CH = _CH
    NCH = EP // CH
    info = plsc.get_sparse_core_info()
    NC, NS = info.num_cores, info.num_subcores
    NW = NC * NS
    CPW = NCH // NW
    mesh = plsc.VectorSubcoreMesh(core_axis_name="c", subcore_axis_name="s")

    @functools.partial(
        pl.kernel, mesh=mesh,
        out_type=[jax.ShapeDtypeStruct((EP,), jnp.int32),
                  jax.ShapeDtypeStruct((EP,), jnp.int32)],
        scratch_types=[
            pltpu.VMEM((2, CH), jnp.int32),
            pltpu.VMEM((2, CH), jnp.int32),
            pltpu.VMEM((2, CH), jnp.int32),
            pltpu.VMEM((2, CH), jnp.int32),
            pltpu.SemaphoreType.DMA,
            pltpu.SemaphoreType.DMA,
            pltpu.SemaphoreType.DMA,
            pltpu.SemaphoreType.DMA,
            pltpu.SemaphoreType.DMA,
        ],
    )
    def remap_kernel(src_hbm, dst_hbm, qp_hbm, src2_hbm, dst2_hbm,
                     sidx, didx, sidx2, didx2, fs0, fs1, rsem, ws0, ws1):
        fsems = (fs0, fs1)
        wsems = (ws0, ws1)
        c = lax.axis_index("c")
        s = lax.axis_index("s")
        wid = s * NC + c
        base_chunk = wid * CPW

        def fetch_cp(k, p):
            eb = (base_chunk + k) * CH
            return (pltpu.make_async_copy(src_hbm.at[pl.ds(eb, CH)],
                                          sidx.at[p], fsems[p]),
                    pltpu.make_async_copy(dst_hbm.at[pl.ds(eb, CH)],
                                          didx.at[p], fsems[p]))

        def remap_cp(k, p):
            return (pltpu.make_async_copy(qp_hbm.at[sidx.at[p]],
                                          sidx2.at[p], rsem),
                    pltpu.make_async_copy(qp_hbm.at[didx.at[p]],
                                          didx2.at[p], rsem))

        def wb_cp(k, p):
            eb = (base_chunk + k) * CH
            return (pltpu.make_async_copy(sidx2.at[p],
                                          src2_hbm.at[pl.ds(eb, CH)],
                                          wsems[p]),
                    pltpu.make_async_copy(didx2.at[p],
                                          dst2_hbm.at[pl.ds(eb, CH)],
                                          wsems[p]))

        def start2(cp):
            cp[0].start()
            cp[1].start()

        def wait2(cp):
            cp[0].wait()
            cp[1].wait()

        start2(fetch_cp(0, 0))

        def step(i, carry):
            for b in range(2):
                k = 2 * i + b
                nb = 1 - b

                @pl.when(k > 1)
                def _():
                    wait2(wb_cp(k - 2, b))

                @pl.when(k + 1 < CPW)
                def _():
                    start2(fetch_cp(k + 1, nb))

                wait2(fetch_cp(k, b))
                start2(remap_cp(k, b))
                wait2(remap_cp(k, b))
                start2(wb_cp(k, b))
            return carry

        lax.fori_loop(0, CPW // 2, step, 0)
        wait2(wb_cp(CPW - 2, (CPW - 2) % 2))
        wait2(wb_cp(CPW - 1, (CPW - 1) % 2))

    return remap_kernel(srcp, dstp, qp)


def _sc_aggregate(xt, src2p, dst2p):
    NP, d = xt.shape
    EP = src2p.shape[0]
    CH = _CH
    NCH = EP // CH
    info = plsc.get_sparse_core_info()
    NC, NS = info.num_cores, info.num_subcores
    NW = NC * NS
    CPW = NCH // NW
    U = NCH // (3 * NS)
    CPW0 = 2 * U
    CPW1 = U
    ZR = CH
    RPS = NP // NS
    mesh = plsc.VectorSubcoreMesh(core_axis_name="c", subcore_axis_name="s")

    @functools.partial(
        pl.kernel, mesh=mesh,
        out_type=jax.ShapeDtypeStruct((NC, NP, d), F32),
        scratch_types=[
            pltpu.VMEM((3, CH), jnp.int32),
            pltpu.VMEM((3, CH), jnp.int32),
            pltpu.VMEM((3, CH, d), F32),
            pltpu.VMEM_SHARED((NP, d), F32),
            pltpu.SemaphoreType.DMA,
            pltpu.SemaphoreType.DMA,
            pltpu.SemaphoreType.DMA,
            pltpu.SemaphoreType.DMA,
            pltpu.SemaphoreType.DMA,
            pltpu.SemaphoreType.DMA,
        ],
    )
    def agg_kernel(xt_hbm, src_hbm, dst_hbm, out_hbm,
                   sidx, didx, rows, acc,
                   isem, f0, f1, g0, g1, ssem):
        fsems = (f0, f1)
        gsems = (g0, g1)
        c = lax.axis_index("c")
        s = lax.axis_index("s")
        cpw = jnp.where(c == 0, CPW0, CPW1)
        base_chunk = jnp.where(c == 0, s * CPW0, NS * CPW0 + s * CPW1)
        row0 = s * RPS
        nfull = RPS // ZR
        rem = RPS - nfull * ZR

        def zstore(i, carry):
            r = i // (d // 16)
            g = i - r * (d // 16)
            rows[0, r, pl.ds(g * 16, 16)] = jnp.zeros((16,), F32)
            return carry

        lax.fori_loop(0, ZR * (d // 16), zstore, 0)
        for k in range(nfull):
            pltpu.async_copy(rows.at[0], acc.at[pl.ds(row0 + k * ZR, ZR)],
                             isem)
        if rem:
            pltpu.async_copy(rows.at[0, pl.ds(0, rem)],
                             acc.at[pl.ds(row0 + nfull * ZR, rem)], isem)
        for k in range(nfull):
            pltpu.make_async_copy(rows.at[0],
                                  acc.at[pl.ds(row0 + k * ZR, ZR)],
                                  isem).wait()
        if rem:
            pltpu.make_async_copy(rows.at[0, pl.ds(0, rem)],
                                  acc.at[pl.ds(row0 + nfull * ZR, rem)],
                                  isem).wait()
        plsc.subcore_barrier()

        def fetch_cp(k, p):
            eb = (base_chunk + k) * CH
            sl = k % 3
            return (pltpu.make_async_copy(src_hbm.at[pl.ds(eb, CH)],
                                          sidx.at[sl], fsems[p]),
                    pltpu.make_async_copy(dst_hbm.at[pl.ds(eb, CH)],
                                          didx.at[sl], fsems[p]))

        def gather_cp(k, p):
            return pltpu.make_async_copy(xt_hbm.at[sidx.at[k % 3]],
                                         rows.at[k % 3], gsems[p])

        def scatter_cp(k):
            return pltpu.make_async_copy(rows.at[k % 3],
                                         acc.at[didx.at[k % 3]], ssem)

        def start2(cp):
            cp[0].start()
            cp[1].start()

        def wait2(cp):
            cp[0].wait()
            cp[1].wait()

        @pl.when(cpw >= 2)
        def _():
            start2(fetch_cp(0, 0))
            start2(fetch_cp(1, 1))
            wait2(fetch_cp(0, 0))
            gather_cp(0, 0).start()
            wait2(fetch_cp(1, 1))
            gather_cp(1, 1).start()

        def step(i, carry):
            for b in range(2):
                k = 2 * i + b
                nb = 1 - b

                @pl.when(k > 0)
                def _():
                    scatter_cp(k - 1).wait()

                @pl.when(k + 2 < cpw)
                def _():
                    start2(fetch_cp(k + 2, b))

                gather_cp(k, b).wait()
                scatter_cp(k).start(add=True)

                @pl.when(k + 2 < cpw)
                def _():
                    wait2(fetch_cp(k + 2, b))
                    gather_cp(k + 2, b).start()
            return carry

        lax.fori_loop(0, cpw // 2, step, 0)

        @pl.when(cpw > 0)
        def _():
            scatter_cp(cpw - 1).wait()

        plsc.subcore_barrier()
        pltpu.sync_copy(acc.at[pl.ds(row0, RPS)],
                        out_hbm.at[c, pl.ds(row0, RPS)])

    return agg_kernel(xt, src2p, dst2p)



def kernel(x_1, x_2, n_1, n_2, edge_index, t1_W1, t1_W2, t2_W1, t2_W2,
           g_W1, g_W2, t1_b1, t1_b2, t2_b1, t2_b2, g_b1, g_b2):
    N1, d = x_1.shape
    N2 = x_2.shape[0]
    N = N1 + N2
    B = n_1.shape[0]
    P1 = -(-N1 // 128) * 128
    P2 = -(-N2 // 128) * 128
    NP = P1 + P2

    n1 = n_1.astype(jnp.int32)
    n2 = n_2.astype(jnp.int32)
    cum = jnp.cumsum(n1 + n2)
    zero = jnp.zeros((1,), jnp.int32)
    C0 = jnp.concatenate([zero, cum[:-1]])
    c1 = jnp.concatenate([zero, jnp.cumsum(n1)[:-1]])
    c2 = jnp.concatenate([zero, jnp.cumsum(n2)[:-1]])
    j = jnp.arange(N, dtype=jnp.int32)
    geB = (j[:, None] >= cum[None, :]).astype(F32)
    ge_ext = jnp.concatenate([jnp.ones((N, 1), F32), geB], axis=1)
    oh = ge_ext[:, :B] - ge_ext[:, 1:B + 1]
    tbl = jnp.stack([C0, n1, c1, c2], axis=1).astype(F32)
    vals = jax.lax.dot_general(oh, tbl, (((1,), (0,)), ((), ())),
                               precision=_PREC)
    C0g = vals[:, 0].astype(jnp.int32)
    n1g = vals[:, 1].astype(jnp.int32)
    c1g = vals[:, 2].astype(jnp.int32)
    c2g = vals[:, 3].astype(jnp.int32)
    within = j - C0g
    perm = jnp.where(within < n1g, c1g + within,
                     N1 + c2g + within - n1g).astype(jnp.int32)
    qp = perm + jnp.where(perm >= N1, P1 - N1, 0).astype(jnp.int32)
    QPAD = -(-(N + 1) // 16) * 16
    qp_pad = jnp.concatenate([qp, jnp.full((QPAD - N,), NP - 1, jnp.int32)])
    a_idx = C0
    b_idx = C0 + n1
    SEL = -(-(2 * B) // 128) * 128
    sel = jnp.concatenate([qp[a_idx], qp[b_idx],
                           jnp.zeros((SEL - 2 * B,), jnp.int32)])

    E = edge_index.shape[1]
    CH = _CH
    info = plsc.get_sparse_core_info()
    NW = info.num_cores * info.num_subcores
    GRAN = CH * NW * 3
    EP = -(-E // GRAN) * GRAN
    src = edge_index[0].astype(jnp.int32)
    dst = edge_index[1].astype(jnp.int32)
    if EP != E:
        src = jnp.concatenate([src, jnp.zeros((EP - E,), jnp.int32)])
        dst = jnp.concatenate([dst, jnp.full((EP - E,), N, jnp.int32)])

    Xs = jnp.stack([jnp.pad(x_1, ((0, P1 - N1), (0, 0))),
                    jnp.pad(x_2, ((0, P2 - N2), (0, 0)))])
    TW1 = jnp.stack([t1_W1, t2_W1])
    TW2 = jnp.stack([t1_W2, t2_W2])
    Tb1 = jnp.stack([t1_b1, t2_b1]).reshape(2, 1, d)
    Tb2 = jnp.stack([t1_b2, t2_b2]).reshape(2, 1, d)
    gb1 = g_b1.reshape(1, d)
    gb2 = g_b2.reshape(1, d)

    src2, dst2 = _sc_remap(src, dst, qp_pad)
    xt1 = _run_stage_a(Xs, TW1, Tb1, TW2, Tb2, g_W1, gb1, NP)
    parts1 = _sc_aggregate(xt1, src2, dst2)
    xt2 = _run_stage_d(parts1, xt1, g_W2, gb2)
    parts2 = _sc_aggregate(xt2, src2, dst2)
    o1, o2 = _run_stage_f(parts2, xt2, sel, B)
    return (o1, o2)

# --- scband reference (transcript-rebuilt; emitter-appended) ---
"""Pipeline reference for scband-poincare-li-fu-31980326486020 (READ-ONLY COPY).

The authoritative reference and input builder live on the scoring server;
editing this copy changes nothing except your own understanding.
"""

import jax, jax.numpy as jnp
import numpy as np

C = 1.0
SQC = 1.0

def _norm(x):
    return jnp.clip(jnp.linalg.norm(x, axis=-1, keepdims=True), 1e-15)

def _artanh(x):
    x = jnp.clip(x, -1.0 + 1e-7, 1.0 - 1e-7)
    return 0.5 * (jnp.log1p(x) - jnp.log1p(-x))

def _proj(x):
    n = _norm(x)
    maxnorm = (1.0 - 1e-5) / SQC
    return jnp.where(n > maxnorm, x / n * maxnorm, x)

def _expmap0(u):
    n = _norm(u)
    return jnp.tanh(SQC * n) * u / (SQC * n)

def _logmap0(p):
    n = _norm(p)
    return _artanh(SQC * n) * p / (SQC * n)

def _mobius_add(x, y):
    x2 = jnp.sum(x * x, -1, keepdims=True)
    y2 = jnp.sum(y * y, -1, keepdims=True)
    xy = jnp.sum(x * y, -1, keepdims=True)
    num = (1 + 2 * C * xy + C * y2) * x + (1 - C * x2) * y
    den = 1 + 2 * C * xy + C * C * x2 * y2
    return num / jnp.clip(den, 1e-15)

def _mobius_matvec(W, x):
    xn = _norm(x)
    mx = x @ W.T
    mn = _norm(mx)
    return jnp.tanh(mn / xn * _artanh(SQC * xn)) * mx / (mn * SQC)

def _from_euclid(x):
    return _proj(_expmap0(x))

def _seqlinear(x, W1, b1, W2, b2):
    h = x @ W1.T + b1
    h = h / jnp.sqrt(1.0 + 1e-5)
    h = jax.nn.relu(h)
    h = h @ W2.T + b2
    h = h / jnp.sqrt(1.0 + 1e-5)
    h = jax.nn.relu(h)
    return h

def _hyp_gconv(x, W, b, src, dst, n_nodes):
    mv = _proj(_mobius_matvec(W, x))
    bias = _proj(_expmap0(b[None, :]))
    h = _proj(_mobius_add(mv, bias))
    xt = _logmap0(h)
    agg = jax.ops.segment_sum(xt[src], dst, num_segments=n_nodes) + xt
    h = _proj(_expmap0(agg))
    h = _proj(_expmap0(jax.nn.relu(_logmap0(h))))
    return h

def _concat_perm(n1, n2):
    n1 = np.asarray(n1); n2 = np.asarray(n2)
    N1 = int(n1.sum())
    src = []
    c1 = 0; c2 = 0
    for i in range(len(n1)):
        src.extend(range(c1, c1 + int(n1[i])))
        src.extend(range(N1 + c2, N1 + c2 + int(n2[i])))
        c1 += int(n1[i]); c2 += int(n2[i])
    return np.asarray(src, dtype=np.int32)

def setup_inputs(seed: int = 0):
    key = jax.random.key(seed)
    ks = jax.random.split(key, 20)
    B = 100
    N1 = 4950; N2 = 4950; N = N1 + N2
    E = 316800
    d = 128
    inp = {
        'x_1': jax.random.normal(ks[0], (N1, d), jnp.float32),
        'x_2': jax.random.normal(ks[1], (N2, d), jnp.float32),
        'n_1': jnp.arange(B, dtype=jnp.int32),
        'n_2': jnp.arange(B, dtype=jnp.int32),
        'edge_index': jax.random.randint(ks[2], (2, E), 0, N, dtype=jnp.int32),
    }
    wnames = ['t1_W1', 't1_W2', 't2_W1', 't2_W2', 'g_W1', 'g_W2']
    for i, nm in enumerate(wnames):
        inp[nm] = jax.random.normal(ks[3 + i], (d, d), jnp.float32) * 0.05
    bnames = ['t1_b1', 't1_b2', 't2_b1', 't2_b2', 'g_b1', 'g_b2']
    for i, nm in enumerate(bnames):
        inp[nm] = jax.random.normal(ks[9 + i], (d,), jnp.float32) * 0.01
    return inp

def reference(x_1, x_2, n_1, n_2, edge_index, t1_W1, t1_W2, t2_W1, t2_W2, g_W1, g_W2, t1_b1, t1_b2, t2_b1, t2_b2, g_b1, g_b2):
    N1 = x_1.shape[0]
    N2 = x_2.shape[0]
    N = N1 + N2
    n1 = n_1.astype(jnp.int32)
    n2 = n_2.astype(jnp.int32)
    cum = jnp.cumsum(n1 + n2)
    zero = jnp.zeros((1,), jnp.int32)
    C0 = jnp.concatenate([zero, cum[:-1]])
    c1 = jnp.concatenate([zero, jnp.cumsum(n1)[:-1]])
    c2 = jnp.concatenate([zero, jnp.cumsum(n2)[:-1]])
    j = jnp.arange(N, dtype=jnp.int32)
    g = jnp.searchsorted(cum, j, side='right')
    within = j - C0[g]
    perm = jnp.where(within < n1[g], c1[g] + within, N1 + c2[g] + within - n1[g]).astype(jnp.int32)
    h1 = _seqlinear(x_1, t1_W1, t1_b1, t1_W2, t1_b2)
    h2 = _seqlinear(x_2, t2_W1, t2_b1, t2_W2, t2_b2)
    x_concat = _from_euclid(jnp.concatenate([h1, h2], axis=0)[perm])
    src = edge_index[0]; dst = edge_index[1]
    x = _hyp_gconv(x_concat, g_W1, g_b1, src, dst, N)
    x = _hyp_gconv(x, g_W2, g_b2, src, dst, N)
    xt = _logmap0(x)
    a = C0
    b = a + n1
    x_cls_1 = _from_euclid(xt[a])
    x_cls_2 = _from_euclid(xt[b])
    return (x_cls_1, x_cls_2)

if __name__ == "__main__":
    import jax
    _d = setup_inputs()
    print(jax.jit(kernel)(*tuple(_d.values())))

</pallas_src>

<mosaic_0001>
#map = affine_map<(d0, d1) -> (0, 0)>
#map1 = affine_map<(d0, d1) -> (0)>
#map2 = affine_map<(d0, d1) -> (0, 0, 0)>
module attributes {stable_mosaic.version = 14 : i64} {
  func.func @agg_kernel(%arg0: i32, %arg1: i32, %arg2: memref<9984x128xf32, #tpu.memory_space<hbm>>, %arg3: memref<319488xi32, #tpu.memory_space<hbm>>, %arg4: memref<319488xi32, #tpu.memory_space<hbm>>, %arg5: memref<2x9984x128xf32, #tpu.memory_space<hbm>>, %arg6: memref<3x128xi32, #tpu.memory_space<vmem>>, %arg7: memref<3x128xi32, #tpu.memory_space<vmem>>, %arg8: memref<3x128x128xf32, #tpu.memory_space<vmem>>, %arg9: memref<9984x128xf32, #tpu.memory_space<vmem_shared>>, %arg10: memref<!tpu.dma_semaphore, #tpu.memory_space<semaphore_mem>>, %arg11: memref<!tpu.dma_semaphore, #tpu.memory_space<semaphore_mem>>, %arg12: memref<!tpu.dma_semaphore, #tpu.memory_space<semaphore_mem>>, %arg13: memref<!tpu.dma_semaphore, #tpu.memory_space<semaphore_mem>>, %arg14: memref<!tpu.dma_semaphore, #tpu.memory_space<semaphore_mem>>, %arg15: memref<!tpu.dma_semaphore, #tpu.memory_space<semaphore_mem>>) attributes {dimension_semantics = [#tpu.dimension_semantics<core_parallel>, #tpu.dimension_semantics<subcore_parallel>], iteration_bounds = array<i64: 2, 16>, scalar_prefetch = 0 : i64, scratch_operands = 10 : i64, tpu.core_type = #tpu.core_type<sc_vector_subcore>, window_params = [{transform_indices = #map}, {transform_indices = #map1}, {transform_indices = #map1}, {transform_indices = #map2}]} {
    %eq3A = arith.constant 0 : i32
    %eq3A_0 = arith.cmpi eq, %arg0, %eq3A : i32
    %jit3A = arith.constant 104 : i32
    %jit3A_1 = arith.constant 52 : i32
    %select_n3A = arith.select %eq3A_0, %jit3A, %jit3A_1 : i32
    %eq3A_2 = arith.constant 0 : i32
    %eq3A_3 = arith.cmpi eq, %arg0, %eq3A_2 : i32
    %mul3A = arith.constant 104 : i32
    %mul3A_4 = arith.muli %arg1, %mul3A : i32
    %mul3A_5 = arith.constant 52 : i32
    %mul3A_6 = arith.muli %arg1, %mul3A_5 : i32
    %add3A = arith.constant 1664 : i32
    %add3A_7 = arith.addi %add3A, %mul3A_6 : i32
    %select_n3A_8 = arith.select %eq3A_3, %mul3A_4, %add3A_7 : i32
    %mul3A_9 = arith.constant 624 : i32
    %mul3A_10 = arith.muli %arg1, %mul3A_9 : i32
    %scan3A = arith.constant 0 : i32
    %scan3A_11 = arith.constant 0 : i32
    %scan3A_12 = arith.constant 1024 : i32
    %scan3A_13 = arith.addi %scan3A_11, %scan3A_12 : i32
    %scan3A_14 = arith.constant 1 : i32
    scf.for %scan3A_198 = %scan3A_11 to %scan3A_13 step %scan3A_14  : i32 {
      %jit3A_199 = arith.constant 8 : i32
      %div3A_200 = arith.divsi %scan3A_198, %jit3A_199 : i32
      %sign3A_201 = arith.constant 0 : i32
      %sign3A_202 = arith.cmpi sgt, %scan3A_198, %sign3A_201 : i32
      %sign3A_203 = arith.extui %sign3A_202 : i1 to i32
      %sign3A_204 = arith.constant 0 : i32
      %sign3A_205 = arith.cmpi slt, %scan3A_198, %sign3A_204 : i32
      %sign3A_206 = arith.extui %sign3A_205 : i1 to i32
      %sign3A_207 = arith.subi %sign3A_203, %sign3A_206 : i32
      %sign3A_208 = arith.constant 0 : i32
      %sign3A_209 = arith.cmpi sgt, %jit3A_199, %sign3A_208 : i32
      %sign3A_210 = arith.extui %sign3A_209 : i1 to i32
      %sign3A_211 = arith.constant 0 : i32
      %sign3A_212 = arith.cmpi slt, %jit3A_199, %sign3A_211 : i32
      %sign3A_213 = arith.extui %sign3A_212 : i1 to i32
      %sign3A_214 = arith.subi %sign3A_210, %sign3A_213 : i32
      %ne3A_215 = arith.cmpi ne, %sign3A_207, %sign3A_214 : i32
      %rem3A_216 = arith.remsi %scan3A_198, %jit3A_199 : i32
      %ne3A_217 = arith.constant 0 : i32
      %ne3A_218 = arith.cmpi ne, %rem3A_216, %ne3A_217 : i32
      %and3A_219 = arith.andi %ne3A_215, %ne3A_218 : i1
      %sub3A_220 = arith.constant 1 : i32
      %sub3A_221 = arith.subi %div3A_200, %sub3A_220 : i32
      %select_n3A_222 = arith.select %and3A_219, %sub3A_221, %div3A_200 : i32
      %mul3A_223 = arith.constant 8 : i32
      %mul3A_224 = arith.muli %select_n3A_222, %mul3A_223 : i32
      %sub3A_225 = arith.subi %scan3A_198, %mul3A_224 : i32
      %broadcast_in_dim3A = arith.constant 0.000000e+00 : f32
      %broadcast_in_dim3A_226 = vector.broadcast %broadcast_in_dim3A : f32 to vector<16xf32>
      %mul3A_227 = arith.constant 16 : i32
      %mul3A_228 = arith.muli %sub3A_225, %mul3A_227 : i32
      %swap3A = arith.constant 0 : i32
      %swap3A_229 = arith.index_cast %swap3A : i32 to index
      %swap3A_230 = arith.index_cast %select_n3A_222 : i32 to index
      %swap3A_231 = arith.index_cast %mul3A_228 : i32 to index
      %swap3A_232 = tpu.vector_load %arg8[%swap3A_229, %swap3A_230, %swap3A_231] {strides = array<i32>} : memref<3x128x128xf32, #tpu.memory_space<vmem>>, vector<1x1x16xf32>,
      %swap3A_233 = vector.shape_cast %swap3A_232 : vector<1x1x16xf32> to vector<16xf32>
      %swap3A_234 = vector.shape_cast %broadcast_in_dim3A_226 : vector<16xf32> to vector<1x1x16xf32>
      tpu.vector_store %arg8[%swap3A_229, %swap3A_230, %swap3A_231], %swap3A_234 {strides = array<i32>} : memref<3x128x128xf32, #tpu.memory_space<vmem>>, vector<1x1x16xf32>,
    }
    %scan3A_15 = arith.constant 1024 : i32
    %add3A_16 = arith.constant 0 : i32
    %add3A_17 = arith.addi %mul3A_10, %add3A_16 : i32
    %dma_start3A = arith.constant 0 : i32
    %dma_start3A_18 = arith.constant 0 : i32
    %dma_start3A_19 = arith.constant 0 : i32
    %dma_start3A_20 = tpu.memref_slice %arg8[%dma_start3A, %dma_start3A_18, %dma_start3A_19] : memref<3x128x128xf32, #tpu.memory_space<vmem>> -> memref<1x128x128xf32, #tpu.memory_space<vmem>>
    %dma_start3A_21 = tpu.memref_squeeze %dma_start3A_20 : memref<1x128x128xf32, #tpu.memory_space<vmem>> -> memref<128x128xf32, #tpu.memory_space<vmem>>
    %dma_start3A_22 = arith.constant 0 : i32
    %dma_start3A_23 = tpu.memref_slice %arg9[%add3A_17, %dma_start3A_22] : memref<9984x128xf32, #tpu.memory_space<vmem_shared>> -> memref<128x128xf32, #tpu.memory_space<vmem_shared>>
    %dma_start3A_24 = arith.constant 0 : i32
    %dma_start3A_25 = tpu.memref_slice %arg9[%add3A_17, %dma_start3A_24] : memref<9984x128xf32, #tpu.memory_space<vmem_shared>> -> memref<128x128xf32, #tpu.memory_space<vmem_shared>>
    %dma_start3A_26 = arith.constant 0 : i32
    %dma_start3A_27 = arith.constant 0 : i32
    %dma_start3A_28 = tpu.memref_slice %arg8[%dma_start3A, %dma_start3A_26, %dma_start3A_27] : memref<3x128x128xf32, #tpu.memory_space<vmem>> -> memref<1x128x128xf32, #tpu.memory_space<vmem>>
    %dma_start3A_29 = tpu.memref_squeeze %dma_start3A_28 : memref<1x128x128xf32, #tpu.memory_space<vmem>> -> memref<128x128xf32, #tpu.memory_space<vmem>>
    tpu.enqueue_dma source(%dma_start3A_29 : memref<128x128xf32, #tpu.memory_space<vmem>>) target(%dma_start3A_25 : memref<128x128xf32, #tpu.memory_space<vmem_shared>>) target_semaphore(%arg10 : memref<!tpu.dma_semaphore, #tpu.memory_space<semaphore_mem>>)
    %add3A_30 = arith.constant 128 : i32
    %add3A_31 = arith.addi %mul3A_10, %add3A_30 : i32
    %dma_start3A_32 = arith.constant 0 : i32
    %dma_start3A_33 = arith.constant 0 : i32
    %dma_start3A_34 = arith.constant 0 : i32
    %dma_start3A_35 = tpu.memref_slice %arg8[%dma_start3A_32, %dma_start3A_33, %dma_start3A_34] : memref<3x128x128xf32, #tpu.memory_space<vmem>> -> memref<1x128x128xf32, #tpu.memory_space<vmem>>
    %dma_start3A_36 = tpu.memref_squeeze %dma_start3A_35 : memref<1x128x128xf32, #tpu.memory_space<vmem>> -> memref<128x128xf32, #tpu.memory_space<vmem>>
    %dma_start3A_37 = arith.constant 0 : i32
    %dma_start3A_38 = tpu.memref_slice %arg9[%add3A_31, %dma_start3A_37] : memref<9984x128xf32, #tpu.memory_space<vmem_shared>> -> memref<128x128xf32, #tpu.memory_space<vmem_shared>>
    %dma_start3A_39 = arith.constant 0 : i32
    %dma_start3A_40 = tpu.memref_slice %arg9[%add3A_31, %dma_start3A_39] : memref<9984x128xf32, #tpu.memory_space<vmem_shared>> -> memref<128x128xf32, #tpu.memory_space<vmem_shared>>
    %dma_start3A_41 = arith.constant 0 : i32
    %dma_start3A_42 = arith.constant 0 : i32
    %dma_start3A_43 = tpu.memref_slice %arg8[%dma_start3A_32, %dma_start3A_41, %dma_start3A_42] : memref<3x128x128xf32, #tpu.memory_space<vmem>> -> memref<1x128x128xf32, #tpu.memory_space<vmem>>
    %dma_start3A_44 = tpu.memref_squeeze %dma_start3A_43 : memref<1x128x128xf32, #tpu.memory_space<vmem>> -> memref<128x128xf32, #tpu.memory_space<vmem>>
    tpu.enqueue_dma source(%dma_start3A_44 : memref<128x128xf32, #tpu.memory_space<vmem>>) target(%dma_start3A_40 : memref<128x128xf32, #tpu.memory_space<vmem_shared>>) target_semaphore(%arg10 : memref<!tpu.dma_semaphore, #tpu.memory_space<semaphore_mem>>)
    %add3A_45 = arith.constant 256 : i32
    %add3A_46 = arith.addi %mul3A_10, %add3A_45 : i32
    %dma_start3A_47 = arith.constant 0 : i32
    %dma_start3A_48 = arith.constant 0 : i32
    %dma_start3A_49 = arith.constant 0 : i32
    %dma_start3A_50 = tpu.memref_slice %arg8[%dma_start3A_47, %dma_start3A_48, %dma_start3A_49] : memref<3x128x128xf32, #tpu.memory_space<vmem>> -> memref<1x128x128xf32, #tpu.memory_space<vmem>>
    %dma_start3A_51 = tpu.memref_squeeze %dma_start3A_50 : memref<1x128x128xf32, #tpu.memory_space<vmem>> -> memref<128x128xf32, #tpu.memory_space<vmem>>
    %dma_start3A_52 = arith.constant 0 : i32
    %dma_start3A_53 = tpu.memref_slice %arg9[%add3A_46, %dma_start3A_52] : memref<9984x128xf32, #tpu.memory_space<vmem_shared>> -> memref<128x128xf32, #tpu.memory_space<vmem_shared>>
    %dma_start3A_54 = arith.constant 0 : i32
    %dma_start3A_55 = tpu.memref_slice %arg9[%add3A_46, %dma_start3A_54] : memref<9984x128xf32, #tpu.memory_space<vmem_shared>> -> memref<128x128xf32, #tpu.memory_space<vmem_shared>>
    %dma_start3A_56 = arith.constant 0 : i32
    %dma_start3A_57 = arith.constant 0 : i32
    %dma_start3A_58 = tpu.memref_slice %arg8[%dma_start3A_47, %dma_start3A_56, %dma_start3A_57] : memref<3x128x128xf32, #tpu.memory_space<vmem>> -> memref<1x128x128xf32, #tpu.memory_space<vmem>>
    %dma_start3A_59 = tpu.memref_squeeze %dma_start3A_58 : memref<1x128x128xf32, #tpu.memory_space<vmem>> -> memref<128x128xf32, #tpu.memory_space<vmem>>
    tpu.enqueue_dma source(%dma_start3A_59 : memref<128x128xf32, #tpu.memory_space<vmem>>) target(%dma_start3A_55 : memref<128x128xf32, #tpu.memory_space<vmem_shared>>) target_semaphore(%arg10 : memref<!tpu.dma_semaphore, #tpu.memory_space<semaphore_mem>>)
    %add3A_60 = arith.constant 384 : i32
    %add3A_61 = arith.addi %mul3A_10, %add3A_60 : i32
    %dma_start3A_62 = arith.constant 0 : i32
    %dma_start3A_63 = arith.constant 0 : i32
    %dma_start3A_64 = arith.constant 0 : i32
    %dma_start3A_65 = tpu.memref_slice %arg8[%dma_start3A_62, %dma_start3A_63, %dma_start3A_64] : memref<3x128x128xf32, #tpu.memory_space<vmem>> -> memref<1x128x128xf32, #tpu.memory_space<vmem>>
    %dma_start3A_66 = tpu.memref_squeeze %dma_start3A_65 : memref<1x128x128xf32, #tpu.memory_space<vmem>> -> memref<128x128xf32, #tpu.memory_space<vmem>>
    %dma_start3A_67 = arith.constant 0 : i32
    %dma_start3A_68 = tpu.memref_slice %arg9[%add3A_61, %dma_start3A_67] : memref<9984x128xf32, #tpu.memory_space<vmem_shared>> -> memref<128x128xf32, #tpu.memory_space<vmem_shared>>
    %dma_start3A_69 = arith.constant 0 : i32
    %dma_start3A_70 = tpu.memref_slice %arg9[%add3A_61, %dma_start3A_69] : memref<9984x128xf32, #tpu.memory_space<vmem_shared>> -> memref<128x128xf32, #tpu.memory_space<vmem_shared>>
    %dma_start3A_71 = arith.constant 0 : i32
    %dma_start3A_72 = arith.constant 0 : i32
    %dma_start3A_73 = tpu.memref_slice %arg8[%dma_start3A_62, %dma_start3A_71, %dma_start3A_72] : memref<3x128x128xf32, #tpu.memory_space<vmem>> -> memref<1x128x128xf32, #tpu.memory_space<vmem>>
    %dma_start3A_74 = tpu.memref_squeeze %dma_start3A_73 : memref<1x128x128xf32, #tpu.memory_space<vmem>> -> memref<128x128xf32, #tpu.memory_space<vmem>>
    tpu.enqueue_dma source(%dma_start3A_74 : memref<128x128xf32, #tpu.memory_space<vmem>>) target(%dma_start3A_70 : memref<128x128xf32, #tpu.memory_space<vmem_shared>>) target_semaphore(%arg10 : memref<!tpu.dma_semaphore, #tpu.memory_space<semaphore_mem>>)
    %add3A_75 = arith.constant 512 : i32
    %add3A_76 = arith.addi %mul3A_10, %add3A_75 : i32
    %dma_start3A_77 = arith.constant 0 : i32
    %dma_start3A_78 = arith.constant 0 : i32
    %dma_start3A_79 = arith.constant 0 : i32
    %dma_start3A_80 = tpu.memref_slice %arg8[%dma_start3A_77, %dma_start3A_78, %dma_start3A_79] : memref<3x128x128xf32, #tpu.memory_space<vmem>> -> memref<1x112x128xf32, #tpu.memory_space<vmem>>
    %dma_start3A_81 = tpu.memref_squeeze %dma_start3A_80 : memref<1x112x128xf32, #tpu.memory_space<vmem>> -> memref<112x128xf32, #tpu.memory_space<vmem>>
    %dma_start3A_82 = arith.constant 0 : i32
    %dma_start3A_83 = tpu.memref_slice %arg9[%add3A_76, %dma_start3A_82] : memref<9984x128xf32, #tpu.memory_space<vmem_shared>> -> memref<112x128xf32, #tpu.memory_space<vmem_shared>>
    %dma_start3A_84 = arith.constant 0 : i32
    %dma_start3A_85 = tpu.memref_slice %arg9[%add3A_76, %dma_start3A_84] : memref<9984x128xf32, #tpu.memory_space<vmem_shared>> -> memref<112x128xf32, #tpu.memory_space<vmem_shared>>
    %dma_start3A_86 = arith.constant 0 : i32
    %dma_start3A_87 = arith.constant 0 : i32
    %dma_start3A_88 = tpu.memref_slice %arg8[%dma_start3A_77, %dma_start3A_86, %dma_start3A_87] : memref<3x128x128xf32, #tpu.memory_space<vmem>> -> memref<1x112x128xf32, #tpu.memory_space<vmem>>
    %dma_start3A_89 = tpu.memref_squeeze %dma_start3A_88 : memref<1x112x128xf32, #tpu.memory_space<vmem>> -> memref<112x128xf32, #tpu.memory_space<vmem>>
    tpu.enqueue_dma source(%dma_start3A_89 : memref<112x128xf32, #tpu.memory_space<vmem>>) target(%dma_start3A_85 : memref<112x128xf32, #tpu.memory_space<vmem_shared>>) target_semaphore(%arg10 : memref<!tpu.dma_semaphore, #tpu.memory_space<semaphore_mem>>)
    %add3A_90 = arith.constant 0 : i32
    %add3A_91 = arith.addi %mul3A_10, %add3A_90 : i32
    %dma_wait3A = arith.constant 0 : i32
    %dma_wait3A_92 = arith.constant 0 : i32
    %dma_wait3A_93 = arith.constant 0 : i32
    %dma_wait3A_94 = tpu.memref_slice %arg8[%dma_wait3A, %dma_wait3A_92, %dma_wait3A_93] : memref<3x128x128xf32, #tpu.memory_space<vmem>> -> memref<1x128x128xf32, #tpu.memory_space<vmem>>
    %dma_wait3A_95 = tpu.memref_squeeze %dma_wait3A_94 : memref<1x128x128xf32, #tpu.memory_space<vmem>> -> memref<128x128xf32, #tpu.memory_space<vmem>>
    %dma_wait3A_96 = arith.constant 0 : i32
    %dma_wait3A_97 = tpu.memref_slice %arg9[%add3A_91, %dma_wait3A_96] : memref<9984x128xf32, #tpu.memory_space<vmem_shared>> -> memref<128x128xf32, #tpu.memory_space<vmem_shared>>
    %dma_wait3A_98 = arith.constant 0 : i32
    %dma_wait3A_99 = tpu.memref_slice %arg9[%add3A_91, %dma_wait3A_98] : memref<9984x128xf32, #tpu.memory_space<vmem_shared>> -> memref<128x128xf32, #tpu.memory_space<vmem_shared>>
    %dma_wait3A_100 = arith.constant 0 : i32
    %dma_wait3A_101 = arith.constant 0 : i32
    %dma_wait3A_102 = tpu.memref_slice %arg8[%dma_wait3A, %dma_wait3A_100, %dma_wait3A_101] : memref<3x128x128xf32, #tpu.memory_space<vmem>> -> memref<1x128x128xf32, #tpu.memory_space<vmem>>
    %dma_wait3A_103 = tpu.memref_squeeze %dma_wait3A_102 : memref<1x128x128xf32, #tpu.memory_space<vmem>> -> memref<128x128xf32, #tpu.memory_space<vmem>>
    tpu.wait_dma2 semaphore(%arg10 : memref<!tpu.dma_semaphore, #tpu.memory_space<semaphore_mem>>) src(%dma_wait3A_103 : memref<128x128xf32, #tpu.memory_space<vmem>>) dst(%dma_wait3A_99 : memref<128x128xf32, #tpu.memory_space<vmem_shared>>)
    %add3A_104 = arith.constant 128 : i32
    %add3A_105 = arith.addi %mul3A_10, %add3A_104 : i32
    %dma_wait3A_106 = arith.constant 0 : i32
    %dma_wait3A_107 = arith.constant 0 : i32
    %dma_wait3A_108 = arith.constant 0 : i32
    %dma_wait3A_109 = tpu.memref_slice %arg8[%dma_wait3A_106, %dma_wait3A_107, %dma_wait3A_108] : memref<3x128x128xf32, #tpu.memory_space<vmem>> -> memref<1x128x128xf32, #tpu.memory_space<vmem>>
    %dma_wait3A_110 = tpu.memref_squeeze %dma_wait3A_109 : memref<1x128x128xf32, #tpu.memory_space<vmem>> -> memref<128x128xf32, #tpu.memory_space<vmem>>
    %dma_wait3A_111 = arith.constant 0 : i32
    %dma_wait3A_112 = tpu.memref_slice %arg9[%add3A_105, %dma_wait3A_111] : memref<9984x128xf32, #tpu.memory_space<vmem_shared>> -> memref<128x128xf32, #tpu.memory_space<vmem_shared>>
    %dma_wait3A_113 = arith.constant 0 : i32
    %dma_wait3A_114 = tpu.memref_slice %arg9[%add3A_105, %dma_wait3A_113] : memref<9984x128xf32, #tpu.memory_space<vmem_shared>> -> memref<128x128xf32, #tpu.memory_space<vmem_shared>>
    %dma_wait3A_115 = arith.constant 0 : i32
    %dma_wait3A_116 = arith.constant 0 : i32
    %dma_wait3A_117 = tpu.memref_slice %arg8[%dma_wait3A_106, %dma_wait3A_115, %dma_wait3A_116] : memref<3x128x128xf32, #tpu.memory_space<vmem>> -> memref<1x128x128xf32, #tpu.memory_space<vmem>>
    %dma_wait3A_118 = tpu.memref_squeeze %dma_wait3A_117 : memref<1x128x128xf32, #tpu.memory_space<vmem>> -> memref<128x128xf32, #tpu.memory_space<vmem>>
    tpu.wait_dma2 semaphore(%arg10 : memref<!tpu.dma_semaphore, #tpu.memory_space<semaphore_mem>>) src(%dma_wait3A_118 : memref<128x128xf32, #tpu.memory_space<vmem>>) dst(%dma_wait3A_114 : memref<128x128xf32, #tpu.memory_space<vmem_shared>>)
    %add3A_119 = arith.constant 256 : i32
    %add3A_120 = arith.addi %mul3A_10, %add3A_119 : i32
    %dma_wait3A_121 = arith.constant 0 : i32
    %dma_wait3A_122 = arith.constant 0 : i32
    %dma_wait3A_123 = arith.constant 0 : i32
    %dma_wait3A_124 = tpu.memref_slice %arg8[%dma_wait3A_121, %dma_wait3A_122, %dma_wait3A_123] : memref<3x128x128xf32, #tpu.memory_space<vmem>> -> memref<1x128x128xf32, #tpu.memory_space<vmem>>
    %dma_wait3A_125 = tpu.memref_squeeze %dma_wait3A_124 : memref<1x128x128xf32, #tpu.memory_space<vmem>> -> memref<128x128xf32, #tpu.memory_space<vmem>>
    %dma_wait3A_126 = arith.constant 0 : i32
    %dma_wait3A_127 = tpu.memref_slice %arg9[%add3A_120, %dma_wait3A_126] : memref<9984x128xf32, #tpu.memory_space<vmem_shared>> -> memref<128x128xf32, #tpu.memory_space<vmem_shared>>
    %dma_wait3A_128 = arith.constant 0 : i32
    %dma_wait3A_129 = tpu.memref_slice %arg9[%add3A_120, %dma_wait3A_128] : memref<9984x128xf32, #tpu.memory_space<vmem_shared>> -> memref<128x128xf32, #tpu.memory_space<vmem_shared>>
    %dma_wait3A_130 = arith.constant 0 : i32
    %dma_wait3A_131 = arith.constant 0 : i32
    %dma_wait3A_132 = tpu.memref_slice %arg8[%dma_wait3A_121, %dma_wait3A_130, %dma_wait3A_131] : memref<3x128x128xf32, #tpu.memory_space<vmem>> -> memref<1x128x128xf32, #tpu.memory_space<vmem>>
    %dma_wait3A_133 = tpu.memref_squeeze %dma_wait3A_132 : memref<1x128x128xf32, #tpu.memory_space<vmem>> -> memref<128x128xf32, #tpu.memory_space<vmem>>
    tpu.wait_dma2 semaphore(%arg10 : memref<!tpu.dma_semaphore, #tpu.memory_space<semaphore_mem>>) src(%dma_wait3A_133 : memref<128x128xf32, #tpu.memory_space<vmem>>) dst(%dma_wait3A_129 : memref<128x128xf32, #tpu.memory_space<vmem_shared>>)
    %add3A_134 = arith.constant 384 : i32
    %add3A_135 = arith.addi %mul3A_10, %add3A_134 : i32
    %dma_wait3A_136 = arith.constant 0 : i32
    %dma_wait3A_137 = arith.constant 0 : i32
    %dma_wait3A_138 = arith.constant 0 : i32
    %dma_wait3A_139 = tpu.memref_slice %arg8[%dma_wait3A_136, %dma_wait3A_137, %dma_wait3A_138] : memref<3x128x128xf32, #tpu.memory_space<vmem>> -> memref<1x128x128xf32, #tpu.memory_space<vmem>>
    %dma_wait3A_140 = tpu.memref_squeeze %dma_wait3A_139 : memref<1x128x128xf32, #tpu.memory_space<vmem>> -> memref<128x128xf32, #tpu.memory_space<vmem>>
    %dma_wait3A_141 = arith.constant 0 : i32
    %dma_wait3A_142 = tpu.memref_slice %arg9[%add3A_135, %dma_wait3A_141] : memref<9984x128xf32, #tpu.memory_space<vmem_shared>> -> memref<128x128xf32, #tpu.memory_space<vmem_shared>>
    %dma_wait3A_143 = arith.constant 0 : i32
    %dma_wait3A_144 = tpu.memref_slice %arg9[%add3A_135, %dma_wait3A_143] : memref<9984x128xf32, #tpu.memory_space<vmem_shared>> -> memref<128x128xf32, #tpu.memory_space<vmem_shared>>
    %dma_wait3A_145 = arith.constant 0 : i32
    %dma_wait3A_146 = arith.constant 0 : i32
    %dma_wait3A_147 = tpu.memref_slice %arg8[%dma_wait3A_136, %dma_wait3A_145, %dma_wait3A_146] : memref<3x128x128xf32, #tpu.memory_space<vmem>> -> memref<1x128x128xf32, #tpu.memory_space<vmem>>
    %dma_wait3A_148 = tpu.memref_squeeze %dma_wait3A_147 : memref<1x128x128xf32, #tpu.memory_space<vmem>> -> memref<128x128xf32, #tpu.memory_space<vmem>>
    tpu.wait_dma2 semaphore(%arg10 : memref<!tpu.dma_semaphore, #tpu.memory_space<semaphore_mem>>) src(%dma_wait3A_148 : memref<128x128xf32, #tpu.memory_space<vmem>>) dst(%dma_wait3A_144 : memref<128x128xf32, #tpu.memory_space<vmem_shared>>)
    %add3A_149 = arith.constant 512 : i32
    %add3A_150 = arith.addi %mul3A_10, %add3A_149 : i32
    %dma_wait3A_151 = arith.constant 0 : i32
    %dma_wait3A_152 = arith.constant 0 : i32
    %dma_wait3A_153 = arith.constant 0 : i32
    %dma_wait3A_154 = tpu.memref_slice %arg8[%dma_wait3A_151, %dma_wait3A_152, %dma_wait3A_153] : memref<3x128x128xf32, #tpu.memory_space<vmem>> -> memref<1x112x128xf32, #tpu.memory_space<vmem>>
    %dma_wait3A_155 = tpu.memref_squeeze %dma_wait3A_154 : memref<1x112x128xf32, #tpu.memory_space<vmem>> -> memref<112x128xf32, #tpu.memory_space<vmem>>
    %dma_wait3A_156 = arith.constant 0 : i32
    %dma_wait3A_157 = tpu.memref_slice %arg9[%add3A_150, %dma_wait3A_156] : memref<9984x128xf32, #tpu.memory_space<vmem_shared>> -> memref<112x128xf32, #tpu.memory_space<vmem_shared>>
    %dma_wait3A_158 = arith.constant 0 : i32
    %dma_wait3A_159 = tpu.memref_slice %arg9[%add3A_150, %dma_wait3A_158] : memref<9984x128xf32, #tpu.memory_space<vmem_shared>> -> memref<112x128xf32, #tpu.memory_space<vmem_shared>>
    %dma_wait3A_160 = arith.constant 0 : i32
    %dma_wait3A_161 = arith.constant 0 : i32
    %dma_wait3A_162 = tpu.memref_slice %arg8[%dma_wait3A_151, %dma_wait3A_160, %dma_wait3A_161] : memref<3x128x128xf32, #tpu.memory_space<vmem>> -> memref<1x112x128xf32, #tpu.memory_space<vmem>>
    %dma_wait3A_163 = tpu.memref_squeeze %dma_wait3A_162 : memref<1x112x128xf32, #tpu.memory_space<vmem>> -> memref<112x128xf32, #tpu.memory_space<vmem>>
    tpu.wait_dma2 semaphore(%arg10 : memref<!tpu.dma_semaphore, #tpu.memory_space<semaphore_mem>>) src(%dma_wait3A_163 : memref<112x128xf32, #tpu.memory_space<vmem>>) dst(%dma_wait3A_159 : memref<112x128xf32, #tpu.memory_space<vmem_shared>>)
    %barrier3A = arith.constant 0 : index
    tpu.barrier barrier_id(%barrier3A)
    %ge3A = arith.constant 2 : i32
    %ge3A_164 = arith.cmpi sge, %select_n3A, %ge3A : i32
    %convert_element_type3A = arith.extui %ge3A_164 : i1 to i32
    %cond3A = arith.constant 0 : i32
    %cond3A_165 = arith.cmpi ne, %convert_element_type3A, %cond3A : i32
    scf.if %cond3A_165 {
      %add3A_198 = arith.constant 0 : i32
      %add3A_199 = arith.addi %select_n3A_8, %add3A_198 : i32
      %mul3A_200 = arith.constant 128 : i32
      %mul3A_201 = arith.muli %add3A_199, %mul3A_200 : i32
      %dma_start3A_202 = arith.constant 0 : i32
      %dma_start3A_203 = arith.constant 0 : i32
      %dma_start3A_204 = tpu.memref_slice %arg6[%dma_start3A_202, %dma_start3A_203] : memref<3x128xi32, #tpu.memory_space<vmem>> -> memref<1x128xi32, #tpu.memory_space<vmem>>
      %dma_start3A_205 = tpu.memref_squeeze %dma_start3A_204 : memref<1x128xi32, #tpu.memory_space<vmem>> -> memref<128xi32, #tpu.memory_space<vmem>>
      %dma_start3A_206 = tpu.memref_slice %arg3[%mul3A_201] : memref<319488xi32, #tpu.memory_space<hbm>> -> memref<128xi32, #tpu.memory_space<hbm>>
      %dma_start3A_207 = arith.constant 0 : i32
      %dma_start3A_208 = tpu.memref_slice %arg6[%dma_start3A_202, %dma_start3A_207] : memref<3x128xi32, #tpu.memory_space<vmem>> -> memref<1x128xi32, #tpu.memory_space<vmem>>
      %dma_start3A_209 = tpu.memref_squeeze %dma_start3A_208 : memref<1x128xi32, #tpu.memory_space<vmem>> -> memref<128xi32, #tpu.memory_space<vmem>>
      %dma_start3A_210 = tpu.memref_slice %arg3[%mul3A_201] : memref<319488xi32, #tpu.memory_space<hbm>> -> memref<128xi32, #tpu.memory_space<hbm>>
      tpu.enqueue_dma source(%dma_start3A_210 : memref<128xi32, #tpu.memory_space<hbm>>) target(%dma_start3A_209 : memref<128xi32, #tpu.memory_space<vmem>>) target_semaphore(%arg11 : memref<!tpu.dma_semaphore, #tpu.memory_space<semaphore_mem>>)
      %dma_start3A_211 = arith.constant 0 : i32
      %dma_start3A_212 = arith.constant 0 : i32
      %dma_start3A_213 = tpu.memref_slice %arg7[%dma_start3A_211, %dma_start3A_212] : memref<3x128xi32, #tpu.memory_space<vmem>> -> memref<1x128xi32, #tpu.memory_space<vmem>>
      %dma_start3A_214 = tpu.memref_squeeze %dma_start3A_213 : memref<1x128xi32, #tpu.memory_space<vmem>> -> memref<128xi32, #tpu.memory_space<vmem>>
      %dma_start3A_215 = tpu.memref_slice %arg4[%mul3A_201] : memref<319488xi32, #tpu.memory_space<hbm>> -> memref<128xi32, #tpu.memory_space<hbm>>
      %dma_start3A_216 = arith.constant 0 : i32
      %dma_start3A_217 = tpu.memref_slice %arg7[%dma_start3A_211, %dma_start3A_216] : memref<3x128xi32, #tpu.memory_space<vmem>> -> memref<1x128xi32, #tpu.memory_space<vmem>>
      %dma_start3A_218 = tpu.memref_squeeze %dma_start3A_217 : memref<1x128xi32, #tpu.memory_space<vmem>> -> memref<128xi32, #tpu.memory_space<vmem>>
      %dma_start3A_219 = tpu.memref_slice %arg4[%mul3A_201] : memref<319488xi32, #tpu.memory_space<hbm>> -> memref<128xi32, #tpu.memory_space<hbm>>
      tpu.enqueue_dma source(%dma_start3A_219 : memref<128xi32, #tpu.memory_space<hbm>>) target(%dma_start3A_218 : memref<128xi32, #tpu.memory_space<vmem>>) target_semaphore(%arg11 : memref<!tpu.dma_semaphore, #tpu.memory_space<semaphore_mem>>)
      %add3A_220 = arith.constant 1 : i32
      %add3A_221 = arith.addi %select_n3A_8, %add3A_220 : i32
      %mul3A_222 = arith.constant 128 : i32
      %mul3A_223 = arith.muli %add3A_221, %mul3A_222 : i32
      %dma_start3A_224 = arith.constant 1 : i32
      %dma_start3A_225 = arith.constant 0 : i32
      %dma_start3A_226 = tpu.memref_slice %arg6[%dma_start3A_224, %dma_start3A_225] : memref<3x128xi32, #tpu.memory_space<vmem>> -> memref<1x128xi32, #tpu.memory_space<vmem>>
      %dma_start3A_227 = tpu.memref_squeeze %dma_start3A_226 : memref<1x128xi32, #tpu.memory_space<vmem>> -> memref<128xi32, #tpu.memory_space<vmem>>
      %dma_start3A_228 = tpu.memref_slice %arg3[%mul3A_223] : memref<319488xi32, #tpu.memory_space<hbm>> -> memref<128xi32, #tpu.memory_space<hbm>>
      %dma_start3A_229 = arith.constant 0 : i32
      %dma_start3A_230 = tpu.memref_slice %arg6[%dma_start3A_224, %dma_start3A_229] : memref<3x128xi32, #tpu.memory_space<vmem>> -> memref<1x128xi32, #tpu.memory_space<vmem>>
      %dma_start3A_231 = tpu.memref_squeeze %dma_start3A_230 : memref<1x128xi32, #tpu.memory_space<vmem>> -> memref<128xi32, #tpu.memory_space<vmem>>
      %dma_start3A_232 = tpu.memref_slice %arg3[%mul3A_223] : memref<319488xi32, #tpu.memory_space<hbm>> -> memref<128xi32, #tpu.memory_space<hbm>>
      tpu.enqueue_dma source(%dma_start3A_232 : memref<128xi32, #tpu.memory_space<hbm>>) target(%dma_start3A_231 : memref<128xi32, #tpu.memory_space<vmem>>) target_semaphore(%arg12 : memref<!tpu.dma_semaphore, #tpu.memory_space<semaphore_mem>>)
      %dma_start3A_233 = arith.constant 1 : i32
      %dma_start3A_234 = arith.constant 0 : i32
      %dma_start3A_235 = tpu.memref_slice %arg7[%dma_start3A_233, %dma_start3A_234] : memref<3x128xi32, #tpu.memory_space<vmem>> -> memref<1x128xi32, #tpu.memory_space<vmem>>
      %dma_start3A_236 = tpu.memref_squeeze %dma_start3A_235 : memref<1x128xi32, #tpu.memory_space<vmem>> -> memref<128xi32, #tpu.memory_space<vmem>>
      %dma_start3A_237 = tpu.memref_slice %arg4[%mul3A_223] : memref<319488xi32, #tpu.memory_space<hbm>> -> memref<128xi32, #tpu.memory_space<hbm>>
      %dma_start3A_238 = arith.constant 0 : i32
      %dma_start3A_239 = tpu.memref_slice %arg7[%dma_start3A_233, %dma_start3A_238] : memref<3x128xi32, #tpu.memory_space<vmem>> -> memref<1x128xi32, #tpu.memory_space<vmem>>
      %dma_start3A_240 = tpu.memref_squeeze %dma_start3A_239 : memref<1x128xi32, #tpu.memory_space<vmem>> -> memref<128xi32, #tpu.memory_space<vmem>>
      %dma_start3A_241 = tpu.memref_slice %arg4[%mul3A_223] : memref<319488xi32, #tpu.memory_space<hbm>> -> memref<128xi32, #tpu.memory_space<hbm>>
      tpu.enqueue_dma source(%dma_start3A_241 : memref<128xi32, #tpu.memory_space<hbm>>) target(%dma_start3A_240 : memref<128xi32, #tpu.memory_space<vmem>>) target_semaphore(%arg12 : memref<!tpu.dma_semaphore, #tpu.memory_space<semaphore_mem>>)
      %add3A_242 = arith.constant 0 : i32
      %add3A_243 = arith.addi %select_n3A_8, %add3A_242 : i32
      %mul3A_244 = arith.constant 128 : i32
      %mul3A_245 = arith.muli %add3A_243, %mul3A_244 : i32
      %dma_wait3A_246 = arith.constant 0 : i32
      %dma_wait3A_247 = arith.constant 0 : i32
      %dma_wait3A_248 = tpu.memref_slice %arg6[%dma_wait3A_246, %dma_wait3A_247] : memref<3x128xi32, #tpu.memory_space<vmem>> -> memref<1x128xi32, #tpu.memory_space<vmem>>
      %dma_wait3A_249 = tpu.memref_squeeze %dma_wait3A_248 : memref<1x128xi32, #tpu.memory_space<vmem>> -> memref<128xi32, #tpu.memory_space<vmem>>
      %dma_wait3A_250 = tpu.memref_slice %arg3[%mul3A_245] : memref<319488xi32, #tpu.memory_space<hbm>> -> memref<128xi32, #tpu.memory_space<hbm>>
      %dma_wait3A_251 = arith.constant 0 : i32
      %dma_wait3A_252 = tpu.memref_slice %arg6[%dma_wait3A_246, %dma_wait3A_251] : memref<3x128xi32, #tpu.memory_space<vmem>> -> memref<1x128xi32, #tpu.memory_space<vmem>>
      %dma_wait3A_253 = tpu.memref_squeeze %dma_wait3A_252 : memref<1x128xi32, #tpu.memory_space<vmem>> -> memref<128xi32, #tpu.memory_space<vmem>>
      %dma_wait3A_254 = tpu.memref_slice %arg3[%mul3A_245] : memref<319488xi32, #tpu.memory_space<hbm>> -> memref<128xi32, #tpu.memory_space<hbm>>
      tpu.wait_dma2 semaphore(%arg11 : memref<!tpu.dma_semaphore, #tpu.memory_space<semaphore_mem>>) src(%dma_wait3A_254 : memref<128xi32, #tpu.memory_space<hbm>>) dst(%dma_wait3A_253 : memref<128xi32, #tpu.memory_space<vmem>>)
      %dma_wait3A_255 = arith.constant 0 : i32
      %dma_wait3A_256 = arith.constant 0 : i32
      %dma_wait3A_257 = tpu.memref_slice %arg7[%dma_wait3A_255, %dma_wait3A_256] : memref<3x128xi32, #tpu.memory_space<vmem>> -> memref<1x128xi32, #tpu.memory_space<vmem>>
      %dma_wait3A_258 = tpu.memref_squeeze %dma_wait3A_257 : memref<1x128xi32, #tpu.memory_space<vmem>> -> memref<128xi32, #tpu.memory_space<vmem>>
      %dma_wait3A_259 = tpu.memref_slice %arg4[%mul3A_245] : memref<319488xi32, #tpu.memory_space<hbm>> -> memref<128xi32, #tpu.memory_space<hbm>>
      %dma_wait3A_260 = arith.constant 0 : i32
      %dma_wait3A_261 = tpu.memref_slice %arg7[%dma_wait3A_255, %dma_wait3A_260] : memref<3x128xi32, #tpu.memory_space<vmem>> -> memref<1x128xi32, #tpu.memory_space<vmem>>
      %dma_wait3A_262 = tpu.memref_squeeze %dma_wait3A_261 : memref<1x128xi32, #tpu.memory_space<vmem>> -> memref<128xi32, #tpu.memory_space<vmem>>
      %dma_wait3A_263 = tpu.memref_slice %arg4[%mul3A_245] : memref<319488xi32, #tpu.memory_space<hbm>> -> memref<128xi32, #tpu.memory_space<hbm>>
      tpu.wait_dma2 semaphore(%arg11 : memref<!tpu.dma_semaphore, #tpu.memory_space<semaphore_mem>>) src(%dma_wait3A_263 : memref<128xi32, #tpu.memory_space<hbm>>) dst(%dma_wait3A_262 : memref<128xi32, #tpu.memory_space<vmem>>)
      %dma_start3A_264 = arith.constant 0 : i32
      %dma_start3A_265 = arith.constant 0 : i32
      %dma_start3A_266 = arith.constant 0 : i32
      %dma_start3A_267 = arith.constant 0 : i32
      %dma_start3A_268 = tpu.memref_slice %arg8[%dma_start3A_265, %dma_start3A_266, %dma_start3A_267] : memref<3x128x128xf32, #tpu.memory_space<vmem>> -> memref<1x128x128xf32, #tpu.memory_space<vmem>>
      %dma_start3A_269 = tpu.memref_squeeze %dma_start3A_268 : memref<1x128x128xf32, #tpu.memory_space<vmem>> -> memref<128x128xf32, #tpu.memory_space<vmem>>
      %dma_start3A_270 = arith.constant 0 : i32
      %dma_start3A_271 = tpu.memref_slice %arg6[%dma_start3A_264, %dma_start3A_270] : memref<3x128xi32, #tpu.memory_space<vmem>> -> memref<1x128xi32, #tpu.memory_space<vmem>>
      %dma_start3A_272 = tpu.memref_squeeze %dma_start3A_271 : memref<1x128xi32, #tpu.memory_space<vmem>> -> memref<128xi32, #tpu.memory_space<vmem>>
      %dma_start3A_273 = arith.constant 0 : i32
      %dma_start3A_274 = arith.constant 0 : i32
      %dma_start3A_275 = tpu.memref_slice %arg2[%dma_start3A_273, %dma_start3A_274] : memref<9984x128xf32, #tpu.memory_space<hbm>> -> memref<9984x128xf32, #tpu.memory_space<hbm>>
      tpu.enqueue_indirect_dma source(%dma_start3A_275 : memref<9984x128xf32, #tpu.memory_space<hbm>>) target(%dma_start3A_269 : memref<128x128xf32, #tpu.memory_space<vmem>>) offsets(%dma_start3A_272 : memref<128xi32, #tpu.memory_space<vmem>>) semaphore(%arg13 : memref<!tpu.dma_semaphore, #tpu.memory_space<semaphore_mem>>)
      %add3A_276 = arith.constant 1 : i32
      %add3A_277 = arith.addi %select_n3A_8, %add3A_276 : i32
      %mul3A_278 = arith.constant 128 : i32
      %mul3A_279 = arith.muli %add3A_277, %mul3A_278 : i32
      %dma_wait3A_280 = arith.constant 1 : i32
      %dma_wait3A_281 = arith.constant 0 : i32
      %dma_wait3A_282 = tpu.memref_slice %arg6[%dma_wait3A_280, %dma_wait3A_281] : memref<3x128xi32, #tpu.memory_space<vmem>> -> memref<1x128xi32, #tpu.memory_space<vmem>>
      %dma_wait3A_283 = tpu.memref_squeeze %dma_wait3A_282 : memref<1x128xi32, #tpu.memory_space<vmem>> -> memref<128xi32, #tpu.memory_space<vmem>>
      %dma_wait3A_284 = tpu.memref_slice %arg3[%mul3A_279] : memref<319488xi32, #tpu.memory_space<hbm>> -> memref<128xi32, #tpu.memory_space<hbm>>
      %dma_wait3A_285 = arith.constant 0 : i32
      %dma_wait3A_286 = tpu.memref_slice %arg6[%dma_wait3A_280, %dma_wait3A_285] : memref<3x128xi32, #tpu.memory_space<vmem>> -> memref<1x128xi32, #tpu.memory_space<vmem>>
      %dma_wait3A_287 = tpu.memref_squeeze %dma_wait3A_286 : memref<1x128xi32, #tpu.memory_space<vmem>> -> memref<128xi32, #tpu.memory_space<vmem>>
      %dma_wait3A_288 = tpu.memref_slice %arg3[%mul3A_279] : memref<319488xi32, #tpu.memory_space<hbm>> -> memref<128xi32, #tpu.memory_space<hbm>>
      tpu.wait_dma2 semaphore(%arg12 : memref<!tpu.dma_semaphore, #tpu.memory_space<semaphore_mem>>) src(%dma_wait3A_288 : memref<128xi32, #tpu.memory_space<hbm>>) dst(%dma_wait3A_287 : memref<128xi32, #tpu.memory_space<vmem>>)
      %dma_wait3A_289 = arith.constant 1 : i32
      %dma_wait3A_290 = arith.constant 0 : i32
      %dma_wait3A_291 = tpu.memref_slice %arg7[%dma_wait3A_289, %dma_wait3A_290] : memref<3x128xi32, #tpu.memory_space<vmem>> -> memref<1x128xi32, #tpu.memory_space<vmem>>
      %dma_wait3A_292 = tpu.memref_squeeze %dma_wait3A_291 : memref<1x128xi32, #tpu.memory_space<vmem>> -> memref<128xi32, #tpu.memory_space<vmem>>
      %dma_wait3A_293 = tpu.memref_slice %arg4[%mul3A_279] : memref<319488xi32, #tpu.memory_space<hbm>> -> memref<128xi32, #tpu.memory_space<hbm>>
      %dma_wait3A_294 = arith.constant 0 : i32
      %dma_wait3A_295 = tpu.memref_slice %arg7[%dma_wait3A_289, %dma_wait3A_294] : memref<3x128xi32, #tpu.memory_space<vmem>> -> memref<1x128xi32, #tpu.memory_space<vmem>>
      %dma_wait3A_296 = tpu.memref_squeeze %dma_wait3A_295 : memref<1x128xi32, #tpu.memory_space<vmem>> -> memref<128xi32, #tpu.memory_space<vmem>>
      %dma_wait3A_297 = tpu.memref_slice %arg4[%mul3A_279] : memref<319488xi32, #tpu.memory_space<hbm>> -> memref<128xi32, #tpu.memory_space<hbm>>
      tpu.wait_dma2 semaphore(%arg12 : memref<!tpu.dma_semaphore, #tpu.memory_space<semaphore_mem>>) src(%dma_wait3A_297 : memref<128xi32, #tpu.memory_space<hbm>>) dst(%dma_wait3A_296 : memref<128xi32, #tpu.memory_space<vmem>>)
      %dma_start3A_298 = arith.constant 1 : i32
      %dma_start3A_299 = arith.constant 1 : i32
      %dma_start3A_300 = arith.constant 0 : i32
      %dma_start3A_301 = arith.constant 0 : i32
      %dma_start3A_302 = tpu.memref_slice %arg8[%dma_start3A_299, %dma_start3A_300, %dma_start3A_301] : memref<3x128x128xf32, #tpu.memory_space<vmem>> -> memref<1x128x128xf32, #tpu.memory_space<vmem>>
      %dma_start3A_303 = tpu.memref_squeeze %dma_start3A_302 : memref<1x128x128xf32, #tpu.memory_space<vmem>> -> memref<128x128xf32, #tpu.memory_space<vmem>>
      %dma_start3A_304 = arith.constant 0 : i32
      %dma_start3A_305 = tpu.memref_slice %arg6[%dma_start3A_298, %dma_start3A_304] : memref<3x128xi32, #tpu.memory_space<vmem>> -> memref<1x128xi32, #tpu.memory_space<vmem>>
      %dma_start3A_306 = tpu.memref_squeeze %dma_start3A_305 : memref<1x128xi32, #tpu.memory_space<vmem>> -> memref<128xi32, #tpu.memory_space<vmem>>
      %dma_start3A_307 = arith.constant 0 : i32
      %dma_start3A_308 = arith.constant 0 : i32
      %dma_start3A_309 = tpu.memref_slice %arg2[%dma_start3A_307, %dma_start3A_308] : memref<9984x128xf32, #tpu.memory_space<hbm>> -> memref<9984x128xf32, #tpu.memory_space<hbm>>
      tpu.enqueue_indirect_dma source(%dma_start3A_309 : memref<9984x128xf32, #tpu.memory_space<hbm>>) target(%dma_start3A_303 : memref<128x128xf32, #tpu.memory_space<vmem>>) offsets(%dma_start3A_306 : memref<128xi32, #tpu.memory_space<vmem>>) semaphore(%arg14 : memref<!tpu.dma_semaphore, #tpu.memory_space<semaphore_mem>>)
    } else {
    }
    %jit3A_166 = arith.constant 2 : i32
    %div3A = arith.divsi %select_n3A, %jit3A_166 : i32
    %sign3A = arith.constant 0 : i32
    %sign3A_167 = arith.cmpi sgt, %select_n3A, %sign3A : i32
    %sign3A_168 = arith.extui %sign3A_167 : i1 to i32
    %sign3A_169 = arith.constant 0 : i32
    %sign3A_170 = arith.cmpi slt, %select_n3A, %sign3A_169 : i32
    %sign3A_171 = arith.extui %sign3A_170 : i1 to i32
    %sign3A_172 = arith.subi %sign3A_168, %sign3A_171 : i32
    %sign3A_173 = arith.constant 0 : i32
    %sign3A_174 = arith.cmpi sgt, %jit3A_166, %sign3A_173 : i32
    %sign3A_175 = arith.extui %sign3A_174 : i1 to i32
    %sign3A_176 = arith.constant 0 : i32
    %sign3A_177 = arith.cmpi slt, %jit3A_166, %sign3A_176 : i32
    %sign3A_178 = arith.extui %sign3A_177 : i1 to i32
    %sign3A_179 = arith.subi %sign3A_175, %sign3A_178 : i32
    %ne3A = arith.cmpi ne, %sign3A_172, %sign3A_179 : i32
    %rem3A = arith.remsi %select_n3A, %jit3A_166 : i32
    %ne3A_180 = arith.constant 0 : i32
    %ne3A_181 = arith.cmpi ne, %rem3A, %ne3A_180 : i32
    %and3A = arith.andi %ne3A, %ne3A_181 : i1
    %sub3A = arith.constant 1 : i32
    %sub3A_182 = arith.subi %div3A, %sub3A : i32
    %select_n3A_183 = arith.select %and3A, %sub3A_182, %div3A : i32
    %while3A = arith.constant 0 : i32
    %while3A_184 = arith.constant 0 : i32
    %while3A_185 = arith.subi %select_n3A_183, %while3A_184 : i32
    %while3A_186 = arith.addi %while3A_184, %while3A_185 : i32
    %while3A_187 = arith.constant 1 : i32
    %while3A_188 = arith.divsi %while3A_185, %while3A_187 : i32
    %while3A_189 = arith.muli %while3A_188, %while3A_187 : i32
    %while3A_190 = arith.addi %while3A_184, %while3A_189 : i32
    %while3A_191 = arith.constant 1 : i32
    scf.for %while3A_198 = %while3A_184 to %while3A_190 step %while3A_191  : i32 {
      %mul3A_199 = arith.constant 2 : i32
      %mul3A_200 = arith.muli %mul3A_199, %while3A_198 : i32
      %add3A_201 = arith.constant 0 : i32
      %add3A_202 = arith.addi %mul3A_200, %add3A_201 : i32
      %gt3A_203 = arith.constant 0 : i32
      %gt3A_204 = arith.cmpi sgt, %add3A_202, %gt3A_203 : i32
      %convert_element_type3A_205 = arith.extui %gt3A_204 : i1 to i32
      %cond3A_206 = arith.constant 0 : i32
      %cond3A_207 = arith.cmpi ne, %convert_element_type3A_205, %cond3A_206 : i32
      scf.if %cond3A_207 {
        %sub3A_408 = arith.constant 1 : i32
        %sub3A_409 = arith.subi %add3A_202, %sub3A_408 : i32
        %jit3A_410 = arith.constant 3 : i32
        %eq3A_411 = arith.constant 0 : i32
        %eq3A_412 = arith.cmpi eq, %jit3A_410, %eq3A_411 : i32
        %jit3A_413 = arith.constant 1 : i32
        %select_n3A_414 = arith.select %eq3A_412, %jit3A_413, %jit3A_410 : i32
        %rem3A_415 = arith.remsi %sub3A_409, %select_n3A_414 : i32
        %ne3A_416 = arith.constant 0 : i32
        %ne3A_417 = arith.cmpi ne, %rem3A_415, %ne3A_416 : i32
        %lt3A_418 = arith.constant 0 : i32
        %lt3A_419 = arith.cmpi slt, %rem3A_415, %lt3A_418 : i32
        %lt3A_420 = arith.constant 0 : i32
        %lt3A_421 = arith.cmpi slt, %select_n3A_414, %lt3A_420 : i32
        %ne3A_422 = arith.xori %lt3A_419, %lt3A_421 : i1
        %and3A_423 = arith.andi %ne3A_422, %ne3A_417 : i1
        %add3A_424 = arith.addi %rem3A_415, %select_n3A_414 : i32
        %select_n3A_425 = arith.select %and3A_423, %add3A_424, %rem3A_415 : i32
        %jit3A_426 = arith.constant 3 : i32
        %eq3A_427 = arith.constant 0 : i32
        %eq3A_428 = arith.cmpi eq, %jit3A_426, %eq3A_427 : i32
        %jit3A_429 = arith.constant 1 : i32
        %select_n3A_430 = arith.select %eq3A_428, %jit3A_429, %jit3A_426 : i32
        %rem3A_431 = arith.remsi %sub3A_409, %select_n3A_430 : i32
        %ne3A_432 = arith.constant 0 : i32
        %ne3A_433 = arith.cmpi ne, %rem3A_431, %ne3A_432 : i32
        %lt3A_434 = arith.constant 0 : i32
        %lt3A_435 = arith.cmpi slt, %rem3A_431, %lt3A_434 : i32
        %lt3A_436 = arith.constant 0 : i32
        %lt3A_437 = arith.cmpi slt, %select_n3A_430, %lt3A_436 : i32
        %ne3A_438 = arith.xori %lt3A_435, %lt3A_437 : i1
        %and3A_439 = arith.andi %ne3A_438, %ne3A_433 : i1
        %add3A_440 = arith.addi %rem3A_431, %select_n3A_430 : i32
        %select_n3A_441 = arith.select %and3A_439, %add3A_440, %rem3A_431 : i32
        %dma_wait3A_442 = arith.constant 0 : i32
        %dma_wait3A_443 = arith.constant 0 : i32
        %dma_wait3A_444 = tpu.memref_slice %arg8[%select_n3A_425, %dma_wait3A_442, %dma_wait3A_443] : memref<3x128x128xf32, #tpu.memory_space<vmem>> -> memref<1x128x128xf32, #tpu.memory_space<vmem>>
        %dma_wait3A_445 = tpu.memref_squeeze %dma_wait3A_444 : memref<1x128x128xf32, #tpu.memory_space<vmem>> -> memref<128x128xf32, #tpu.memory_space<vmem>>
        %dma_wait3A_446 = arith.constant 0 : i32
        %dma_wait3A_447 = tpu.memref_slice %arg7[%select_n3A_441, %dma_wait3A_446] : memref<3x128xi32, #tpu.memory_space<vmem>> -> memref<1x128xi32, #tpu.memory_space<vmem>>
        %dma_wait3A_448 = tpu.memref_squeeze %dma_wait3A_447 : memref<1x128xi32, #tpu.memory_space<vmem>> -> memref<128xi32, #tpu.memory_space<vmem>>
        %dma_wait3A_449 = arith.constant 0 : i32
        %dma_wait3A_450 = arith.constant 0 : i32
        %dma_wait3A_451 = tpu.memref_slice %arg9[%dma_wait3A_449, %dma_wait3A_450] : memref<9984x128xf32, #tpu.memory_space<vmem_shared>> -> memref<9984x128xf32, #tpu.memory_space<vmem_shared>>
        tpu.wait_indirect_dma semaphore(%arg15 : memref<!tpu.dma_semaphore, #tpu.memory_space<semaphore_mem>>) src(%dma_wait3A_445 : memref<128x128xf32, #tpu.memory_space<vmem>>) dst(%dma_wait3A_451 : memref<9984x128xf32, #tpu.memory_space<vmem_shared>>)
      } else {
      }
      %add3A_208 = arith.constant 2 : i32
      %add3A_209 = arith.addi %add3A_202, %add3A_208 : i32
      %lt3A = arith.cmpi slt, %add3A_209, %select_n3A : i32
      %convert_element_type3A_210 = arith.extui %lt3A : i1 to i32
      %cond3A_211 = arith.constant 0 : i32
      %cond3A_212 = arith.cmpi ne, %convert_element_type3A_210, %cond3A_211 : i32
      scf.if %cond3A_212 {
        %add3A_408 = arith.constant 2 : i32
        %add3A_409 = arith.addi %add3A_202, %add3A_408 : i32
        %add3A_410 = arith.addi %select_n3A_8, %add3A_409 : i32
        %mul3A_411 = arith.constant 128 : i32
        %mul3A_412 = arith.muli %add3A_410, %mul3A_411 : i32
        %jit3A_413 = arith.constant 3 : i32
        %eq3A_414 = arith.constant 0 : i32
        %eq3A_415 = arith.cmpi eq, %jit3A_413, %eq3A_414 : i32
        %jit3A_416 = arith.constant 1 : i32
        %select_n3A_417 = arith.select %eq3A_415, %jit3A_416, %jit3A_413 : i32
        %rem3A_418 = arith.remsi %add3A_409, %select_n3A_417 : i32
        %ne3A_419 = arith.constant 0 : i32
        %ne3A_420 = arith.cmpi ne, %rem3A_418, %ne3A_419 : i32
        %lt3A_421 = arith.constant 0 : i32
        %lt3A_422 = arith.cmpi slt, %rem3A_418, %lt3A_421 : i32
        %lt3A_423 = arith.constant 0 : i32
        %lt3A_424 = arith.cmpi slt, %select_n3A_417, %lt3A_423 : i32
        %ne3A_425 = arith.xori %lt3A_422, %lt3A_424 : i1
        %and3A_426 = arith.andi %ne3A_425, %ne3A_420 : i1
        %add3A_427 = arith.addi %rem3A_418, %select_n3A_417 : i32
        %select_n3A_428 = arith.select %and3A_426, %add3A_427, %rem3A_418 : i32
        %dma_start3A_429 = arith.constant 0 : i32
        %dma_start3A_430 = tpu.memref_slice %arg6[%select_n3A_428, %dma_start3A_429] : memref<3x128xi32, #tpu.memory_space<vmem>> -> memref<1x128xi32, #tpu.memory_space<vmem>>
        %dma_start3A_431 = tpu.memref_squeeze %dma_start3A_430 : memref<1x128xi32, #tpu.memory_space<vmem>> -> memref<128xi32, #tpu.memory_space<vmem>>
        %dma_start3A_432 = tpu.memref_slice %arg3[%mul3A_412] : memref<319488xi32, #tpu.memory_space<hbm>> -> memref<128xi32, #tpu.memory_space<hbm>>
        %dma_start3A_433 = arith.constant 0 : i32
        %dma_start3A_434 = tpu.memref_slice %arg6[%select_n3A_428, %dma_start3A_433] : memref<3x128xi32, #tpu.memory_space<vmem>> -> memref<1x128xi32, #tpu.memory_space<vmem>>
        %dma_start3A_435 = tpu.memref_squeeze %dma_start3A_434 : memref<1x128xi32, #tpu.memory_space<vmem>> -> memref<128xi32, #tpu.memory_space<vmem>>
        %dma_start3A_436 = tpu.memref_slice %arg3[%mul3A_412] : memref<319488xi32, #tpu.memory_space<hbm>> -> memref<128xi32, #tpu.memory_space<hbm>>
        tpu.enqueue_dma source(%dma_start3A_436 : memref<128xi32, #tpu.memory_space<hbm>>) target(%dma_start3A_435 : memref<128xi32, #tpu.memory_space<vmem>>) target_semaphore(%arg11 : memref<!tpu.dma_semaphore, #tpu.memory_space<semaphore_mem>>)
        %dma_start3A_437 = arith.constant 0 : i32
        %dma_start3A_438 = tpu.memref_slice %arg7[%select_n3A_428, %dma_start3A_437] : memref<3x128xi32, #tpu.memory_space<vmem>> -> memref<1x128xi32, #tpu.memory_space<vmem>>
        %dma_start3A_439 = tpu.memref_squeeze %dma_start3A_438 : memref<1x128xi32, #tpu.memory_space<vmem>> -> memref<128xi32, #tpu.memory_space<vmem>>
        %dma_start3A_440 = tpu.memref_slice %arg4[%mul3A_412] : memref<319488xi32, #tpu.memory_space<hbm>> -> memref<128xi32, #tpu.memory_space<hbm>>
        %dma_start3A_441 = arith.constant 0 : i32
        %dma_start3A_442 = tpu.memref_slice %arg7[%select_n3A_428, %dma_start3A_441] : memref<3x128xi32, #tpu.memory_space<vmem>> -> memref<1x128xi32, #tpu.memory_space<vmem>>
        %dma_start3A_443 = tpu.memref_squeeze %dma_start3A_442 : memref<1x128xi32, #tpu.memory_space<vmem>> -> memref<128xi32, #tpu.memory_space<vmem>>
        %dma_start3A_444 = tpu.memref_slice %arg4[%mul3A_412] : memref<319488xi32, #tpu.memory_space<hbm>> -> memref<128xi32, #tpu.memory_space<hbm>>
        tpu.enqueue_dma source(%dma_start3A_444 : memref<128xi32, #tpu.memory_space<hbm>>) target(%dma_start3A_443 : memref<128xi32, #tpu.memory_space<vmem>>) target_semaphore(%arg11 : memref<!tpu.dma_semaphore, #tpu.memory_space<semaphore_mem>>)
      } else {
      }
      %jit3A_213 = arith.constant 3 : i32
      %eq3A_214 = arith.constant 0 : i32
      %eq3A_215 = arith.cmpi eq, %jit3A_213, %eq3A_214 : i32
      %jit3A_216 = arith.constant 1 : i32
      %select_n3A_217 = arith.select %eq3A_215, %jit3A_216, %jit3A_213 : i32
      %rem3A_218 = arith.remsi %add3A_202, %select_n3A_217 : i32
      %ne3A_219 = arith.constant 0 : i32
      %ne3A_220 = arith.cmpi ne, %rem3A_218, %ne3A_219 : i32
      %lt3A_221 = arith.constant 0 : i32
      %lt3A_222 = arith.cmpi slt, %rem3A_218, %lt3A_221 : i32
      %lt3A_223 = arith.constant 0 : i32
      %lt3A_224 = arith.cmpi slt, %select_n3A_217, %lt3A_223 : i32
      %ne3A_225 = arith.xori %lt3A_222, %lt3A_224 : i1
      %and3A_226 = arith.andi %ne3A_225, %ne3A_220 : i1
      %add3A_227 = arith.addi %rem3A_218, %select_n3A_217 : i32
      %select_n3A_228 = arith.select %and3A_226, %add3A_227, %rem3A_218 : i32
      %jit3A_229 = arith.constant 3 : i32
      %eq3A_230 = arith.constant 0 : i32
      %eq3A_231 = arith.cmpi eq, %jit3A_229, %eq3A_230 : i32
      %jit3A_232 = arith.constant 1 : i32
      %select_n3A_233 = arith.select %eq3A_231, %jit3A_232, %jit3A_229 : i32
      %rem3A_234 = arith.remsi %add3A_202, %select_n3A_233 : i32
      %ne3A_235 = arith.constant 0 : i32
      %ne3A_236 = arith.cmpi ne, %rem3A_234, %ne3A_235 : i32
      %lt3A_237 = arith.constant 0 : i32
      %lt3A_238 = arith.cmpi slt, %rem3A_234, %lt3A_237 : i32
      %lt3A_239 = arith.constant 0 : i32
      %lt3A_240 = arith.cmpi slt, %select_n3A_233, %lt3A_239 : i32
      %ne3A_241 = arith.xori %lt3A_238, %lt3A_240 : i1
      %and3A_242 = arith.andi %ne3A_241, %ne3A_236 : i1
      %add3A_243 = arith.addi %rem3A_234, %select_n3A_233 : i32
      %select_n3A_244 = arith.select %and3A_242, %add3A_243, %rem3A_234 : i32
      %dma_wait3A_245 = arith.constant 0 : i32
      %dma_wait3A_246 = arith.constant 0 : i32
      %dma_wait3A_247 = tpu.memref_slice %arg8[%select_n3A_244, %dma_wait3A_245, %dma_wait3A_246] : memref<3x128x128xf32, #tpu.memory_space<vmem>> -> memref<1x128x128xf32, #tpu.memory_space<vmem>>
      %dma_wait3A_248 = tpu.memref_squeeze %dma_wait3A_247 : memref<1x128x128xf32, #tpu.memory_space<vmem>> -> memref<128x128xf32, #tpu.memory_space<vmem>>
      %dma_wait3A_249 = arith.constant 0 : i32
      %dma_wait3A_250 = tpu.memref_slice %arg6[%select_n3A_228, %dma_wait3A_249] : memref<3x128xi32, #tpu.memory_space<vmem>> -> memref<1x128xi32, #tpu.memory_space<vmem>>
      %dma_wait3A_251 = tpu.memref_squeeze %dma_wait3A_250 : memref<1x128xi32, #tpu.memory_space<vmem>> -> memref<128xi32, #tpu.memory_space<vmem>>
      %dma_wait3A_252 = arith.constant 0 : i32
      %dma_wait3A_253 = arith.constant 0 : i32
      %dma_wait3A_254 = tpu.memref_slice %arg2[%dma_wait3A_252, %dma_wait3A_253] : memref<9984x128xf32, #tpu.memory_space<hbm>> -> memref<9984x128xf32, #tpu.memory_space<hbm>>
      tpu.wait_indirect_dma semaphore(%arg13 : memref<!tpu.dma_semaphore, #tpu.memory_space<semaphore_mem>>) src(%dma_wait3A_254 : memref<9984x128xf32, #tpu.memory_space<hbm>>) dst(%dma_wait3A_248 : memref<128x128xf32, #tpu.memory_space<vmem>>)
      %jit3A_255 = arith.constant 3 : i32
      %eq3A_256 = arith.constant 0 : i32
      %eq3A_257 = arith.cmpi eq, %jit3A_255, %eq3A_256 : i32
      %jit3A_258 = arith.constant 1 : i32
      %select_n3A_259 = arith.select %eq3A_257, %jit3A_258, %jit3A_255 : i32
      %rem3A_260 = arith.remsi %add3A_202, %select_n3A_259 : i32
      %ne3A_261 = arith.constant 0 : i32
      %ne3A_262 = arith.cmpi ne, %rem3A_260, %ne3A_261 : i32
      %lt3A_263 = arith.constant 0 : i32
      %lt3A_264 = arith.cmpi slt, %rem3A_260, %lt3A_263 : i32
      %lt3A_265 = arith.constant 0 : i32
      %lt3A_266 = arith.cmpi slt, %select_n3A_259, %lt3A_265 : i32
      %ne3A_267 = arith.xori %lt3A_264, %lt3A_266 : i1
      %and3A_268 = arith.andi %ne3A_267, %ne3A_262 : i1
      %add3A_269 = arith.addi %rem3A_260, %select_n3A_259 : i32
      %select_n3A_270 = arith.select %and3A_268, %add3A_269, %rem3A_260 : i32
      %jit3A_271 = arith.constant 3 : i32
      %eq3A_272 = arith.constant 0 : i32
      %eq3A_273 = arith.cmpi eq, %jit3A_271, %eq3A_272 : i32
      %jit3A_274 = arith.constant 1 : i32
      %select_n3A_275 = arith.select %eq3A_273, %jit3A_274, %jit3A_271 : i32
      %rem3A_276 = arith.remsi %add3A_202, %select_n3A_275 : i32
      %ne3A_277 = arith.constant 0 : i32
      %ne3A_278 = arith.cmpi ne, %rem3A_276, %ne3A_277 : i32
      %lt3A_279 = arith.constant 0 : i32
      %lt3A_280 = arith.cmpi slt, %rem3A_276, %lt3A_279 : i32
      %lt3A_281 = arith.constant 0 : i32
      %lt3A_282 = arith.cmpi slt, %select_n3A_275, %lt3A_281 : i32
      %ne3A_283 = arith.xori %lt3A_280, %lt3A_282 : i1
      %and3A_284 = arith.andi %ne3A_283, %ne3A_278 : i1
      %add3A_285 = arith.addi %rem3A_276, %select_n3A_275 : i32
      %select_n3A_286 = arith.select %and3A_284, %add3A_285, %rem3A_276 : i32
      %dma_start3A_287 = arith.constant 0 : i32
      %dma_start3A_288 = arith.constant 0 : i32
      %dma_start3A_289 = tpu.memref_slice %arg8[%select_n3A_270, %dma_start3A_287, %dma_start3A_288] : memref<3x128x128xf32, #tpu.memory_space<vmem>> -> memref<1x128x128xf32, #tpu.memory_space<vmem>>
      %dma_start3A_290 = tpu.memref_squeeze %dma_start3A_289 : memref<1x128x128xf32, #tpu.memory_space<vmem>> -> memref<128x128xf32, #tpu.memory_space<vmem>>
      %dma_start3A_291 = arith.constant 0 : i32
      %dma_start3A_292 = tpu.memref_slice %arg7[%select_n3A_286, %dma_start3A_291] : memref<3x128xi32, #tpu.memory_space<vmem>> -> memref<1x128xi32, #tpu.memory_space<vmem>>
      %dma_start3A_293 = tpu.memref_squeeze %dma_start3A_292 : memref<1x128xi32, #tpu.memory_space<vmem>> -> memref<128xi32, #tpu.memory_space<vmem>>
      %dma_start3A_294 = arith.constant 0 : i32
      %dma_start3A_295 = arith.constant 0 : i32
      %dma_start3A_296 = tpu.memref_slice %arg9[%dma_start3A_294, %dma_start3A_295] : memref<9984x128xf32, #tpu.memory_space<vmem_shared>> -> memref<9984x128xf32, #tpu.memory_space<vmem_shared>>
      tpu.enqueue_indirect_dma source(%dma_start3A_290 : memref<128x128xf32, #tpu.memory_space<vmem>>) target(%dma_start3A_296 : memref<9984x128xf32, #tpu.memory_space<vmem_shared>>) offsets(%dma_start3A_293 : memref<128xi32, #tpu.memory_space<vmem>>) semaphore(%arg15 : memref<!tpu.dma_semaphore, #tpu.memory_space<semaphore_mem>>) {add = true}
      %add3A_297 = arith.constant 2 : i32
      %add3A_298 = arith.addi %add3A_202, %add3A_297 : i32
      %lt3A_299 = arith.cmpi slt, %add3A_298, %select_n3A : i32
      %convert_element_type3A_300 = arith.extui %lt3A_299 : i1 to i32
      %cond3A_301 = arith.constant 0 : i32
      %cond3A_302 = arith.cmpi ne, %convert_element_type3A_300, %cond3A_301 : i32
      scf.if %cond3A_302 {
        %add3A_408 = arith.constant 2 : i32
        %add3A_409 = arith.addi %add3A_202, %add3A_408 : i32
        %add3A_410 = arith.addi %select_n3A_8, %add3A_409 : i32
        %mul3A_411 = arith.constant 128 : i32
        %mul3A_412 = arith.muli %add3A_410, %mul3A_411 : i32
        %jit3A_413 = arith.constant 3 : i32
        %eq3A_414 = arith.constant 0 : i32
        %eq3A_415 = arith.cmpi eq, %jit3A_413, %eq3A_414 : i32
        %jit3A_416 = arith.constant 1 : i32
        %select_n3A_417 = arith.select %eq3A_415, %jit3A_416, %jit3A_413 : i32
        %rem3A_418 = arith.remsi %add3A_409, %select_n3A_417 : i32
        %ne3A_419 = arith.constant 0 : i32
        %ne3A_420 = arith.cmpi ne, %rem3A_418, %ne3A_419 : i32
        %lt3A_421 = arith.constant 0 : i32
        %lt3A_422 = arith.cmpi slt, %rem3A_418, %lt3A_421 : i32
        %lt3A_423 = arith.constant 0 : i32
        %lt3A_424 = arith.cmpi slt, %select_n3A_417, %lt3A_423 : i32
        %ne3A_425 = arith.xori %lt3A_422, %lt3A_424 : i1
        %and3A_426 = arith.andi %ne3A_425, %ne3A_420 : i1
        %add3A_427 = arith.addi %rem3A_418, %select_n3A_417 : i32
        %select_n3A_428 = arith.select %and3A_426, %add3A_427, %rem3A_418 : i32
        %dma_wait3A_429 = arith.constant 0 : i32
        %dma_wait3A_430 = tpu.memref_slice %arg6[%select_n3A_428, %dma_wait3A_429] : memref<3x128xi32, #tpu.memory_space<vmem>> -> memref<1x128xi32, #tpu.memory_space<vmem>>
        %dma_wait3A_431 = tpu.memref_squeeze %dma_wait3A_430 : memref<1x128xi32, #tpu.memory_space<vmem>> -> memref<128xi32, #tpu.memory_space<vmem>>
        %dma_wait3A_432 = tpu.memref_slice %arg3[%mul3A_412] : memref<319488xi32, #tpu.memory_space<hbm>> -> memref<128xi32, #tpu.memory_space<hbm>>
        %dma_wait3A_433 = arith.constant 0 : i32
        %dma_wait3A_434 = tpu.memref_slice %arg6[%select_n3A_428, %dma_wait3A_433] : memref<3x128xi32, #tpu.memory_space<vmem>> -> memref<1x128xi32, #tpu.memory_space<vmem>>
        %dma_wait3A_435 = tpu.memref_squeeze %dma_wait3A_434 : memref<1x128xi32, #tpu.memory_space<vmem>> -> memref<128xi32, #tpu.memory_space<vmem>>
        %dma_wait3A_436 = tpu.memref_slice %arg3[%mul3A_412] : memref<319488xi32, #tpu.memory_space<hbm>> -> memref<128xi32, #tpu.memory_space<hbm>>
        tpu.wait_dma2 semaphore(%arg11 : memref<!tpu.dma_semaphore, #tpu.memory_space<semaphore_mem>>) src(%dma_wait3A_436 : memref<128xi32, #tpu.memory_space<hbm>>) dst(%dma_wait3A_435 : memref<128xi32, #tpu.memory_space<vmem>>)
        %dma_wait3A_437 = arith.constant 0 : i32
        %dma_wait3A_438 = tpu.memref_slice %arg7[%select_n3A_428, %dma_wait3A_437] : memref<3x128xi32, #tpu.memory_space<vmem>> -> memref<1x128xi32, #tpu.memory_space<vmem>>
        %dma_wait3A_439 = tpu.memref_squeeze %dma_wait3A_438 : memref<1x128xi32, #tpu.memory_space<vmem>> -> memref<128xi32, #tpu.memory_space<vmem>>
        %dma_wait3A_440 = tpu.memref_slice %arg4[%mul3A_412] : memref<319488xi32, #tpu.memory_space<hbm>> -> memref<128xi32, #tpu.memory_space<hbm>>
        %dma_wait3A_441 = arith.constant 0 : i32
        %dma_wait3A_442 = tpu.memref_slice %arg7[%select_n3A_428, %dma_wait3A_441] : memref<3x128xi32, #tpu.memory_space<vmem>> -> memref<1x128xi32, #tpu.memory_space<vmem>>
        %dma_wait3A_443 = tpu.memref_squeeze %dma_wait3A_442 : memref<1x128xi32, #tpu.memory_space<vmem>> -> memref<128xi32, #tpu.memory_space<vmem>>
        %dma_wait3A_444 = tpu.memref_slice %arg4[%mul3A_412] : memref<319488xi32, #tpu.memory_space<hbm>> -> memref<128xi32, #tpu.memory_space<hbm>>
        tpu.wait_dma2 semaphore(%arg11 : memref<!tpu.dma_semaphore, #tpu.memory_space<semaphore_mem>>) src(%dma_wait3A_444 : memref<128xi32, #tpu.memory_space<hbm>>) dst(%dma_wait3A_443 : memref<128xi32, #tpu.memory_space<vmem>>)
        %add3A_445 = arith.constant 2 : i32
        %add3A_446 = arith.addi %add3A_202, %add3A_445 : i32
        %jit3A_447 = arith.constant 3 : i32
        %eq3A_448 = arith.constant 0 : i32
        %eq3A_449 = arith.cmpi eq, %jit3A_447, %eq3A_448 : i32
        %jit3A_450 = arith.constant 1 : i32
        %select_n3A_451 = arith.select %eq3A_449, %jit3A_450, %jit3A_447 : i32
        %rem3A_452 = arith.remsi %add3A_446, %select_n3A_451 : i32
        %ne3A_453 = arith.constant 0 : i32
        %ne3A_454 = arith.cmpi ne, %rem3A_452, %ne3A_453 : i32
        %lt3A_455 = arith.constant 0 : i32
        %lt3A_456 = arith.cmpi slt, %rem3A_452, %lt3A_455 : i32
        %lt3A_457 = arith.constant 0 : i32
        %lt3A_458 = arith.cmpi slt, %select_n3A_451, %lt3A_457 : i32
        %ne3A_459 = arith.xori %lt3A_456, %lt3A_458 : i1
        %and3A_460 = arith.andi %ne3A_459, %ne3A_454 : i1
        %add3A_461 = arith.addi %rem3A_452, %select_n3A_451 : i32
        %select_n3A_462 = arith.select %and3A_460, %add3A_461, %rem3A_452 : i32
        %jit3A_463 = arith.constant 3 : i32
        %eq3A_464 = arith.constant 0 : i32
        %eq3A_465 = arith.cmpi eq, %jit3A_463, %eq3A_464 : i32
        %jit3A_466 = arith.constant 1 : i32
        %select_n3A_467 = arith.select %eq3A_465, %jit3A_466, %jit3A_463 : i32
        %rem3A_468 = arith.remsi %add3A_446, %select_n3A_467 : i32
        %ne3A_469 = arith.constant 0 : i32
        %ne3A_470 = arith.cmpi ne, %rem3A_468, %ne3A_469 : i32
        %lt3A_471 = arith.constant 0 : i32
        %lt3A_472 = arith.cmpi slt, %rem3A_468, %lt3A_471 : i32
        %lt3A_473 = arith.constant 0 : i32
        %lt3A_474 = arith.cmpi slt, %select_n3A_467, %lt3A_473 : i32
        %ne3A_475 = arith.xori %lt3A_472, %lt3A_474 : i1
        %and3A_476 = arith.andi %ne3A_475, %ne3A_470 : i1
        %add3A_477 = arith.addi %rem3A_468, %select_n3A_467 : i32
        %select_n3A_478 = arith.select %and3A_476, %add3A_477, %rem3A_468 : i32
        %dma_start3A_479 = arith.constant 0 : i32
        %dma_start3A_480 = arith.constant 0 : i32
        %dma_start3A_481 = tpu.memref_slice %arg8[%select_n3A_478, %dma_start3A_479, %dma_start3A_480] : memref<3x128x128xf32, #tpu.memory_space<vmem>> -> memref<1x128x128xf32, #tpu.memory_space<vmem>>
        %dma_start3A_482 = tpu.memref_squeeze %dma_start3A_481 : memref<1x128x128xf32, #tpu.memory_space<vmem>> -> memref<128x128xf32, #tpu.memory_space<vmem>>
        %dma_start3A_483 = arith.constant 0 : i32
        %dma_start3A_484 = tpu.memref_slice %arg6[%select_n3A_462, %dma_start3A_483] : memref<3x128xi32, #tpu.memory_space<vmem>> -> memref<1x128xi32, #tpu.memory_space<vmem>>
        %dma_start3A_485 = tpu.memref_squeeze %dma_start3A_484 : memref<1x128xi32, #tpu.memory_space<vmem>> -> memref<128xi32, #tpu.memory_space<vmem>>
        %dma_start3A_486 = arith.constant 0 : i32
        %dma_start3A_487 = arith.constant 0 : i32
        %dma_start3A_488 = tpu.memref_slice %arg2[%dma_start3A_486, %dma_start3A_487] : memref<9984x128xf32, #tpu.memory_space<hbm>> -> memref<9984x128xf32, #tpu.memory_space<hbm>>
        tpu.enqueue_indirect_dma source(%dma_start3A_488 : memref<9984x128xf32, #tpu.memory_space<hbm>>) target(%dma_start3A_482 : memref<128x128xf32, #tpu.memory_space<vmem>>) offsets(%dma_start3A_485 : memref<128xi32, #tpu.memory_space<vmem>>) semaphore(%arg13 : memref<!tpu.dma_semaphore, #tpu.memory_space<semaphore_mem>>)
      } else {
      }
      %mul3A_303 = arith.constant 2 : i32
      %mul3A_304 = arith.muli %mul3A_303, %while3A_198 : i32
      %add3A_305 = arith.constant 1 : i32
      %add3A_306 = arith.addi %mul3A_304, %add3A_305 : i32
      %gt3A_307 = arith.constant 0 : i32
      %gt3A_308 = arith.cmpi sgt, %add3A_306, %gt3A_307 : i32
      %convert_element_type3A_309 = arith.extui %gt3A_308 : i1 to i32
      %cond3A_310 = arith.constant 0 : i32
      %cond3A_311 = arith.cmpi ne, %convert_element_type3A_309, %cond3A_310 : i32
      scf.if %cond3A_311 {
        %sub3A_408 = arith.constant 1 : i32
        %sub3A_409 = arith.subi %add3A_306, %sub3A_408 : i32
        %jit3A_410 = arith.constant 3 : i32
        %eq3A_411 = arith.constant 0 : i32
        %eq3A_412 = arith.cmpi eq, %jit3A_410, %eq3A_411 : i32
        %jit3A_413 = arith.constant 1 : i32
        %select_n3A_414 = arith.select %eq3A_412, %jit3A_413, %jit3A_410 : i32
        %rem3A_415 = arith.remsi %sub3A_409, %select_n3A_414 : i32
        %ne3A_416 = arith.constant 0 : i32
        %ne3A_417 = arith.cmpi ne, %rem3A_415, %ne3A_416 : i32
        %lt3A_418 = arith.constant 0 : i32
        %lt3A_419 = arith.cmpi slt, %rem3A_415, %lt3A_418 : i32
        %lt3A_420 = arith.constant 0 : i32
        %lt3A_421 = arith.cmpi slt, %select_n3A_414, %lt3A_420 : i32
        %ne3A_422 = arith.xori %lt3A_419, %lt3A_421 : i1
        %and3A_423 = arith.andi %ne3A_422, %ne3A_417 : i1
        %add3A_424 = arith.addi %rem3A_415, %select_n3A_414 : i32
        %select_n3A_425 = arith.select %and3A_423, %add3A_424, %rem3A_415 : i32
        %jit3A_426 = arith.constant 3 : i32
        %eq3A_427 = arith.constant 0 : i32
        %eq3A_428 = arith.cmpi eq, %jit3A_426, %eq3A_427 : i32
        %jit3A_429 = arith.constant 1 : i32
        %select_n3A_430 = arith.select %eq3A_428, %jit3A_429, %jit3A_426 : i32
        %rem3A_431 = arith.remsi %sub3A_409, %select_n3A_430 : i32
        %ne3A_432 = arith.constant 0 : i32
        %ne3A_433 = arith.cmpi ne, %rem3A_431, %ne3A_432 : i32
        %lt3A_434 = arith.constant 0 : i32
        %lt3A_435 = arith.cmpi slt, %rem3A_431, %lt3A_434 : i32
        %lt3A_436 = arith.constant 0 : i32
        %lt3A_437 = arith.cmpi slt, %select_n3A_430, %lt3A_436 : i32
        %ne3A_438 = arith.xori %lt3A_435, %lt3A_437 : i1
        %and3A_439 = arith.andi %ne3A_438, %ne3A_433 : i1
        %add3A_440 = arith.addi %rem3A_431, %select_n3A_430 : i32
        %select_n3A_441 = arith.select %and3A_439, %add3A_440, %rem3A_431 : i32
        %dma_wait3A_442 = arith.constant 0 : i32
        %dma_wait3A_443 = arith.constant 0 : i32
        %dma_wait3A_444 = tpu.memref_slice %arg8[%select_n3A_425, %dma_wait3A_442, %dma_wait3A_443] : memref<3x128x128xf32, #tpu.memory_space<vmem>> -> memref<1x128x128xf32, #tpu.memory_space<vmem>>
        %dma_wait3A_445 = tpu.memref_squeeze %dma_wait3A_444 : memref<1x128x128xf32, #tpu.memory_space<vmem>> -> memref<128x128xf32, #tpu.memory_space<vmem>>
        %dma_wait3A_446 = arith.constant 0 : i32
        %dma_wait3A_447 = tpu.memref_slice %arg7[%select_n3A_441, %dma_wait3A_446] : memref<3x128xi32, #tpu.memory_space<vmem>> -> memref<1x128xi32, #tpu.memory_space<vmem>>
        %dma_wait3A_448 = tpu.memref_squeeze %dma_wait3A_447 : memref<1x128xi32, #tpu.memory_space<vmem>> -> memref<128xi32, #tpu.memory_space<vmem>>
        %dma_wait3A_449 = arith.constant 0 : i32
        %dma_wait3A_450 = arith.constant 0 : i32
        %dma_wait3A_451 = tpu.memref_slice %arg9[%dma_wait3A_449, %dma_wait3A_450] : memref<9984x128xf32, #tpu.memory_space<vmem_shared>> -> memref<9984x128xf32, #tpu.memory_space<vmem_shared>>
        tpu.wait_indirect_dma semaphore(%arg15 : memref<!tpu.dma_semaphore, #tpu.memory_space<semaphore_mem>>) src(%dma_wait3A_445 : memref<128x128xf32, #tpu.memory_space<vmem>>) dst(%dma_wait3A_451 : memref<9984x128xf32, #tpu.memory_space<vmem_shared>>)
      } else {
      }
      %add3A_312 = arith.constant 2 : i32
      %add3A_313 = arith.addi %add3A_306, %add3A_312 : i32
      %lt3A_314 = arith.cmpi slt, %add3A_313, %select_n3A : i32
      %convert_element_type3A_315 = arith.extui %lt3A_314 : i1 to i32
      %cond3A_316 = arith.constant 0 : i32
      %cond3A_317 = arith.cmpi ne, %convert_element_type3A_315, %cond3A_316 : i32
      scf.if %cond3A_317 {
        %add3A_408 = arith.constant 2 : i32
        %add3A_409 = arith.addi %add3A_306, %add3A_408 : i32
        %add3A_410 = arith.addi %select_n3A_8, %add3A_409 : i32
        %mul3A_411 = arith.constant 128 : i32
        %mul3A_412 = arith.muli %add3A_410, %mul3A_411 : i32
        %jit3A_413 = arith.constant 3 : i32
        %eq3A_414 = arith.constant 0 : i32
        %eq3A_415 = arith.cmpi eq, %jit3A_413, %eq3A_414 : i32
        %jit3A_416 = arith.constant 1 : i32
        %select_n3A_417 = arith.select %eq3A_415, %jit3A_416, %jit3A_413 : i32
        %rem3A_418 = arith.remsi %add3A_409, %select_n3A_417 : i32
        %ne3A_419 = arith.constant 0 : i32
        %ne3A_420 = arith.cmpi ne, %rem3A_418, %ne3A_419 : i32
        %lt3A_421 = arith.constant 0 : i32
        %lt3A_422 = arith.cmpi slt, %rem3A_418, %lt3A_421 : i32
        %lt3A_423 = arith.constant 0 : i32
        %lt3A_424 = arith.cmpi slt, %select_n3A_417, %lt3A_423 : i32
        %ne3A_425 = arith.xori %lt3A_422, %lt3A_424 : i1
        %and3A_426 = arith.andi %ne3A_425, %ne3A_420 : i1
        %add3A_427 = arith.addi %rem3A_418, %select_n3A_417 : i32
        %select_n3A_428 = arith.select %and3A_426, %add3A_427, %rem3A_418 : i32
        %dma_start3A_429 = arith.constant 0 : i32
        %dma_start3A_430 = tpu.memref_slice %arg6[%select_n3A_428, %dma_start3A_429] : memref<3x128xi32, #tpu.memory_space<vmem>> -> memref<1x128xi32, #tpu.memory_space<vmem>>
        %dma_start3A_431 = tpu.memref_squeeze %dma_start3A_430 : memref<1x128xi32, #tpu.memory_space<vmem>> -> memref<128xi32, #tpu.memory_space<vmem>>
        %dma_start3A_432 = tpu.memref_slice %arg3[%mul3A_412] : memref<319488xi32, #tpu.memory_space<hbm>> -> memref<128xi32, #tpu.memory_space<hbm>>
        %dma_start3A_433 = arith.constant 0 : i32
        %dma_start3A_434 = tpu.memref_slice %arg6[%select_n3A_428, %dma_start3A_433] : memref<3x128xi32, #tpu.memory_space<vmem>> -> memref<1x128xi32, #tpu.memory_space<vmem>>
        %dma_start3A_435 = tpu.memref_squeeze %dma_start3A_434 : memref<1x128xi32, #tpu.memory_space<vmem>> -> memref<128xi32, #tpu.memory_space<vmem>>
        %dma_start3A_436 = tpu.memref_slice %arg3[%mul3A_412] : memref<319488xi32, #tpu.memory_space<hbm>> -> memref<128xi32, #tpu.memory_space<hbm>>
        tpu.enqueue_dma source(%dma_start3A_436 : memref<128xi32, #tpu.memory_space<hbm>>) target(%dma_start3A_435 : memref<128xi32, #tpu.memory_space<vmem>>) target_semaphore(%arg12 : memref<!tpu.dma_semaphore, #tpu.memory_space<semaphore_mem>>)
        %dma_start3A_437 = arith.constant 0 : i32
        %dma_start3A_438 = tpu.memref_slice %arg7[%select_n3A_428, %dma_start3A_437] : memref<3x128xi32, #tpu.memory_space<vmem>> -> memref<1x128xi32, #tpu.memory_space<vmem>>
        %dma_start3A_439 = tpu.memref_squeeze %dma_start3A_438 : memref<1x128xi32, #tpu.memory_space<vmem>> -> memref<128xi32, #tpu.memory_space<vmem>>
        %dma_start3A_440 = tpu.memref_slice %arg4[%mul3A_412] : memref<319488xi32, #tpu.memory_space<hbm>> -> memref<128xi32, #tpu.memory_space<hbm>>
        %dma_start3A_441 = arith.constant 0 : i32
        %dma_start3A_442 = tpu.memref_slice %arg7[%select_n3A_428, %dma_start3A_441] : memref<3x128xi32, #tpu.memory_space<vmem>> -> memref<1x128xi32, #tpu.memory_space<vmem>>
        %dma_start3A_443 = tpu.memref_squeeze %dma_start3A_442 : memref<1x128xi32, #tpu.memory_space<vmem>> -> memref<128xi32, #tpu.memory_space<vmem>>
        %dma_start3A_444 = tpu.memref_slice %arg4[%mul3A_412] : memref<319488xi32, #tpu.memory_space<hbm>> -> memref<128xi32, #tpu.memory_space<hbm>>
        tpu.enqueue_dma source(%dma_start3A_444 : memref<128xi32, #tpu.memory_space<hbm>>) target(%dma_start3A_443 : memref<128xi32, #tpu.memory_space<vmem>>) target_semaphore(%arg12 : memref<!tpu.dma_semaphore, #tpu.memory_space<semaphore_mem>>)
      } else {
      }
      %jit3A_318 = arith.constant 3 : i32
      %eq3A_319 = arith.constant 0 : i32
      %eq3A_320 = arith.cmpi eq, %jit3A_318, %eq3A_319 : i32
      %jit3A_321 = arith.constant 1 : i32
      %select_n3A_322 = arith.select %eq3A_320, %jit3A_321, %jit3A_318 : i32
      %rem3A_323 = arith.remsi %add3A_306, %select_n3A_322 : i32
      %ne3A_324 = arith.constant 0 : i32
      %ne3A_325 = arith.cmpi ne, %rem3A_323, %ne3A_324 : i32
      %lt3A_326 = arith.constant 0 : i32
      %lt3A_327 = arith.cmpi slt, %rem3A_323, %lt3A_326 : i32
      %lt3A_328 = arith.constant 0 : i32
      %lt3A_329 = arith.cmpi slt, %select_n3A_322, %lt3A_328 : i32
      %ne3A_330 = arith.xori %lt3A_327, %lt3A_329 : i1
      %and3A_331 = arith.andi %ne3A_330, %ne3A_325 : i1
      %add3A_332 = arith.addi %rem3A_323, %select_n3A_322 : i32
      %select_n3A_333 = arith.select %and3A_331, %add3A_332, %rem3A_323 : i32
      %jit3A_334 = arith.constant 3 : i32
      %eq3A_335 = arith.constant 0 : i32
      %eq3A_336 = arith.cmpi eq, %jit3A_334, %eq3A_335 : i32
      %jit3A_337 = arith.constant 1 : i32
      %select_n3A_338 = arith.select %eq3A_336, %jit3A_337, %jit3A_334 : i32
      %rem3A_339 = arith.remsi %add3A_306, %select_n3A_338 : i32
      %ne3A_340 = arith.constant 0 : i32
      %ne3A_341 = arith.cmpi ne, %rem3A_339, %ne3A_340 : i32
      %lt3A_342 = arith.constant 0 : i32
      %lt3A_343 = arith.cmpi slt, %rem3A_339, %lt3A_342 : i32
      %lt3A_344 = arith.constant 0 : i32
      %lt3A_345 = arith.cmpi slt, %select_n3A_338, %lt3A_344 : i32
      %ne3A_346 = arith.xori %lt3A_343, %lt3A_345 : i1
      %and3A_347 = arith.andi %ne3A_346, %ne3A_341 : i1
      %add3A_348 = arith.addi %rem3A_339, %select_n3A_338 : i32
      %select_n3A_349 = arith.select %and3A_347, %add3A_348, %rem3A_339 : i32
      %dma_wait3A_350 = arith.constant 0 : i32
      %dma_wait3A_351 = arith.constant 0 : i32
      %dma_wait3A_352 = tpu.memref_slice %arg8[%select_n3A_349, %dma_wait3A_350, %dma_wait3A_351] : memref<3x128x128xf32, #tpu.memory_space<vmem>> -> memref<1x128x128xf32, #tpu.memory_space<vmem>>
      %dma_wait3A_353 = tpu.memref_squeeze %dma_wait3A_352 : memref<1x128x128xf32, #tpu.memory_space<vmem>> -> memref<128x128xf32, #tpu.memory_space<vmem>>
      %dma_wait3A_354 = arith.constant 0 : i32
      %dma_wait3A_355 = tpu.memref_slice %arg6[%select_n3A_333, %dma_wait3A_354] : memref<3x128xi32, #tpu.memory_space<vmem>> -> memref<1x128xi32, #tpu.memory_space<vmem>>
      %dma_wait3A_356 = tpu.memref_squeeze %dma_wait3A_355 : memref<1x128xi32, #tpu.memory_space<vmem>> -> memref<128xi32, #tpu.memory_space<vmem>>
      %dma_wait3A_357 = arith.constant 0 : i32
      %dma_wait3A_358 = arith.constant 0 : i32
      %dma_wait3A_359 = tpu.memref_slice %arg2[%dma_wait3A_357, %dma_wait3A_358] : memref<9984x128xf32, #tpu.memory_space<hbm>> -> memref<9984x128xf32, #tpu.memory_space<hbm>>
      tpu.wait_indirect_dma semaphore(%arg14 : memref<!tpu.dma_semaphore, #tpu.memory_space<semaphore_mem>>) src(%dma_wait3A_359 : memref<9984x128xf32, #tpu.memory_space<hbm>>) dst(%dma_wait3A_353 : memref<128x128xf32, #tpu.memory_space<vmem>>)
      %jit3A_360 = arith.constant 3 : i32
      %eq3A_361 = arith.constant 0 : i32
      %eq3A_362 = arith.cmpi eq, %jit3A_360, %eq3A_361 : i32
      %jit3A_363 = arith.constant 1 : i32
      %select_n3A_364 = arith.select %eq3A_362, %jit3A_363, %jit3A_360 : i32
      %rem3A_365 = arith.remsi %add3A_306, %select_n3A_364 : i32
      %ne3A_366 = arith.constant 0 : i32
      %ne3A_367 = arith.cmpi ne, %rem3A_365, %ne3A_366 : i32
      %lt3A_368 = arith.constant 0 : i32
      %lt3A_369 = arith.cmpi slt, %rem3A_365, %lt3A_368 : i32
      %lt3A_370 = arith.constant 0 : i32
      %lt3A_371 = arith.cmpi slt, %select_n3A_364, %lt3A_370 : i32
      %ne3A_372 = arith.xori %lt3A_369, %lt3A_371 : i1
      %and3A_373 = arith.andi %ne3A_372, %ne3A_367 : i1
      %add3A_374 = arith.addi %rem3A_365, %select_n3A_364 : i32
      %select_n3A_375 = arith.select %and3A_373, %add3A_374, %rem3A_365 : i32
      %jit3A_376 = arith.constant 3 : i32
      %eq3A_377 = arith.constant 0 : i32
      %eq3A_378 = arith.cmpi eq, %jit3A_376, %eq3A_377 : i32
      %jit3A_379 = arith.constant 1 : i32
      %select_n3A_380 = arith.select %eq3A_378, %jit3A_379, %jit3A_376 : i32
      %rem3A_381 = arith.remsi %add3A_306, %select_n3A_380 : i32
      %ne3A_382 = arith.constant 0 : i32
      %ne3A_383 = arith.cmpi ne, %rem3A_381, %ne3A_382 : i32
      %lt3A_384 = arith.constant 0 : i32
      %lt3A_385 = arith.cmpi slt, %rem3A_381, %lt3A_384 : i32
      %lt3A_386 = arith.constant 0 : i32
      %lt3A_387 = arith.cmpi slt, %select_n3A_380, %lt3A_386 : i32
      %ne3A_388 = arith.xori %lt3A_385, %lt3A_387 : i1
      %and3A_389 = arith.andi %ne3A_388, %ne3A_383 : i1
      %add3A_390 = arith.addi %rem3A_381, %select_n3A_380 : i32
      %select_n3A_391 = arith.select %and3A_389, %add3A_390, %rem3A_381 : i32
      %dma_start3A_392 = arith.constant 0 : i32
      %dma_start3A_393 = arith.constant 0 : i32
      %dma_start3A_394 = tpu.memref_slice %arg8[%select_n3A_375, %dma_start3A_392, %dma_start3A_393] : memref<3x128x128xf32, #tpu.memory_space<vmem>> -> memref<1x128x128xf32, #tpu.memory_space<vmem>>
      %dma_start3A_395 = tpu.memref_squeeze %dma_start3A_394 : memref<1x128x128xf32, #tpu.memory_space<vmem>> -> memref<128x128xf32, #tpu.memory_space<vmem>>
      %dma_start3A_396 = arith.constant 0 : i32
      %dma_start3A_397 = tpu.memref_slice %arg7[%select_n3A_391, %dma_start3A_396] : memref<3x128xi32, #tpu.memory_space<vmem>> -> memref<1x128xi32, #tpu.memory_space<vmem>>
      %dma_start3A_398 = tpu.memref_squeeze %dma_start3A_397 : memref<1x128xi32, #tpu.memory_space<vmem>> -> memref<128xi32, #tpu.memory_space<vmem>>
      %dma_start3A_399 = arith.constant 0 : i32
      %dma_start3A_400 = arith.constant 0 : i32
      %dma_start3A_401 = tpu.memref_slice %arg9[%dma_start3A_399, %dma_start3A_400] : memref<9984x128xf32, #tpu.memory_space<vmem_shared>> -> memref<9984x128xf32, #tpu.memory_space<vmem_shared>>
      tpu.enqueue_indirect_dma source(%dma_start3A_395 : memref<128x128xf32, #tpu.memory_space<vmem>>) target(%dma_start3A_401 : memref<9984x128xf32, #tpu.memory_space<vmem_shared>>) offsets(%dma_start3A_398 : memref<128xi32, #tpu.memory_space<vmem>>) semaphore(%arg15 : memref<!tpu.dma_semaphore, #tpu.memory_space<semaphore_mem>>) {add = true}
      %add3A_402 = arith.constant 2 : i32
      %add3A_403 = arith.addi %add3A_306, %add3A_402 : i32
      %lt3A_404 = arith.cmpi slt, %add3A_403, %select_n3A : i32
      %convert_element_type3A_405 = arith.extui %lt3A_404 : i1 to i32
      %cond3A_406 = arith.constant 0 : i32
      %cond3A_407 = arith.cmpi ne, %convert_element_type3A_405, %cond3A_406 : i32
      scf.if %cond3A_407 {
        %add3A_408 = arith.constant 2 : i32
        %add3A_409 = arith.addi %add3A_306, %add3A_408 : i32
        %add3A_410 = arith.addi %select_n3A_8, %add3A_409 : i32
        %mul3A_411 = arith.constant 128 : i32
        %mul3A_412 = arith.muli %add3A_410, %mul3A_411 : i32
        %jit3A_413 = arith.constant 3 : i32
        %eq3A_414 = arith.constant 0 : i32
        %eq3A_415 = arith.cmpi eq, %jit3A_413, %eq3A_414 : i32
        %jit3A_416 = arith.constant 1 : i32
        %select_n3A_417 = arith.select %eq3A_415, %jit3A_416, %jit3A_413 : i32
        %rem3A_418 = arith.remsi %add3A_409, %select_n3A_417 : i32
        %ne3A_419 = arith.constant 0 : i32
        %ne3A_420 = arith.cmpi ne, %rem3A_418, %ne3A_419 : i32
        %lt3A_421 = arith.constant 0 : i32
        %lt3A_422 = arith.cmpi slt, %rem3A_418, %lt3A_421 : i32
        %lt3A_423 = arith.constant 0 : i32
        %lt3A_424 = arith.cmpi slt, %select_n3A_417, %lt3A_423 : i32
        %ne3A_425 = arith.xori %lt3A_422, %lt3A_424 : i1
        %and3A_426 = arith.andi %ne3A_425, %ne3A_420 : i1
        %add3A_427 = arith.addi %rem3A_418, %select_n3A_417 : i32
        %select_n3A_428 = arith.select %and3A_426, %add3A_427, %rem3A_418 : i32
        %dma_wait3A_429 = arith.constant 0 : i32
        %dma_wait3A_430 = tpu.memref_slice %arg6[%select_n3A_428, %dma_wait3A_429] : memref<3x128xi32, #tpu.memory_space<vmem>> -> memref<1x128xi32, #tpu.memory_space<vmem>>
        %dma_wait3A_431 = tpu.memref_squeeze %dma_wait3A_430 : memref<1x128xi32, #tpu.memory_space<vmem>> -> memref<128xi32, #tpu.memory_space<vmem>>
        %dma_wait3A_432 = tpu.memref_slice %arg3[%mul3A_412] : memref<319488xi32, #tpu.memory_space<hbm>> -> memref<128xi32, #tpu.memory_space<hbm>>
        %dma_wait3A_433 = arith.constant 0 : i32
        %dma_wait3A_434 = tpu.memref_slice %arg6[%select_n3A_428, %dma_wait3A_433] : memref<3x128xi32, #tpu.memory_space<vmem>> -> memref<1x128xi32, #tpu.memory_space<vmem>>
        %dma_wait3A_435 = tpu.memref_squeeze %dma_wait3A_434 : memref<1x128xi32, #tpu.memory_space<vmem>> -> memref<128xi32, #tpu.memory_space<vmem>>
        %dma_wait3A_436 = tpu.memref_slice %arg3[%mul3A_412] : memref<319488xi32, #tpu.memory_space<hbm>> -> memref<128xi32, #tpu.memory_space<hbm>>
        tpu.wait_dma2 semaphore(%arg12 : memref<!tpu.dma_semaphore, #tpu.memory_space<semaphore_mem>>) src(%dma_wait3A_436 : memref<128xi32, #tpu.memory_space<hbm>>) dst(%dma_wait3A_435 : memref<128xi32, #tpu.memory_space<vmem>>)
        %dma_wait3A_437 = arith.constant 0 : i32
        %dma_wait3A_438 = tpu.memref_slice %arg7[%select_n3A_428, %dma_wait3A_437] : memref<3x128xi32, #tpu.memory_space<vmem>> -> memref<1x128xi32, #tpu.memory_space<vmem>>
        %dma_wait3A_439 = tpu.memref_squeeze %dma_wait3A_438 : memref<1x128xi32, #tpu.memory_space<vmem>> -> memref<128xi32, #tpu.memory_space<vmem>>
        %dma_wait3A_440 = tpu.memref_slice %arg4[%mul3A_412] : memref<319488xi32, #tpu.memory_space<hbm>> -> memref<128xi32, #tpu.memory_space<hbm>>
        %dma_wait3A_441 = arith.constant 0 : i32
        %dma_wait3A_442 = tpu.memref_slice %arg7[%select_n3A_428, %dma_wait3A_441] : memref<3x128xi32, #tpu.memory_space<vmem>> -> memref<1x128xi32, #tpu.memory_space<vmem>>
        %dma_wait3A_443 = tpu.memref_squeeze %dma_wait3A_442 : memref<1x128xi32, #tpu.memory_space<vmem>> -> memref<128xi32, #tpu.memory_space<vmem>>
        %dma_wait3A_444 = tpu.memref_slice %arg4[%mul3A_412] : memref<319488xi32, #tpu.memory_space<hbm>> -> memref<128xi32, #tpu.memory_space<hbm>>
        tpu.wait_dma2 semaphore(%arg12 : memref<!tpu.dma_semaphore, #tpu.memory_space<semaphore_mem>>) src(%dma_wait3A_444 : memref<128xi32, #tpu.memory_space<hbm>>) dst(%dma_wait3A_443 : memref<128xi32, #tpu.memory_space<vmem>>)
        %add3A_445 = arith.constant 2 : i32
        %add3A_446 = arith.addi %add3A_306, %add3A_445 : i32
        %jit3A_447 = arith.constant 3 : i32
        %eq3A_448 = arith.constant 0 : i32
        %eq3A_449 = arith.cmpi eq, %jit3A_447, %eq3A_448 : i32
        %jit3A_450 = arith.constant 1 : i32
        %select_n3A_451 = arith.select %eq3A_449, %jit3A_450, %jit3A_447 : i32
        %rem3A_452 = arith.remsi %add3A_446, %select_n3A_451 : i32
        %ne3A_453 = arith.constant 0 : i32
        %ne3A_454 = arith.cmpi ne, %rem3A_452, %ne3A_453 : i32
        %lt3A_455 = arith.constant 0 : i32
        %lt3A_456 = arith.cmpi slt, %rem3A_452, %lt3A_455 : i32
        %lt3A_457 = arith.constant 0 : i32
        %lt3A_458 = arith.cmpi slt, %select_n3A_451, %lt3A_457 : i32
        %ne3A_459 = arith.xori %lt3A_456, %lt3A_458 : i1
        %and3A_460 = arith.andi %ne3A_459, %ne3A_454 : i1
        %add3A_461 = arith.addi %rem3A_452, %select_n3A_451 : i32
        %select_n3A_462 = arith.select %and3A_460, %add3A_461, %rem3A_452 : i32
        %jit3A_463 = arith.constant 3 : i32
        %eq3A_464 = arith.constant 0 : i32
        %eq3A_465 = arith.cmpi eq, %jit3A_463, %eq3A_464 : i32
        %jit3A_466 = arith.constant 1 : i32
        %select_n3A_467 = arith.select %eq3A_465, %jit3A_466, %jit3A_463 : i32
        %rem3A_468 = arith.remsi %add3A_446, %select_n3A_467 : i32
        %ne3A_469 = arith.constant 0 : i32
        %ne3A_470 = arith.cmpi ne, %rem3A_468, %ne3A_469 : i32
        %lt3A_471 = arith.constant 0 : i32
        %lt3A_472 = arith.cmpi slt, %rem3A_468, %lt3A_471 : i32
        %lt3A_473 = arith.constant 0 : i32
        %lt3A_474 = arith.cmpi slt, %select_n3A_467, %lt3A_473 : i32
        %ne3A_475 = arith.xori %lt3A_472, %lt3A_474 : i1
        %and3A_476 = arith.andi %ne3A_475, %ne3A_470 : i1
        %add3A_477 = arith.addi %rem3A_468, %select_n3A_467 : i32
        %select_n3A_478 = arith.select %and3A_476, %add3A_477, %rem3A_468 : i32
        %dma_start3A_479 = arith.constant 0 : i32
        %dma_start3A_480 = arith.constant 0 : i32
        %dma_start3A_481 = tpu.memref_slice %arg8[%select_n3A_478, %dma_start3A_479, %dma_start3A_480] : memref<3x128x128xf32, #tpu.memory_space<vmem>> -> memref<1x128x128xf32, #tpu.memory_space<vmem>>
        %dma_start3A_482 = tpu.memref_squeeze %dma_start3A_481 : memref<1x128x128xf32, #tpu.memory_space<vmem>> -> memref<128x128xf32, #tpu.memory_space<vmem>>
        %dma_start3A_483 = arith.constant 0 : i32
        %dma_start3A_484 = tpu.memref_slice %arg6[%select_n3A_462, %dma_start3A_483] : memref<3x128xi32, #tpu.memory_space<vmem>> -> memref<1x128xi32, #tpu.memory_space<vmem>>
        %dma_start3A_485 = tpu.memref_squeeze %dma_start3A_484 : memref<1x128xi32, #tpu.memory_space<vmem>> -> memref<128xi32, #tpu.memory_space<vmem>>
        %dma_start3A_486 = arith.constant 0 : i32
        %dma_start3A_487 = arith.constant 0 : i32
        %dma_start3A_488 = tpu.memref_slice %arg2[%dma_start3A_486, %dma_start3A_487] : memref<9984x128xf32, #tpu.memory_space<hbm>> -> memref<9984x128xf32, #tpu.memory_space<hbm>>
        tpu.enqueue_indirect_dma source(%dma_start3A_488 : memref<9984x128xf32, #tpu.memory_space<hbm>>) target(%dma_start3A_482 : memref<128x128xf32, #tpu.memory_space<vmem>>) offsets(%dma_start3A_485 : memref<128xi32, #tpu.memory_space<vmem>>) semaphore(%arg14 : memref<!tpu.dma_semaphore, #tpu.memory_space<semaphore_mem>>)
      } else {
      }
    }
    %while3A_192 = arith.constant 1 : i32
    scf.for %while3A_198 = %while3A_190 to %while3A_186 step %while3A_192  : i32 {
      %mul3A_199 = arith.constant 2 : i32
      %mul3A_200 = arith.muli %mul3A_199, %while3A_198 : i32
      %add3A_201 = arith.constant 0 : i32
      %add3A_202 = arith.addi %mul3A_200, %add3A_201 : i32
      %gt3A_203 = arith.constant 0 : i32
      %gt3A_204 = arith.cmpi sgt, %add3A_202, %gt3A_203 : i32
      %convert_element_type3A_205 = arith.extui %gt3A_204 : i1 to i32
      %cond3A_206 = arith.constant 0 : i32
      %cond3A_207 = arith.cmpi ne, %convert_element_type3A_205, %cond3A_206 : i32
      scf.if %cond3A_207 {
        %sub3A_408 = arith.constant 1 : i32
        %sub3A_409 = arith.subi %add3A_202, %sub3A_408 : i32
        %jit3A_410 = arith.constant 3 : i32
        %eq3A_411 = arith.constant 0 : i32
        %eq3A_412 = arith.cmpi eq, %jit3A_410, %eq3A_411 : i32
        %jit3A_413 = arith.constant 1 : i32
        %select_n3A_414 = arith.select %eq3A_412, %jit3A_413, %jit3A_410 : i32
        %rem3A_415 = arith.remsi %sub3A_409, %select_n3A_414 : i32
        %ne3A_416 = arith.constant 0 : i32
        %ne3A_417 = arith.cmpi ne, %rem3A_415, %ne3A_416 : i32
        %lt3A_418 = arith.constant 0 : i32
        %lt3A_419 = arith.cmpi slt, %rem3A_415, %lt3A_418 : i32
        %lt3A_420 = arith.constant 0 : i32
        %lt3A_421 = arith.cmpi slt, %select_n3A_414, %lt3A_420 : i32
        %ne3A_422 = arith.xori %lt3A_419, %lt3A_421 : i1
        %and3A_423 = arith.andi %ne3A_422, %ne3A_417 : i1
        %add3A_424 = arith.addi %rem3A_415, %select_n3A_414 : i32
        %select_n3A_425 = arith.select %and3A_423, %add3A_424, %rem3A_415 : i32
        %jit3A_426 = arith.constant 3 : i32
        %eq3A_427 = arith.constant 0 : i32
        %eq3A_428 = arith.cmpi eq, %jit3A_426, %eq3A_427 : i32
        %jit3A_429 = arith.constant 1 : i32
        %select_n3A_430 = arith.select %eq3A_428, %jit3A_429, %jit3A_426 : i32
        %rem3A_431 = arith.remsi %sub3A_409, %select_n3A_430 : i32
        %ne3A_432 = arith.constant 0 : i32
        %ne3A_433 = arith.cmpi ne, %rem3A_431, %ne3A_432 : i32
        %lt3A_434 = arith.constant 0 : i32
        %lt3A_435 = arith.cmpi slt, %rem3A_431, %lt3A_434 : i32
        %lt3A_436 = arith.constant 0 : i32
        %lt3A_437 = arith.cmpi slt, %select_n3A_430, %lt3A_436 : i32
        %ne3A_438 = arith.xori %lt3A_435, %lt3A_437 : i1
        %and3A_439 = arith.andi %ne3A_438, %ne3A_433 : i1
        %add3A_440 = arith.addi %rem3A_431, %select_n3A_430 : i32
        %select_n3A_441 = arith.select %and3A_439, %add3A_440, %rem3A_431 : i32
        %dma_wait3A_442 = arith.constant 0 : i32
        %dma_wait3A_443 = arith.constant 0 : i32
        %dma_wait3A_444 = tpu.memref_slice %arg8[%select_n3A_425, %dma_wait3A_442, %dma_wait3A_443] : memref<3x128x128xf32, #tpu.memory_space<vmem>> -> memref<1x128x128xf32, #tpu.memory_space<vmem>>
        %dma_wait3A_445 = tpu.memref_squeeze %dma_wait3A_444 : memref<1x128x128xf32, #tpu.memory_space<vmem>> -> memref<128x128xf32, #tpu.memory_space<vmem>>
        %dma_wait3A_446 = arith.constant 0 : i32
        %dma_wait3A_447 = tpu.memref_slice %arg7[%select_n3A_441, %dma_wait3A_446] : memref<3x128xi32, #tpu.memory_space<vmem>> -> memref<1x128xi32, #tpu.memory_space<vmem>>
        %dma_wait3A_448 = tpu.memref_squeeze %dma_wait3A_447 : memref<1x128xi32, #tpu.memory_space<vmem>> -> memref<128xi32, #tpu.memory_space<vmem>>
        %dma_wait3A_449 = arith.constant 0 : i32
        %dma_wait3A_450 = arith.constant 0 : i32
        %dma_wait3A_451 = tpu.memref_slice %arg9[%dma_wait3A_449, %dma_wait3A_450] : memref<9984x128xf32, #tpu.memory_space<vmem_shared>> -> memref<9984x128xf32, #tpu.memory_space<vmem_shared>>
        tpu.wait_indirect_dma semaphore(%arg15 : memref<!tpu.dma_semaphore, #tpu.memory_space<semaphore_mem>>) src(%dma_wait3A_445 : memref<128x128xf32, #tpu.memory_space<vmem>>) dst(%dma_wait3A_451 : memref<9984x128xf32, #tpu.memory_space<vmem_shared>>)
      } else {
      }
      %add3A_208 = arith.constant 2 : i32
      %add3A_209 = arith.addi %add3A_202, %add3A_208 : i32
      %lt3A = arith.cmpi slt, %add3A_209, %select_n3A : i32
      %convert_element_type3A_210 = arith.extui %lt3A : i1 to i32
      %cond3A_211 = arith.constant 0 : i32
      %cond3A_212 = arith.cmpi ne, %convert_element_type3A_210, %cond3A_211 : i32
      scf.if %cond3A_212 {
        %add3A_408 = arith.constant 2 : i32
        %add3A_409 = arith.addi %add3A_202, %add3A_408 : i32
        %add3A_410 = arith.addi %select_n3A_8, %add3A_409 : i32
        %mul3A_411 = arith.constant 128 : i32
        %mul3A_412 = arith.muli %add3A_410, %mul3A_411 : i32
        %jit3A_413 = arith.constant 3 : i32
        %eq3A_414 = arith.constant 0 : i32
        %eq3A_415 = arith.cmpi eq, %jit3A_413, %eq3A_414 : i32
        %jit3A_416 = arith.constant 1 : i32
        %select_n3A_417 = arith.select %eq3A_415, %jit3A_416, %jit3A_413 : i32
        %rem3A_418 = arith.remsi %add3A_409, %select_n3A_417 : i32
        %ne3A_419 = arith.constant 0 : i32
        %ne3A_420 = arith.cmpi ne, %rem3A_418, %ne3A_419 : i32
        %lt3A_421 = arith.constant 0 : i32
        %lt3A_422 = arith.cmpi slt, %rem3A_418, %lt3A_421 : i32
        %lt3A_423 = arith.constant 0 : i32
        %lt3A_424 = arith.cmpi slt, %select_n3A_417, %lt3A_423 : i32
        %ne3A_425 = arith.xori %lt3A_422, %lt3A_424 : i1
        %and3A_426 = arith.andi %ne3A_425, %ne3A_420 : i1
        %add3A_427 = arith.addi %rem3A_418, %select_n3A_417 : i32
        %select_n3A_428 = arith.select %and3A_426, %add3A_427, %rem3A_418 : i32
        %dma_start3A_429 = arith.constant 0 : i32
        %dma_start3A_430 = tpu.memref_slice %arg6[%select_n3A_428, %dma_start3A_429] : memref<3x128xi32, #tpu.memory_space<vmem>> -> memref<1x128xi32, #tpu.memory_space<vmem>>
        %dma_start3A_431 = tpu.memref_squeeze %dma_start3A_430 : memref<1x128xi32, #tpu.memory_space<vmem>> -> memref<128xi32, #tpu.memory_space<vmem>>
        %dma_start3A_432 = tpu.memref_slice %arg3[%mul3A_412] : memref<319488xi32, #tpu.memory_space<hbm>> -> memref<128xi32, #tpu.memory_space<hbm>>
        %dma_start3A_433 = arith.constant 0 : i32
        %dma_start3A_434 = tpu.memref_slice %arg6[%select_n3A_428, %dma_start3A_433] : memref<3x128xi32, #tpu.memory_space<vmem>> -> memref<1x128xi32, #tpu.memory_space<vmem>>
        %dma_start3A_435 = tpu.memref_squeeze %dma_start3A_434 : memref<1x128xi32, #tpu.memory_space<vmem>> -> memref<128xi32, #tpu.memory_space<vmem>>
        %dma_start3A_436 = tpu.memref_slice %arg3[%mul3A_412] : memref<319488xi32, #tpu.memory_space<hbm>> -> memref<128xi32, #tpu.memory_space<hbm>>
        tpu.enqueue_dma source(%dma_start3A_436 : memref<128xi32, #tpu.memory_space<hbm>>) target(%dma_start3A_435 : memref<128xi32, #tpu.memory_space<vmem>>) target_semaphore(%arg11 : memref<!tpu.dma_semaphore, #tpu.memory_space<semaphore_mem>>)
        %dma_start3A_437 = arith.constant 0 : i32
        %dma_start3A_438 = tpu.memref_slice %arg7[%select_n3A_428, %dma_start3A_437] : memref<3x128xi32, #tpu.memory_space<vmem>> -> memref<1x128xi32, #tpu.memory_space<vmem>>
        %dma_start3A_439 = tpu.memref_squeeze %dma_start3A_438 : memref<1x128xi32, #tpu.memory_space<vmem>> -> memref<128xi32, #tpu.memory_space<vmem>>
        %dma_start3A_440 = tpu.memref_slice %arg4[%mul3A_412] : memref<319488xi32, #tpu.memory_space<hbm>> -> memref<128xi32, #tpu.memory_space<hbm>>
        %dma_start3A_441 = arith.constant 0 : i32
        %dma_start3A_442 = tpu.memref_slice %arg7[%select_n3A_428, %dma_start3A_441] : memref<3x128xi32, #tpu.memory_space<vmem>> -> memref<1x128xi32, #tpu.memory_space<vmem>>
        %dma_start3A_443 = tpu.memref_squeeze %dma_start3A_442 : memref<1x128xi32, #tpu.memory_space<vmem>> -> memref<128xi32, #tpu.memory_space<vmem>>
        %dma_start3A_444 = tpu.memref_slice %arg4[%mul3A_412] : memref<319488xi32, #tpu.memory_space<hbm>> -> memref<128xi32, #tpu.memory_space<hbm>>
        tpu.enqueue_dma source(%dma_start3A_444 : memref<128xi32, #tpu.memory_space<hbm>>) target(%dma_start3A_443 : memref<128xi32, #tpu.memory_space<vmem>>) target_semaphore(%arg11 : memref<!tpu.dma_semaphore, #tpu.memory_space<semaphore_mem>>)
      } else {
      }
      %jit3A_213 = arith.constant 3 : i32
      %eq3A_214 = arith.constant 0 : i32
      %eq3A_215 = arith.cmpi eq, %jit3A_213, %eq3A_214 : i32
      %jit3A_216 = arith.constant 1 : i32
      %select_n3A_217 = arith.select %eq3A_215, %jit3A_216, %jit3A_213 : i32
      %rem3A_218 = arith.remsi %add3A_202, %select_n3A_217 : i32
      %ne3A_219 = arith.constant 0 : i32
      %ne3A_220 = arith.cmpi ne, %rem3A_218, %ne3A_219 : i32
      %lt3A_221 = arith.constant 0 : i32
      %lt3A_222 = arith.cmpi slt, %rem3A_218, %lt3A_221 : i32
      %lt3A_223 = arith.constant 0 : i32
      %lt3A_224 = arith.cmpi slt, %select_n3A_217, %lt3A_223 : i32
      %ne3A_225 = arith.xori %lt3A_222, %lt3A_224 : i1
      %and3A_226 = arith.andi %ne3A_225, %ne3A_220 : i1
      %add3A_227 = arith.addi %rem3A_218, %select_n3A_217 : i32
      %select_n3A_228 = arith.select %and3A_226, %add3A_227, %rem3A_218 : i32
      %jit3A_229 = arith.constant 3 : i32
      %eq3A_230 = arith.constant 0 : i32
      %eq3A_231 = arith.cmpi eq, %jit3A_229, %eq3A_230 : i32
      %jit3A_232 = arith.constant 1 : i32
      %select_n3A_233 = arith.select %eq3A_231, %jit3A_232, %jit3A_229 : i32
      %rem3A_234 = arith.remsi %add3A_202, %select_n3A_233 : i32
      %ne3A_235 = arith.constant 0 : i32
      %ne3A_236 = arith.cmpi ne, %rem3A_234, %ne3A_235 : i32
      %lt3A_237 = arith.constant 0 : i32
      %lt3A_238 = arith.cmpi slt, %rem3A_234, %lt3A_237 : i32
      %lt3A_239 = arith.constant 0 : i32
      %lt3A_240 = arith.cmpi slt, %select_n3A_233, %lt3A_239 : i32
      %ne3A_241 = arith.xori %lt3A_238, %lt3A_240 : i1
      %and3A_242 = arith.andi %ne3A_241, %ne3A_236 : i1
      %add3A_243 = arith.addi %rem3A_234, %select_n3A_233 : i32
      %select_n3A_244 = arith.select %and3A_242, %add3A_243, %rem3A_234 : i32
      %dma_wait3A_245 = arith.constant 0 : i32
      %dma_wait3A_246 = arith.constant 0 : i32
      %dma_wait3A_247 = tpu.memref_slice %arg8[%select_n3A_244, %dma_wait3A_245, %dma_wait3A_246] : memref<3x128x128xf32, #tpu.memory_space<vmem>> -> memref<1x128x128xf32, #tpu.memory_space<vmem>>
      %dma_wait3A_248 = tpu.memref_squeeze %dma_wait3A_247 : memref<1x128x128xf32, #tpu.memory_space<vmem>> -> memref<128x128xf32, #tpu.memory_space<vmem>>
      %dma_wait3A_249 = arith.constant 0 : i32
      %dma_wait3A_250 = tpu.memref_slice %arg6[%select_n3A_228, %dma_wait3A_249] : memref<3x128xi32, #tpu.memory_space<vmem>> -> memref<1x128xi32, #tpu.memory_space<vmem>>
      %dma_wait3A_251 = tpu.memref_squeeze %dma_wait3A_250 : memref<1x128xi32, #tpu.memory_space<vmem>> -> memref<128xi32, #tpu.memory_space<vmem>>
      %dma_wait3A_252 = arith.constant 0 : i32
      %dma_wait3A_253 = arith.constant 0 : i32
      %dma_wait3A_254 = tpu.memref_slice %arg2[%dma_wait3A_252, %dma_wait3A_253] : memref<9984x128xf32, #tpu.memory_space<hbm>> -> memref<9984x128xf32, #tpu.memory_space<hbm>>
      tpu.wait_indirect_dma semaphore(%arg13 : memref<!tpu.dma_semaphore, #tpu.memory_space<semaphore_mem>>) src(%dma_wait3A_254 : memref<9984x128xf32, #tpu.memory_space<hbm>>) dst(%dma_wait3A_248 : memref<128x128xf32, #tpu.memory_space<vmem>>)
      %jit3A_255 = arith.constant 3 : i32
      %eq3A_256 = arith.constant 0 : i32
      %eq3A_257 = arith.cmpi eq, %jit3A_255, %eq3A_256 : i32
      %jit3A_258 = arith.constant 1 : i32
      %select_n3A_259 = arith.select %eq3A_257, %jit3A_258, %jit3A_255 : i32
      %rem3A_260 = arith.remsi %add3A_202, %select_n3A_259 : i32
      %ne3A_261 = arith.constant 0 : i32
      %ne3A_262 = arith.cmpi ne, %rem3A_260, %ne3A_261 : i32
      %lt3A_263 = arith.constant 0 : i32
      %lt3A_264 = arith.cmpi slt, %rem3A_260, %lt3A_263 : i32
      %lt3A_265 = arith.constant 0 : i32
      %lt3A_266 = arith.cmpi slt, %select_n3A_259, %lt3A_265 : i32
      %ne3A_267 = arith.xori %lt3A_264, %lt3A_266 : i1
      %and3A_268 = arith.andi %ne3A_267, %ne3A_262 : i1
      %add3A_269 = arith.addi %rem3A_260, %select_n3A_259 : i32
      %select_n3A_270 = arith.select %and3A_268, %add3A_269, %rem3A_260 : i32
      %jit3A_271 = arith.constant 3 : i32
      %eq3A_272 = arith.constant 0 : i32
      %eq3A_273 = arith.cmpi eq, %jit3A_271, %eq3A_272 : i32
      %jit3A_274 = arith.constant 1 : i32
      %select_n3A_275 = arith.select %eq3A_273, %jit3A_274, %jit3A_271 : i32
      %rem3A_276 = arith.remsi %add3A_202, %select_n3A_275 : i32
      %ne3A_277 = arith.constant 0 : i32
      %ne3A_278 = arith.cmpi ne, %rem3A_276, %ne3A_277 : i32
      %lt3A_279 = arith.constant 0 : i32
      %lt3A_280 = arith.cmpi slt, %rem3A_276, %lt3A_279 : i32
      %lt3A_281 = arith.constant 0 : i32
      %lt3A_282 = arith.cmpi slt, %select_n3A_275, %lt3A_281 : i32
      %ne3A_283 = arith.xori %lt3A_280, %lt3A_282 : i1
      %and3A_284 = arith.andi %ne3A_283, %ne3A_278 : i1
      %add3A_285 = arith.addi %rem3A_276, %select_n3A_275 : i32
      %select_n3A_286 = arith.select %and3A_284, %add3A_285, %rem3A_276 : i32
      %dma_start3A_287 = arith.constant 0 : i32
      %dma_start3A_288 = arith.constant 0 : i32
      %dma_start3A_289 = tpu.memref_slice %arg8[%select_n3A_270, %dma_start3A_287, %dma_start3A_288] : memref<3x128x128xf32, #tpu.memory_space<vmem>> -> memref<1x128x128xf32, #tpu.memory_space<vmem>>
      %dma_start3A_290 = tpu.memref_squeeze %dma_start3A_289 : memref<1x128x128xf32, #tpu.memory_space<vmem>> -> memref<128x128xf32, #tpu.memory_space<vmem>>
      %dma_start3A_291 = arith.constant 0 : i32
      %dma_start3A_292 = tpu.memref_slice %arg7[%select_n3A_286, %dma_start3A_291] : memref<3x128xi32, #tpu.memory_space<vmem>> -> memref<1x128xi32, #tpu.memory_space<vmem>>
      %dma_start3A_293 = tpu.memref_squeeze %dma_start3A_292 : memref<1x128xi32, #tpu.memory_space<vmem>> -> memref<128xi32, #tpu.memory_space<vmem>>
      %dma_start3A_294 = arith.constant 0 : i32
      %dma_start3A_295 = arith.constant 0 : i32
      %dma_start3A_296 = tpu.memref_slice %arg9[%dma_start3A_294, %dma_start3A_295] : memref<9984x128xf32, #tpu.memory_space<vmem_shared>> -> memref<9984x128xf32, #tpu.memory_space<vmem_shared>>
      tpu.enqueue_indirect_dma source(%dma_start3A_290 : memref<128x128xf32, #tpu.memory_space<vmem>>) target(%dma_start3A_296 : memref<9984x128xf32, #tpu.memory_space<vmem_shared>>) offsets(%dma_start3A_293 : memref<128xi32, #tpu.memory_space<vmem>>) semaphore(%arg15 : memref<!tpu.dma_semaphore, #tpu.memory_space<semaphore_mem>>) {add = true}
      %add3A_297 = arith.constant 2 : i32
      %add3A_298 = arith.addi %add3A_202, %add3A_297 : i32
      %lt3A_299 = arith.cmpi slt, %add3A_298, %select_n3A : i32
      %convert_element_type3A_300 = arith.extui %lt3A_299 : i1 to i32
      %cond3A_301 = arith.constant 0 : i32
      %cond3A_302 = arith.cmpi ne, %convert_element_type3A_300, %cond3A_301 : i32
      scf.if %cond3A_302 {
        %add3A_408 = arith.constant 2 : i32
        %add3A_409 = arith.addi %add3A_202, %add3A_408 : i32
        %add3A_410 = arith.addi %select_n3A_8, %add3A_409 : i32
        %mul3A_411 = arith.constant 128 : i32
        %mul3A_412 = arith.muli %add3A_410, %mul3A_411 : i32
        %jit3A_413 = arith.constant 3 : i32
        %eq3A_414 = arith.constant 0 : i32
        %eq3A_415 = arith.cmpi eq, %jit3A_413, %eq3A_414 : i32
        %jit3A_416 = arith.constant 1 : i32
        %select_n3A_417 = arith.select %eq3A_415, %jit3A_416, %jit3A_413 : i32
        %rem3A_418 = arith.remsi %add3A_409, %select_n3A_417 : i32
        %ne3A_419 = arith.constant 0 : i32
        %ne3A_420 = arith.cmpi ne, %rem3A_418, %ne3A_419 : i32
        %lt3A_421 = arith.constant 0 : i32
        %lt3A_422 = arith.cmpi slt, %rem3A_418, %lt3A_421 : i32
        %lt3A_423 = arith.constant 0 : i32
        %lt3A_424 = arith.cmpi slt, %select_n3A_417, %lt3A_423 : i32
        %ne3A_425 = arith.xori %lt3A_422, %lt3A_424 : i1
        %and3A_426 = arith.andi %ne3A_425, %ne3A_420 : i1
        %add3A_427 = arith.addi %rem3A_418, %select_n3A_417 : i32
        %select_n3A_428 = arith.select %and3A_426, %add3A_427, %rem3A_418 : i32
        %dma_wait3A_429 = arith.constant 0 : i32
        %dma_wait3A_430 = tpu.memref_slice %arg6[%select_n3A_428, %dma_wait3A_429] : memref<3x128xi32, #tpu.memory_space<vmem>> -> memref<1x128xi32, #tpu.memory_space<vmem>>
        %dma_wait3A_431 = tpu.memref_squeeze %dma_wait3A_430 : memref<1x128xi32, #tpu.memory_space<vmem>> -> memref<128xi32, #tpu.memory_space<vmem>>
        %dma_wait3A_432 = tpu.memref_slice %arg3[%mul3A_412] : memref<319488xi32, #tpu.memory_space<hbm>> -> memref<128xi32, #tpu.memory_space<hbm>>
        %dma_wait3A_433 = arith.constant 0 : i32
        %dma_wait3A_434 = tpu.memref_slice %arg6[%select_n3A_428, %dma_wait3A_433] : memref<3x128xi32, #tpu.memory_space<vmem>> -> memref<1x128xi32, #tpu.memory_space<vmem>>
        %dma_wait3A_435 = tpu.memref_squeeze %dma_wait3A_434 : memref<1x128xi32, #tpu.memory_space<vmem>> -> memref<128xi32, #tpu.memory_space<vmem>>
        %dma_wait3A_436 = tpu.memref_slice %arg3[%mul3A_412] : memref<319488xi32, #tpu.memory_space<hbm>> -> memref<128xi32, #tpu.memory_space<hbm>>
        tpu.wait_dma2 semaphore(%arg11 : memref<!tpu.dma_semaphore, #tpu.memory_space<semaphore_mem>>) src(%dma_wait3A_436 : memref<128xi32, #tpu.memory_space<hbm>>) dst(%dma_wait3A_435 : memref<128xi32, #tpu.memory_space<vmem>>)
        %dma_wait3A_437 = arith.constant 0 : i32
        %dma_wait3A_438 = tpu.memref_slice %arg7[%select_n3A_428, %dma_wait3A_437] : memref<3x128xi32, #tpu.memory_space<vmem>> -> memref<1x128xi32, #tpu.memory_space<vmem>>
        %dma_wait3A_439 = tpu.memref_squeeze %dma_wait3A_438 : memref<1x128xi32, #tpu.memory_space<vmem>> -> memref<128xi32, #tpu.memory_space<vmem>>
        %dma_wait3A_440 = tpu.memref_slice %arg4[%mul3A_412] : memref<319488xi32, #tpu.memory_space<hbm>> -> memref<128xi32, #tpu.memory_space<hbm>>
        %dma_wait3A_441 = arith.constant 0 : i32
        %dma_wait3A_442 = tpu.memref_slice %arg7[%select_n3A_428, %dma_wait3A_441] : memref<3x128xi32, #tpu.memory_space<vmem>> -> memref<1x128xi32, #tpu.memory_space<vmem>>
        %dma_wait3A_443 = tpu.memref_squeeze %dma_wait3A_442 : memref<1x128xi32, #tpu.memory_space<vmem>> -> memref<128xi32, #tpu.memory_space<vmem>>
        %dma_wait3A_444 = tpu.memref_slice %arg4[%mul3A_412] : memref<319488xi32, #tpu.memory_space<hbm>> -> memref<128xi32, #tpu.memory_space<hbm>>
        tpu.wait_dma2 semaphore(%arg11 : memref<!tpu.dma_semaphore, #tpu.memory_space<semaphore_mem>>) src(%dma_wait3A_444 : memref<128xi32, #tpu.memory_space<hbm>>) dst(%dma_wait3A_443 : memref<128xi32, #tpu.memory_space<vmem>>)
        %add3A_445 = arith.constant 2 : i32
        %add3A_446 = arith.addi %add3A_202, %add3A_445 : i32
        %jit3A_447 = arith.constant 3 : i32
        %eq3A_448 = arith.constant 0 : i32
        %eq3A_449 = arith.cmpi eq, %jit3A_447, %eq3A_448 : i32
        %jit3A_450 = arith.constant 1 : i32
        %select_n3A_451 = arith.select %eq3A_449, %jit3A_450, %jit3A_447 : i32
        %rem3A_452 = arith.remsi %add3A_446, %select_n3A_451 : i32
        %ne3A_453 = arith.constant 0 : i32
        %ne3A_454 = arith.cmpi ne, %rem3A_452, %ne3A_453 : i32
        %lt3A_455 = arith.constant 0 : i32
        %lt3A_456 = arith.cmpi slt, %rem3A_452, %lt3A_455 : i32
        %lt3A_457 = arith.constant 0 : i32
        %lt3A_458 = arith.cmpi slt, %select_n3A_451, %lt3A_457 : i32
        %ne3A_459 = arith.xori %lt3A_456, %lt3A_458 : i1
        %and3A_460 = arith.andi %ne3A_459, %ne3A_454 : i1
        %add3A_461 = arith.addi %rem3A_452, %select_n3A_451 : i32
        %select_n3A_462 = arith.select %and3A_460, %add3A_461, %rem3A_452 : i32
        %jit3A_463 = arith.constant 3 : i32
        %eq3A_464 = arith.constant 0 : i32
        %eq3A_465 = arith.cmpi eq, %jit3A_463, %eq3A_464 : i32
        %jit3A_466 = arith.constant 1 : i32
        %select_n3A_467 = arith.select %eq3A_465, %jit3A_466, %jit3A_463 : i32
        %rem3A_468 = arith.remsi %add3A_446, %select_n3A_467 : i32
        %ne3A_469 = arith.constant 0 : i32
        %ne3A_470 = arith.cmpi ne, %rem3A_468, %ne3A_469 : i32
        %lt3A_471 = arith.constant 0 : i32
        %lt3A_472 = arith.cmpi slt, %rem3A_468, %lt3A_471 : i32
        %lt3A_473 = arith.constant 0 : i32
        %lt3A_474 = arith.cmpi slt, %select_n3A_467, %lt3A_473 : i32
        %ne3A_475 = arith.xori %lt3A_472, %lt3A_474 : i1
        %and3A_476 = arith.andi %ne3A_475, %ne3A_470 : i1
        %add3A_477 = arith.addi %rem3A_468, %select_n3A_467 : i32
        %select_n3A_478 = arith.select %and3A_476, %add3A_477, %rem3A_468 : i32
        %dma_start3A_479 = arith.constant 0 : i32
        %dma_start3A_480 = arith.constant 0 : i32
        %dma_start3A_481 = tpu.memref_slice %arg8[%select_n3A_478, %dma_start3A_479, %dma_start3A_480] : memref<3x128x128xf32, #tpu.memory_space<vmem>> -> memref<1x128x128xf32, #tpu.memory_space<vmem>>
        %dma_start3A_482 = tpu.memref_squeeze %dma_start3A_481 : memref<1x128x128xf32, #tpu.memory_space<vmem>> -> memref<128x128xf32, #tpu.memory_space<vmem>>
        %dma_start3A_483 = arith.constant 0 : i32
        %dma_start3A_484 = tpu.memref_slice %arg6[%select_n3A_462, %dma_start3A_483] : memref<3x128xi32, #tpu.memory_space<vmem>> -> memref<1x128xi32, #tpu.memory_space<vmem>>
        %dma_start3A_485 = tpu.memref_squeeze %dma_start3A_484 : memref<1x128xi32, #tpu.memory_space<vmem>> -> memref<128xi32, #tpu.memory_space<vmem>>
        %dma_start3A_486 = arith.constant 0 : i32
        %dma_start3A_487 = arith.constant 0 : i32
        %dma_start3A_488 = tpu.memref_slice %arg2[%dma_start3A_486, %dma_start3A_487] : memref<9984x128xf32, #tpu.memory_space<hbm>> -> memref<9984x128xf32, #tpu.memory_space<hbm>>
        tpu.enqueue_indirect_dma source(%dma_start3A_488 : memref<9984x128xf32, #tpu.memory_space<hbm>>) target(%dma_start3A_482 : memref<128x128xf32, #tpu.memory_space<vmem>>) offsets(%dma_start3A_485 : memref<128xi32, #tpu.memory_space<vmem>>) semaphore(%arg13 : memref<!tpu.dma_semaphore, #tpu.memory_space<semaphore_mem>>)
      } else {
      }
      %mul3A_303 = arith.constant 2 : i32
      %mul3A_304 = arith.muli %mul3A_303, %while3A_198 : i32
      %add3A_305 = arith.constant 1 : i32
      %add3A_306 = arith.addi %mul3A_304, %add3A_305 : i32
      %gt3A_307 = arith.constant 0 : i32
      %gt3A_308 = arith.cmpi sgt, %add3A_306, %gt3A_307 : i32
      %convert_element_type3A_309 = arith.extui %gt3A_308 : i1 to i32
      %cond3A_310 = arith.constant 0 : i32
      %cond3A_311 = arith.cmpi ne, %convert_element_type3A_309, %cond3A_310 : i32
      scf.if %cond3A_311 {
        %sub3A_408 = arith.constant 1 : i32
        %sub3A_409 = arith.subi %add3A_306, %sub3A_408 : i32
        %jit3A_410 = arith.constant 3 : i32
        %eq3A_411 = arith.constant 0 : i32
        %eq3A_412 = arith.cmpi eq, %jit3A_410, %eq3A_411 : i32
        %jit3A_413 = arith.constant 1 : i32
        %select_n3A_414 = arith.select %eq3A_412, %jit3A_413, %jit3A_410 : i32
        %rem3A_415 = arith.remsi %sub3A_409, %select_n3A_414 : i32
        %ne3A_416 = arith.constant 0 : i32
        %ne3A_417 = arith.cmpi ne, %rem3A_415, %ne3A_416 : i32
        %lt3A_418 = arith.constant 0 : i32
        %lt3A_419 = arith.cmpi slt, %rem3A_415, %lt3A_418 : i32
        %lt3A_420 = arith.constant 0 : i32
        %lt3A_421 = arith.cmpi slt, %select_n3A_414, %lt3A_420 : i32
        %ne3A_422 = arith.xori %lt3A_419, %lt3A_421 : i1
        %and3A_423 = arith.andi %ne3A_422, %ne3A_417 : i1
        %add3A_424 = arith.addi %rem3A_415, %select_n3A_414 : i32
        %select_n3A_425 = arith.select %and3A_423, %add3A_424, %rem3A_415 : i32
        %jit3A_426 = arith.constant 3 : i32
        %eq3A_427 = arith.constant 0 : i32
        %eq3A_428 = arith.cmpi eq, %jit3A_426, %eq3A_427 : i32
        %jit3A_429 = arith.constant 1 : i32
        %select_n3A_430 = arith.select %eq3A_428, %jit3A_429, %jit3A_426 : i32
        %rem3A_431 = arith.remsi %sub3A_409, %select_n3A_430 : i32
        %ne3A_432 = arith.constant 0 : i32
        %ne3A_433 = arith.cmpi ne, %rem3A_431, %ne3A_432 : i32
        %lt3A_434 = arith.constant 0 : i32
        %lt3A_435 = arith.cmpi slt, %rem3A_431, %lt3A_434 : i32
        %lt3A_436 = arith.constant 0 : i32
        %lt3A_437 = arith.cmpi slt, %select_n3A_430, %lt3A_436 : i32
        %ne3A_438 = arith.xori %lt3A_435, %lt3A_437 : i1
        %and3A_439 = arith.andi %ne3A_438, %ne3A_433 : i1
        %add3A_440 = arith.addi %rem3A_431, %select_n3A_430 : i32
        %select_n3A_441 = arith.select %and3A_439, %add3A_440, %rem3A_431 : i32
        %dma_wait3A_442 = arith.constant 0 : i32
        %dma_wait3A_443 = arith.constant 0 : i32
        %dma_wait3A_444 = tpu.memref_slice %arg8[%select_n3A_425, %dma_wait3A_442, %dma_wait3A_443] : memref<3x128x128xf32, #tpu.memory_space<vmem>> -> memref<1x128x128xf32, #tpu.memory_space<vmem>>
        %dma_wait3A_445 = tpu.memref_squeeze %dma_wait3A_444 : memref<1x128x128xf32, #tpu.memory_space<vmem>> -> memref<128x128xf32, #tpu.memory_space<vmem>>
        %dma_wait3A_446 = arith.constant 0 : i32
        %dma_wait3A_447 = tpu.memref_slice %arg7[%select_n3A_441, %dma_wait3A_446] : memref<3x128xi32, #tpu.memory_space<vmem>> -> memref<1x128xi32, #tpu.memory_space<vmem>>
        %dma_wait3A_448 = tpu.memref_squeeze %dma_wait3A_447 : memref<1x128xi32, #tpu.memory_space<vmem>> -> memref<128xi32, #tpu.memory_space<vmem>>
        %dma_wait3A_449 = arith.constant 0 : i32
        %dma_wait3A_450 = arith.constant 0 : i32
        %dma_wait3A_451 = tpu.memref_slice %arg9[%dma_wait3A_449, %dma_wait3A_450] : memref<9984x128xf32, #tpu.memory_space<vmem_shared>> -> memref<9984x128xf32, #tpu.memory_space<vmem_shared>>
        tpu.wait_indirect_dma semaphore(%arg15 : memref<!tpu.dma_semaphore, #tpu.memory_space<semaphore_mem>>) src(%dma_wait3A_445 : memref<128x128xf32, #tpu.memory_space<vmem>>) dst(%dma_wait3A_451 : memref<9984x128xf32, #tpu.memory_space<vmem_shared>>)
      } else {
      }
      %add3A_312 = arith.constant 2 : i32
      %add3A_313 = arith.addi %add3A_306, %add3A_312 : i32
      %lt3A_314 = arith.cmpi slt, %add3A_313, %select_n3A : i32
      %convert_element_type3A_315 = arith.extui %lt3A_314 : i1 to i32
      %cond3A_316 = arith.constant 0 : i32
      %cond3A_317 = arith.cmpi ne, %convert_element_type3A_315, %cond3A_316 : i32
      scf.if %cond3A_317 {
        %add3A_408 = arith.constant 2 : i32
        %add3A_409 = arith.addi %add3A_306, %add3A_408 : i32
        %add3A_410 = arith.addi %select_n3A_8, %add3A_409 : i32
        %mul3A_411 = arith.constant 128 : i32
        %mul3A_412 = arith.muli %add3A_410, %mul3A_411 : i32
        %jit3A_413 = arith.constant 3 : i32
        %eq3A_414 = arith.constant 0 : i32
        %eq3A_415 = arith.cmpi eq, %jit3A_413, %eq3A_414 : i32
        %jit3A_416 = arith.constant 1 : i32
        %select_n3A_417 = arith.select %eq3A_415, %jit3A_416, %jit3A_413 : i32
        %rem3A_418 = arith.remsi %add3A_409, %select_n3A_417 : i32
        %ne3A_419 = arith.constant 0 : i32
        %ne3A_420 = arith.cmpi ne, %rem3A_418, %ne3A_419 : i32
        %lt3A_421 = arith.constant 0 : i32
        %lt3A_422 = arith.cmpi slt, %rem3A_418, %lt3A_421 : i32
        %lt3A_423 = arith.constant 0 : i32
        %lt3A_424 = arith.cmpi slt, %select_n3A_417, %lt3A_423 : i32
        %ne3A_425 = arith.xori %lt3A_422, %lt3A_424 : i1
        %and3A_426 = arith.andi %ne3A_425, %ne3A_420 : i1
        %add3A_427 = arith.addi %rem3A_418, %select_n3A_417 : i32
        %select_n3A_428 = arith.select %and3A_426, %add3A_427, %rem3A_418 : i32
        %dma_start3A_429 = arith.constant 0 : i32
        %dma_start3A_430 = tpu.memref_slice %arg6[%select_n3A_428, %dma_start3A_429] : memref<3x128xi32, #tpu.memory_space<vmem>> -> memref<1x128xi32, #tpu.memory_space<vmem>>
        %dma_start3A_431 = tpu.memref_squeeze %dma_start3A_430 : memref<1x128xi32, #tpu.memory_space<vmem>> -> memref<128xi32, #tpu.memory_space<vmem>>
        %dma_start3A_432 = tpu.memref_slice %arg3[%mul3A_412] : memref<319488xi32, #tpu.memory_space<hbm>> -> memref<128xi32, #tpu.memory_space<hbm>>
        %dma_start3A_433 = arith.constant 0 : i32
        %dma_start3A_434 = tpu.memref_slice %arg6[%select_n3A_428, %dma_start3A_433] : memref<3x128xi32, #tpu.memory_space<vmem>> -> memref<1x128xi32, #tpu.memory_space<vmem>>
        %dma_start3A_435 = tpu.memref_squeeze %dma_start3A_434 : memref<1x128xi32, #tpu.memory_space<vmem>> -> memref<128xi32, #tpu.memory_space<vmem>>
        %dma_start3A_436 = tpu.memref_slice %arg3[%mul3A_412] : memref<319488xi32, #tpu.memory_space<hbm>> -> memref<128xi32, #tpu.memory_space<hbm>>
        tpu.enqueue_dma source(%dma_start3A_436 : memref<128xi32, #tpu.memory_space<hbm>>) target(%dma_start3A_435 : memref<128xi32, #tpu.memory_space<vmem>>) target_semaphore(%arg12 : memref<!tpu.dma_semaphore, #tpu.memory_space<semaphore_mem>>)
        %dma_start3A_437 = arith.constant 0 : i32
        %dma_start3A_438 = tpu.memref_slice %arg7[%select_n3A_428, %dma_start3A_437] : memref<3x128xi32, #tpu.memory_space<vmem>> -> memref<1x128xi32, #tpu.memory_space<vmem>>
        %dma_start3A_439 = tpu.memref_squeeze %dma_start3A_438 : memref<1x128xi32, #tpu.memory_space<vmem>> -> memref<128xi32, #tpu.memory_space<vmem>>
        %dma_start3A_440 = tpu.memref_slice %arg4[%mul3A_412] : memref<319488xi32, #tpu.memory_space<hbm>> -> memref<128xi32, #tpu.memory_space<hbm>>
        %dma_start3A_441 = arith.constant 0 : i32
        %dma_start3A_442 = tpu.memref_slice %arg7[%select_n3A_428, %dma_start3A_441] : memref<3x128xi32, #tpu.memory_space<vmem>> -> memref<1x128xi32, #tpu.memory_space<vmem>>
        %dma_start3A_443 = tpu.memref_squeeze %dma_start3A_442 : memref<1x128xi32, #tpu.memory_space<vmem>> -> memref<128xi32, #tpu.memory_space<vmem>>
        %dma_start3A_444 = tpu.memref_slice %arg4[%mul3A_412] : memref<319488xi32, #tpu.memory_space<hbm>> -> memref<128xi32, #tpu.memory_space<hbm>>
        tpu.enqueue_dma source(%dma_start3A_444 : memref<128xi32, #tpu.memory_space<hbm>>) target(%dma_start3A_443 : memref<128xi32, #tpu.memory_space<vmem>>) target_semaphore(%arg12 : memref<!tpu.dma_semaphore, #tpu.memory_space<semaphore_mem>>)
      } else {
      }
      %jit3A_318 = arith.constant 3 : i32
      %eq3A_319 = arith.constant 0 : i32
      %eq3A_320 = arith.cmpi eq, %jit3A_318, %eq3A_319 : i32
      %jit3A_321 = arith.constant 1 : i32
      %select_n3A_322 = arith.select %eq3A_320, %jit3A_321, %jit3A_318 : i32
      %rem3A_323 = arith.remsi %add3A_306, %select_n3A_322 : i32
      %ne3A_324 = arith.constant 0 : i32
      %ne3A_325 = arith.cmpi ne, %rem3A_323, %ne3A_324 : i32
      %lt3A_326 = arith.constant 0 : i32
      %lt3A_327 = arith.cmpi slt, %rem3A_323, %lt3A_326 : i32
      %lt3A_328 = arith.constant 0 : i32
      %lt3A_329 = arith.cmpi slt, %select_n3A_322, %lt3A_328 : i32
      %ne3A_330 = arith.xori %lt3A_327, %lt3A_329 : i1
      %and3A_331 = arith.andi %ne3A_330, %ne3A_325 : i1
      %add3A_332 = arith.addi %rem3A_323, %select_n3A_322 : i32
      %select_n3A_333 = arith.select %and3A_331, %add3A_332, %rem3A_323 : i32
      %jit3A_334 = arith.constant 3 : i32
      %eq3A_335 = arith.constant 0 : i32
      %eq3A_336 = arith.cmpi eq, %jit3A_334, %eq3A_335 : i32
      %jit3A_337 = arith.constant 1 : i32
      %select_n3A_338 = arith.select %eq3A_336, %jit3A_337, %jit3A_334 : i32
      %rem3A_339 = arith.remsi %add3A_306, %select_n3A_338 : i32
      %ne3A_340 = arith.constant 0 : i32
      %ne3A_341 = arith.cmpi ne, %rem3A_339, %ne3A_340 : i32
      %lt3A_342 = arith.constant 0 : i32
      %lt3A_343 = arith.cmpi slt, %rem3A_339, %lt3A_342 : i32
      %lt3A_344 = arith.constant 0 : i32
      %lt3A_345 = arith.cmpi slt, %select_n3A_338, %lt3A_344 : i32
      %ne3A_346 = arith.xori %lt3A_343, %lt3A_345 : i1
      %and3A_347 = arith.andi %ne3A_346, %ne3A_341 : i1
      %add3A_348 = arith.addi %rem3A_339, %select_n3A_338 : i32
      %select_n3A_349 = arith.select %and3A_347, %add3A_348, %rem3A_339 : i32
      %dma_wait3A_350 = arith.constant 0 : i32
      %dma_wait3A_351 = arith.constant 0 : i32
      %dma_wait3A_352 = tpu.memref_slice %arg8[%select_n3A_349, %dma_wait3A_350, %dma_wait3A_351] : memref<3x128x128xf32, #tpu.memory_space<vmem>> -> memref<1x128x128xf32, #tpu.memory_space<vmem>>
      %dma_wait3A_353 = tpu.memref_squeeze %dma_wait3A_352 : memref<1x128x128xf32, #tpu.memory_space<vmem>> -> memref<128x128xf32, #tpu.memory_space<vmem>>
      %dma_wait3A_354 = arith.constant 0 : i32
      %dma_wait3A_355 = tpu.memref_slice %arg6[%select_n3A_333, %dma_wait3A_354] : memref<3x128xi32, #tpu.memory_space<vmem>> -> memref<1x128xi32, #tpu.memory_space<vmem>>
      %dma_wait3A_356 = tpu.memref_squeeze %dma_wait3A_355 : memref<1x128xi32, #tpu.memory_space<vmem>> -> memref<128xi32, #tpu.memory_space<vmem>>
      %dma_wait3A_357 = arith.constant 0 : i32
      %dma_wait3A_358 = arith.constant 0 : i32
      %dma_wait3A_359 = tpu.memref_slice %arg2[%dma_wait3A_357, %dma_wait3A_358] : memref<9984x128xf32, #tpu.memory_space<hbm>> -> memref<9984x128xf32, #tpu.memory_space<hbm>>
      tpu.wait_indirect_dma semaphore(%arg14 : memref<!tpu.dma_semaphore, #tpu.memory_space<semaphore_mem>>) src(%dma_wait3A_359 : memref<9984x128xf32, #tpu.memory_space<hbm>>) dst(%dma_wait3A_353 : memref<128x128xf32, #tpu.memory_space<vmem>>)
      %jit3A_360 = arith.constant 3 : i32
      %eq3A_361 = arith.constant 0 : i32
      %eq3A_362 = arith.cmpi eq, %jit3A_360, %eq3A_361 : i32
      %jit3A_363 = arith.constant 1 : i32
      %select_n3A_364 = arith.select %eq3A_362, %jit3A_363, %jit3A_360 : i32
      %rem3A_365 = arith.remsi %add3A_306, %select_n3A_364 : i32
      %ne3A_366 = arith.constant 0 : i32
      %ne3A_367 = arith.cmpi ne, %rem3A_365, %ne3A_366 : i32
      %lt3A_368 = arith.constant 0 : i32
      %lt3A_369 = arith.cmpi slt, %rem3A_365, %lt3A_368 : i32
      %lt3A_370 = arith.constant 0 : i32
      %lt3A_371 = arith.cmpi slt, %select_n3A_364, %lt3A_370 : i32
      %ne3A_372 = arith.xori %lt3A_369, %lt3A_371 : i1
      %and3A_373 = arith.andi %ne3A_372, %ne3A_367 : i1
      %add3A_374 = arith.addi %rem3A_365, %select_n3A_364 : i32
      %select_n3A_375 = arith.select %and3A_373, %add3A_374, %rem3A_365 : i32
      %jit3A_376 = arith.constant 3 : i32
      %eq3A_377 = arith.constant 0 : i32
      %eq3A_378 = arith.cmpi eq, %jit3A_376, %eq3A_377 : i32
      %jit3A_379 = arith.constant 1 : i32
      %select_n3A_380 = arith.select %eq3A_378, %jit3A_379, %jit3A_376 : i32
      %rem3A_381 = arith.remsi %add3A_306, %select_n3A_380 : i32
      %ne3A_382 = arith.constant 0 : i32
      %ne3A_383 = arith.cmpi ne, %rem3A_381, %ne3A_382 : i32
      %lt3A_384 = arith.constant 0 : i32
      %lt3A_385 = arith.cmpi slt, %rem3A_381, %lt3A_384 : i32
      %lt3A_386 = arith.constant 0 : i32
      %lt3A_387 = arith.cmpi slt, %select_n3A_380, %lt3A_386 : i32
      %ne3A_388 = arith.xori %lt3A_385, %lt3A_387 : i1
      %and3A_389 = arith.andi %ne3A_388, %ne3A_383 : i1
      %add3A_390 = arith.addi %rem3A_381, %select_n3A_380 : i32
      %select_n3A_391 = arith.select %and3A_389, %add3A_390, %rem3A_381 : i32
      %dma_start3A_392 = arith.constant 0 : i32
      %dma_start3A_393 = arith.constant 0 : i32
      %dma_start3A_394 = tpu.memref_slice %arg8[%select_n3A_375, %dma_start3A_392, %dma_start3A_393] : memref<3x128x128xf32, #tpu.memory_space<vmem>> -> memref<1x128x128xf32, #tpu.memory_space<vmem>>
      %dma_start3A_395 = tpu.memref_squeeze %dma_start3A_394 : memref<1x128x128xf32, #tpu.memory_space<vmem>> -> memref<128x128xf32, #tpu.memory_space<vmem>>
      %dma_start3A_396 = arith.constant 0 : i32
      %dma_start3A_397 = tpu.memref_slice %arg7[%select_n3A_391, %dma_start3A_396] : memref<3x128xi32, #tpu.memory_space<vmem>> -> memref<1x128xi32, #tpu.memory_space<vmem>>
      %dma_start3A_398 = tpu.memref_squeeze %dma_start3A_397 : memref<1x128xi32, #tpu.memory_space<vmem>> -> memref<128xi32, #tpu.memory_space<vmem>>
      %dma_start3A_399 = arith.constant 0 : i32
      %dma_start3A_400 = arith.constant 0 : i32
      %dma_start3A_401 = tpu.memref_slice %arg9[%dma_start3A_399, %dma_start3A_400] : memref<9984x128xf32, #tpu.memory_space<vmem_shared>> -> memref<9984x128xf32, #tpu.memory_space<vmem_shared>>
      tpu.enqueue_indirect_dma source(%dma_start3A_395 : memref<128x128xf32, #tpu.memory_space<vmem>>) target(%dma_start3A_401 : memref<9984x128xf32, #tpu.memory_space<vmem_shared>>) offsets(%dma_start3A_398 : memref<128xi32, #tpu.memory_space<vmem>>) semaphore(%arg15 : memref<!tpu.dma_semaphore, #tpu.memory_space<semaphore_mem>>) {add = true}
      %add3A_402 = arith.constant 2 : i32
      %add3A_403 = arith.addi %add3A_306, %add3A_402 : i32
      %lt3A_404 = arith.cmpi slt, %add3A_403, %select_n3A : i32
      %convert_element_type3A_405 = arith.extui %lt3A_404 : i1 to i32
      %cond3A_406 = arith.constant 0 : i32
      %cond3A_407 = arith.cmpi ne, %convert_element_type3A_405, %cond3A_406 : i32
      scf.if %cond3A_407 {
        %add3A_408 = arith.constant 2 : i32
        %add3A_409 = arith.addi %add3A_306, %add3A_408 : i32
        %add3A_410 = arith.addi %select_n3A_8, %add3A_409 : i32
        %mul3A_411 = arith.constant 128 : i32
        %mul3A_412 = arith.muli %add3A_410, %mul3A_411 : i32
        %jit3A_413 = arith.constant 3 : i32
        %eq3A_414 = arith.constant 0 : i32
        %eq3A_415 = arith.cmpi eq, %jit3A_413, %eq3A_414 : i32
        %jit3A_416 = arith.constant 1 : i32
        %select_n3A_417 = arith.select %eq3A_415, %jit3A_416, %jit3A_413 : i32
        %rem3A_418 = arith.remsi %add3A_409, %select_n3A_417 : i32
        %ne3A_419 = arith.constant 0 : i32
        %ne3A_420 = arith.cmpi ne, %rem3A_418, %ne3A_419 : i32
        %lt3A_421 = arith.constant 0 : i32
        %lt3A_422 = arith.cmpi slt, %rem3A_418, %lt3A_421 : i32
        %lt3A_423 = arith.constant 0 : i32
        %lt3A_424 = arith.cmpi slt, %select_n3A_417, %lt3A_423 : i32
        %ne3A_425 = arith.xori %lt3A_422, %lt3A_424 : i1
        %and3A_426 = arith.andi %ne3A_425, %ne3A_420 : i1
        %add3A_427 = arith.addi %rem3A_418, %select_n3A_417 : i32
        %select_n3A_428 = arith.select %and3A_426, %add3A_427, %rem3A_418 : i32
        %dma_wait3A_429 = arith.constant 0 : i32
        %dma_wait3A_430 = tpu.memref_slice %arg6[%select_n3A_428, %dma_wait3A_429] : memref<3x128xi32, #tpu.memory_space<vmem>> -> memref<1x128xi32, #tpu.memory_space<vmem>>
        %dma_wait3A_431 = tpu.memref_squeeze %dma_wait3A_430 : memref<1x128xi32, #tpu.memory_space<vmem>> -> memref<128xi32, #tpu.memory_space<vmem>>
        %dma_wait3A_432 = tpu.memref_slice %arg3[%mul3A_412] : memref<319488xi32, #tpu.memory_space<hbm>> -> memref<128xi32, #tpu.memory_space<hbm>>
        %dma_wait3A_433 = arith.constant 0 : i32
        %dma_wait3A_434 = tpu.memref_slice %arg6[%select_n3A_428, %dma_wait3A_433] : memref<3x128xi32, #tpu.memory_space<vmem>> -> memref<1x128xi32, #tpu.memory_space<vmem>>
        %dma_wait3A_435 = tpu.memref_squeeze %dma_wait3A_434 : memref<1x128xi32, #tpu.memory_space<vmem>> -> memref<128xi32, #tpu.memory_space<vmem>>
        %dma_wait3A_436 = tpu.memref_slice %arg3[%mul3A_412] : memref<319488xi32, #tpu.memory_space<hbm>> -> memref<128xi32, #tpu.memory_space<hbm>>
        tpu.wait_dma2 semaphore(%arg12 : memref<!tpu.dma_semaphore, #tpu.memory_space<semaphore_mem>>) src(%dma_wait3A_436 : memref<128xi32, #tpu.memory_space<hbm>>) dst(%dma_wait3A_435 : memref<128xi32, #tpu.memory_space<vmem>>)
        %dma_wait3A_437 = arith.constant 0 : i32
        %dma_wait3A_438 = tpu.memref_slice %arg7[%select_n3A_428, %dma_wait3A_437] : memref<3x128xi32, #tpu.memory_space<vmem>> -> memref<1x128xi32, #tpu.memory_space<vmem>>
        %dma_wait3A_439 = tpu.memref_squeeze %dma_wait3A_438 : memref<1x128xi32, #tpu.memory_space<vmem>> -> memref<128xi32, #tpu.memory_space<vmem>>
        %dma_wait3A_440 = tpu.memref_slice %arg4[%mul3A_412] : memref<319488xi32, #tpu.memory_space<hbm>> -> memref<128xi32, #tpu.memory_space<hbm>>
        %dma_wait3A_441 = arith.constant 0 : i32
        %dma_wait3A_442 = tpu.memref_slice %arg7[%select_n3A_428, %dma_wait3A_441] : memref<3x128xi32, #tpu.memory_space<vmem>> -> memref<1x128xi32, #tpu.memory_space<vmem>>
        %dma_wait3A_443 = tpu.memref_squeeze %dma_wait3A_442 : memref<1x128xi32, #tpu.memory_space<vmem>> -> memref<128xi32, #tpu.memory_space<vmem>>
        %dma_wait3A_444 = tpu.memref_slice %arg4[%mul3A_412] : memref<319488xi32, #tpu.memory_space<hbm>> -> memref<128xi32, #tpu.memory_space<hbm>>
        tpu.wait_dma2 semaphore(%arg12 : memref<!tpu.dma_semaphore, #tpu.memory_space<semaphore_mem>>) src(%dma_wait3A_444 : memref<128xi32, #tpu.memory_space<hbm>>) dst(%dma_wait3A_443 : memref<128xi32, #tpu.memory_space<vmem>>)
        %add3A_445 = arith.constant 2 : i32
        %add3A_446 = arith.addi %add3A_306, %add3A_445 : i32
        %jit3A_447 = arith.constant 3 : i32
        %eq3A_448 = arith.constant 0 : i32
        %eq3A_449 = arith.cmpi eq, %jit3A_447, %eq3A_448 : i32
        %jit3A_450 = arith.constant 1 : i32
        %select_n3A_451 = arith.select %eq3A_449, %jit3A_450, %jit3A_447 : i32
        %rem3A_452 = arith.remsi %add3A_446, %select_n3A_451 : i32
        %ne3A_453 = arith.constant 0 : i32
        %ne3A_454 = arith.cmpi ne, %rem3A_452, %ne3A_453 : i32
        %lt3A_455 = arith.constant 0 : i32
        %lt3A_456 = arith.cmpi slt, %rem3A_452, %lt3A_455 : i32
        %lt3A_457 = arith.constant 0 : i32
        %lt3A_458 = arith.cmpi slt, %select_n3A_451, %lt3A_457 : i32
        %ne3A_459 = arith.xori %lt3A_456, %lt3A_458 : i1
        %and3A_460 = arith.andi %ne3A_459, %ne3A_454 : i1
        %add3A_461 = arith.addi %rem3A_452, %select_n3A_451 : i32
        %select_n3A_462 = arith.select %and3A_460, %add3A_461, %rem3A_452 : i32
        %jit3A_463 = arith.constant 3 : i32
        %eq3A_464 = arith.constant 0 : i32
        %eq3A_465 = arith.cmpi eq, %jit3A_463, %eq3A_464 : i32
        %jit3A_466 = arith.constant 1 : i32
        %select_n3A_467 = arith.select %eq3A_465, %jit3A_466, %jit3A_463 : i32
        %rem3A_468 = arith.remsi %add3A_446, %select_n3A_467 : i32
        %ne3A_469 = arith.constant 0 : i32
        %ne3A_470 = arith.cmpi ne, %rem3A_468, %ne3A_469 : i32
        %lt3A_471 = arith.constant 0 : i32
        %lt3A_472 = arith.cmpi slt, %rem3A_468, %lt3A_471 : i32
        %lt3A_473 = arith.constant 0 : i32
        %lt3A_474 = arith.cmpi slt, %select_n3A_467, %lt3A_473 : i32
        %ne3A_475 = arith.xori %lt3A_472, %lt3A_474 : i1
        %and3A_476 = arith.andi %ne3A_475, %ne3A_470 : i1
        %add3A_477 = arith.addi %rem3A_468, %select_n3A_467 : i32
        %select_n3A_478 = arith.select %and3A_476, %add3A_477, %rem3A_468 : i32
        %dma_start3A_479 = arith.constant 0 : i32
        %dma_start3A_480 = arith.constant 0 : i32
        %dma_start3A_481 = tpu.memref_slice %arg8[%select_n3A_478, %dma_start3A_479, %dma_start3A_480] : memref<3x128x128xf32, #tpu.memory_space<vmem>> -> memref<1x128x128xf32, #tpu.memory_space<vmem>>
        %dma_start3A_482 = tpu.memref_squeeze %dma_start3A_481 : memref<1x128x128xf32, #tpu.memory_space<vmem>> -> memref<128x128xf32, #tpu.memory_space<vmem>>
        %dma_start3A_483 = arith.constant 0 : i32
        %dma_start3A_484 = tpu.memref_slice %arg6[%select_n3A_462, %dma_start3A_483] : memref<3x128xi32, #tpu.memory_space<vmem>> -> memref<1x128xi32, #tpu.memory_space<vmem>>
        %dma_start3A_485 = tpu.memref_squeeze %dma_start3A_484 : memref<1x128xi32, #tpu.memory_space<vmem>> -> memref<128xi32, #tpu.memory_space<vmem>>
        %dma_start3A_486 = arith.constant 0 : i32
        %dma_start3A_487 = arith.constant 0 : i32
        %dma_start3A_488 = tpu.memref_slice %arg2[%dma_start3A_486, %dma_start3A_487] : memref<9984x128xf32, #tpu.memory_space<hbm>> -> memref<9984x128xf32, #tpu.memory_space<hbm>>
        tpu.enqueue_indirect_dma source(%dma_start3A_488 : memref<9984x128xf32, #tpu.memory_space<hbm>>) target(%dma_start3A_482 : memref<128x128xf32, #tpu.memory_space<vmem>>) offsets(%dma_start3A_485 : memref<128xi32, #tpu.memory_space<vmem>>) semaphore(%arg14 : memref<!tpu.dma_semaphore, #tpu.memory_space<semaphore_mem>>)
      } else {
      }
    }
    %gt3A = arith.constant 0 : i32
    %gt3A_193 = arith.cmpi sgt, %select_n3A, %gt3A : i32
    %convert_element_type3A_194 = arith.extui %gt3A_193 : i1 to i32
    %cond3A_195 = arith.constant 0 : i32
    %cond3A_196 = arith.cmpi ne, %convert_element_type3A_194, %cond3A_195 : i32
    scf.if %cond3A_196 {
      %sub3A_198 = arith.constant 1 : i32
      %sub3A_199 = arith.subi %select_n3A, %sub3A_198 : i32
      %jit3A_200 = arith.constant 3 : i32
      %eq3A_201 = arith.constant 0 : i32
      %eq3A_202 = arith.cmpi eq, %jit3A_200, %eq3A_201 : i32
      %jit3A_203 = arith.constant 1 : i32
      %select_n3A_204 = arith.select %eq3A_202, %jit3A_203, %jit3A_200 : i32
      %rem3A_205 = arith.remsi %sub3A_199, %select_n3A_204 : i32
      %ne3A_206 = arith.constant 0 : i32
      %ne3A_207 = arith.cmpi ne, %rem3A_205, %ne3A_206 : i32
      %lt3A = arith.constant 0 : i32
      %lt3A_208 = arith.cmpi slt, %rem3A_205, %lt3A : i32
      %lt3A_209 = arith.constant 0 : i32
      %lt3A_210 = arith.cmpi slt, %select_n3A_204, %lt3A_209 : i32
      %ne3A_211 = arith.xori %lt3A_208, %lt3A_210 : i1
      %and3A_212 = arith.andi %ne3A_211, %ne3A_207 : i1
      %add3A_213 = arith.addi %rem3A_205, %select_n3A_204 : i32
      %select_n3A_214 = arith.select %and3A_212, %add3A_213, %rem3A_205 : i32
      %jit3A_215 = arith.constant 3 : i32
      %eq3A_216 = arith.constant 0 : i32
      %eq3A_217 = arith.cmpi eq, %jit3A_215, %eq3A_216 : i32
      %jit3A_218 = arith.constant 1 : i32
      %select_n3A_219 = arith.select %eq3A_217, %jit3A_218, %jit3A_215 : i32
      %rem3A_220 = arith.remsi %sub3A_199, %select_n3A_219 : i32
      %ne3A_221 = arith.constant 0 : i32
      %ne3A_222 = arith.cmpi ne, %rem3A_220, %ne3A_221 : i32
      %lt3A_223 = arith.constant 0 : i32
      %lt3A_224 = arith.cmpi slt, %rem3A_220, %lt3A_223 : i32
      %lt3A_225 = arith.constant 0 : i32
      %lt3A_226 = arith.cmpi slt, %select_n3A_219, %lt3A_225 : i32
      %ne3A_227 = arith.xori %lt3A_224, %lt3A_226 : i1
      %and3A_228 = arith.andi %ne3A_227, %ne3A_222 : i1
      %add3A_229 = arith.addi %rem3A_220, %select_n3A_219 : i32
      %select_n3A_230 = arith.select %and3A_228, %add3A_229, %rem3A_220 : i32
      %dma_wait3A_231 = arith.constant 0 : i32
      %dma_wait3A_232 = arith.constant 0 : i32
      %dma_wait3A_233 = tpu.memref_slice %arg8[%select_n3A_214, %dma_wait3A_231, %dma_wait3A_232] : memref<3x128x128xf32, #tpu.memory_space<vmem>> -> memref<1x128x128xf32, #tpu.memory_space<vmem>>
      %dma_wait3A_234 = tpu.memref_squeeze %dma_wait3A_233 : memref<1x128x128xf32, #tpu.memory_space<vmem>> -> memref<128x128xf32, #tpu.memory_space<vmem>>
      %dma_wait3A_235 = arith.constant 0 : i32
      %dma_wait3A_236 = tpu.memref_slice %arg7[%select_n3A_230, %dma_wait3A_235] : memref<3x128xi32, #tpu.memory_space<vmem>> -> memref<1x128xi32, #tpu.memory_space<vmem>>
      %dma_wait3A_237 = tpu.memref_squeeze %dma_wait3A_236 : memref<1x128xi32, #tpu.memory_space<vmem>> -> memref<128xi32, #tpu.memory_space<vmem>>
      %dma_wait3A_238 = arith.constant 0 : i32
      %dma_wait3A_239 = arith.constant 0 : i32
      %dma_wait3A_240 = tpu.memref_slice %arg9[%dma_wait3A_238, %dma_wait3A_239] : memref<9984x128xf32, #tpu.memory_space<vmem_shared>> -> memref<9984x128xf32, #tpu.memory_space<vmem_shared>>
      tpu.wait_indirect_dma semaphore(%arg15 : memref<!tpu.dma_semaphore, #tpu.memory_space<semaphore_mem>>) src(%dma_wait3A_234 : memref<128x128xf32, #tpu.memory_space<vmem>>) dst(%dma_wait3A_240 : memref<9984x128xf32, #tpu.memory_space<vmem_shared>>)
    } else {
    }
    %barrier3A_197 = arith.constant 0 : index
    tpu.barrier barrier_id(%barrier3A_197)
    "tpu.region"() ({
      %run_scoped3A = tpu.sem_alloc : memref<!tpu.dma_semaphore, #tpu.memory_space<semaphore_mem>>
      %dma_start3A_198 = arith.constant 0 : i32
      %dma_start3A_199 = tpu.memref_slice %arg5[%arg0, %mul3A_10, %dma_start3A_198] : memref<2x9984x128xf32, #tpu.memory_space<hbm>> -> memref<1x624x128xf32, #tpu.memory_space<hbm>>
      %dma_start3A_200 = tpu.memref_squeeze %dma_start3A_199 : memref<1x624x128xf32, #tpu.memory_space<hbm>> -> memref<624x128xf32, #tpu.memory_space<hbm>>
      %dma_start3A_201 = arith.constant 0 : i32
      %dma_start3A_202 = tpu.memref_slice %arg9[%mul3A_10, %dma_start3A_201] : memref<9984x128xf32, #tpu.memory_space<vmem_shared>> -> memref<624x128xf32, #tpu.memory_space<vmem_shared>>
      tpu.enqueue_dma source(%dma_start3A_202 : memref<624x128xf32, #tpu.memory_space<vmem_shared>>) target(%dma_start3A_200 : memref<624x128xf32, #tpu.memory_space<hbm>>) target_semaphore(%run_scoped3A : memref<!tpu.dma_semaphore, #tpu.memory_space<semaphore_mem>>)
      %dma_wait3A_203 = arith.constant 0 : i32
      %dma_wait3A_204 = tpu.memref_slice %arg5[%arg0, %mul3A_10, %dma_wait3A_203] : memref<2x9984x128xf32, #tpu.memory_space<hbm>> -> memref<1x624x128xf32, #tpu.memory_space<hbm>>
      %dma_wait3A_205 = tpu.memref_squeeze %dma_wait3A_204 : memref<1x624x128xf32, #tpu.memory_space<hbm>> -> memref<624x128xf32, #tpu.memory_space<hbm>>
      %dma_wait3A_206 = arith.constant 0 : i32
      %dma_wait3A_207 = tpu.memref_slice %arg9[%mul3A_10, %dma_wait3A_206] : memref<9984x128xf32, #tpu.memory_space<vmem_shared>> -> memref<624x128xf32, #tpu.memory_space<vmem_shared>>
      tpu.wait_dma2 semaphore(%run_scoped3A : memref<!tpu.dma_semaphore, #tpu.memory_space<semaphore_mem>>) src(%dma_wait3A_207 : memref<624x128xf32, #tpu.memory_space<vmem_shared>>) dst(%dma_wait3A_205 : memref<624x128xf32, #tpu.memory_space<hbm>>)
      tpu.yield
    }) : () -> ()
    return
  }
}

#map = affine_map<(d0, d1) -> (0)>
module attributes {stable_mosaic.version = 14 : i64} {
  func.func @remap_kernel(%arg0: i32, %arg1: i32, %arg2: memref<319488xi32, #tpu.memory_space<hbm>>, %arg3: memref<319488xi32, #tpu.memory_space<hbm>>, %arg4: memref<9904xi32, #tpu.memory_space<hbm>>, %arg5: memref<319488xi32, #tpu.memory_space<hbm>>, %arg6: memref<319488xi32, #tpu.memory_space<hbm>>, %arg7: memref<2x128xi32, #tpu.memory_space<vmem>>, %arg8: memref<2x128xi32, #tpu.memory_space<vmem>>, %arg9: memref<2x128xi32, #tpu.memory_space<vmem>>, %arg10: memref<2x128xi32, #tpu.memory_space<vmem>>, %arg11: memref<!tpu.dma_semaphore, #tpu.memory_space<semaphore_mem>>, %arg12: memref<!tpu.dma_semaphore, #tpu.memory_space<semaphore_mem>>, %arg13: memref<!tpu.dma_semaphore, #tpu.memory_space<semaphore_mem>>, %arg14: memref<!tpu.dma_semaphore, #tpu.memory_space<semaphore_mem>>, %arg15: memref<!tpu.dma_semaphore, #tpu.memory_space<semaphore_mem>>) attributes {dimension_semantics = [#tpu.dimension_semantics<core_parallel>, #tpu.dimension_semantics<subcore_parallel>], iteration_bounds = array<i64: 2, 16>, scalar_prefetch = 0 : i64, scratch_operands = 9 : i64, tpu.core_type = #tpu.core_type<sc_vector_subcore>, window_params = [{transform_indices = #map}, {transform_indices = #map}, {transform_indices = #map}, {transform_indices = #map}, {transform_indices = #map}]} {
    %mul3A = arith.constant 2 : i32
    %mul3A_0 = arith.muli %arg1, %mul3A : i32
    %add3A = arith.addi %mul3A_0, %arg0 : i32
    %mul3A_1 = arith.constant 78 : i32
    %mul3A_2 = arith.muli %add3A, %mul3A_1 : i32
    %add3A_3 = arith.constant 0 : i32
    %add3A_4 = arith.addi %mul3A_2, %add3A_3 : i32
    %mul3A_5 = arith.constant 128 : i32
    %mul3A_6 = arith.muli %add3A_4, %mul3A_5 : i32
    %dma_start3A = arith.constant 0 : i32
    %dma_start3A_7 = arith.constant 0 : i32
    %dma_start3A_8 = tpu.memref_slice %arg7[%dma_start3A, %dma_start3A_7] : memref<2x128xi32, #tpu.memory_space<vmem>> -> memref<1x128xi32, #tpu.memory_space<vmem>>
    %dma_start3A_9 = tpu.memref_squeeze %dma_start3A_8 : memref<1x128xi32, #tpu.memory_space<vmem>> -> memref<128xi32, #tpu.memory_space<vmem>>
    %dma_start3A_10 = tpu.memref_slice %arg2[%mul3A_6] : memref<319488xi32, #tpu.memory_space<hbm>> -> memref<128xi32, #tpu.memory_space<hbm>>
    %dma_start3A_11 = arith.constant 0 : i32
    %dma_start3A_12 = tpu.memref_slice %arg7[%dma_start3A, %dma_start3A_11] : memref<2x128xi32, #tpu.memory_space<vmem>> -> memref<1x128xi32, #tpu.memory_space<vmem>>
    %dma_start3A_13 = tpu.memref_squeeze %dma_start3A_12 : memref<1x128xi32, #tpu.memory_space<vmem>> -> memref<128xi32, #tpu.memory_space<vmem>>
    %dma_start3A_14 = tpu.memref_slice %arg2[%mul3A_6] : memref<319488xi32, #tpu.memory_space<hbm>> -> memref<128xi32, #tpu.memory_space<hbm>>
    tpu.enqueue_dma source(%dma_start3A_14 : memref<128xi32, #tpu.memory_space<hbm>>) target(%dma_start3A_13 : memref<128xi32, #tpu.memory_space<vmem>>) target_semaphore(%arg11 : memref<!tpu.dma_semaphore, #tpu.memory_space<semaphore_mem>>)
    %dma_start3A_15 = arith.constant 0 : i32
    %dma_start3A_16 = arith.constant 0 : i32
    %dma_start3A_17 = tpu.memref_slice %arg8[%dma_start3A_15, %dma_start3A_16] : memref<2x128xi32, #tpu.memory_space<vmem>> -> memref<1x128xi32, #tpu.memory_space<vmem>>
    %dma_start3A_18 = tpu.memref_squeeze %dma_start3A_17 : memref<1x128xi32, #tpu.memory_space<vmem>> -> memref<128xi32, #tpu.memory_space<vmem>>
    %dma_start3A_19 = tpu.memref_slice %arg3[%mul3A_6] : memref<319488xi32, #tpu.memory_space<hbm>> -> memref<128xi32, #tpu.memory_space<hbm>>
    %dma_start3A_20 = arith.constant 0 : i32
    %dma_start3A_21 = tpu.memref_slice %arg8[%dma_start3A_15, %dma_start3A_20] : memref<2x128xi32, #tpu.memory_space<vmem>> -> memref<1x128xi32, #tpu.memory_space<vmem>>
    %dma_start3A_22 = tpu.memref_squeeze %dma_start3A_21 : memref<1x128xi32, #tpu.memory_space<vmem>> -> memref<128xi32, #tpu.memory_space<vmem>>
    %dma_start3A_23 = tpu.memref_slice %arg3[%mul3A_6] : memref<319488xi32, #tpu.memory_space<hbm>> -> memref<128xi32, #tpu.memory_space<hbm>>
    tpu.enqueue_dma source(%dma_start3A_23 : memref<128xi32, #tpu.memory_space<hbm>>) target(%dma_start3A_22 : memref<128xi32, #tpu.memory_space<vmem>>) target_semaphore(%arg11 : memref<!tpu.dma_semaphore, #tpu.memory_space<semaphore_mem>>)
    %scan3A = arith.constant 0 : i32
    %scan3A_24 = arith.constant 0 : i32
    %scan3A_25 = arith.constant 39 : i32
    %scan3A_26 = arith.addi %scan3A_24, %scan3A_25 : i32
    %scan3A_27 = arith.constant 1 : i32
    scf.for %scan3A_72 = %scan3A_24 to %scan3A_26 step %scan3A_27  : i32 {
      %mul3A_73 = arith.constant 2 : i32
      %mul3A_74 = arith.muli %mul3A_73, %scan3A_72 : i32
      %add3A_75 = arith.constant 0 : i32
      %add3A_76 = arith.addi %mul3A_74, %add3A_75 : i32
      %gt3A = arith.constant 1 : i32
      %gt3A_77 = arith.cmpi sgt, %add3A_76, %gt3A : i32
      %convert_element_type3A = arith.extui %gt3A_77 : i1 to i32
      %cond3A = arith.constant 0 : i32
      %cond3A_78 = arith.cmpi ne, %convert_element_type3A, %cond3A : i32
      scf.if %cond3A_78 {
        %sub3A = arith.constant 2 : i32
        %sub3A_265 = arith.subi %add3A_76, %sub3A : i32
        %add3A_266 = arith.addi %mul3A_2, %sub3A_265 : i32
        %mul3A_267 = arith.constant 128 : i32
        %mul3A_268 = arith.muli %add3A_266, %mul3A_267 : i32
        %dma_wait3A_269 = arith.constant 0 : i32
        %dma_wait3A_270 = arith.constant 0 : i32
        %dma_wait3A_271 = tpu.memref_slice %arg9[%dma_wait3A_269, %dma_wait3A_270] : memref<2x128xi32, #tpu.memory_space<vmem>> -> memref<1x128xi32, #tpu.memory_space<vmem>>
        %dma_wait3A_272 = tpu.memref_squeeze %dma_wait3A_271 : memref<1x128xi32, #tpu.memory_space<vmem>> -> memref<128xi32, #tpu.memory_space<vmem>>
        %dma_wait3A_273 = tpu.memref_slice %arg5[%mul3A_268] : memref<319488xi32, #tpu.memory_space<hbm>> -> memref<128xi32, #tpu.memory_space<hbm>>
        %dma_wait3A_274 = tpu.memref_slice %arg5[%mul3A_268] : memref<319488xi32, #tpu.memory_space<hbm>> -> memref<128xi32, #tpu.memory_space<hbm>>
        %dma_wait3A_275 = arith.constant 0 : i32
        %dma_wait3A_276 = tpu.memref_slice %arg9[%dma_wait3A_269, %dma_wait3A_275] : memref<2x128xi32, #tpu.memory_space<vmem>> -> memref<1x128xi32, #tpu.memory_space<vmem>>
        %dma_wait3A_277 = tpu.memref_squeeze %dma_wait3A_276 : memref<1x128xi32, #tpu.memory_space<vmem>> -> memref<128xi32, #tpu.memory_space<vmem>>
        tpu.wait_dma2 semaphore(%arg14 : memref<!tpu.dma_semaphore, #tpu.memory_space<semaphore_mem>>) src(%dma_wait3A_277 : memref<128xi32, #tpu.memory_space<vmem>>) dst(%dma_wait3A_274 : memref<128xi32, #tpu.memory_space<hbm>>)
        %dma_wait3A_278 = arith.constant 0 : i32
        %dma_wait3A_279 = arith.constant 0 : i32
        %dma_wait3A_280 = tpu.memref_slice %arg10[%dma_wait3A_278, %dma_wait3A_279] : memref<2x128xi32, #tpu.memory_space<vmem>> -> memref<1x128xi32, #tpu.memory_space<vmem>>
        %dma_wait3A_281 = tpu.memref_squeeze %dma_wait3A_280 : memref<1x128xi32, #tpu.memory_space<vmem>> -> memref<128xi32, #tpu.memory_space<vmem>>
        %dma_wait3A_282 = tpu.memref_slice %arg6[%mul3A_268] : memref<319488xi32, #tpu.memory_space<hbm>> -> memref<128xi32, #tpu.memory_space<hbm>>
        %dma_wait3A_283 = tpu.memref_slice %arg6[%mul3A_268] : memref<319488xi32, #tpu.memory_space<hbm>> -> memref<128xi32, #tpu.memory_space<hbm>>
        %dma_wait3A_284 = arith.constant 0 : i32
        %dma_wait3A_285 = tpu.memref_slice %arg10[%dma_wait3A_278, %dma_wait3A_284] : memref<2x128xi32, #tpu.memory_space<vmem>> -> memref<1x128xi32, #tpu.memory_space<vmem>>
        %dma_wait3A_286 = tpu.memref_squeeze %dma_wait3A_285 : memref<1x128xi32, #tpu.memory_space<vmem>> -> memref<128xi32, #tpu.memory_space<vmem>>
        tpu.wait_dma2 semaphore(%arg14 : memref<!tpu.dma_semaphore, #tpu.memory_space<semaphore_mem>>) src(%dma_wait3A_286 : memref<128xi32, #tpu.memory_space<vmem>>) dst(%dma_wait3A_283 : memref<128xi32, #tpu.memory_space<hbm>>)
      } else {
      }
      %add3A_79 = arith.constant 1 : i32
      %add3A_80 = arith.addi %add3A_76, %add3A_79 : i32
      %lt3A = arith.constant 78 : i32
      %lt3A_81 = arith.cmpi slt, %add3A_80, %lt3A : i32
      %convert_element_type3A_82 = arith.extui %lt3A_81 : i1 to i32
      %cond3A_83 = arith.constant 0 : i32
      %cond3A_84 = arith.cmpi ne, %convert_element_type3A_82, %cond3A_83 : i32
      scf.if %cond3A_84 {
        %add3A_265 = arith.constant 1 : i32
        %add3A_266 = arith.addi %add3A_76, %add3A_265 : i32
        %add3A_267 = arith.addi %mul3A_2, %add3A_266 : i32
        %mul3A_268 = arith.constant 128 : i32
        %mul3A_269 = arith.muli %add3A_267, %mul3A_268 : i32
        %dma_start3A_270 = arith.constant 1 : i32
        %dma_start3A_271 = arith.constant 0 : i32
        %dma_start3A_272 = tpu.memref_slice %arg7[%dma_start3A_270, %dma_start3A_271] : memref<2x128xi32, #tpu.memory_space<vmem>> -> memref<1x128xi32, #tpu.memory_space<vmem>>
        %dma_start3A_273 = tpu.memref_squeeze %dma_start3A_272 : memref<1x128xi32, #tpu.memory_space<vmem>> -> memref<128xi32, #tpu.memory_space<vmem>>
        %dma_start3A_274 = tpu.memref_slice %arg2[%mul3A_269] : memref<319488xi32, #tpu.memory_space<hbm>> -> memref<128xi32, #tpu.memory_space<hbm>>
        %dma_start3A_275 = arith.constant 0 : i32
        %dma_start3A_276 = tpu.memref_slice %arg7[%dma_start3A_270, %dma_start3A_275] : memref<2x128xi32, #tpu.memory_space<vmem>> -> memref<1x128xi32, #tpu.memory_space<vmem>>
        %dma_start3A_277 = tpu.memref_squeeze %dma_start3A_276 : memref<1x128xi32, #tpu.memory_space<vmem>> -> memref<128xi32, #tpu.memory_space<vmem>>
        %dma_start3A_278 = tpu.memref_slice %arg2[%mul3A_269] : memref<319488xi32, #tpu.memory_space<hbm>> -> memref<128xi32, #tpu.memory_space<hbm>>
        tpu.enqueue_dma source(%dma_start3A_278 : memref<128xi32, #tpu.memory_space<hbm>>) target(%dma_start3A_277 : memref<128xi32, #tpu.memory_space<vmem>>) target_semaphore(%arg12 : memref<!tpu.dma_semaphore, #tpu.memory_space<semaphore_mem>>)
        %dma_start3A_279 = arith.constant 1 : i32
        %dma_start3A_280 = arith.constant 0 : i32
        %dma_start3A_281 = tpu.memref_slice %arg8[%dma_start3A_279, %dma_start3A_280] : memref<2x128xi32, #tpu.memory_space<vmem>> -> memref<1x128xi32, #tpu.memory_space<vmem>>
        %dma_start3A_282 = tpu.memref_squeeze %dma_start3A_281 : memref<1x128xi32, #tpu.memory_space<vmem>> -> memref<128xi32, #tpu.memory_space<vmem>>
        %dma_start3A_283 = tpu.memref_slice %arg3[%mul3A_269] : memref<319488xi32, #tpu.memory_space<hbm>> -> memref<128xi32, #tpu.memory_space<hbm>>
        %dma_start3A_284 = arith.constant 0 : i32
        %dma_start3A_285 = tpu.memref_slice %arg8[%dma_start3A_279, %dma_start3A_284] : memref<2x128xi32, #tpu.memory_space<vmem>> -> memref<1x128xi32, #tpu.memory_space<vmem>>
        %dma_start3A_286 = tpu.memref_squeeze %dma_start3A_285 : memref<1x128xi32, #tpu.memory_space<vmem>> -> memref<128xi32, #tpu.memory_space<vmem>>
        %dma_start3A_287 = tpu.memref_slice %arg3[%mul3A_269] : memref<319488xi32, #tpu.memory_space<hbm>> -> memref<128xi32, #tpu.memory_space<hbm>>
        tpu.enqueue_dma source(%dma_start3A_287 : memref<128xi32, #tpu.memory_space<hbm>>) target(%dma_start3A_286 : memref<128xi32, #tpu.memory_space<vmem>>) target_semaphore(%arg12 : memref<!tpu.dma_semaphore, #tpu.memory_space<semaphore_mem>>)
      } else {
      }
      %add3A_85 = arith.addi %mul3A_2, %add3A_76 : i32
      %mul3A_86 = arith.constant 128 : i32
      %mul3A_87 = arith.muli %add3A_85, %mul3A_86 : i32
      %dma_wait3A_88 = arith.constant 0 : i32
      %dma_wait3A_89 = arith.constant 0 : i32
      %dma_wait3A_90 = tpu.memref_slice %arg7[%dma_wait3A_88, %dma_wait3A_89] : memref<2x128xi32, #tpu.memory_space<vmem>> -> memref<1x128xi32, #tpu.memory_space<vmem>>
      %dma_wait3A_91 = tpu.memref_squeeze %dma_wait3A_90 : memref<1x128xi32, #tpu.memory_space<vmem>> -> memref<128xi32, #tpu.memory_space<vmem>>
      %dma_wait3A_92 = tpu.memref_slice %arg2[%mul3A_87] : memref<319488xi32, #tpu.memory_space<hbm>> -> memref<128xi32, #tpu.memory_space<hbm>>
      %dma_wait3A_93 = arith.constant 0 : i32
      %dma_wait3A_94 = tpu.memref_slice %arg7[%dma_wait3A_88, %dma_wait3A_93] : memref<2x128xi32, #tpu.memory_space<vmem>> -> memref<1x128xi32, #tpu.memory_space<vmem>>
      %dma_wait3A_95 = tpu.memref_squeeze %dma_wait3A_94 : memref<1x128xi32, #tpu.memory_space<vmem>> -> memref<128xi32, #tpu.memory_space<vmem>>
      %dma_wait3A_96 = tpu.memref_slice %arg2[%mul3A_87] : memref<319488xi32, #tpu.memory_space<hbm>> -> memref<128xi32, #tpu.memory_space<hbm>>
      tpu.wait_dma2 semaphore(%arg11 : memref<!tpu.dma_semaphore, #tpu.memory_space<semaphore_mem>>) src(%dma_wait3A_96 : memref<128xi32, #tpu.memory_space<hbm>>) dst(%dma_wait3A_95 : memref<128xi32, #tpu.memory_space<vmem>>)
      %dma_wait3A_97 = arith.constant 0 : i32
      %dma_wait3A_98 = arith.constant 0 : i32
      %dma_wait3A_99 = tpu.memref_slice %arg8[%dma_wait3A_97, %dma_wait3A_98] : memref<2x128xi32, #tpu.memory_space<vmem>> -> memref<1x128xi32, #tpu.memory_space<vmem>>
      %dma_wait3A_100 = tpu.memref_squeeze %dma_wait3A_99 : memref<1x128xi32, #tpu.memory_space<vmem>> -> memref<128xi32, #tpu.memory_space<vmem>>
      %dma_wait3A_101 = tpu.memref_slice %arg3[%mul3A_87] : memref<319488xi32, #tpu.memory_space<hbm>> -> memref<128xi32, #tpu.memory_space<hbm>>
      %dma_wait3A_102 = arith.constant 0 : i32
      %dma_wait3A_103 = tpu.memref_slice %arg8[%dma_wait3A_97, %dma_wait3A_102] : memref<2x128xi32, #tpu.memory_space<vmem>> -> memref<1x128xi32, #tpu.memory_space<vmem>>
      %dma_wait3A_104 = tpu.memref_squeeze %dma_wait3A_103 : memref<1x128xi32, #tpu.memory_space<vmem>> -> memref<128xi32, #tpu.memory_space<vmem>>
      %dma_wait3A_105 = tpu.memref_slice %arg3[%mul3A_87] : memref<319488xi32, #tpu.memory_space<hbm>> -> memref<128xi32, #tpu.memory_space<hbm>>
      tpu.wait_dma2 semaphore(%arg11 : memref<!tpu.dma_semaphore, #tpu.memory_space<semaphore_mem>>) src(%dma_wait3A_105 : memref<128xi32, #tpu.memory_space<hbm>>) dst(%dma_wait3A_104 : memref<128xi32, #tpu.memory_space<vmem>>)
      %dma_start3A_106 = arith.constant 0 : i32
      %dma_start3A_107 = arith.constant 0 : i32
      %dma_start3A_108 = arith.constant 0 : i32
      %dma_start3A_109 = tpu.memref_slice %arg9[%dma_start3A_107, %dma_start3A_108] : memref<2x128xi32, #tpu.memory_space<vmem>> -> memref<1x128xi32, #tpu.memory_space<vmem>>
      %dma_start3A_110 = tpu.memref_squeeze %dma_start3A_109 : memref<1x128xi32, #tpu.memory_space<vmem>> -> memref<128xi32, #tpu.memory_space<vmem>>
      %dma_start3A_111 = arith.constant 0 : i32
      %dma_start3A_112 = tpu.memref_slice %arg7[%dma_start3A_106, %dma_start3A_111] : memref<2x128xi32, #tpu.memory_space<vmem>> -> memref<1x128xi32, #tpu.memory_space<vmem>>
      %dma_start3A_113 = tpu.memref_squeeze %dma_start3A_112 : memref<1x128xi32, #tpu.memory_space<vmem>> -> memref<128xi32, #tpu.memory_space<vmem>>
      %dma_start3A_114 = arith.constant 0 : i32
      %dma_start3A_115 = tpu.memref_slice %arg4[%dma_start3A_114] : memref<9904xi32, #tpu.memory_space<hbm>> -> memref<9904xi32, #tpu.memory_space<hbm>>
      tpu.enqueue_indirect_dma source(%dma_start3A_115 : memref<9904xi32, #tpu.memory_space<hbm>>) target(%dma_start3A_110 : memref<128xi32, #tpu.memory_space<vmem>>) offsets(%dma_start3A_113 : memref<128xi32, #tpu.memory_space<vmem>>) semaphore(%arg13 : memref<!tpu.dma_semaphore, #tpu.memory_space<semaphore_mem>>)
      %dma_start3A_116 = arith.constant 0 : i32
      %dma_start3A_117 = arith.constant 0 : i32
      %dma_start3A_118 = arith.constant 0 : i32
      %dma_start3A_119 = tpu.memref_slice %arg10[%dma_start3A_117, %dma_start3A_118] : memref<2x128xi32, #tpu.memory_space<vmem>> -> memref<1x128xi32, #tpu.memory_space<vmem>>
      %dma_start3A_120 = tpu.memref_squeeze %dma_start3A_119 : memref<1x128xi32, #tpu.memory_space<vmem>> -> memref<128xi32, #tpu.memory_space<vmem>>
      %dma_start3A_121 = arith.constant 0 : i32
      %dma_start3A_122 = tpu.memref_slice %arg8[%dma_start3A_116, %dma_start3A_121] : memref<2x128xi32, #tpu.memory_space<vmem>> -> memref<1x128xi32, #tpu.memory_space<vmem>>
      %dma_start3A_123 = tpu.memref_squeeze %dma_start3A_122 : memref<1x128xi32, #tpu.memory_space<vmem>> -> memref<128xi32, #tpu.memory_space<vmem>>
      %dma_start3A_124 = arith.constant 0 : i32
      %dma_start3A_125 = tpu.memref_slice %arg4[%dma_start3A_124] : memref<9904xi32, #tpu.memory_space<hbm>> -> memref<9904xi32, #tpu.memory_space<hbm>>
      tpu.enqueue_indirect_dma source(%dma_start3A_125 : memref<9904xi32, #tpu.memory_space<hbm>>) target(%dma_start3A_120 : memref<128xi32, #tpu.memory_space<vmem>>) offsets(%dma_start3A_123 : memref<128xi32, #tpu.memory_space<vmem>>) semaphore(%arg13 : memref<!tpu.dma_semaphore, #tpu.memory_space<semaphore_mem>>)
      %dma_wait3A_126 = arith.constant 0 : i32
      %dma_wait3A_127 = arith.constant 0 : i32
      %dma_wait3A_128 = arith.constant 0 : i32
      %dma_wait3A_129 = tpu.memref_slice %arg9[%dma_wait3A_127, %dma_wait3A_128] : memref<2x128xi32, #tpu.memory_space<vmem>> -> memref<1x128xi32, #tpu.memory_space<vmem>>
      %dma_wait3A_130 = tpu.memref_squeeze %dma_wait3A_129 : memref<1x128xi32, #tpu.memory_space<vmem>> -> memref<128xi32, #tpu.memory_space<vmem>>
      %dma_wait3A_131 = arith.constant 0 : i32
      %dma_wait3A_132 = tpu.memref_slice %arg7[%dma_wait3A_126, %dma_wait3A_131] : memref<2x128xi32, #tpu.memory_space<vmem>> -> memref<1x128xi32, #tpu.memory_space<vmem>>
      %dma_wait3A_133 = tpu.memref_squeeze %dma_wait3A_132 : memref<1x128xi32, #tpu.memory_space<vmem>> -> memref<128xi32, #tpu.memory_space<vmem>>
      %dma_wait3A_134 = arith.constant 0 : i32
      %dma_wait3A_135 = tpu.memref_slice %arg4[%dma_wait3A_134] : memref<9904xi32, #tpu.memory_space<hbm>> -> memref<9904xi32, #tpu.memory_space<hbm>>
      tpu.wait_indirect_dma semaphore(%arg13 : memref<!tpu.dma_semaphore, #tpu.memory_space<semaphore_mem>>) src(%dma_wait3A_135 : memref<9904xi32, #tpu.memory_space<hbm>>) dst(%dma_wait3A_130 : memref<128xi32, #tpu.memory_space<vmem>>)
      %dma_wait3A_136 = arith.constant 0 : i32
      %dma_wait3A_137 = arith.constant 0 : i32
      %dma_wait3A_138 = arith.constant 0 : i32
      %dma_wait3A_139 = tpu.memref_slice %arg10[%dma_wait3A_137, %dma_wait3A_138] : memref<2x128xi32, #tpu.memory_space<vmem>> -> memref<1x128xi32, #tpu.memory_space<vmem>>
      %dma_wait3A_140 = tpu.memref_squeeze %dma_wait3A_139 : memref<1x128xi32, #tpu.memory_space<vmem>> -> memref<128xi32, #tpu.memory_space<vmem>>
      %dma_wait3A_141 = arith.constant 0 : i32
      %dma_wait3A_142 = tpu.memref_slice %arg8[%dma_wait3A_136, %dma_wait3A_141] : memref<2x128xi32, #tpu.memory_space<vmem>> -> memref<1x128xi32, #tpu.memory_space<vmem>>
      %dma_wait3A_143 = tpu.memref_squeeze %dma_wait3A_142 : memref<1x128xi32, #tpu.memory_space<vmem>> -> memref<128xi32, #tpu.memory_space<vmem>>
      %dma_wait3A_144 = arith.constant 0 : i32
      %dma_wait3A_145 = tpu.memref_slice %arg4[%dma_wait3A_144] : memref<9904xi32, #tpu.memory_space<hbm>> -> memref<9904xi32, #tpu.memory_space<hbm>>
      tpu.wait_indirect_dma semaphore(%arg13 : memref<!tpu.dma_semaphore, #tpu.memory_space<semaphore_mem>>) src(%dma_wait3A_145 : memref<9904xi32, #tpu.memory_space<hbm>>) dst(%dma_wait3A_140 : memref<128xi32, #tpu.memory_space<vmem>>)
      %add3A_146 = arith.addi %mul3A_2, %add3A_76 : i32
      %mul3A_147 = arith.constant 128 : i32
      %mul3A_148 = arith.muli %add3A_146, %mul3A_147 : i32
      %dma_start3A_149 = arith.constant 0 : i32
      %dma_start3A_150 = arith.constant 0 : i32
      %dma_start3A_151 = tpu.memref_slice %arg9[%dma_start3A_149, %dma_start3A_150] : memref<2x128xi32, #tpu.memory_space<vmem>> -> memref<1x128xi32, #tpu.memory_space<vmem>>
      %dma_start3A_152 = tpu.memref_squeeze %dma_start3A_151 : memref<1x128xi32, #tpu.memory_space<vmem>> -> memref<128xi32, #tpu.memory_space<vmem>>
      %dma_start3A_153 = tpu.memref_slice %arg5[%mul3A_148] : memref<319488xi32, #tpu.memory_space<hbm>> -> memref<128xi32, #tpu.memory_space<hbm>>
      %dma_start3A_154 = tpu.memref_slice %arg5[%mul3A_148] : memref<319488xi32, #tpu.memory_space<hbm>> -> memref<128xi32, #tpu.memory_space<hbm>>
      %dma_start3A_155 = arith.constant 0 : i32
      %dma_start3A_156 = tpu.memref_slice %arg9[%dma_start3A_149, %dma_start3A_155] : memref<2x128xi32, #tpu.memory_space<vmem>> -> memref<1x128xi32, #tpu.memory_space<vmem>>
      %dma_start3A_157 = tpu.memref_squeeze %dma_start3A_156 : memref<1x128xi32, #tpu.memory_space<vmem>> -> memref<128xi32, #tpu.memory_space<vmem>>
      tpu.enqueue_dma source(%dma_start3A_157 : memref<128xi32, #tpu.memory_space<vmem>>) target(%dma_start3A_154 : memref<128xi32, #tpu.memory_space<hbm>>) target_semaphore(%arg14 : memref<!tpu.dma_semaphore, #tpu.memory_space<semaphore_mem>>)
      %dma_start3A_158 = arith.constant 0 : i32
      %dma_start3A_159 = arith.constant 0 : i32
      %dma_start3A_160 = tpu.memref_slice %arg10[%dma_start3A_158, %dma_start3A_159] : memref<2x128xi32, #tpu.memory_space<vmem>> -> memref<1x128xi32, #tpu.memory_space<vmem>>
      %dma_start3A_161 = tpu.memref_squeeze %dma_start3A_160 : memref<1x128xi32, #tpu.memory_space<vmem>> -> memref<128xi32, #tpu.memory_space<vmem>>
      %dma_start3A_162 = tpu.memref_slice %arg6[%mul3A_148] : memref<319488xi32, #tpu.memory_space<hbm>> -> memref<128xi32, #tpu.memory_space<hbm>>
      %dma_start3A_163 = tpu.memref_slice %arg6[%mul3A_148] : memref<319488xi32, #tpu.memory_space<hbm>> -> memref<128xi32, #tpu.memory_space<hbm>>
      %dma_start3A_164 = arith.constant 0 : i32
      %dma_start3A_165 = tpu.memref_slice %arg10[%dma_start3A_158, %dma_start3A_164] : memref<2x128xi32, #tpu.memory_space<vmem>> -> memref<1x128xi32, #tpu.memory_space<vmem>>
      %dma_start3A_166 = tpu.memref_squeeze %dma_start3A_165 : memref<1x128xi32, #tpu.memory_space<vmem>> -> memref<128xi32, #tpu.memory_space<vmem>>
      tpu.enqueue_dma source(%dma_start3A_166 : memref<128xi32, #tpu.memory_space<vmem>>) target(%dma_start3A_163 : memref<128xi32, #tpu.memory_space<hbm>>) target_semaphore(%arg14 : memref<!tpu.dma_semaphore, #tpu.memory_space<semaphore_mem>>)
      %mul3A_167 = arith.constant 2 : i32
      %mul3A_168 = arith.muli %mul3A_167, %scan3A_72 : i32
      %add3A_169 = arith.constant 1 : i32
      %add3A_170 = arith.addi %mul3A_168, %add3A_169 : i32
      %gt3A_171 = arith.constant 1 : i32
      %gt3A_172 = arith.cmpi sgt, %add3A_170, %gt3A_171 : i32
      %convert_element_type3A_173 = arith.extui %gt3A_172 : i1 to i32
      %cond3A_174 = arith.constant 0 : i32
      %cond3A_175 = arith.cmpi ne, %convert_element_type3A_173, %cond3A_174 : i32
      scf.if %cond3A_175 {
        %sub3A = arith.constant 2 : i32
        %sub3A_265 = arith.subi %add3A_170, %sub3A : i32
        %add3A_266 = arith.addi %mul3A_2, %sub3A_265 : i32
        %mul3A_267 = arith.constant 128 : i32
        %mul3A_268 = arith.muli %add3A_266, %mul3A_267 : i32
        %dma_wait3A_269 = arith.constant 1 : i32
        %dma_wait3A_270 = arith.constant 0 : i32
        %dma_wait3A_271 = tpu.memref_slice %arg9[%dma_wait3A_269, %dma_wait3A_270] : memref<2x128xi32, #tpu.memory_space<vmem>> -> memref<1x128xi32, #tpu.memory_space<vmem>>
        %dma_wait3A_272 = tpu.memref_squeeze %dma_wait3A_271 : memref<1x128xi32, #tpu.memory_space<vmem>> -> memref<128xi32, #tpu.memory_space<vmem>>
        %dma_wait3A_273 = tpu.memref_slice %arg5[%mul3A_268] : memref<319488xi32, #tpu.memory_space<hbm>> -> memref<128xi32, #tpu.memory_space<hbm>>
        %dma_wait3A_274 = tpu.memref_slice %arg5[%mul3A_268] : memref<319488xi32, #tpu.memory_space<hbm>> -> memref<128xi32, #tpu.memory_space<hbm>>
        %dma_wait3A_275 = arith.constant 0 : i32
        %dma_wait3A_276 = tpu.memref_slice %arg9[%dma_wait3A_269, %dma_wait3A_275] : memref<2x128xi32, #tpu.memory_space<vmem>> -> memref<1x128xi32, #tpu.memory_space<vmem>>
        %dma_wait3A_277 = tpu.memref_squeeze %dma_wait3A_276 : memref<1x128xi32, #tpu.memory_space<vmem>> -> memref<128xi32, #tpu.memory_space<vmem>>
        tpu.wait_dma2 semaphore(%arg15 : memref<!tpu.dma_semaphore, #tpu.memory_space<semaphore_mem>>) src(%dma_wait3A_277 : memref<128xi32, #tpu.memory_space<vmem>>) dst(%dma_wait3A_274 : memref<128xi32, #tpu.memory_space<hbm>>)
        %dma_wait3A_278 = arith.constant 1 : i32
        %dma_wait3A_279 = arith.constant 0 : i32
        %dma_wait3A_280 = tpu.memref_slice %arg10[%dma_wait3A_278, %dma_wait3A_279] : memref<2x128xi32, #tpu.memory_space<vmem>> -> memref<1x128xi32, #tpu.memory_space<vmem>>
        %dma_wait3A_281 = tpu.memref_squeeze %dma_wait3A_280 : memref<1x128xi32, #tpu.memory_space<vmem>> -> memref<128xi32, #tpu.memory_space<vmem>>
        %dma_wait3A_282 = tpu.memref_slice %arg6[%mul3A_268] : memref<319488xi32, #tpu.memory_space<hbm>> -> memref<128xi32, #tpu.memory_space<hbm>>
        %dma_wait3A_283 = tpu.memref_slice %arg6[%mul3A_268] : memref<319488xi32, #tpu.memory_space<hbm>> -> memref<128xi32, #tpu.memory_space<hbm>>
        %dma_wait3A_284 = arith.constant 0 : i32
        %dma_wait3A_285 = tpu.memref_slice %arg10[%dma_wait3A_278, %dma_wait3A_284] : memref<2x128xi32, #tpu.memory_space<vmem>> -> memref<1x128xi32, #tpu.memory_space<vmem>>
        %dma_wait3A_286 = tpu.memref_squeeze %dma_wait3A_285 : memref<1x128xi32, #tpu.memory_space<vmem>> -> memref<128xi32, #tpu.memory_space<vmem>>
        tpu.wait_dma2 semaphore(%arg15 : memref<!tpu.dma_semaphore, #tpu.memory_space<semaphore_mem>>) src(%dma_wait3A_286 : memref<128xi32, #tpu.memory_space<vmem>>) dst(%dma_wait3A_283 : memref<128xi32, #tpu.memory_space<hbm>>)
      } else {
      }
      %add3A_176 = arith.constant 1 : i32
      %add3A_177 = arith.addi %add3A_170, %add3A_176 : i32
      %lt3A_178 = arith.constant 78 : i32
      %lt3A_179 = arith.cmpi slt, %add3A_177, %lt3A_178 : i32
      %convert_element_type3A_180 = arith.extui %lt3A_179 : i1 to i32
      %cond3A_181 = arith.constant 0 : i32
      %cond3A_182 = arith.cmpi ne, %convert_element_type3A_180, %cond3A_181 : i32
      scf.if %cond3A_182 {
        %add3A_265 = arith.constant 1 : i32
        %add3A_266 = arith.addi %add3A_170, %add3A_265 : i32
        %add3A_267 = arith.addi %mul3A_2, %add3A_266 : i32
        %mul3A_268 = arith.constant 128 : i32
        %mul3A_269 = arith.muli %add3A_267, %mul3A_268 : i32
        %dma_start3A_270 = arith.constant 0 : i32
        %dma_start3A_271 = arith.constant 0 : i32
        %dma_start3A_272 = tpu.memref_slice %arg7[%dma_start3A_270, %dma_start3A_271] : memref<2x128xi32, #tpu.memory_space<vmem>> -> memref<1x128xi32, #tpu.memory_space<vmem>>
        %dma_start3A_273 = tpu.memref_squeeze %dma_start3A_272 : memref<1x128xi32, #tpu.memory_space<vmem>> -> memref<128xi32, #tpu.memory_space<vmem>>
        %dma_start3A_274 = tpu.memref_slice %arg2[%mul3A_269] : memref<319488xi32, #tpu.memory_space<hbm>> -> memref<128xi32, #tpu.memory_space<hbm>>
        %dma_start3A_275 = arith.constant 0 : i32
        %dma_start3A_276 = tpu.memref_slice %arg7[%dma_start3A_270, %dma_start3A_275] : memref<2x128xi32, #tpu.memory_space<vmem>> -> memref<1x128xi32, #tpu.memory_space<vmem>>
        %dma_start3A_277 = tpu.memref_squeeze %dma_start3A_276 : memref<1x128xi32, #tpu.memory_space<vmem>> -> memref<128xi32, #tpu.memory_space<vmem>>
        %dma_start3A_278 = tpu.memref_slice %arg2[%mul3A_269] : memref<319488xi32, #tpu.memory_space<hbm>> -> memref<128xi32, #tpu.memory_space<hbm>>
        tpu.enqueue_dma source(%dma_start3A_278 : memref<128xi32, #tpu.memory_space<hbm>>) target(%dma_start3A_277 : memref<128xi32, #tpu.memory_space<vmem>>) target_semaphore(%arg11 : memref<!tpu.dma_semaphore, #tpu.memory_space<semaphore_mem>>)
        %dma_start3A_279 = arith.constant 0 : i32
        %dma_start3A_280 = arith.constant 0 : i32
        %dma_start3A_281 = tpu.memref_slice %arg8[%dma_start3A_279, %dma_start3A_280] : memref<2x128xi32, #tpu.memory_space<vmem>> -> memref<1x128xi32, #tpu.memory_space<vmem>>
        %dma_start3A_282 = tpu.memref_squeeze %dma_start3A_281 : memref<1x128xi32, #tpu.memory_space<vmem>> -> memref<128xi32, #tpu.memory_space<vmem>>
        %dma_start3A_283 = tpu.memref_slice %arg3[%mul3A_269] : memref<319488xi32, #tpu.memory_space<hbm>> -> memref<128xi32, #tpu.memory_space<hbm>>
        %dma_start3A_284 = arith.constant 0 : i32
        %dma_start3A_285 = tpu.memref_slice %arg8[%dma_start3A_279, %dma_start3A_284] : memref<2x128xi32, #tpu.memory_space<vmem>> -> memref<1x128xi32, #tpu.memory_space<vmem>>
        %dma_start3A_286 = tpu.memref_squeeze %dma_start3A_285 : memref<1x128xi32, #tpu.memory_space<vmem>> -> memref<128xi32, #tpu.memory_space<vmem>>
        %dma_start3A_287 = tpu.memref_slice %arg3[%mul3A_269] : memref<319488xi32, #tpu.memory_space<hbm>> -> memref<128xi32, #tpu.memory_space<hbm>>
        tpu.enqueue_dma source(%dma_start3A_287 : memref<128xi32, #tpu.memory_space<hbm>>) target(%dma_start3A_286 : memref<128xi32, #tpu.memory_space<vmem>>) target_semaphore(%arg11 : memref<!tpu.dma_semaphore, #tpu.memory_space<semaphore_mem>>)
      } else {
      }
      %add3A_183 = arith.addi %mul3A_2, %add3A_170 : i32
      %mul3A_184 = arith.constant 128 : i32
      %mul3A_185 = arith.muli %add3A_183, %mul3A_184 : i32
      %dma_wait3A_186 = arith.constant 1 : i32
      %dma_wait3A_187 = arith.constant 0 : i32
      %dma_wait3A_188 = tpu.memref_slice %arg7[%dma_wait3A_186, %dma_wait3A_187] : memref<2x128xi32, #tpu.memory_space<vmem>> -> memref<1x128xi32, #tpu.memory_space<vmem>>
      %dma_wait3A_189 = tpu.memref_squeeze %dma_wait3A_188 : memref<1x128xi32, #tpu.memory_space<vmem>> -> memref<128xi32, #tpu.memory_space<vmem>>
      %dma_wait3A_190 = tpu.memref_slice %arg2[%mul3A_185] : memref<319488xi32, #tpu.memory_space<hbm>> -> memref<128xi32, #tpu.memory_space<hbm>>
      %dma_wait3A_191 = arith.constant 0 : i32
      %dma_wait3A_192 = tpu.memref_slice %arg7[%dma_wait3A_186, %dma_wait3A_191] : memref<2x128xi32, #tpu.memory_space<vmem>> -> memref<1x128xi32, #tpu.memory_space<vmem>>
      %dma_wait3A_193 = tpu.memref_squeeze %dma_wait3A_192 : memref<1x128xi32, #tpu.memory_space<vmem>> -> memref<128xi32, #tpu.memory_space<vmem>>
      %dma_wait3A_194 = tpu.memref_slice %arg2[%mul3A_185] : memref<319488xi32, #tpu.memory_space<hbm>> -> memref<128xi32, #tpu.memory_space<hbm>>
      tpu.wait_dma2 semaphore(%arg12 : memref<!tpu.dma_semaphore, #tpu.memory_space<semaphore_mem>>) src(%dma_wait3A_194 : memref<128xi32, #tpu.memory_space<hbm>>) dst(%dma_wait3A_193 : memref<128xi32, #tpu.memory_space<vmem>>)
      %dma_wait3A_195 = arith.constant 1 : i32
      %dma_wait3A_196 = arith.constant 0 : i32
      %dma_wait3A_197 = tpu.memref_slice %arg8[%dma_wait3A_195, %dma_wait3A_196] : memref<2x128xi32, #tpu.memory_space<vmem>> -> memref<1x128xi32, #tpu.memory_space<vmem>>
      %dma_wait3A_198 = tpu.memref_squeeze %dma_wait3A_197 : memref<1x128xi32, #tpu.memory_space<vmem>> -> memref<128xi32, #tpu.memory_space<vmem>>
      %dma_wait3A_199 = tpu.memref_slice %arg3[%mul3A_185] : memref<319488xi32, #tpu.memory_space<hbm>> -> memref<128xi32, #tpu.memory_space<hbm>>
      %dma_wait3A_200 = arith.constant 0 : i32
      %dma_wait3A_201 = tpu.memref_slice %arg8[%dma_wait3A_195, %dma_wait3A_200] : memref<2x128xi32, #tpu.memory_space<vmem>> -> memref<1x128xi32, #tpu.memory_space<vmem>>
      %dma_wait3A_202 = tpu.memref_squeeze %dma_wait3A_201 : memref<1x128xi32, #tpu.memory_space<vmem>> -> memref<128xi32, #tpu.memory_space<vmem>>
      %dma_wait3A_203 = tpu.memref_slice %arg3[%mul3A_185] : memref<319488xi32, #tpu.memory_space<hbm>> -> memref<128xi32, #tpu.memory_space<hbm>>
      tpu.wait_dma2 semaphore(%arg12 : memref<!tpu.dma_semaphore, #tpu.memory_space<semaphore_mem>>) src(%dma_wait3A_203 : memref<128xi32, #tpu.memory_space<hbm>>) dst(%dma_wait3A_202 : memref<128xi32, #tpu.memory_space<vmem>>)
      %dma_start3A_204 = arith.constant 1 : i32
      %dma_start3A_205 = arith.constant 1 : i32
      %dma_start3A_206 = arith.constant 0 : i32
      %dma_start3A_207 = tpu.memref_slice %arg9[%dma_start3A_205, %dma_start3A_206] : memref<2x128xi32, #tpu.memory_space<vmem>> -> memref<1x128xi32, #tpu.memory_space<vmem>>
      %dma_start3A_208 = tpu.memref_squeeze %dma_start3A_207 : memref<1x128xi32, #tpu.memory_space<vmem>> -> memref<128xi32, #tpu.memory_space<vmem>>
      %dma_start3A_209 = arith.constant 0 : i32
      %dma_start3A_210 = tpu.memref_slice %arg7[%dma_start3A_204, %dma_start3A_209] : memref<2x128xi32, #tpu.memory_space<vmem>> -> memref<1x128xi32, #tpu.memory_space<vmem>>
      %dma_start3A_211 = tpu.memref_squeeze %dma_start3A_210 : memref<1x128xi32, #tpu.memory_space<vmem>> -> memref<128xi32, #tpu.memory_space<vmem>>
      %dma_start3A_212 = arith.constant 0 : i32
      %dma_start3A_213 = tpu.memref_slice %arg4[%dma_start3A_212] : memref<9904xi32, #tpu.memory_space<hbm>> -> memref<9904xi32, #tpu.memory_space<hbm>>
      tpu.enqueue_indirect_dma source(%dma_start3A_213 : memref<9904xi32, #tpu.memory_space<hbm>>) target(%dma_start3A_208 : memref<128xi32, #tpu.memory_space<vmem>>) offsets(%dma_start3A_211 : memref<128xi32, #tpu.memory_space<vmem>>) semaphore(%arg13 : memref<!tpu.dma_semaphore, #tpu.memory_space<semaphore_mem>>)
      %dma_start3A_214 = arith.constant 1 : i32
      %dma_start3A_215 = arith.constant 1 : i32
      %dma_start3A_216 = arith.constant 0 : i32
      %dma_start3A_217 = tpu.memref_slice %arg10[%dma_start3A_215, %dma_start3A_216] : memref<2x128xi32, #tpu.memory_space<vmem>> -> memref<1x128xi32, #tpu.memory_space<vmem>>
      %dma_start3A_218 = tpu.memref_squeeze %dma_start3A_217 : memref<1x128xi32, #tpu.memory_space<vmem>> -> memref<128xi32, #tpu.memory_space<vmem>>
      %dma_start3A_219 = arith.constant 0 : i32
      %dma_start3A_220 = tpu.memref_slice %arg8[%dma_start3A_214, %dma_start3A_219] : memref<2x128xi32, #tpu.memory_space<vmem>> -> memref<1x128xi32, #tpu.memory_space<vmem>>
      %dma_start3A_221 = tpu.memref_squeeze %dma_start3A_220 : memref<1x128xi32, #tpu.memory_space<vmem>> -> memref<128xi32, #tpu.memory_space<vmem>>
      %dma_start3A_222 = arith.constant 0 : i32
      %dma_start3A_223 = tpu.memref_slice %arg4[%dma_start3A_222] : memref<9904xi32, #tpu.memory_space<hbm>> -> memref<9904xi32, #tpu.memory_space<hbm>>
      tpu.enqueue_indirect_dma source(%dma_start3A_223 : memref<9904xi32, #tpu.memory_space<hbm>>) target(%dma_start3A_218 : memref<128xi32, #tpu.memory_space<vmem>>) offsets(%dma_start3A_221 : memref<128xi32, #tpu.memory_space<vmem>>) semaphore(%arg13 : memref<!tpu.dma_semaphore, #tpu.memory_space<semaphore_mem>>)
      %dma_wait3A_224 = arith.constant 1 : i32
      %dma_wait3A_225 = arith.constant 1 : i32
      %dma_wait3A_226 = arith.constant 0 : i32
      %dma_wait3A_227 = tpu.memref_slice %arg9[%dma_wait3A_225, %dma_wait3A_226] : memref<2x128xi32, #tpu.memory_space<vmem>> -> memref<1x128xi32, #tpu.memory_space<vmem>>
      %dma_wait3A_228 = tpu.memref_squeeze %dma_wait3A_227 : memref<1x128xi32, #tpu.memory_space<vmem>> -> memref<128xi32, #tpu.memory_space<vmem>>
      %dma_wait3A_229 = arith.constant 0 : i32
      %dma_wait3A_230 = tpu.memref_slice %arg7[%dma_wait3A_224, %dma_wait3A_229] : memref<2x128xi32, #tpu.memory_space<vmem>> -> memref<1x128xi32, #tpu.memory_space<vmem>>
      %dma_wait3A_231 = tpu.memref_squeeze %dma_wait3A_230 : memref<1x128xi32, #tpu.memory_space<vmem>> -> memref<128xi32, #tpu.memory_space<vmem>>
      %dma_wait3A_232 = arith.constant 0 : i32
      %dma_wait3A_233 = tpu.memref_slice %arg4[%dma_wait3A_232] : memref<9904xi32, #tpu.memory_space<hbm>> -> memref<9904xi32, #tpu.memory_space<hbm>>
      tpu.wait_indirect_dma semaphore(%arg13 : memref<!tpu.dma_semaphore, #tpu.memory_space<semaphore_mem>>) src(%dma_wait3A_233 : memref<9904xi32, #tpu.memory_space<hbm>>) dst(%dma_wait3A_228 : memref<128xi32, #tpu.memory_space<vmem>>)
      %dma_wait3A_234 = arith.constant 1 : i32
      %dma_wait3A_235 = arith.constant 1 : i32
      %dma_wait3A_236 = arith.constant 0 : i32
      %dma_wait3A_237 = tpu.memref_slice %arg10[%dma_wait3A_235, %dma_wait3A_236] : memref<2x128xi32, #tpu.memory_space<vmem>> -> memref<1x128xi32, #tpu.memory_space<vmem>>
      %dma_wait3A_238 = tpu.memref_squeeze %dma_wait3A_237 : memref<1x128xi32, #tpu.memory_space<vmem>> -> memref<128xi32, #tpu.memory_space<vmem>>
      %dma_wait3A_239 = arith.constant 0 : i32
      %dma_wait3A_240 = tpu.memref_slice %arg8[%dma_wait3A_234, %dma_wait3A_239] : memref<2x128xi32, #tpu.memory_space<vmem>> -> memref<1x128xi32, #tpu.memory_space<vmem>>
      %dma_wait3A_241 = tpu.memref_squeeze %dma_wait3A_240 : memref<1x128xi32, #tpu.memory_space<vmem>> -> memref<128xi32, #tpu.memory_space<vmem>>
      %dma_wait3A_242 = arith.constant 0 : i32
      %dma_wait3A_243 = tpu.memref_slice %arg4[%dma_wait3A_242] : memref<9904xi32, #tpu.memory_space<hbm>> -> memref<9904xi32, #tpu.memory_space<hbm>>
      tpu.wait_indirect_dma semaphore(%arg13 : memref<!tpu.dma_semaphore, #tpu.memory_space<semaphore_mem>>) src(%dma_wait3A_243 : memref<9904xi32, #tpu.memory_space<hbm>>) dst(%dma_wait3A_238 : memref<128xi32, #tpu.memory_space<vmem>>)
      %add3A_244 = arith.addi %mul3A_2, %add3A_170 : i32
      %mul3A_245 = arith.constant 128 : i32
      %mul3A_246 = arith.muli %add3A_244, %mul3A_245 : i32
      %dma_start3A_247 = arith.constant 1 : i32
      %dma_start3A_248 = arith.constant 0 : i32
      %dma_start3A_249 = tpu.memref_slice %arg9[%dma_start3A_247, %dma_start3A_248] : memref<2x128xi32, #tpu.memory_space<vmem>> -> memref<1x128xi32, #tpu.memory_space<vmem>>
      %dma_start3A_250 = tpu.memref_squeeze %dma_start3A_249 : memref<1x128xi32, #tpu.memory_space<vmem>> -> memref<128xi32, #tpu.memory_space<vmem>>
      %dma_start3A_251 = tpu.memref_slice %arg5[%mul3A_246] : memref<319488xi32, #tpu.memory_space<hbm>> -> memref<128xi32, #tpu.memory_space<hbm>>
      %dma_start3A_252 = tpu.memref_slice %arg5[%mul3A_246] : memref<319488xi32, #tpu.memory_space<hbm>> -> memref<128xi32, #tpu.memory_space<hbm>>
      %dma_start3A_253 = arith.constant 0 : i32
      %dma_start3A_254 = tpu.memref_slice %arg9[%dma_start3A_247, %dma_start3A_253] : memref<2x128xi32, #tpu.memory_space<vmem>> -> memref<1x128xi32, #tpu.memory_space<vmem>>
      %dma_start3A_255 = tpu.memref_squeeze %dma_start3A_254 : memref<1x128xi32, #tpu.memory_space<vmem>> -> memref<128xi32, #tpu.memory_space<vmem>>
      tpu.enqueue_dma source(%dma_start3A_255 : memref<128xi32, #tpu.memory_space<vmem>>) target(%dma_start3A_252 : memref<128xi32, #tpu.memory_space<hbm>>) target_semaphore(%arg15 : memref<!tpu.dma_semaphore, #tpu.memory_space<semaphore_mem>>)
      %dma_start3A_256 = arith.constant 1 : i32
      %dma_start3A_257 = arith.constant 0 : i32
      %dma_start3A_258 = tpu.memref_slice %arg10[%dma_start3A_256, %dma_start3A_257] : memref<2x128xi32, #tpu.memory_space<vmem>> -> memref<1x128xi32, #tpu.memory_space<vmem>>
      %dma_start3A_259 = tpu.memref_squeeze %dma_start3A_258 : memref<1x128xi32, #tpu.memory_space<vmem>> -> memref<128xi32, #tpu.memory_space<vmem>>
      %dma_start3A_260 = tpu.memref_slice %arg6[%mul3A_246] : memref<319488xi32, #tpu.memory_space<hbm>> -> memref<128xi32, #tpu.memory_space<hbm>>
      %dma_start3A_261 = tpu.memref_slice %arg6[%mul3A_246] : memref<319488xi32, #tpu.memory_space<hbm>> -> memref<128xi32, #tpu.memory_space<hbm>>
      %dma_start3A_262 = arith.constant 0 : i32
      %dma_start3A_263 = tpu.memref_slice %arg10[%dma_start3A_256, %dma_start3A_262] : memref<2x128xi32, #tpu.memory_space<vmem>> -> memref<1x128xi32, #tpu.memory_space<vmem>>
      %dma_start3A_264 = tpu.memref_squeeze %dma_start3A_263 : memref<1x128xi32, #tpu.memory_space<vmem>> -> memref<128xi32, #tpu.memory_space<vmem>>
      tpu.enqueue_dma source(%dma_start3A_264 : memref<128xi32, #tpu.memory_space<vmem>>) target(%dma_start3A_261 : memref<128xi32, #tpu.memory_space<hbm>>) target_semaphore(%arg15 : memref<!tpu.dma_semaphore, #tpu.memory_space<semaphore_mem>>)
    }
    %scan3A_28 = arith.constant 39 : i32
    %add3A_29 = arith.constant 76 : i32
    %add3A_30 = arith.addi %mul3A_2, %add3A_29 : i32
    %mul3A_31 = arith.constant 128 : i32
    %mul3A_32 = arith.muli %add3A_30, %mul3A_31 : i32
    %dma_wait3A = arith.constant 0 : i32
    %dma_wait3A_33 = arith.constant 0 : i32
    %dma_wait3A_34 = tpu.memref_slice %arg9[%dma_wait3A, %dma_wait3A_33] : memref<2x128xi32, #tpu.memory_space<vmem>> -> memref<1x128xi32, #tpu.memory_space<vmem>>
    %dma_wait3A_35 = tpu.memref_squeeze %dma_wait3A_34 : memref<1x128xi32, #tpu.memory_space<vmem>> -> memref<128xi32, #tpu.memory_space<vmem>>
    %dma_wait3A_36 = tpu.memref_slice %arg5[%mul3A_32] : memref<319488xi32, #tpu.memory_space<hbm>> -> memref<128xi32, #tpu.memory_space<hbm>>
    %dma_wait3A_37 = tpu.memref_slice %arg5[%mul3A_32] : memref<319488xi32, #tpu.memory_space<hbm>> -> memref<128xi32, #tpu.memory_space<hbm>>
    %dma_wait3A_38 = arith.constant 0 : i32
    %dma_wait3A_39 = tpu.memref_slice %arg9[%dma_wait3A, %dma_wait3A_38] : memref<2x128xi32, #tpu.memory_space<vmem>> -> memref<1x128xi32, #tpu.memory_space<vmem>>
    %dma_wait3A_40 = tpu.memref_squeeze %dma_wait3A_39 : memref<1x128xi32, #tpu.memory_space<vmem>> -> memref<128xi32, #tpu.memory_space<vmem>>
    tpu.wait_dma2 semaphore(%arg14 : memref<!tpu.dma_semaphore, #tpu.memory_space<semaphore_mem>>) src(%dma_wait3A_40 : memref<128xi32, #tpu.memory_space<vmem>>) dst(%dma_wait3A_37 : memref<128xi32, #tpu.memory_space<hbm>>)
    %dma_wait3A_41 = arith.constant 0 : i32
    %dma_wait3A_42 = arith.constant 0 : i32
    %dma_wait3A_43 = tpu.memref_slice %arg10[%dma_wait3A_41, %dma_wait3A_42] : memref<2x128xi32, #tpu.memory_space<vmem>> -> memref<1x128xi32, #tpu.memory_space<vmem>>
    %dma_wait3A_44 = tpu.memref_squeeze %dma_wait3A_43 : memref<1x128xi32, #tpu.memory_space<vmem>> -> memref<128xi32, #tpu.memory_space<vmem>>
    %dma_wait3A_45 = tpu.memref_slice %arg6[%mul3A_32] : memref<319488xi32, #tpu.memory_space<hbm>> -> memref<128xi32, #tpu.memory_space<hbm>>
    %dma_wait3A_46 = tpu.memref_slice %arg6[%mul3A_32] : memref<319488xi32, #tpu.memory_space<hbm>> -> memref<128xi32, #tpu.memory_space<hbm>>
    %dma_wait3A_47 = arith.constant 0 : i32
    %dma_wait3A_48 = tpu.memref_slice %arg10[%dma_wait3A_41, %dma_wait3A_47] : memref<2x128xi32, #tpu.memory_space<vmem>> -> memref<1x128xi32, #tpu.memory_space<vmem>>
    %dma_wait3A_49 = tpu.memref_squeeze %dma_wait3A_48 : memref<1x128xi32, #tpu.memory_space<vmem>> -> memref<128xi32, #tpu.memory_space<vmem>>
    tpu.wait_dma2 semaphore(%arg14 : memref<!tpu.dma_semaphore, #tpu.memory_space<semaphore_mem>>) src(%dma_wait3A_49 : memref<128xi32, #tpu.memory_space<vmem>>) dst(%dma_wait3A_46 : memref<128xi32, #tpu.memory_space<hbm>>)
    %add3A_50 = arith.constant 77 : i32
    %add3A_51 = arith.addi %mul3A_2, %add3A_50 : i32
    %mul3A_52 = arith.constant 128 : i32
    %mul3A_53 = arith.muli %add3A_51, %mul3A_52 : i32
    %dma_wait3A_54 = arith.constant 1 : i32
    %dma_wait3A_55 = arith.constant 0 : i32
    %dma_wait3A_56 = tpu.memref_slice %arg9[%dma_wait3A_54, %dma_wait3A_55] : memref<2x128xi32, #tpu.memory_space<vmem>> -> memref<1x128xi32, #tpu.memory_space<vmem>>
    %dma_wait3A_57 = tpu.memref_squeeze %dma_wait3A_56 : memref<1x128xi32, #tpu.memory_space<vmem>> -> memref<128xi32, #tpu.memory_space<vmem>>
    %dma_wait3A_58 = tpu.memref_slice %arg5[%mul3A_53] : memref<319488xi32, #tpu.memory_space<hbm>> -> memref<128xi32, #tpu.memory_space<hbm>>
    %dma_wait3A_59 = tpu.memref_slice %arg5[%mul3A_53] : memref<319488xi32, #tpu.memory_space<hbm>> -> memref<128xi32, #tpu.memory_space<hbm>>
    %dma_wait3A_60 = arith.constant 0 : i32
    %dma_wait3A_61 = tpu.memref_slice %arg9[%dma_wait3A_54, %dma_wait3A_60] : memref<2x128xi32, #tpu.memory_space<vmem>> -> memref<1x128xi32, #tpu.memory_space<vmem>>
    %dma_wait3A_62 = tpu.memref_squeeze %dma_wait3A_61 : memref<1x128xi32, #tpu.memory_space<vmem>> -> memref<128xi32, #tpu.memory_space<vmem>>
    tpu.wait_dma2 semaphore(%arg15 : memref<!tpu.dma_semaphore, #tpu.memory_space<semaphore_mem>>) src(%dma_wait3A_62 : memref<128xi32, #tpu.memory_space<vmem>>) dst(%dma_wait3A_59 : memref<128xi32, #tpu.memory_space<hbm>>)
    %dma_wait3A_63 = arith.constant 1 : i32
    %dma_wait3A_64 = arith.constant 0 : i32
    %dma_wait3A_65 = tpu.memref_slice %arg10[%dma_wait3A_63, %dma_wait3A_64] : memref<2x128xi32, #tpu.memory_space<vmem>> -> memref<1x128xi32, #tpu.memory_space<vmem>>
    %dma_wait3A_66 = tpu.memref_squeeze %dma_wait3A_65 : memref<1x128xi32, #tpu.memory_space<vmem>> -> memref<128xi32, #tpu.memory_space<vmem>>
    %dma_wait3A_67 = tpu.memref_slice %arg6[%mul3A_53] : memref<319488xi32, #tpu.memory_space<hbm>> -> memref<128xi32, #tpu.memory_space<hbm>>
    %dma_wait3A_68 = tpu.memref_slice %arg6[%mul3A_53] : memref<319488xi32, #tpu.memory_space<hbm>> -> memref<128xi32, #tpu.memory_space<hbm>>
    %dma_wait3A_69 = arith.constant 0 : i32
    %dma_wait3A_70 = tpu.memref_slice %arg10[%dma_wait3A_63, %dma_wait3A_69] : memref<2x128xi32, #tpu.memory_space<vmem>> -> memref<1x128xi32, #tpu.memory_space<vmem>>
    %dma_wait3A_71 = tpu.memref_squeeze %dma_wait3A_70 : memref<1x128xi32, #tpu.memory_space<vmem>> -> memref<128xi32, #tpu.memory_space<vmem>>
    tpu.wait_dma2 semaphore(%arg15 : memref<!tpu.dma_semaphore, #tpu.memory_space<semaphore_mem>>) src(%dma_wait3A_71 : memref<128xi32, #tpu.memory_space<vmem>>) dst(%dma_wait3A_68 : memref<128xi32, #tpu.memory_space<hbm>>)
    return
  }
}

#map = affine_map<(d0, d1) -> (0, 0)>
#map1 = affine_map<(d0, d1) -> (0)>
#map2 = affine_map<(d0, d1) -> (0, 0, 0)>
module attributes {stable_mosaic.version = 14 : i64} {
  func.func @agg_kernel(%arg0: i32, %arg1: i32, %arg2: memref<9984x128xf32, #tpu.memory_space<hbm>>, %arg3: memref<319488xi32, #tpu.memory_space<hbm>>, %arg4: memref<319488xi32, #tpu.memory_space<hbm>>, %arg5: memref<2x9984x128xf32, #tpu.memory_space<hbm>>, %arg6: memref<3x128xi32, #tpu.memory_space<vmem>>, %arg7: memref<3x128xi32, #tpu.memory_space<vmem>>, %arg8: memref<3x128x128xf32, #tpu.memory_space<vmem>>, %arg9: memref<9984x128xf32, #tpu.memory_space<vmem_shared>>, %arg10: memref<!tpu.dma_semaphore, #tpu.memory_space<semaphore_mem>>, %arg11: memref<!tpu.dma_semaphore, #tpu.memory_space<semaphore_mem>>, %arg12: memref<!tpu.dma_semaphore, #tpu.memory_space<semaphore_mem>>, %arg13: memref<!tpu.dma_semaphore, #tpu.memory_space<semaphore_mem>>, %arg14: memref<!tpu.dma_semaphore, #tpu.memory_space<semaphore_mem>>, %arg15: memref<!tpu.dma_semaphore, #tpu.memory_space<semaphore_mem>>) attributes {dimension_semantics = [#tpu.dimension_semantics<core_parallel>, #tpu.dimension_semantics<subcore_parallel>], iteration_bounds = array<i64: 2, 16>, scalar_prefetch = 0 : i64, scratch_operands = 10 : i64, tpu.core_type = #tpu.core_type<sc_vector_subcore>, window_params = [{transform_indices = #map}, {transform_indices = #map1}, {transform_indices = #map1}, {transform_indices = #map2}]} {
    %eq3A = arith.constant 0 : i32
    %eq3A_0 = arith.cmpi eq, %arg0, %eq3A : i32
    %jit3A = arith.constant 104 : i32
    %jit3A_1 = arith.constant 52 : i32
    %select_n3A = arith.select %eq3A_0, %jit3A, %jit3A_1 : i32
    %eq3A_2 = arith.constant 0 : i32
    %eq3A_3 = arith.cmpi eq, %arg0, %eq3A_2 : i32
    %mul3A = arith.constant 104 : i32
    %mul3A_4 = arith.muli %arg1, %mul3A : i32
    %mul3A_5 = arith.constant 52 : i32
    %mul3A_6 = arith.muli %arg1, %mul3A_5 : i32
    %add3A = arith.constant 1664 : i32
    %add3A_7 = arith.addi %add3A, %mul3A_6 : i32
    %select_n3A_8 = arith.select %eq3A_3, %mul3A_4, %add3A_7 : i32
    %mul3A_9 = arith.constant 624 : i32
    %mul3A_10 = arith.muli %arg1, %mul3A_9 : i32
    %scan3A = arith.constant 0 : i32
    %scan3A_11 = arith.constant 0 : i32
    %scan3A_12 = arith.constant 1024 : i32
    %scan3A_13 = arith.addi %scan3A_11, %scan3A_12 : i32
    %scan3A_14 = arith.constant 1 : i32
    scf.for %scan3A_198 = %scan3A_11 to %scan3A_13 step %scan3A_14  : i32 {
      %jit3A_199 = arith.constant 8 : i32
      %div3A_200 = arith.divsi %scan3A_198, %jit3A_199 : i32
      %sign3A_201 = arith.constant 0 : i32
      %sign3A_202 = arith.cmpi sgt, %scan3A_198, %sign3A_201 : i32
      %sign3A_203 = arith.extui %sign3A_202 : i1 to i32
      %sign3A_204 = arith.constant 0 : i32
      %sign3A_205 = arith.cmpi slt, %scan3A_198, %sign3A_204 : i32
      %sign3A_206 = arith.extui %sign3A_205 : i1 to i32
      %sign3A_207 = arith.subi %sign3A_203, %sign3A_206 : i32
      %sign3A_208 = arith.constant 0 : i32
      %sign3A_209 = arith.cmpi sgt, %jit3A_199, %sign3A_208 : i32
      %sign3A_210 = arith.extui %sign3A_209 : i1 to i32
      %sign3A_211 = arith.constant 0 : i32
      %sign3A_212 = arith.cmpi slt, %jit3A_199, %sign3A_211 : i32
      %sign3A_213 = arith.extui %sign3A_212 : i1 to i32
      %sign3A_214 = arith.subi %sign3A_210, %sign3A_213 : i32
      %ne3A_215 = arith.cmpi ne, %sign3A_207, %sign3A_214 : i32
      %rem3A_216 = arith.remsi %scan3A_198, %jit3A_199 : i32
      %ne3A_217 = arith.constant 0 : i32
      %ne3A_218 = arith.cmpi ne, %rem3A_216, %ne3A_217 : i32
      %and3A_219 = arith.andi %ne3A_215, %ne3A_218 : i1
      %sub3A_220 = arith.constant 1 : i32
      %sub3A_221 = arith.subi %div3A_200, %sub3A_220 : i32
      %select_n3A_222 = arith.select %and3A_219, %sub3A_221, %div3A_200 : i32
      %mul3A_223 = arith.constant 8 : i32
      %mul3A_224 = arith.muli %select_n3A_222, %mul3A_223 : i32
      %sub3A_225 = arith.subi %scan3A_198, %mul3A_224 : i32
      %broadcast_in_dim3A = arith.constant 0.000000e+00 : f32
      %broadcast_in_dim3A_226 = vector.broadcast %broadcast_in_dim3A : f32 to vector<16xf32>
      %mul3A_227 = arith.constant 16 : i32
      %mul3A_228 = arith.muli %sub3A_225, %mul3A_227 : i32
      %swap3A = arith.constant 0 : i32
      %swap3A_229 = arith.index_cast %swap3A : i32 to index
      %swap3A_230 = arith.index_cast %select_n3A_222 : i32 to index
      %swap3A_231 = arith.index_cast %mul3A_228 : i32 to index
      %swap3A_232 = tpu.vector_load %arg8[%swap3A_229, %swap3A_230, %swap3A_231] {strides = array<i32>} : memref<3x128x128xf32, #tpu.memory_space<vmem>>, vector<1x1x16xf32>,
      %swap3A_233 = vector.shape_cast %swap3A_232 : vector<1x1x16xf32> to vector<16xf32>
      %swap3A_234 = vector.shape_cast %broadcast_in_dim3A_226 : vector<16xf32> to vector<1x1x16xf32>
      tpu.vector_store %arg8[%swap3A_229, %swap3A_230, %swap3A_231], %swap3A_234 {strides = array<i32>} : memref<3x128x128xf32, #tpu.memory_space<vmem>>, vector<1x1x16xf32>,
    }
    %scan3A_15 = arith.constant 1024 : i32
    %add3A_16 = arith.constant 0 : i32
    %add3A_17 = arith.addi %mul3A_10, %add3A_16 : i32
    %dma_start3A = arith.constant 0 : i32
    %dma_start3A_18 = arith.constant 0 : i32
    %dma_start3A_19 = arith.constant 0 : i32
    %dma_start3A_20 = tpu.memref_slice %arg8[%dma_start3A, %dma_start3A_18, %dma_start3A_19] : memref<3x128x128xf32, #tpu.memory_space<vmem>> -> memref<1x128x128xf32, #tpu.memory_space<vmem>>
    %dma_start3A_21 = tpu.memref_squeeze %dma_start3A_20 : memref<1x128x128xf32, #tpu.memory_space<vmem>> -> memref<128x128xf32, #tpu.memory_space<vmem>>
    %dma_start3A_22 = arith.constant 0 : i32
    %dma_start3A_23 = tpu.memref_slice %arg9[%add3A_17, %dma_start3A_22] : memref<9984x128xf32, #tpu.memory_space<vmem_shared>> -> memref<128x128xf32, #tpu.memory_space<vmem_shared>>
    %dma_start3A_24 = arith.constant 0 : i32
    %dma_start3A_25 = tpu.memref_slice %arg9[%add3A_17, %dma_start3A_24] : memref<9984x128xf32, #tpu.memory_space<vmem_shared>> -> memref<128x128xf32, #tpu.memory_space<vmem_shared>>
    %dma_start3A_26 = arith.constant 0 : i32
    %dma_start3A_27 = arith.constant 0 : i32
    %dma_start3A_28 = tpu.memref_slice %arg8[%dma_start3A, %dma_start3A_26, %dma_start3A_27] : memref<3x128x128xf32, #tpu.memory_space<vmem>> -> memref<1x128x128xf32, #tpu.memory_space<vmem>>
    %dma_start3A_29 = tpu.memref_squeeze %dma_start3A_28 : memref<1x128x128xf32, #tpu.memory_space<vmem>> -> memref<128x128xf32, #tpu.memory_space<vmem>>
    tpu.enqueue_dma source(%dma_start3A_29 : memref<128x128xf32, #tpu.memory_space<vmem>>) target(%dma_start3A_25 : memref<128x128xf32, #tpu.memory_space<vmem_shared>>) target_semaphore(%arg10 : memref<!tpu.dma_semaphore, #tpu.memory_space<semaphore_mem>>)
    %add3A_30 = arith.constant 128 : i32
    %add3A_31 = arith.addi %mul3A_10, %add3A_30 : i32
    %dma_start3A_32 = arith.constant 0 : i32
    %dma_start3A_33 = arith.constant 0 : i32
    %dma_start3A_34 = arith.constant 0 : i32
    %dma_start3A_35 = tpu.memref_slice %arg8[%dma_start3A_32, %dma_start3A_33, %dma_start3A_34] : memref<3x128x128xf32, #tpu.memory_space<vmem>> -> memref<1x128x128xf32, #tpu.memory_space<vmem>>
    %dma_start3A_36 = tpu.memref_squeeze %dma_start3A_35 : memref<1x128x128xf32, #tpu.memory_space<vmem>> -> memref<128x128xf32, #tpu.memory_space<vmem>>
    %dma_start3A_37 = arith.constant 0 : i32
    %dma_start3A_38 = tpu.memref_slice %arg9[%add3A_31, %dma_start3A_37] : memref<9984x128xf32, #tpu.memory_space<vmem_shared>> -> memref<128x128xf32, #tpu.memory_space<vmem_shared>>
    %dma_start3A_39 = arith.constant 0 : i32
    %dma_start3A_40 = tpu.memref_slice %arg9[%add3A_31, %dma_start3A_39] : memref<9984x128xf32, #tpu.memory_space<vmem_shared>> -> memref<128x128xf32, #tpu.memory_space<vmem_shared>>
    %dma_start3A_41 = arith.constant 0 : i32
    %dma_start3A_42 = arith.constant 0 : i32
    %dma_start3A_43 = tpu.memref_slice %arg8[%dma_start3A_32, %dma_start3A_41, %dma_start3A_42] : memref<3x128x128xf32, #tpu.memory_space<vmem>> -> memref<1x128x128xf32, #tpu.memory_space<vmem>>
    %dma_start3A_44 = tpu.memref_squeeze %dma_start3A_43 : memref<1x128x128xf32, #tpu.memory_space<vmem>> -> memref<128x128xf32, #tpu.memory_space<vmem>>
    tpu.enqueue_dma source(%dma_start3A_44 : memref<128x128xf32, #tpu.memory_space<vmem>>) target(%dma_start3A_40 : memref<128x128xf32, #tpu.memory_space<vmem_shared>>) target_semaphore(%arg10 : memref<!tpu.dma_semaphore, #tpu.memory_space<semaphore_mem>>)
    %add3A_45 = arith.constant 256 : i32
    %add3A_46 = arith.addi %mul3A_10, %add3A_45 : i32
    %dma_start3A_47 = arith.constant 0 : i32
    %dma_start3A_48 = arith.constant 0 : i32
    %dma_start3A_49 = arith.constant 0 : i32
    %dma_start3A_50 = tpu.memref_slice %arg8[%dma_start3A_47, %dma_start3A_48, %dma_start3A_49] : memref<3x128x128xf32, #tpu.memory_space<vmem>> -> memref<1x128x128xf32, #tpu.memory_space<vmem>>
    %dma_start3A_51 = tpu.memref_squeeze %dma_start3A_50 : memref<1x128x128xf32, #tpu.memory_space<vmem>> -> memref<128x128xf32, #tpu.memory_space<vmem>>
    %dma_start3A_52 = arith.constant 0 : i32
    %dma_start3A_53 = tpu.memref_slice %arg9[%add3A_46, %dma_start3A_52] : memref<9984x128xf32, #tpu.memory_space<vmem_shared>> -> memref<128x128xf32, #tpu.memory_space<vmem_shared>>
    %dma_start3A_54 = arith.constant 0 : i32
    %dma_start3A_55 = tpu.memref_slice %arg9[%add3A_46, %dma_start3A_54] : memref<9984x128xf32, #tpu.memory_space<vmem_shared>> -> memref<128x128xf32, #tpu.memory_space<vmem_shared>>
    %dma_start3A_56 = arith.constant 0 : i32
    %dma_start3A_57 = arith.constant 0 : i32
    %dma_start3A_58 = tpu.memref_slice %arg8[%dma_start3A_47, %dma_start3A_56, %dma_start3A_57] : memref<3x128x128xf32, #tpu.memory_space<vmem>> -> memref<1x128x128xf32, #tpu.memory_space<vmem>>
    %dma_start3A_59 = tpu.memref_squeeze %dma_start3A_58 : memref<1x128x128xf32, #tpu.memory_space<vmem>> -> memref<128x128xf32, #tpu.memory_space<vmem>>
    tpu.enqueue_dma source(%dma_start3A_59 : memref<128x128xf32, #tpu.memory_space<vmem>>) target(%dma_start3A_55 : memref<128x128xf32, #tpu.memory_space<vmem_shared>>) target_semaphore(%arg10 : memref<!tpu.dma_semaphore, #tpu.memory_space<semaphore_mem>>)
    %add3A_60 = arith.constant 384 : i32
    %add3A_61 = arith.addi %mul3A_10, %add3A_60 : i32
    %dma_start3A_62 = arith.constant 0 : i32
    %dma_start3A_63 = arith.constant 0 : i32
    %dma_start3A_64 = arith.constant 0 : i32
    %dma_start3A_65 = tpu.memref_slice %arg8[%dma_start3A_62, %dma_start3A_63, %dma_start3A_64] : memref<3x128x128xf32, #tpu.memory_space<vmem>> -> memref<1x128x128xf32, #tpu.memory_space<vmem>>
    %dma_start3A_66 = tpu.memref_squeeze %dma_start3A_65 : memref<1x128x128xf32, #tpu.memory_space<vmem>> -> memref<128x128xf32, #tpu.memory_space<vmem>>
    %dma_start3A_67 = arith.constant 0 : i32
    %dma_start3A_68 = tpu.memref_slice %arg9[%add3A_61, %dma_start3A_67] : memref<9984x128xf32, #tpu.memory_space<vmem_shared>> -> memref<128x128xf32, #tpu.memory_space<vmem_shared>>
    %dma_start3A_69 = arith.constant 0 : i32
    %dma_start3A_70 = tpu.memref_slice %arg9[%add3A_61, %dma_start3A_69] : memref<9984x128xf32, #tpu.memory_space<vmem_shared>> -> memref<128x128xf32, #tpu.memory_space<vmem_shared>>
    %dma_start3A_71 = arith.constant 0 : i32
    %dma_start3A_72 = arith.constant 0 : i32
    %dma_start3A_73 = tpu.memref_slice %arg8[%dma_start3A_62, %dma_start3A_71, %dma_start3A_72] : memref<3x128x128xf32, #tpu.memory_space<vmem>> -> memref<1x128x128xf32, #tpu.memory_space<vmem>>
    %dma_start3A_74 = tpu.memref_squeeze %dma_start3A_73 : memref<1x128x128xf32, #tpu.memory_space<vmem>> -> memref<128x128xf32, #tpu.memory_space<vmem>>
    tpu.enqueue_dma source(%dma_start3A_74 : memref<128x128xf32, #tpu.memory_space<vmem>>) target(%dma_start3A_70 : memref<128x128xf32, #tpu.memory_space<vmem_shared>>) target_semaphore(%arg10 : memref<!tpu.dma_semaphore, #tpu.memory_space<semaphore_mem>>)
    %add3A_75 = arith.constant 512 : i32
    %add3A_76 = arith.addi %mul3A_10, %add3A_75 : i32
    %dma_start3A_77 = arith.constant 0 : i32
    %dma_start3A_78 = arith.constant 0 : i32
    %dma_start3A_79 = arith.constant 0 : i32
    %dma_start3A_80 = tpu.memref_slice %arg8[%dma_start3A_77, %dma_start3A_78, %dma_start3A_79] : memref<3x128x128xf32, #tpu.memory_space<vmem>> -> memref<1x112x128xf32, #tpu.memory_space<vmem>>
    %dma_start3A_81 = tpu.memref_squeeze %dma_start3A_80 : memref<1x112x128xf32, #tpu.memory_space<vmem>> -> memref<112x128xf32, #tpu.memory_space<vmem>>
    %dma_start3A_82 = arith.constant 0 : i32
    %dma_start3A_83 = tpu.memref_slice %arg9[%add3A_76, %dma_start3A_82] : memref<9984x128xf32, #tpu.memory_space<vmem_shared>> -> memref<112x128xf32, #tpu.memory_space<vmem_shared>>
    %dma_start3A_84 = arith.constant 0 : i32
    %dma_start3A_85 = tpu.memref_slice %arg9[%add3A_76, %dma_start3A_84] : memref<9984x128xf32, #tpu.memory_space<vmem_shared>> -> memref<112x128xf32, #tpu.memory_space<vmem_shared>>
    %dma_start3A_86 = arith.constant 0 : i32
    %dma_start3A_87 = arith.constant 0 : i32
    %dma_start3A_88 = tpu.memref_slice %arg8[%dma_start3A_77, %dma_start3A_86, %dma_start3A_87] : memref<3x128x128xf32, #tpu.memory_space<vmem>> -> memref<1x112x128xf32, #tpu.memory_space<vmem>>
    %dma_start3A_89 = tpu.memref_squeeze %dma_start3A_88 : memref<1x112x128xf32, #tpu.memory_space<vmem>> -> memref<112x128xf32, #tpu.memory_space<vmem>>
    tpu.enqueue_dma source(%dma_start3A_89 : memref<112x128xf32, #tpu.memory_space<vmem>>) target(%dma_start3A_85 : memref<112x128xf32, #tpu.memory_space<vmem_shared>>) target_semaphore(%arg10 : memref<!tpu.dma_semaphore, #tpu.memory_space<semaphore_mem>>)
    %add3A_90 = arith.constant 0 : i32
    %add3A_91 = arith.addi %mul3A_10, %add3A_90 : i32
    %dma_wait3A = arith.constant 0 : i32
    %dma_wait3A_92 = arith.constant 0 : i32
    %dma_wait3A_93 = arith.constant 0 : i32
    %dma_wait3A_94 = tpu.memref_slice %arg8[%dma_wait3A, %dma_wait3A_92, %dma_wait3A_93] : memref<3x128x128xf32, #tpu.memory_space<vmem>> -> memref<1x128x128xf32, #tpu.memory_space<vmem>>
    %dma_wait3A_95 = tpu.memref_squeeze %dma_wait3A_94 : memref<1x128x128xf32, #tpu.memory_space<vmem>> -> memref<128x128xf32, #tpu.memory_space<vmem>>
    %dma_wait3A_96 = arith.constant 0 : i32
    %dma_wait3A_97 = tpu.memref_slice %arg9[%add3A_91, %dma_wait3A_96] : memref<9984x128xf32, #tpu.memory_space<vmem_shared>> -> memref<128x128xf32, #tpu.memory_space<vmem_shared>>
    %dma_wait3A_98 = arith.constant 0 : i32
    %dma_wait3A_99 = tpu.memref_slice %arg9[%add3A_91, %dma_wait3A_98] : memref<9984x128xf32, #tpu.memory_space<vmem_shared>> -> memref<128x128xf32, #tpu.memory_space<vmem_shared>>
    %dma_wait3A_100 = arith.constant 0 : i32
    %dma_wait3A_101 = arith.constant 0 : i32
    %dma_wait3A_102 = tpu.memref_slice %arg8[%dma_wait3A, %dma_wait3A_100, %dma_wait3A_101] : memref<3x128x128xf32, #tpu.memory_space<vmem>> -> memref<1x128x128xf32, #tpu.memory_space<vmem>>
    %dma_wait3A_103 = tpu.memref_squeeze %dma_wait3A_102 : memref<1x128x128xf32, #tpu.memory_space<vmem>> -> memref<128x128xf32, #tpu.memory_space<vmem>>
    tpu.wait_dma2 semaphore(%arg10 : memref<!tpu.dma_semaphore, #tpu.memory_space<semaphore_mem>>) src(%dma_wait3A_103 : memref<128x128xf32, #tpu.memory_space<vmem>>) dst(%dma_wait3A_99 : memref<128x128xf32, #tpu.memory_space<vmem_shared>>)
    %add3A_104 = arith.constant 128 : i32
    %add3A_105 = arith.addi %mul3A_10, %add3A_104 : i32
    %dma_wait3A_106 = arith.constant 0 : i32
    %dma_wait3A_107 = arith.constant 0 : i32
    %dma_wait3A_108 = arith.constant 0 : i32
    %dma_wait3A_109 = tpu.memref_slice %arg8[%dma_wait3A_106, %dma_wait3A_107, %dma_wait3A_108] : memref<3x128x128xf32, #tpu.memory_space<vmem>> -> memref<1x128x128xf32, #tpu.memory_space<vmem>>
    %dma_wait3A_110 = tpu.memref_squeeze %dma_wait3A_109 : memref<1x128x128xf32, #tpu.memory_space<vmem>> -> memref<128x128xf32, #tpu.memory_space<vmem>>
    %dma_wait3A_111 = arith.constant 0 : i32
    %dma_wait3A_112 = tpu.memref_slice %arg9[%add3A_105, %dma_wait3A_111] : memref<9984x128xf32, #tpu.memory_space<vmem_shared>> -> memref<128x128xf32, #tpu.memory_space<vmem_shared>>
    %dma_wait3A_113 = arith.constant 0 : i32
    %dma_wait3A_114 = tpu.memref_slice %arg9[%add3A_105, %dma_wait3A_113] : memref<9984x128xf32, #tpu.memory_space<vmem_shared>> -> memref<128x128xf32, #tpu.memory_space<vmem_shared>>
    %dma_wait3A_115 = arith.constant 0 : i32
    %dma_wait3A_116 = arith.constant 0 : i32
    %dma_wait3A_117 = tpu.memref_slice %arg8[%dma_wait3A_106, %dma_wait3A_115, %dma_wait3A_116] : memref<3x128x128xf32, #tpu.memory_space<vmem>> -> memref<1x128x128xf32, #tpu.memory_space<vmem>>
    %dma_wait3A_118 = tpu.memref_squeeze %dma_wait3A_117 : memref<1x128x128xf32, #tpu.memory_space<vmem>> -> memref<128x128xf32, #tpu.memory_space<vmem>>
    tpu.wait_dma2 semaphore(%arg10 : memref<!tpu.dma_semaphore, #tpu.memory_space<semaphore_mem>>) src(%dma_wait3A_118 : memref<128x128xf32, #tpu.memory_space<vmem>>) dst(%dma_wait3A_114 : memref<128x128xf32, #tpu.memory_space<vmem_shared>>)
    %add3A_119 = arith.constant 256 : i32
    %add3A_120 = arith.addi %mul3A_10, %add3A_119 : i32
    %dma_wait3A_121 = arith.constant 0 : i32
    %dma_wait3A_122 = arith.constant 0 : i32
    %dma_wait3A_123 = arith.constant 0 : i32
    %dma_wait3A_124 = tpu.memref_slice %arg8[%dma_wait3A_121, %dma_wait3A_122, %dma_wait3A_123] : memref<3x128x128xf32, #tpu.memory_space<vmem>> -> memref<1x128x128xf32, #tpu.memory_space<vmem>>
    %dma_wait3A_125 = tpu.memref_squeeze %dma_wait3A_124 : memref<1x128x128xf32, #tpu.memory_space<vmem>> -> memref<128x128xf32, #tpu.memory_space<vmem>>
    %dma_wait3A_126 = arith.constant 0 : i32
    %dma_wait3A_127 = tpu.memref_slice %arg9[%add3A_120, %dma_wait3A_126] : memref<9984x128xf32, #tpu.memory_space<vmem_shared>> -> memref<128x128xf32, #tpu.memory_space<vmem_shared>>
    %dma_wait3A_128 = arith.constant 0 : i32
    %dma_wait3A_129 = tpu.memref_slice %arg9[%add3A_120, %dma_wait3A_128] : memref<9984x128xf32, #tpu.memory_space<vmem_shared>> -> memref<128x128xf32, #tpu.memory_space<vmem_shared>>
    %dma_wait3A_130 = arith.constant 0 : i32
    %dma_wait3A_131 = arith.constant 0 : i32
    %dma_wait3A_132 = tpu.memref_slice %arg8[%dma_wait3A_121, %dma_wait3A_130, %dma_wait3A_131] : memref<3x128x128xf32, #tpu.memory_space<vmem>> -> memref<1x128x128xf32, #tpu.memory_space<vmem>>
    %dma_wait3A_133 = tpu.memref_squeeze %dma_wait3A_132 : memref<1x128x128xf32, #tpu.memory_space<vmem>> -> memref<128x128xf32, #tpu.memory_space<vmem>>
    tpu.wait_dma2 semaphore(%arg10 : memref<!tpu.dma_semaphore, #tpu.memory_space<semaphore_mem>>) src(%dma_wait3A_133 : memref<128x128xf32, #tpu.memory_space<vmem>>) dst(%dma_wait3A_129 : memref<128x128xf32, #tpu.memory_space<vmem_shared>>)
    %add3A_134 = arith.constant 384 : i32
    %add3A_135 = arith.addi %mul3A_10, %add3A_134 : i32
    %dma_wait3A_136 = arith.constant 0 : i32
    %dma_wait3A_137 = arith.constant 0 : i32
    %dma_wait3A_138 = arith.constant 0 : i32
    %dma_wait3A_139 = tpu.memref_slice %arg8[%dma_wait3A_136, %dma_wait3A_137, %dma_wait3A_138] : memref<3x128x128xf32, #tpu.memory_space<vmem>> -> memref<1x128x128xf32, #tpu.memory_space<vmem>>
    %dma_wait3A_140 = tpu.memref_squeeze %dma_wait3A_139 : memref<1x128x128xf32, #tpu.memory_space<vmem>> -> memref<128x128xf32, #tpu.memory_space<vmem>>
    %dma_wait3A_141 = arith.constant 0 : i32
    %dma_wait3A_142 = tpu.memref_slice %arg9[%add3A_135, %dma_wait3A_141] : memref<9984x128xf32, #tpu.memory_space<vmem_shared>> -> memref<128x128xf32, #tpu.memory_space<vmem_shared>>
    %dma_wait3A_143 = arith.constant 0 : i32
    %dma_wait3A_144 = tpu.memref_slice %arg9[%add3A_135, %dma_wait3A_143] : memref<9984x128xf32, #tpu.memory_space<vmem_shared>> -> memref<128x128xf32, #tpu.memory_space<vmem_shared>>
    %dma_wait3A_145 = arith.constant 0 : i32
    %dma_wait3A_146 = arith.constant 0 : i32
    %dma_wait3A_147 = tpu.memref_slice %arg8[%dma_wait3A_136, %dma_wait3A_145, %dma_wait3A_146] : memref<3x128x128xf32, #tpu.memory_space<vmem>> -> memref<1x128x128xf32, #tpu.memory_space<vmem>>
    %dma_wait3A_148 = tpu.memref_squeeze %dma_wait3A_147 : memref<1x128x128xf32, #tpu.memory_space<vmem>> -> memref<128x128xf32, #tpu.memory_space<vmem>>
    tpu.wait_dma2 semaphore(%arg10 : memref<!tpu.dma_semaphore, #tpu.memory_space<semaphore_mem>>) src(%dma_wait3A_148 : memref<128x128xf32, #tpu.memory_space<vmem>>) dst(%dma_wait3A_144 : memref<128x128xf32, #tpu.memory_space<vmem_shared>>)
    %add3A_149 = arith.constant 512 : i32
    %add3A_150 = arith.addi %mul3A_10, %add3A_149 : i32
    %dma_wait3A_151 = arith.constant 0 : i32
    %dma_wait3A_152 = arith.constant 0 : i32
    %dma_wait3A_153 = arith.constant 0 : i32
    %dma_wait3A_154 = tpu.memref_slice %arg8[%dma_wait3A_151, %dma_wait3A_152, %dma_wait3A_153] : memref<3x128x128xf32, #tpu.memory_space<vmem>> -> memref<1x112x128xf32, #tpu.memory_space<vmem>>
    %dma_wait3A_155 = tpu.memref_squeeze %dma_wait3A_154 : memref<1x112x128xf32, #tpu.memory_space<vmem>> -> memref<112x128xf32, #tpu.memory_space<vmem>>
    %dma_wait3A_156 = arith.constant 0 : i32
    %dma_wait3A_157 = tpu.memref_slice %arg9[%add3A_150, %dma_wait3A_156] : memref<9984x128xf32, #tpu.memory_space<vmem_shared>> -> memref<112x128xf32, #tpu.memory_space<vmem_shared>>
    %dma_wait3A_158 = arith.constant 0 : i32
    %dma_wait3A_159 = tpu.memref_slice %arg9[%add3A_150, %dma_wait3A_158] : memref<9984x128xf32, #tpu.memory_space<vmem_shared>> -> memref<112x128xf32, #tpu.memory_space<vmem_shared>>
    %dma_wait3A_160 = arith.constant 0 : i32
    %dma_wait3A_161 = arith.constant 0 : i32
    %dma_wait3A_162 = tpu.memref_slice %arg8[%dma_wait3A_151, %dma_wait3A_160, %dma_wait3A_161] : memref<3x128x128xf32, #tpu.memory_space<vmem>> -> memref<1x112x128xf32, #tpu.memory_space<vmem>>
    %dma_wait3A_163 = tpu.memref_squeeze %dma_wait3A_162 : memref<1x112x128xf32, #tpu.memory_space<vmem>> -> memref<112x128xf32, #tpu.memory_space<vmem>>
    tpu.wait_dma2 semaphore(%arg10 : memref<!tpu.dma_semaphore, #tpu.memory_space<semaphore_mem>>) src(%dma_wait3A_163 : memref<112x128xf32, #tpu.memory_space<vmem>>) dst(%dma_wait3A_159 : memref<112x128xf32, #tpu.memory_space<vmem_shared>>)
    %barrier3A = arith.constant 0 : index
    tpu.barrier barrier_id(%barrier3A)
    %ge3A = arith.constant 2 : i32
    %ge3A_164 = arith.cmpi sge, %select_n3A, %ge3A : i32
    %convert_element_type3A = arith.extui %ge3A_164 : i1 to i32
    %cond3A = arith.constant 0 : i32
    %cond3A_165 = arith.cmpi ne, %convert_element_type3A, %cond3A : i32
    scf.if %cond3A_165 {
      %add3A_198 = arith.constant 0 : i32
      %add3A_199 = arith.addi %select_n3A_8, %add3A_198 : i32
      %mul3A_200 = arith.constant 128 : i32
      %mul3A_201 = arith.muli %add3A_199, %mul3A_200 : i32
      %dma_start3A_202 = arith.constant 0 : i32
      %dma_start3A_203 = arith.constant 0 : i32
      %dma_start3A_204 = tpu.memref_slice %arg6[%dma_start3A_202, %dma_start3A_203] : memref<3x128xi32, #tpu.memory_space<vmem>> -> memref<1x128xi32, #tpu.memory_space<vmem>>
      %dma_start3A_205 = tpu.memref_squeeze %dma_start3A_204 : memref<1x128xi32, #tpu.memory_space<vmem>> -> memref<128xi32, #tpu.memory_space<vmem>>
      %dma_start3A_206 = tpu.memref_slice %arg3[%mul3A_201] : memref<319488xi32, #tpu.memory_space<hbm>> -> memref<128xi32, #tpu.memory_space<hbm>>
      %dma_start3A_207 = arith.constant 0 : i32
      %dma_start3A_208 = tpu.memref_slice %arg6[%dma_start3A_202, %dma_start3A_207] : memref<3x128xi32, #tpu.memory_space<vmem>> -> memref<1x128xi32, #tpu.memory_space<vmem>>
      %dma_start3A_209 = tpu.memref_squeeze %dma_start3A_208 : memref<1x128xi32, #tpu.memory_space<vmem>> -> memref<128xi32, #tpu.memory_space<vmem>>
      %dma_start3A_210 = tpu.memref_slice %arg3[%mul3A_201] : memref<319488xi32, #tpu.memory_space<hbm>> -> memref<128xi32, #tpu.memory_space<hbm>>
      tpu.enqueue_dma source(%dma_start3A_210 : memref<128xi32, #tpu.memory_space<hbm>>) target(%dma_start3A_209 : memref<128xi32, #tpu.memory_space<vmem>>) target_semaphore(%arg11 : memref<!tpu.dma_semaphore, #tpu.memory_space<semaphore_mem>>)
      %dma_start3A_211 = arith.constant 0 : i32
      %dma_start3A_212 = arith.constant 0 : i32
      %dma_start3A_213 = tpu.memref_slice %arg7[%dma_start3A_211, %dma_start3A_212] : memref<3x128xi32, #tpu.memory_space<vmem>> -> memref<1x128xi32, #tpu.memory_space<vmem>>
      %dma_start3A_214 = tpu.memref_squeeze %dma_start3A_213 : memref<1x128xi32, #tpu.memory_space<vmem>> -> memref<128xi32, #tpu.memory_space<vmem>>
      %dma_start3A_215 = tpu.memref_slice %arg4[%mul3A_201] : memref<319488xi32, #tpu.memory_space<hbm>> -> memref<128xi32, #tpu.memory_space<hbm>>
      %dma_start3A_216 = arith.constant 0 : i32
      %dma_start3A_217 = tpu.memref_slice %arg7[%dma_start3A_211, %dma_start3A_216] : memref<3x128xi32, #tpu.memory_space<vmem>> -> memref<1x128xi32, #tpu.memory_space<vmem>>
      %dma_start3A_218 = tpu.memref_squeeze %dma_start3A_217 : memref<1x128xi32, #tpu.memory_space<vmem>> -> memref<128xi32, #tpu.memory_space<vmem>>
      %dma_start3A_219 = tpu.memref_slice %arg4[%mul3A_201] : memref<319488xi32, #tpu.memory_space<hbm>> -> memref<128xi32, #tpu.memory_space<hbm>>
      tpu.enqueue_dma source(%dma_start3A_219 : memref<128xi32, #tpu.memory_space<hbm>>) target(%dma_start3A_218 : memref<128xi32, #tpu.memory_space<vmem>>) target_semaphore(%arg11 : memref<!tpu.dma_semaphore, #tpu.memory_space<semaphore_mem>>)
      %add3A_220 = arith.constant 1 : i32
      %add3A_221 = arith.addi %select_n3A_8, %add3A_220 : i32
      %mul3A_222 = arith.constant 128 : i32
      %mul3A_223 = arith.muli %add3A_221, %mul3A_222 : i32
      %dma_start3A_224 = arith.constant 1 : i32
      %dma_start3A_225 = arith.constant 0 : i32
      %dma_start3A_226 = tpu.memref_slice %arg6[%dma_start3A_224, %dma_start3A_225] : memref<3x128xi32, #tpu.memory_space<vmem>> -> memref<1x128xi32, #tpu.memory_space<vmem>>
      %dma_start3A_227 = tpu.memref_squeeze %dma_start3A_226 : memref<1x128xi32, #tpu.memory_space<vmem>> -> memref<128xi32, #tpu.memory_space<vmem>>
      %dma_start3A_228 = tpu.memref_slice %arg3[%mul3A_223] : memref<319488xi32, #tpu.memory_space<hbm>> -> memref<128xi32, #tpu.memory_space<hbm>>
      %dma_start3A_229 = arith.constant 0 : i32
      %dma_start3A_230 = tpu.memref_slice %arg6[%dma_start3A_224, %dma_start3A_229] : memref<3x128xi32, #tpu.memory_space<vmem>> -> memref<1x128xi32, #tpu.memory_space<vmem>>
      %dma_start3A_231 = tpu.memref_squeeze %dma_start3A_230 : memref<1x128xi32, #tpu.memory_space<vmem>> -> memref<128xi32, #tpu.memory_space<vmem>>
      %dma_start3A_232 = tpu.memref_slice %arg3[%mul3A_223] : memref<319488xi32, #tpu.memory_space<hbm>> -> memref<128xi32, #tpu.memory_space<hbm>>
      tpu.enqueue_dma source(%dma_start3A_232 : memref<128xi32, #tpu.memory_space<hbm>>) target(%dma_start3A_231 : memref<128xi32, #tpu.memory_space<vmem>>) target_semaphore(%arg12 : memref<!tpu.dma_semaphore, #tpu.memory_space<semaphore_mem>>)
      %dma_start3A_233 = arith.constant 1 : i32
      %dma_start3A_234 = arith.constant 0 : i32
      %dma_start3A_235 = tpu.memref_slice %arg7[%dma_start3A_233, %dma_start3A_234] : memref<3x128xi32, #tpu.memory_space<vmem>> -> memref<1x128xi32, #tpu.memory_space<vmem>>
      %dma_start3A_236 = tpu.memref_squeeze %dma_start3A_235 : memref<1x128xi32, #tpu.memory_space<vmem>> -> memref<128xi32, #tpu.memory_space<vmem>>
      %dma_start3A_237 = tpu.memref_slice %arg4[%mul3A_223] : memref<319488xi32, #tpu.memory_space<hbm>> -> memref<128xi32, #tpu.memory_space<hbm>>
      %dma_start3A_238 = arith.constant 0 : i32
      %dma_start3A_239 = tpu.memref_slice %arg7[%dma_start3A_233, %dma_start3A_238] : memref<3x128xi32, #tpu.memory_space<vmem>> -> memref<1x128xi32, #tpu.memory_space<vmem>>
      %dma_start3A_240 = tpu.memref_squeeze %dma_start3A_239 : memref<1x128xi32, #tpu.memory_space<vmem>> -> memref<128xi32, #tpu.memory_space<vmem>>
      %dma_start3A_241 = tpu.memref_slice %arg4[%mul3A_223] : memref<319488xi32, #tpu.memory_space<hbm>> -> memref<128xi32, #tpu.memory_space<hbm>>
      tpu.enqueue_dma source(%dma_start3A_241 : memref<128xi32, #tpu.memory_space<hbm>>) target(%dma_start3A_240 : memref<128xi32, #tpu.memory_space<vmem>>) target_semaphore(%arg12 : memref<!tpu.dma_semaphore, #tpu.memory_space<semaphore_mem>>)
      %add3A_242 = arith.constant 0 : i32
      %add3A_243 = arith.addi %select_n3A_8, %add3A_242 : i32
      %mul3A_244 = arith.constant 128 : i32
      %mul3A_245 = arith.muli %add3A_243, %mul3A_244 : i32
      %dma_wait3A_246 = arith.constant 0 : i32
      %dma_wait3A_247 = arith.constant 0 : i32
      %dma_wait3A_248 = tpu.memref_slice %arg6[%dma_wait3A_246, %dma_wait3A_247] : memref<3x128xi32, #tpu.memory_space<vmem>> -> memref<1x128xi32, #tpu.memory_space<vmem>>
      %dma_wait3A_249 = tpu.memref_squeeze %dma_wait3A_248 : memref<1x128xi32, #tpu.memory_space<vmem>> -> memref<128xi32, #tpu.memory_space<vmem>>
      %dma_wait3A_250 = tpu.memref_slice %arg3[%mul3A_245] : memref<319488xi32, #tpu.memory_space<hbm>> -> memref<128xi32, #tpu.memory_space<hbm>>
      %dma_wait3A_251 = arith.constant 0 : i32
      %dma_wait3A_252 = tpu.memref_slice %arg6[%dma_wait3A_246, %dma_wait3A_251] : memref<3x128xi32, #tpu.memory_space<vmem>> -> memref<1x128xi32, #tpu.memory_space<vmem>>
      %dma_wait3A_253 = tpu.memref_squeeze %dma_wait3A_252 : memref<1x128xi32, #tpu.memory_space<vmem>> -> memref<128xi32, #tpu.memory_space<vmem>>
      %dma_wait3A_254 = tpu.memref_slice %arg3[%mul3A_245] : memref<319488xi32, #tpu.memory_space<hbm>> -> memref<128xi32, #tpu.memory_space<hbm>>
      tpu.wait_dma2 semaphore(%arg11 : memref<!tpu.dma_semaphore, #tpu.memory_space<semaphore_mem>>) src(%dma_wait3A_254 : memref<128xi32, #tpu.memory_space<hbm>>) dst(%dma_wait3A_253 : memref<128xi32, #tpu.memory_space<vmem>>)
      %dma_wait3A_255 = arith.constant 0 : i32
      %dma_wait3A_256 = arith.constant 0 : i32
      %dma_wait3A_257 = tpu.memref_slice %arg7[%dma_wait3A_255, %dma_wait3A_256] : memref<3x128xi32, #tpu.memory_space<vmem>> -> memref<1x128xi32, #tpu.memory_space<vmem>>
      %dma_wait3A_258 = tpu.memref_squeeze %dma_wait3A_257 : memref<1x128xi32, #tpu.memory_space<vmem>> -> memref<128xi32, #tpu.memory_space<vmem>>
      %dma_wait3A_259 = tpu.memref_slice %arg4[%mul3A_245] : memref<319488xi32, #tpu.memory_space<hbm>> -> memref<128xi32, #tpu.memory_space<hbm>>
      %dma_wait3A_260 = arith.constant 0 : i32
      %dma_wait3A_261 = tpu.memref_slice %arg7[%dma_wait3A_255, %dma_wait3A_260] : memref<3x128xi32, #tpu.memory_space<vmem>> -> memref<1x128xi32, #tpu.memory_space<vmem>>
      %dma_wait3A_262 = tpu.memref_squeeze %dma_wait3A_261 : memref<1x128xi32, #tpu.memory_space<vmem>> -> memref<128xi32, #tpu.memory_space<vmem>>
      %dma_wait3A_263 = tpu.memref_slice %arg4[%mul3A_245] : memref<319488xi32, #tpu.memory_space<hbm>> -> memref<128xi32, #tpu.memory_space<hbm>>
      tpu.wait_dma2 semaphore(%arg11 : memref<!tpu.dma_semaphore, #tpu.memory_space<semaphore_mem>>) src(%dma_wait3A_263 : memref<128xi32, #tpu.memory_space<hbm>>) dst(%dma_wait3A_262 : memref<128xi32, #tpu.memory_space<vmem>>)
      %dma_start3A_264 = arith.constant 0 : i32
      %dma_start3A_265 = arith.constant 0 : i32
      %dma_start3A_266 = arith.constant 0 : i32
      %dma_start3A_267 = arith.constant 0 : i32
      %dma_start3A_268 = tpu.memref_slice %arg8[%dma_start3A_265, %dma_start3A_266, %dma_start3A_267] : memref<3x128x128xf32, #tpu.memory_space<vmem>> -> memref<1x128x128xf32, #tpu.memory_space<vmem>>
      %dma_start3A_269 = tpu.memref_squeeze %dma_start3A_268 : memref<1x128x128xf32, #tpu.memory_space<vmem>> -> memref<128x128xf32, #tpu.memory_space<vmem>>
      %dma_start3A_270 = arith.constant 0 : i32
      %dma_start3A_271 = tpu.memref_slice %arg6[%dma_start3A_264, %dma_start3A_270] : memref<3x128xi32, #tpu.memory_space<vmem>> -> memref<1x128xi32, #tpu.memory_space<vmem>>
      %dma_start3A_272 = tpu.memref_squeeze %dma_start3A_271 : memref<1x128xi32, #tpu.memory_space<vmem>> -> memref<128xi32, #tpu.memory_space<vmem>>
      %dma_start3A_273 = arith.constant 0 : i32
      %dma_start3A_274 = arith.constant 0 : i32
      %dma_start3A_275 = tpu.memref_slice %arg2[%dma_start3A_273, %dma_start3A_274] : memref<9984x128xf32, #tpu.memory_space<hbm>> -> memref<9984x128xf32, #tpu.memory_space<hbm>>
      tpu.enqueue_indirect_dma source(%dma_start3A_275 : memref<9984x128xf32, #tpu.memory_space<hbm>>) target(%dma_start3A_269 : memref<128x128xf32, #tpu.memory_space<vmem>>) offsets(%dma_start3A_272 : memref<128xi32, #tpu.memory_space<vmem>>) semaphore(%arg13 : memref<!tpu.dma_semaphore, #tpu.memory_space<semaphore_mem>>)
      %add3A_276 = arith.constant 1 : i32
      %add3A_277 = arith.addi %select_n3A_8, %add3A_276 : i32
      %mul3A_278 = arith.constant 128 : i32
      %mul3A_279 = arith.muli %add3A_277, %mul3A_278 : i32
      %dma_wait3A_280 = arith.constant 1 : i32
      %dma_wait3A_281 = arith.constant 0 : i32
      %dma_wait3A_282 = tpu.memref_slice %arg6[%dma_wait3A_280, %dma_wait3A_281] : memref<3x128xi32, #tpu.memory_space<vmem>> -> memref<1x128xi32, #tpu.memory_space<vmem>>
      %dma_wait3A_283 = tpu.memref_squeeze %dma_wait3A_282 : memref<1x128xi32, #tpu.memory_space<vmem>> -> memref<128xi32, #tpu.memory_space<vmem>>
      %dma_wait3A_284 = tpu.memref_slice %arg3[%mul3A_279] : memref<319488xi32, #tpu.memory_space<hbm>> -> memref<128xi32, #tpu.memory_space<hbm>>
      %dma_wait3A_285 = arith.constant 0 : i32
      %dma_wait3A_286 = tpu.memref_slice %arg6[%dma_wait3A_280, %dma_wait3A_285] : memref<3x128xi32, #tpu.memory_space<vmem>> -> memref<1x128xi32, #tpu.memory_space<vmem>>
      %dma_wait3A_287 = tpu.memref_squeeze %dma_wait3A_286 : memref<1x128xi32, #tpu.memory_space<vmem>> -> memref<128xi32, #tpu.memory_space<vmem>>
      %dma_wait3A_288 = tpu.memref_slice %arg3[%mul3A_279] : memref<319488xi32, #tpu.memory_space<hbm>> -> memref<128xi32, #tpu.memory_space<hbm>>
      tpu.wait_dma2 semaphore(%arg12 : memref<!tpu.dma_semaphore, #tpu.memory_space<semaphore_mem>>) src(%dma_wait3A_288 : memref<128xi32, #tpu.memory_space<hbm>>) dst(%dma_wait3A_287 : memref<128xi32, #tpu.memory_space<vmem>>)
      %dma_wait3A_289 = arith.constant 1 : i32
      %dma_wait3A_290 = arith.constant 0 : i32
      %dma_wait3A_291 = tpu.memref_slice %arg7[%dma_wait3A_289, %dma_wait3A_290] : memref<3x128xi32, #tpu.memory_space<vmem>> -> memref<1x128xi32, #tpu.memory_space<vmem>>
      %dma_wait3A_292 = tpu.memref_squeeze %dma_wait3A_291 : memref<1x128xi32, #tpu.memory_space<vmem>> -> memref<128xi32, #tpu.memory_space<vmem>>
      %dma_wait3A_293 = tpu.memref_slice %arg4[%mul3A_279] : memref<319488xi32, #tpu.memory_space<hbm>> -> memref<128xi32, #tpu.memory_space<hbm>>
      %dma_wait3A_294 = arith.constant 0 : i32
      %dma_wait3A_295 = tpu.memref_slice %arg7[%dma_wait3A_289, %dma_wait3A_294] : memref<3x128xi32, #tpu.memory_space<vmem>> -> memref<1x128xi32, #tpu.memory_space<vmem>>
      %dma_wait3A_296 = tpu.memref_squeeze %dma_wait3A_295 : memref<1x128xi32, #tpu.memory_space<vmem>> -> memref<128xi32, #tpu.memory_space<vmem>>
      %dma_wait3A_297 = tpu.memref_slice %arg4[%mul3A_279] : memref<319488xi32, #tpu.memory_space<hbm>> -> memref<128xi32, #tpu.memory_space<hbm>>
      tpu.wait_dma2 semaphore(%arg12 : memref<!tpu.dma_semaphore, #tpu.memory_space<semaphore_mem>>) src(%dma_wait3A_297 : memref<128xi32, #tpu.memory_space<hbm>>) dst(%dma_wait3A_296 : memref<128xi32, #tpu.memory_space<vmem>>)
      %dma_start3A_298 = arith.constant 1 : i32
      %dma_start3A_299 = arith.constant 1 : i32
      %dma_start3A_300 = arith.constant 0 : i32
      %dma_start3A_301 = arith.constant 0 : i32
      %dma_start3A_302 = tpu.memref_slice %arg8[%dma_start3A_299, %dma_start3A_300, %dma_start3A_301] : memref<3x128x128xf32, #tpu.memory_space<vmem>> -> memref<1x128x128xf32, #tpu.memory_space<vmem>>
      %dma_start3A_303 = tpu.memref_squeeze %dma_start3A_302 : memref<1x128x128xf32, #tpu.memory_space<vmem>> -> memref<128x128xf32, #tpu.memory_space<vmem>>
      %dma_start3A_304 = arith.constant 0 : i32
      %dma_start3A_305 = tpu.memref_slice %arg6[%dma_start3A_298, %dma_start3A_304] : memref<3x128xi32, #tpu.memory_space<vmem>> -> memref<1x128xi32, #tpu.memory_space<vmem>>
      %dma_start3A_306 = tpu.memref_squeeze %dma_start3A_305 : memref<1x128xi32, #tpu.memory_space<vmem>> -> memref<128xi32, #tpu.memory_space<vmem>>
      %dma_start3A_307 = arith.constant 0 : i32
      %dma_start3A_308 = arith.constant 0 : i32
      %dma_start3A_309 = tpu.memref_slice %arg2[%dma_start3A_307, %dma_start3A_308] : memref<9984x128xf32, #tpu.memory_space<hbm>> -> memref<9984x128xf32, #tpu.memory_space<hbm>>
      tpu.enqueue_indirect_dma source(%dma_start3A_309 : memref<9984x128xf32, #tpu.memory_space<hbm>>) target(%dma_start3A_303 : memref<128x128xf32, #tpu.memory_space<vmem>>) offsets(%dma_start3A_306 : memref<128xi32, #tpu.memory_space<vmem>>) semaphore(%arg14 : memref<!tpu.dma_semaphore, #tpu.memory_space<semaphore_mem>>)
    } else {
    }
    %jit3A_166 = arith.constant 2 : i32
    %div3A = arith.divsi %select_n3A, %jit3A_166 : i32
    %sign3A = arith.constant 0 : i32
    %sign3A_167 = arith.cmpi sgt, %select_n3A, %sign3A : i32
    %sign3A_168 = arith.extui %sign3A_167 : i1 to i32
    %sign3A_169 = arith.constant 0 : i32
    %sign3A_170 = arith.cmpi slt, %select_n3A, %sign3A_169 : i32
    %sign3A_171 = arith.extui %sign3A_170 : i1 to i32
    %sign3A_172 = arith.subi %sign3A_168, %sign3A_171 : i32
    %sign3A_173 = arith.constant 0 : i32
    %sign3A_174 = arith.cmpi sgt, %jit3A_166, %sign3A_173 : i32
    %sign3A_175 = arith.extui %sign3A_174 : i1 to i32
    %sign3A_176 = arith.constant 0 : i32
    %sign3A_177 = arith.cmpi slt, %jit3A_166, %sign3A_176 : i32
    %sign3A_178 = arith.extui %sign3A_177 : i1 to i32
    %sign3A_179 = arith.subi %sign3A_175, %sign3A_178 : i32
    %ne3A = arith.cmpi ne, %sign3A_172, %sign3A_179 : i32
    %rem3A = arith.remsi %select_n3A, %jit3A_166 : i32
    %ne3A_180 = arith.constant 0 : i32
    %ne3A_181 = arith.cmpi ne, %rem3A, %ne3A_180 : i32
    %and3A = arith.andi %ne3A, %ne3A_181 : i1
    %sub3A = arith.constant 1 : i32
    %sub3A_182 = arith.subi %div3A, %sub3A : i32
    %select_n3A_183 = arith.select %and3A, %sub3A_182, %div3A : i32
    %while3A = arith.constant 0 : i32
    %while3A_184 = arith.constant 0 : i32
    %while3A_185 = arith.subi %select_n3A_183, %while3A_184 : i32
    %while3A_186 = arith.addi %while3A_184, %while3A_185 : i32
    %while3A_187 = arith.constant 1 : i32
    %while3A_188 = arith.divsi %while3A_185, %while3A_187 : i32
    %while3A_189 = arith.muli %while3A_188, %while3A_187 : i32
    %while3A_190 = arith.addi %while3A_184, %while3A_189 : i32
    %while3A_191 = arith.constant 1 : i32
    scf.for %while3A_198 = %while3A_184 to %while3A_190 step %while3A_191  : i32 {
      %mul3A_199 = arith.constant 2 : i32
      %mul3A_200 = arith.muli %mul3A_199, %while3A_198 : i32
      %add3A_201 = arith.constant 0 : i32
      %add3A_202 = arith.addi %mul3A_200, %add3A_201 : i32
      %gt3A_203 = arith.constant 0 : i32
      %gt3A_204 = arith.cmpi sgt, %add3A_202, %gt3A_203 : i32
      %convert_element_type3A_205 = arith.extui %gt3A_204 : i1 to i32
      %cond3A_206 = arith.constant 0 : i32
      %cond3A_207 = arith.cmpi ne, %convert_element_type3A_205, %cond3A_206 : i32
      scf.if %cond3A_207 {
        %sub3A_408 = arith.constant 1 : i32
        %sub3A_409 = arith.subi %add3A_202, %sub3A_408 : i32
        %jit3A_410 = arith.constant 3 : i32
        %eq3A_411 = arith.constant 0 : i32
        %eq3A_412 = arith.cmpi eq, %jit3A_410, %eq3A_411 : i32
        %jit3A_413 = arith.constant 1 : i32
        %select_n3A_414 = arith.select %eq3A_412, %jit3A_413, %jit3A_410 : i32
        %rem3A_415 = arith.remsi %sub3A_409, %select_n3A_414 : i32
        %ne3A_416 = arith.constant 0 : i32
        %ne3A_417 = arith.cmpi ne, %rem3A_415, %ne3A_416 : i32
        %lt3A_418 = arith.constant 0 : i32
        %lt3A_419 = arith.cmpi slt, %rem3A_415, %lt3A_418 : i32
        %lt3A_420 = arith.constant 0 : i32
        %lt3A_421 = arith.cmpi slt, %select_n3A_414, %lt3A_420 : i32
        %ne3A_422 = arith.xori %lt3A_419, %lt3A_421 : i1
        %and3A_423 = arith.andi %ne3A_422, %ne3A_417 : i1
        %add3A_424 = arith.addi %rem3A_415, %select_n3A_414 : i32
        %select_n3A_425 = arith.select %and3A_423, %add3A_424, %rem3A_415 : i32
        %jit3A_426 = arith.constant 3 : i32
        %eq3A_427 = arith.constant 0 : i32
        %eq3A_428 = arith.cmpi eq, %jit3A_426, %eq3A_427 : i32
        %jit3A_429 = arith.constant 1 : i32
        %select_n3A_430 = arith.select %eq3A_428, %jit3A_429, %jit3A_426 : i32
        %rem3A_431 = arith.remsi %sub3A_409, %select_n3A_430 : i32
        %ne3A_432 = arith.constant 0 : i32
        %ne3A_433 = arith.cmpi ne, %rem3A_431, %ne3A_432 : i32
        %lt3A_434 = arith.constant 0 : i32
        %lt3A_435 = arith.cmpi slt, %rem3A_431, %lt3A_434 : i32
        %lt3A_436 = arith.constant 0 : i32
        %lt3A_437 = arith.cmpi slt, %select_n3A_430, %lt3A_436 : i32
        %ne3A_438 = arith.xori %lt3A_435, %lt3A_437 : i1
        %and3A_439 = arith.andi %ne3A_438, %ne3A_433 : i1
        %add3A_440 = arith.addi %rem3A_431, %select_n3A_430 : i32
        %select_n3A_441 = arith.select %and3A_439, %add3A_440, %rem3A_431 : i32
        %dma_wait3A_442 = arith.constant 0 : i32
        %dma_wait3A_443 = arith.constant 0 : i32
        %dma_wait3A_444 = tpu.memref_slice %arg8[%select_n3A_425, %dma_wait3A_442, %dma_wait3A_443] : memref<3x128x128xf32, #tpu.memory_space<vmem>> -> memref<1x128x128xf32, #tpu.memory_space<vmem>>
        %dma_wait3A_445 = tpu.memref_squeeze %dma_wait3A_444 : memref<1x128x128xf32, #tpu.memory_space<vmem>> -> memref<128x128xf32, #tpu.memory_space<vmem>>
        %dma_wait3A_446 = arith.constant 0 : i32
        %dma_wait3A_447 = tpu.memref_slice %arg7[%select_n3A_441, %dma_wait3A_446] : memref<3x128xi32, #tpu.memory_space<vmem>> -> memref<1x128xi32, #tpu.memory_space<vmem>>
        %dma_wait3A_448 = tpu.memref_squeeze %dma_wait3A_447 : memref<1x128xi32, #tpu.memory_space<vmem>> -> memref<128xi32, #tpu.memory_space<vmem>>
        %dma_wait3A_449 = arith.constant 0 : i32
        %dma_wait3A_450 = arith.constant 0 : i32
        %dma_wait3A_451 = tpu.memref_slice %arg9[%dma_wait3A_449, %dma_wait3A_450] : memref<9984x128xf32, #tpu.memory_space<vmem_shared>> -> memref<9984x128xf32, #tpu.memory_space<vmem_shared>>
        tpu.wait_indirect_dma semaphore(%arg15 : memref<!tpu.dma_semaphore, #tpu.memory_space<semaphore_mem>>) src(%dma_wait3A_445 : memref<128x128xf32, #tpu.memory_space<vmem>>) dst(%dma_wait3A_451 : memref<9984x128xf32, #tpu.memory_space<vmem_shared>>)
      } else {
      }
      %add3A_208 = arith.constant 2 : i32
      %add3A_209 = arith.addi %add3A_202, %add3A_208 : i32
      %lt3A = arith.cmpi slt, %add3A_209, %select_n3A : i32
      %convert_element_type3A_210 = arith.extui %lt3A : i1 to i32
      %cond3A_211 = arith.constant 0 : i32
      %cond3A_212 = arith.cmpi ne, %convert_element_type3A_210, %cond3A_211 : i32
      scf.if %cond3A_212 {
        %add3A_408 = arith.constant 2 : i32
        %add3A_409 = arith.addi %add3A_202, %add3A_408 : i32
        %add3A_410 = arith.addi %select_n3A_8, %add3A_409 : i32
        %mul3A_411 = arith.constant 128 : i32
        %mul3A_412 = arith.muli %add3A_410, %mul3A_411 : i32
        %jit3A_413 = arith.constant 3 : i32
        %eq3A_414 = arith.constant 0 : i32
        %eq3A_415 = arith.cmpi eq, %jit3A_413, %eq3A_414 : i32
        %jit3A_416 = arith.constant 1 : i32
        %select_n3A_417 = arith.select %eq3A_415, %jit3A_416, %jit3A_413 : i32
        %rem3A_418 = arith.remsi %add3A_409, %select_n3A_417 : i32
        %ne3A_419 = arith.constant 0 : i32
        %ne3A_420 = arith.cmpi ne, %rem3A_418, %ne3A_419 : i32
        %lt3A_421 = arith.constant 0 : i32
        %lt3A_422 = arith.cmpi slt, %rem3A_418, %lt3A_421 : i32
        %lt3A_423 = arith.constant 0 : i32
        %lt3A_424 = arith.cmpi slt, %select_n3A_417, %lt3A_423 : i32
        %ne3A_425 = arith.xori %lt3A_422, %lt3A_424 : i1
        %and3A_426 = arith.andi %ne3A_425, %ne3A_420 : i1
        %add3A_427 = arith.addi %rem3A_418, %select_n3A_417 : i32
        %select_n3A_428 = arith.select %and3A_426, %add3A_427, %rem3A_418 : i32
        %dma_start3A_429 = arith.constant 0 : i32
        %dma_start3A_430 = tpu.memref_slice %arg6[%select_n3A_428, %dma_start3A_429] : memref<3x128xi32, #tpu.memory_space<vmem>> -> memref<1x128xi32, #tpu.memory_space<vmem>>
        %dma_start3A_431 = tpu.memref_squeeze %dma_start3A_430 : memref<1x128xi32, #tpu.memory_space<vmem>> -> memref<128xi32, #tpu.memory_space<vmem>>
        %dma_start3A_432 = tpu.memref_slice %arg3[%mul3A_412] : memref<319488xi32, #tpu.memory_space<hbm>> -> memref<128xi32, #tpu.memory_space<hbm>>
        %dma_start3A_433 = arith.constant 0 : i32
        %dma_start3A_434 = tpu.memref_slice %arg6[%select_n3A_428, %dma_start3A_433] : memref<3x128xi32, #tpu.memory_space<vmem>> -> memref<1x128xi32, #tpu.memory_space<vmem>>
        %dma_start3A_435 = tpu.memref_squeeze %dma_start3A_434 : memref<1x128xi32, #tpu.memory_space<vmem>> -> memref<128xi32, #tpu.memory_space<vmem>>
        %dma_start3A_436 = tpu.memref_slice %arg3[%mul3A_412] : memref<319488xi32, #tpu.memory_space<hbm>> -> memref<128xi32, #tpu.memory_space<hbm>>
        tpu.enqueue_dma source(%dma_start3A_436 : memref<128xi32, #tpu.memory_space<hbm>>) target(%dma_start3A_435 : memref<128xi32, #tpu.memory_space<vmem>>) target_semaphore(%arg11 : memref<!tpu.dma_semaphore, #tpu.memory_space<semaphore_mem>>)
        %dma_start3A_437 = arith.constant 0 : i32
        %dma_start3A_438 = tpu.memref_slice %arg7[%select_n3A_428, %dma_start3A_437] : memref<3x128xi32, #tpu.memory_space<vmem>> -> memref<1x128xi32, #tpu.memory_space<vmem>>
        %dma_start3A_439 = tpu.memref_squeeze %dma_start3A_438 : memref<1x128xi32, #tpu.memory_space<vmem>> -> memref<128xi32, #tpu.memory_space<vmem>>
        %dma_start3A_440 = tpu.memref_slice %arg4[%mul3A_412] : memref<319488xi32, #tpu.memory_space<hbm>> -> memref<128xi32, #tpu.memory_space<hbm>>
        %dma_start3A_441 = arith.constant 0 : i32
        %dma_start3A_442 = tpu.memref_slice %arg7[%select_n3A_428, %dma_start3A_441] : memref<3x128xi32, #tpu.memory_space<vmem>> -> memref<1x128xi32, #tpu.memory_space<vmem>>
        %dma_start3A_443 = tpu.memref_squeeze %dma_start3A_442 : memref<1x128xi32, #tpu.memory_space<vmem>> -> memref<128xi32, #tpu.memory_space<vmem>>
        %dma_start3A_444 = tpu.memref_slice %arg4[%mul3A_412] : memref<319488xi32, #tpu.memory_space<hbm>> -> memref<128xi32, #tpu.memory_space<hbm>>
        tpu.enqueue_dma source(%dma_start3A_444 : memref<128xi32, #tpu.memory_space<hbm>>) target(%dma_start3A_443 : memref<128xi32, #tpu.memory_space<vmem>>) target_semaphore(%arg11 : memref<!tpu.dma_semaphore, #tpu.memory_space<semaphore_mem>>)
      } else {
      }
      %jit3A_213 = arith.constant 3 : i32
      %eq3A_214 = arith.constant 0 : i32
      %eq3A_215 = arith.cmpi eq, %jit3A_213, %eq3A_214 : i32
      %jit3A_216 = arith.constant 1 : i32
      %select_n3A_217 = arith.select %eq3A_215, %jit3A_216, %jit3A_213 : i32
      %rem3A_218 = arith.remsi %add3A_202, %select_n3A_217 : i32
      %ne3A_219 = arith.constant 0 : i32
      %ne3A_220 = arith.cmpi ne, %rem3A_218, %ne3A_219 : i32
      %lt3A_221 = arith.constant 0 : i32
      %lt3A_222 = arith.cmpi slt, %rem3A_218, %lt3A_221 : i32
      %lt3A_223 = arith.constant 0 : i32
      %lt3A_224 = arith.cmpi slt, %select_n3A_217, %lt3A_223 : i32
      %ne3A_225 = arith.xori %lt3A_222, %lt3A_224 : i1
      %and3A_226 = arith.andi %ne3A_225, %ne3A_220 : i1
      %add3A_227 = arith.addi %rem3A_218, %select_n3A_217 : i32
      %select_n3A_228 = arith.select %and3A_226, %add3A_227, %rem3A_218 : i32
      %jit3A_229 = arith.constant 3 : i32
      %eq3A_230 = arith.constant 0 : i32
      %eq3A_231 = arith.cmpi eq, %jit3A_229, %eq3A_230 : i32
      %jit3A_232 = arith.constant 1 : i32
      %select_n3A_233 = arith.select %eq3A_231, %jit3A_232, %jit3A_229 : i32
      %rem3A_234 = arith.remsi %add3A_202, %select_n3A_233 : i32
      %ne3A_235 = arith.constant 0 : i32
      %ne3A_236 = arith.cmpi ne, %rem3A_234, %ne3A_235 : i32
      %lt3A_237 = arith.constant 0 : i32
      %lt3A_238 = arith.cmpi slt, %rem3A_234, %lt3A_237 : i32
      %lt3A_239 = arith.constant 0 : i32
      %lt3A_240 = arith.cmpi slt, %select_n3A_233, %lt3A_239 : i32
      %ne3A_241 = arith.xori %lt3A_238, %lt3A_240 : i1
      %and3A_242 = arith.andi %ne3A_241, %ne3A_236 : i1
      %add3A_243 = arith.addi %rem3A_234, %select_n3A_233 : i32
      %select_n3A_244 = arith.select %and3A_242, %add3A_243, %rem3A_234 : i32
      %dma_wait3A_245 = arith.constant 0 : i32
      %dma_wait3A_246 = arith.constant 0 : i32
      %dma_wait3A_247 = tpu.memref_slice %arg8[%select_n3A_244, %dma_wait3A_245, %dma_wait3A_246] : memref<3x128x128xf32, #tpu.memory_space<vmem>> -> memref<1x128x128xf32, #tpu.memory_space<vmem>>
      %dma_wait3A_248 = tpu.memref_squeeze %dma_wait3A_247 : memref<1x128x128xf32, #tpu.memory_space<vmem>> -> memref<128x128xf32, #tpu.memory_space<vmem>>
      %dma_wait3A_249 = arith.constant 0 : i32
      %dma_wait3A_250 = tpu.memref_slice %arg6[%select_n3A_228, %dma_wait3A_249] : memref<3x128xi32, #tpu.memory_space<vmem>> -> memref<1x128xi32, #tpu.memory_space<vmem>>
      %dma_wait3A_251 = tpu.memref_squeeze %dma_wait3A_250 : memref<1x128xi32, #tpu.memory_space<vmem>> -> memref<128xi32, #tpu.memory_space<vmem>>
      %dma_wait3A_252 = arith.constant 0 : i32
      %dma_wait3A_253 = arith.constant 0 : i32
      %dma_wait3A_254 = tpu.memref_slice %arg2[%dma_wait3A_252, %dma_wait3A_253] : memref<9984x128xf32, #tpu.memory_space<hbm>> -> memref<9984x128xf32, #tpu.memory_space<hbm>>
      tpu.wait_indirect_dma semaphore(%arg13 : memref<!tpu.dma_semaphore, #tpu.memory_space<semaphore_mem>>) src(%dma_wait3A_254 : memref<9984x128xf32, #tpu.memory_space<hbm>>) dst(%dma_wait3A_248 : memref<128x128xf32, #tpu.memory_space<vmem>>)
      %jit3A_255 = arith.constant 3 : i32
      %eq3A_256 = arith.constant 0 : i32
      %eq3A_257 = arith.cmpi eq, %jit3A_255, %eq3A_256 : i32
      %jit3A_258 = arith.constant 1 : i32
      %select_n3A_259 = arith.select %eq3A_257, %jit3A_258, %jit3A_255 : i32
      %rem3A_260 = arith.remsi %add3A_202, %select_n3A_259 : i32
      %ne3A_261 = arith.constant 0 : i32
      %ne3A_262 = arith.cmpi ne, %rem3A_260, %ne3A_261 : i32
      %lt3A_263 = arith.constant 0 : i32
      %lt3A_264 = arith.cmpi slt, %rem3A_260, %lt3A_263 : i32
      %lt3A_265 = arith.constant 0 : i32
      %lt3A_266 = arith.cmpi slt, %select_n3A_259, %lt3A_265 : i32
      %ne3A_267 = arith.xori %lt3A_264, %lt3A_266 : i1
      %and3A_268 = arith.andi %ne3A_267, %ne3A_262 : i1
      %add3A_269 = arith.addi %rem3A_260, %select_n3A_259 : i32
      %select_n3A_270 = arith.select %and3A_268, %add3A_269, %rem3A_260 : i32
      %jit3A_271 = arith.constant 3 : i32
      %eq3A_272 = arith.constant 0 : i32
      %eq3A_273 = arith.cmpi eq, %jit3A_271, %eq3A_272 : i32
      %jit3A_274 = arith.constant 1 : i32
      %select_n3A_275 = arith.select %eq3A_273, %jit3A_274, %jit3A_271 : i32
      %rem3A_276 = arith.remsi %add3A_202, %select_n3A_275 : i32
      %ne3A_277 = arith.constant 0 : i32
      %ne3A_278 = arith.cmpi ne, %rem3A_276, %ne3A_277 : i32
      %lt3A_279 = arith.constant 0 : i32
      %lt3A_280 = arith.cmpi slt, %rem3A_276, %lt3A_279 : i32
      %lt3A_281 = arith.constant 0 : i32
      %lt3A_282 = arith.cmpi slt, %select_n3A_275, %lt3A_281 : i32
      %ne3A_283 = arith.xori %lt3A_280, %lt3A_282 : i1
      %and3A_284 = arith.andi %ne3A_283, %ne3A_278 : i1
      %add3A_285 = arith.addi %rem3A_276, %select_n3A_275 : i32
      %select_n3A_286 = arith.select %and3A_284, %add3A_285, %rem3A_276 : i32
      %dma_start3A_287 = arith.constant 0 : i32
      %dma_start3A_288 = arith.constant 0 : i32
      %dma_start3A_289 = tpu.memref_slice %arg8[%select_n3A_270, %dma_start3A_287, %dma_start3A_288] : memref<3x128x128xf32, #tpu.memory_space<vmem>> -> memref<1x128x128xf32, #tpu.memory_space<vmem>>
      %dma_start3A_290 = tpu.memref_squeeze %dma_start3A_289 : memref<1x128x128xf32, #tpu.memory_space<vmem>> -> memref<128x128xf32, #tpu.memory_space<vmem>>
      %dma_start3A_291 = arith.constant 0 : i32
      %dma_start3A_292 = tpu.memref_slice %arg7[%select_n3A_286, %dma_start3A_291] : memref<3x128xi32, #tpu.memory_space<vmem>> -> memref<1x128xi32, #tpu.memory_space<vmem>>
      %dma_start3A_293 = tpu.memref_squeeze %dma_start3A_292 : memref<1x128xi32, #tpu.memory_space<vmem>> -> memref<128xi32, #tpu.memory_space<vmem>>
      %dma_start3A_294 = arith.constant 0 : i32
      %dma_start3A_295 = arith.constant 0 : i32
      %dma_start3A_296 = tpu.memref_slice %arg9[%dma_start3A_294, %dma_start3A_295] : memref<9984x128xf32, #tpu.memory_space<vmem_shared>> -> memref<9984x128xf32, #tpu.memory_space<vmem_shared>>
      tpu.enqueue_indirect_dma source(%dma_start3A_290 : memref<128x128xf32, #tpu.memory_space<vmem>>) target(%dma_start3A_296 : memref<9984x128xf32, #tpu.memory_space<vmem_shared>>) offsets(%dma_start3A_293 : memref<128xi32, #tpu.memory_space<vmem>>) semaphore(%arg15 : memref<!tpu.dma_semaphore, #tpu.memory_space<semaphore_mem>>) {add = true}
      %add3A_297 = arith.constant 2 : i32
      %add3A_298 = arith.addi %add3A_202, %add3A_297 : i32
      %lt3A_299 = arith.cmpi slt, %add3A_298, %select_n3A : i32
      %convert_element_type3A_300 = arith.extui %lt3A_299 : i1 to i32
      %cond3A_301 = arith.constant 0 : i32
      %cond3A_302 = arith.cmpi ne, %convert_element_type3A_300, %cond3A_301 : i32
      scf.if %cond3A_302 {
        %add3A_408 = arith.constant 2 : i32
        %add3A_409 = arith.addi %add3A_202, %add3A_408 : i32
        %add3A_410 = arith.addi %select_n3A_8, %add3A_409 : i32
        %mul3A_411 = arith.constant 128 : i32
        %mul3A_412 = arith.muli %add3A_410, %mul3A_411 : i32
        %jit3A_413 = arith.constant 3 : i32
        %eq3A_414 = arith.constant 0 : i32
        %eq3A_415 = arith.cmpi eq, %jit3A_413, %eq3A_414 : i32
        %jit3A_416 = arith.constant 1 : i32
        %select_n3A_417 = arith.select %eq3A_415, %jit3A_416, %jit3A_413 : i32
        %rem3A_418 = arith.remsi %add3A_409, %select_n3A_417 : i32
        %ne3A_419 = arith.constant 0 : i32
        %ne3A_420 = arith.cmpi ne, %rem3A_418, %ne3A_419 : i32
        %lt3A_421 = arith.constant 0 : i32
        %lt3A_422 = arith.cmpi slt, %rem3A_418, %lt3A_421 : i32
        %lt3A_423 = arith.constant 0 : i32
        %lt3A_424 = arith.cmpi slt, %select_n3A_417, %lt3A_423 : i32
        %ne3A_425 = arith.xori %lt3A_422, %lt3A_424 : i1
        %and3A_426 = arith.andi %ne3A_425, %ne3A_420 : i1
        %add3A_427 = arith.addi %rem3A_418, %select_n3A_417 : i32
        %select_n3A_428 = arith.select %and3A_426, %add3A_427, %rem3A_418 : i32
        %dma_wait3A_429 = arith.constant 0 : i32
        %dma_wait3A_430 = tpu.memref_slice %arg6[%select_n3A_428, %dma_wait3A_429] : memref<3x128xi32, #tpu.memory_space<vmem>> -> memref<1x128xi32, #tpu.memory_space<vmem>>
        %dma_wait3A_431 = tpu.memref_squeeze %dma_wait3A_430 : memref<1x128xi32, #tpu.memory_space<vmem>> -> memref<128xi32, #tpu.memory_space<vmem>>
        %dma_wait3A_432 = tpu.memref_slice %arg3[%mul3A_412] : memref<319488xi32, #tpu.memory_space<hbm>> -> memref<128xi32, #tpu.memory_space<hbm>>
        %dma_wait3A_433 = arith.constant 0 : i32
        %dma_wait3A_434 = tpu.memref_slice %arg6[%select_n3A_428, %dma_wait3A_433] : memref<3x128xi32, #tpu.memory_space<vmem>> -> memref<1x128xi32, #tpu.memory_space<vmem>>
        %dma_wait3A_435 = tpu.memref_squeeze %dma_wait3A_434 : memref<1x128xi32, #tpu.memory_space<vmem>> -> memref<128xi32, #tpu.memory_space<vmem>>
        %dma_wait3A_436 = tpu.memref_slice %arg3[%mul3A_412] : memref<319488xi32, #tpu.memory_space<hbm>> -> memref<128xi32, #tpu.memory_space<hbm>>
        tpu.wait_dma2 semaphore(%arg11 : memref<!tpu.dma_semaphore, #tpu.memory_space<semaphore_mem>>) src(%dma_wait3A_436 : memref<128xi32, #tpu.memory_space<hbm>>) dst(%dma_wait3A_435 : memref<128xi32, #tpu.memory_space<vmem>>)
        %dma_wait3A_437 = arith.constant 0 : i32
        %dma_wait3A_438 = tpu.memref_slice %arg7[%select_n3A_428, %dma_wait3A_437] : memref<3x128xi32, #tpu.memory_space<vmem>> -> memref<1x128xi32, #tpu.memory_space<vmem>>
        %dma_wait3A_439 = tpu.memref_squeeze %dma_wait3A_438 : memref<1x128xi32, #tpu.memory_space<vmem>> -> memref<128xi32, #tpu.memory_space<vmem>>
        %dma_wait3A_440 = tpu.memref_slice %arg4[%mul3A_412] : memref<319488xi32, #tpu.memory_space<hbm>> -> memref<128xi32, #tpu.memory_space<hbm>>
        %dma_wait3A_441 = arith.constant 0 : i32
        %dma_wait3A_442 = tpu.memref_slice %arg7[%select_n3A_428, %dma_wait3A_441] : memref<3x128xi32, #tpu.memory_space<vmem>> -> memref<1x128xi32, #tpu.memory_space<vmem>>
        %dma_wait3A_443 = tpu.memref_squeeze %dma_wait3A_442 : memref<1x128xi32, #tpu.memory_space<vmem>> -> memref<128xi32, #tpu.memory_space<vmem>>
        %dma_wait3A_444 = tpu.memref_slice %arg4[%mul3A_412] : memref<319488xi32, #tpu.memory_space<hbm>> -> memref<128xi32, #tpu.memory_space<hbm>>
        tpu.wait_dma2 semaphore(%arg11 : memref<!tpu.dma_semaphore, #tpu.memory_space<semaphore_mem>>) src(%dma_wait3A_444 : memref<128xi32, #tpu.memory_space<hbm>>) dst(%dma_wait3A_443 : memref<128xi32, #tpu.memory_space<vmem>>)
        %add3A_445 = arith.constant 2 : i32
        %add3A_446 = arith.addi %add3A_202, %add3A_445 : i32
        %jit3A_447 = arith.constant 3 : i32
        %eq3A_448 = arith.constant 0 : i32
        %eq3A_449 = arith.cmpi eq, %jit3A_447, %eq3A_448 : i32
        %jit3A_450 = arith.constant 1 : i32
        %select_n3A_451 = arith.select %eq3A_449, %jit3A_450, %jit3A_447 : i32
        %rem3A_452 = arith.remsi %add3A_446, %select_n3A_451 : i32
        %ne3A_453 = arith.constant 0 : i32
        %ne3A_454 = arith.cmpi ne, %rem3A_452, %ne3A_453 : i32
        %lt3A_455 = arith.constant 0 : i32
        %lt3A_456 = arith.cmpi slt, %rem3A_452, %lt3A_455 : i32
        %lt3A_457 = arith.constant 0 : i32
        %lt3A_458 = arith.cmpi slt, %select_n3A_451, %lt3A_457 : i32
        %ne3A_459 = arith.xori %lt3A_456, %lt3A_458 : i1
        %and3A_460 = arith.andi %ne3A_459, %ne3A_454 : i1
        %add3A_461 = arith.addi %rem3A_452, %select_n3A_451 : i32
        %select_n3A_462 = arith.select %and3A_460, %add3A_461, %rem3A_452 : i32
        %jit3A_463 = arith.constant 3 : i32
        %eq3A_464 = arith.constant 0 : i32
        %eq3A_465 = arith.cmpi eq, %jit3A_463, %eq3A_464 : i32
        %jit3A_466 = arith.constant 1 : i32
        %select_n3A_467 = arith.select %eq3A_465, %jit3A_466, %jit3A_463 : i32
        %rem3A_468 = arith.remsi %add3A_446, %select_n3A_467 : i32
        %ne3A_469 = arith.constant 0 : i32
        %ne3A_470 = arith.cmpi ne, %rem3A_468, %ne3A_469 : i32
        %lt3A_471 = arith.constant 0 : i32
        %lt3A_472 = arith.cmpi slt, %rem3A_468, %lt3A_471 : i32
        %lt3A_473 = arith.constant 0 : i32
        %lt3A_474 = arith.cmpi slt, %select_n3A_467, %lt3A_473 : i32
        %ne3A_475 = arith.xori %lt3A_472, %lt3A_474 : i1
        %and3A_476 = arith.andi %ne3A_475, %ne3A_470 : i1
        %add3A_477 = arith.addi %rem3A_468, %select_n3A_467 : i32
        %select_n3A_478 = arith.select %and3A_476, %add3A_477, %rem3A_468 : i32
        %dma_start3A_479 = arith.constant 0 : i32
        %dma_start3A_480 = arith.constant 0 : i32
        %dma_start3A_481 = tpu.memref_slice %arg8[%select_n3A_478, %dma_start3A_479, %dma_start3A_480] : memref<3x128x128xf32, #tpu.memory_space<vmem>> -> memref<1x128x128xf32, #tpu.memory_space<vmem>>
        %dma_start3A_482 = tpu.memref_squeeze %dma_start3A_481 : memref<1x128x128xf32, #tpu.memory_space<vmem>> -> memref<128x128xf32, #tpu.memory_space<vmem>>
        %dma_start3A_483 = arith.constant 0 : i32
        %dma_start3A_484 = tpu.memref_slice %arg6[%select_n3A_462, %dma_start3A_483] : memref<3x128xi32, #tpu.memory_space<vmem>> -> memref<1x128xi32, #tpu.memory_space<vmem>>
        %dma_start3A_485 = tpu.memref_squeeze %dma_start3A_484 : memref<1x128xi32, #tpu.memory_space<vmem>> -> memref<128xi32, #tpu.memory_space<vmem>>
        %dma_start3A_486 = arith.constant 0 : i32
        %dma_start3A_487 = arith.constant 0 : i32
        %dma_start3A_488 = tpu.memref_slice %arg2[%dma_start3A_486, %dma_start3A_487] : memref<9984x128xf32, #tpu.memory_space<hbm>> -> memref<9984x128xf32, #tpu.memory_space<hbm>>
        tpu.enqueue_indirect_dma source(%dma_start3A_488 : memref<9984x128xf32, #tpu.memory_space<hbm>>) target(%dma_start3A_482 : memref<128x128xf32, #tpu.memory_space<vmem>>) offsets(%dma_start3A_485 : memref<128xi32, #tpu.memory_space<vmem>>) semaphore(%arg13 : memref<!tpu.dma_semaphore, #tpu.memory_space<semaphore_mem>>)
      } else {
      }
      %mul3A_303 = arith.constant 2 : i32
      %mul3A_304 = arith.muli %mul3A_303, %while3A_198 : i32
      %add3A_305 = arith.constant 1 : i32
      %add3A_306 = arith.addi %mul3A_304, %add3A_305 : i32
      %gt3A_307 = arith.constant 0 : i32
      %gt3A_308 = arith.cmpi sgt, %add3A_306, %gt3A_307 : i32
      %convert_element_type3A_309 = arith.extui %gt3A_308 : i1 to i32
      %cond3A_310 = arith.constant 0 : i32
      %cond3A_311 = arith.cmpi ne, %convert_element_type3A_309, %cond3A_310 : i32
      scf.if %cond3A_311 {
        %sub3A_408 = arith.constant 1 : i32
        %sub3A_409 = arith.subi %add3A_306, %sub3A_408 : i32
        %jit3A_410 = arith.constant 3 : i32
        %eq3A_411 = arith.constant 0 : i32
        %eq3A_412 = arith.cmpi eq, %jit3A_410, %eq3A_411 : i32
        %jit3A_413 = arith.constant 1 : i32
        %select_n3A_414 = arith.select %eq3A_412, %jit3A_413, %jit3A_410 : i32
        %rem3A_415 = arith.remsi %sub3A_409, %select_n3A_414 : i32
        %ne3A_416 = arith.constant 0 : i32
        %ne3A_417 = arith.cmpi ne, %rem3A_415, %ne3A_416 : i32
        %lt3A_418 = arith.constant 0 : i32
        %lt3A_419 = arith.cmpi slt, %rem3A_415, %lt3A_418 : i32
        %lt3A_420 = arith.constant 0 : i32
        %lt3A_421 = arith.cmpi slt, %select_n3A_414, %lt3A_420 : i32
        %ne3A_422 = arith.xori %lt3A_419, %lt3A_421 : i1
        %and3A_423 = arith.andi %ne3A_422, %ne3A_417 : i1
        %add3A_424 = arith.addi %rem3A_415, %select_n3A_414 : i32
        %select_n3A_425 = arith.select %and3A_423, %add3A_424, %rem3A_415 : i32
        %jit3A_426 = arith.constant 3 : i32
        %eq3A_427 = arith.constant 0 : i32
        %eq3A_428 = arith.cmpi eq, %jit3A_426, %eq3A_427 : i32
        %jit3A_429 = arith.constant 1 : i32
        %select_n3A_430 = arith.select %eq3A_428, %jit3A_429, %jit3A_426 : i32
        %rem3A_431 = arith.remsi %sub3A_409, %select_n3A_430 : i32
        %ne3A_432 = arith.constant 0 : i32
        %ne3A_433 = arith.cmpi ne, %rem3A_431, %ne3A_432 : i32
        %lt3A_434 = arith.constant 0 : i32
        %lt3A_435 = arith.cmpi slt, %rem3A_431, %lt3A_434 : i32
        %lt3A_436 = arith.constant 0 : i32
        %lt3A_437 = arith.cmpi slt, %select_n3A_430, %lt3A_436 : i32
        %ne3A_438 = arith.xori %lt3A_435, %lt3A_437 : i1
        %and3A_439 = arith.andi %ne3A_438, %ne3A_433 : i1
        %add3A_440 = arith.addi %rem3A_431, %select_n3A_430 : i32
        %select_n3A_441 = arith.select %and3A_439, %add3A_440, %rem3A_431 : i32
        %dma_wait3A_442 = arith.constant 0 : i32
        %dma_wait3A_443 = arith.constant 0 : i32
        %dma_wait3A_444 = tpu.memref_slice %arg8[%select_n3A_425, %dma_wait3A_442, %dma_wait3A_443] : memref<3x128x128xf32, #tpu.memory_space<vmem>> -> memref<1x128x128xf32, #tpu.memory_space<vmem>>
        %dma_wait3A_445 = tpu.memref_squeeze %dma_wait3A_444 : memref<1x128x128xf32, #tpu.memory_space<vmem>> -> memref<128x128xf32, #tpu.memory_space<vmem>>
        %dma_wait3A_446 = arith.constant 0 : i32
        %dma_wait3A_447 = tpu.memref_slice %arg7[%select_n3A_441, %dma_wait3A_446] : memref<3x128xi32, #tpu.memory_space<vmem>> -> memref<1x128xi32, #tpu.memory_space<vmem>>
        %dma_wait3A_448 = tpu.memref_squeeze %dma_wait3A_447 : memref<1x128xi32, #tpu.memory_space<vmem>> -> memref<128xi32, #tpu.memory_space<vmem>>
        %dma_wait3A_449 = arith.constant 0 : i32
        %dma_wait3A_450 = arith.constant 0 : i32
        %dma_wait3A_451 = tpu.memref_slice %arg9[%dma_wait3A_449, %dma_wait3A_450] : memref<9984x128xf32, #tpu.memory_space<vmem_shared>> -> memref<9984x128xf32, #tpu.memory_space<vmem_shared>>
        tpu.wait_indirect_dma semaphore(%arg15 : memref<!tpu.dma_semaphore, #tpu.memory_space<semaphore_mem>>) src(%dma_wait3A_445 : memref<128x128xf32, #tpu.memory_space<vmem>>) dst(%dma_wait3A_451 : memref<9984x128xf32, #tpu.memory_space<vmem_shared>>)
      } else {
      }
      %add3A_312 = arith.constant 2 : i32
      %add3A_313 = arith.addi %add3A_306, %add3A_312 : i32
      %lt3A_314 = arith.cmpi slt, %add3A_313, %select_n3A : i32
      %convert_element_type3A_315 = arith.extui %lt3A_314 : i1 to i32
      %cond3A_316 = arith.constant 0 : i32
      %cond3A_317 = arith.cmpi ne, %convert_element_type3A_315, %cond3A_316 : i32
      scf.if %cond3A_317 {
        %add3A_408 = arith.constant 2 : i32
        %add3A_409 = arith.addi %add3A_306, %add3A_408 : i32
        %add3A_410 = arith.addi %select_n3A_8, %add3A_409 : i32
        %mul3A_411 = arith.constant 128 : i32
        %mul3A_412 = arith.muli %add3A_410, %mul3A_411 : i32
        %jit3A_413 = arith.constant 3 : i32
        %eq3A_414 = arith.constant 0 : i32
        %eq3A_415 = arith.cmpi eq, %jit3A_413, %eq3A_414 : i32
        %jit3A_416 = arith.constant 1 : i32
        %select_n3A_417 = arith.select %eq3A_415, %jit3A_416, %jit3A_413 : i32
        %rem3A_418 = arith.remsi %add3A_409, %select_n3A_417 : i32
        %ne3A_419 = arith.constant 0 : i32
        %ne3A_420 = arith.cmpi ne, %rem3A_418, %ne3A_419 : i32
        %lt3A_421 = arith.constant 0 : i32
        %lt3A_422 = arith.cmpi slt, %rem3A_418, %lt3A_421 : i32
        %lt3A_423 = arith.constant 0 : i32
        %lt3A_424 = arith.cmpi slt, %select_n3A_417, %lt3A_423 : i32
        %ne3A_425 = arith.xori %lt3A_422, %lt3A_424 : i1
        %and3A_426 = arith.andi %ne3A_425, %ne3A_420 : i1
        %add3A_427 = arith.addi %rem3A_418, %select_n3A_417 : i32
        %select_n3A_428 = arith.select %and3A_426, %add3A_427, %rem3A_418 : i32
        %dma_start3A_429 = arith.constant 0 : i32
        %dma_start3A_430 = tpu.memref_slice %arg6[%select_n3A_428, %dma_start3A_429] : memref<3x128xi32, #tpu.memory_space<vmem>> -> memref<1x128xi32, #tpu.memory_space<vmem>>
        %dma_start3A_431 = tpu.memref_squeeze %dma_start3A_430 : memref<1x128xi32, #tpu.memory_space<vmem>> -> memref<128xi32, #tpu.memory_space<vmem>>
        %dma_start3A_432 = tpu.memref_slice %arg3[%mul3A_412] : memref<319488xi32, #tpu.memory_space<hbm>> -> memref<128xi32, #tpu.memory_space<hbm>>
        %dma_start3A_433 = arith.constant 0 : i32
        %dma_start3A_434 = tpu.memref_slice %arg6[%select_n3A_428, %dma_start3A_433] : memref<3x128xi32, #tpu.memory_space<vmem>> -> memref<1x128xi32, #tpu.memory_space<vmem>>
        %dma_start3A_435 = tpu.memref_squeeze %dma_start3A_434 : memref<1x128xi32, #tpu.memory_space<vmem>> -> memref<128xi32, #tpu.memory_space<vmem>>
        %dma_start3A_436 = tpu.memref_slice %arg3[%mul3A_412] : memref<319488xi32, #tpu.memory_space<hbm>> -> memref<128xi32, #tpu.memory_space<hbm>>
        tpu.enqueue_dma source(%dma_start3A_436 : memref<128xi32, #tpu.memory_space<hbm>>) target(%dma_start3A_435 : memref<128xi32, #tpu.memory_space<vmem>>) target_semaphore(%arg12 : memref<!tpu.dma_semaphore, #tpu.memory_space<semaphore_mem>>)
        %dma_start3A_437 = arith.constant 0 : i32
        %dma_start3A_438 = tpu.memref_slice %arg7[%select_n3A_428, %dma_start3A_437] : memref<3x128xi32, #tpu.memory_space<vmem>> -> memref<1x128xi32, #tpu.memory_space<vmem>>
        %dma_start3A_439 = tpu.memref_squeeze %dma_start3A_438 : memref<1x128xi32, #tpu.memory_space<vmem>> -> memref<128xi32, #tpu.memory_space<vmem>>
        %dma_start3A_440 = tpu.memref_slice %arg4[%mul3A_412] : memref<319488xi32, #tpu.memory_space<hbm>> -> memref<128xi32, #tpu.memory_space<hbm>>
        %dma_start3A_441 = arith.constant 0 : i32
        %dma_start3A_442 = tpu.memref_slice %arg7[%select_n3A_428, %dma_start3A_441] : memref<3x128xi32, #tpu.memory_space<vmem>> -> memref<1x128xi32, #tpu.memory_space<vmem>>
        %dma_start3A_443 = tpu.memref_squeeze %dma_start3A_442 : memref<1x128xi32, #tpu.memory_space<vmem>> -> memref<128xi32, #tpu.memory_space<vmem>>
        %dma_start3A_444 = tpu.memref_slice %arg4[%mul3A_412] : memref<319488xi32, #tpu.memory_space<hbm>> -> memref<128xi32, #tpu.memory_space<hbm>>
        tpu.enqueue_dma source(%dma_start3A_444 : memref<128xi32, #tpu.memory_space<hbm>>) target(%dma_start3A_443 : memref<128xi32, #tpu.memory_space<vmem>>) target_semaphore(%arg12 : memref<!tpu.dma_semaphore, #tpu.memory_space<semaphore_mem>>)
      } else {
      }
      %jit3A_318 = arith.constant 3 : i32
      %eq3A_319 = arith.constant 0 : i32
      %eq3A_320 = arith.cmpi eq, %jit3A_318, %eq3A_319 : i32
      %jit3A_321 = arith.constant 1 : i32
      %select_n3A_322 = arith.select %eq3A_320, %jit3A_321, %jit3A_318 : i32
      %rem3A_323 = arith.remsi %add3A_306, %select_n3A_322 : i32
      %ne3A_324 = arith.constant 0 : i32
      %ne3A_325 = arith.cmpi ne, %rem3A_323, %ne3A_324 : i32
      %lt3A_326 = arith.constant 0 : i32
      %lt3A_327 = arith.cmpi slt, %rem3A_323, %lt3A_326 : i32
      %lt3A_328 = arith.constant 0 : i32
      %lt3A_329 = arith.cmpi slt, %select_n3A_322, %lt3A_328 : i32
      %ne3A_330 = arith.xori %lt3A_327, %lt3A_329 : i1
      %and3A_331 = arith.andi %ne3A_330, %ne3A_325 : i1
      %add3A_332 = arith.addi %rem3A_323, %select_n3A_322 : i32
      %select_n3A_333 = arith.select %and3A_331, %add3A_332, %rem3A_323 : i32
      %jit3A_334 = arith.constant 3 : i32
      %eq3A_335 = arith.constant 0 : i32
      %eq3A_336 = arith.cmpi eq, %jit3A_334, %eq3A_335 : i32
      %jit3A_337 = arith.constant 1 : i32
      %select_n3A_338 = arith.select %eq3A_336, %jit3A_337, %jit3A_334 : i32
      %rem3A_339 = arith.remsi %add3A_306, %select_n3A_338 : i32
      %ne3A_340 = arith.constant 0 : i32
      %ne3A_341 = arith.cmpi ne, %rem3A_339, %ne3A_340 : i32
      %lt3A_342 = arith.constant 0 : i32
      %lt3A_343 = arith.cmpi slt, %rem3A_339, %lt3A_342 : i32
      %lt3A_344 = arith.constant 0 : i32
      %lt3A_345 = arith.cmpi slt, %select_n3A_338, %lt3A_344 : i32
      %ne3A_346 = arith.xori %lt3A_343, %lt3A_345 : i1
      %and3A_347 = arith.andi %ne3A_346, %ne3A_341 : i1
      %add3A_348 = arith.addi %rem3A_339, %select_n3A_338 : i32
      %select_n3A_349 = arith.select %and3A_347, %add3A_348, %rem3A_339 : i32
      %dma_wait3A_350 = arith.constant 0 : i32
      %dma_wait3A_351 = arith.constant 0 : i32
      %dma_wait3A_352 = tpu.memref_slice %arg8[%select_n3A_349, %dma_wait3A_350, %dma_wait3A_351] : memref<3x128x128xf32, #tpu.memory_space<vmem>> -> memref<1x128x128xf32, #tpu.memory_space<vmem>>
      %dma_wait3A_353 = tpu.memref_squeeze %dma_wait3A_352 : memref<1x128x128xf32, #tpu.memory_space<vmem>> -> memref<128x128xf32, #tpu.memory_space<vmem>>
      %dma_wait3A_354 = arith.constant 0 : i32
      %dma_wait3A_355 = tpu.memref_slice %arg6[%select_n3A_333, %dma_wait3A_354] : memref<3x128xi32, #tpu.memory_space<vmem>> -> memref<1x128xi32, #tpu.memory_space<vmem>>
      %dma_wait3A_356 = tpu.memref_squeeze %dma_wait3A_355 : memref<1x128xi32, #tpu.memory_space<vmem>> -> memref<128xi32, #tpu.memory_space<vmem>>
      %dma_wait3A_357 = arith.constant 0 : i32
      %dma_wait3A_358 = arith.constant 0 : i32
      %dma_wait3A_359 = tpu.memref_slice %arg2[%dma_wait3A_357, %dma_wait3A_358] : memref<9984x128xf32, #tpu.memory_space<hbm>> -> memref<9984x128xf32, #tpu.memory_space<hbm>>
      tpu.wait_indirect_dma semaphore(%arg14 : memref<!tpu.dma_semaphore, #tpu.memory_space<semaphore_mem>>) src(%dma_wait3A_359 : memref<9984x128xf32, #tpu.memory_space<hbm>>) dst(%dma_wait3A_353 : memref<128x128xf32, #tpu.memory_space<vmem>>)
      %jit3A_360 = arith.constant 3 : i32
      %eq3A_361 = arith.constant 0 : i32
      %eq3A_362 = arith.cmpi eq, %jit3A_360, %eq3A_361 : i32
      %jit3A_363 = arith.constant 1 : i32
      %select_n3A_364 = arith.select %eq3A_362, %jit3A_363, %jit3A_360 : i32
      %rem3A_365 = arith.remsi %add3A_306, %select_n3A_364 : i32
      %ne3A_366 = arith.constant 0 : i32
      %ne3A_367 = arith.cmpi ne, %rem3A_365, %ne3A_366 : i32
      %lt3A_368 = arith.constant 0 : i32
      %lt3A_369 = arith.cmpi slt, %rem3A_365, %lt3A_368 : i32
      %lt3A_370 = arith.constant 0 : i32
      %lt3A_371 = arith.cmpi slt, %select_n3A_364, %lt3A_370 : i32
      %ne3A_372 = arith.xori %lt3A_369, %lt3A_371 : i1
      %and3A_373 = arith.andi %ne3A_372, %ne3A_367 : i1
      %add3A_374 = arith.addi %rem3A_365, %select_n3A_364 : i32
      %select_n3A_375 = arith.select %and3A_373, %add3A_374, %rem3A_365 : i32
      %jit3A_376 = arith.constant 3 : i32
      %eq3A_377 = arith.constant 0 : i32
      %eq3A_378 = arith.cmpi eq, %jit3A_376, %eq3A_377 : i32
      %jit3A_379 = arith.constant 1 : i32
      %select_n3A_380 = arith.select %eq3A_378, %jit3A_379, %jit3A_376 : i32
      %rem3A_381 = arith.remsi %add3A_306, %select_n3A_380 : i32
      %ne3A_382 = arith.constant 0 : i32
      %ne3A_383 = arith.cmpi ne, %rem3A_381, %ne3A_382 : i32
      %lt3A_384 = arith.constant 0 : i32
      %lt3A_385 = arith.cmpi slt, %rem3A_381, %lt3A_384 : i32
      %lt3A_386 = arith.constant 0 : i32
      %lt3A_387 = arith.cmpi slt, %select_n3A_380, %lt3A_386 : i32
      %ne3A_388 = arith.xori %lt3A_385, %lt3A_387 : i1
      %and3A_389 = arith.andi %ne3A_388, %ne3A_383 : i1
      %add3A_390 = arith.addi %rem3A_381, %select_n3A_380 : i32
      %select_n3A_391 = arith.select %and3A_389, %add3A_390, %rem3A_381 : i32
      %dma_start3A_392 = arith.constant 0 : i32
      %dma_start3A_393 = arith.constant 0 : i32
      %dma_start3A_394 = tpu.memref_slice %arg8[%select_n3A_375, %dma_start3A_392, %dma_start3A_393] : memref<3x128x128xf32, #tpu.memory_space<vmem>> -> memref<1x128x128xf32, #tpu.memory_space<vmem>>
      %dma_start3A_395 = tpu.memref_squeeze %dma_start3A_394 : memref<1x128x128xf32, #tpu.memory_space<vmem>> -> memref<128x128xf32, #tpu.memory_space<vmem>>
      %dma_start3A_396 = arith.constant 0 : i32
      %dma_start3A_397 = tpu.memref_slice %arg7[%select_n3A_391, %dma_start3A_396] : memref<3x128xi32, #tpu.memory_space<vmem>> -> memref<1x128xi32, #tpu.memory_space<vmem>>
      %dma_start3A_398 = tpu.memref_squeeze %dma_start3A_397 : memref<1x128xi32, #tpu.memory_space<vmem>> -> memref<128xi32, #tpu.memory_space<vmem>>
      %dma_start3A_399 = arith.constant 0 : i32
      %dma_start3A_400 = arith.constant 0 : i32
      %dma_start3A_401 = tpu.memref_slice %arg9[%dma_start3A_399, %dma_start3A_400] : memref<9984x128xf32, #tpu.memory_space<vmem_shared>> -> memref<9984x128xf32, #tpu.memory_space<vmem_shared>>
      tpu.enqueue_indirect_dma source(%dma_start3A_395 : memref<128x128xf32, #tpu.memory_space<vmem>>) target(%dma_start3A_401 : memref<9984x128xf32, #tpu.memory_space<vmem_shared>>) offsets(%dma_start3A_398 : memref<128xi32, #tpu.memory_space<vmem>>) semaphore(%arg15 : memref<!tpu.dma_semaphore, #tpu.memory_space<semaphore_mem>>) {add = true}
      %add3A_402 = arith.constant 2 : i32
      %add3A_403 = arith.addi %add3A_306, %add3A_402 : i32
      %lt3A_404 = arith.cmpi slt, %add3A_403, %select_n3A : i32
      %convert_element_type3A_405 = arith.extui %lt3A_404 : i1 to i32
      %cond3A_406 = arith.constant 0 : i32
      %cond3A_407 = arith.cmpi ne, %convert_element_type3A_405, %cond3A_406 : i32
      scf.if %cond3A_407 {
        %add3A_408 = arith.constant 2 : i32
        %add3A_409 = arith.addi %add3A_306, %add3A_408 : i32
        %add3A_410 = arith.addi %select_n3A_8, %add3A_409 : i32
        %mul3A_411 = arith.constant 128 : i32
        %mul3A_412 = arith.muli %add3A_410, %mul3A_411 : i32
        %jit3A_413 = arith.constant 3 : i32
        %eq3A_414 = arith.constant 0 : i32
        %eq3A_415 = arith.cmpi eq, %jit3A_413, %eq3A_414 : i32
        %jit3A_416 = arith.constant 1 : i32
        %select_n3A_417 = arith.select %eq3A_415, %jit3A_416, %jit3A_413 : i32
        %rem3A_418 = arith.remsi %add3A_409, %select_n3A_417 : i32
        %ne3A_419 = arith.constant 0 : i32
        %ne3A_420 = arith.cmpi ne, %rem3A_418, %ne3A_419 : i32
        %lt3A_421 = arith.constant 0 : i32
        %lt3A_422 = arith.cmpi slt, %rem3A_418, %lt3A_421 : i32
        %lt3A_423 = arith.constant 0 : i32
        %lt3A_424 = arith.cmpi slt, %select_n3A_417, %lt3A_423 : i32
        %ne3A_425 = arith.xori %lt3A_422, %lt3A_424 : i1
        %and3A_426 = arith.andi %ne3A_425, %ne3A_420 : i1
        %add3A_427 = arith.addi %rem3A_418, %select_n3A_417 : i32
        %select_n3A_428 = arith.select %and3A_426, %add3A_427, %rem3A_418 : i32
        %dma_wait3A_429 = arith.constant 0 : i32
        %dma_wait3A_430 = tpu.memref_slice %arg6[%select_n3A_428, %dma_wait3A_429] : memref<3x128xi32, #tpu.memory_space<vmem>> -> memref<1x128xi32, #tpu.memory_space<vmem>>
        %dma_wait3A_431 = tpu.memref_squeeze %dma_wait3A_430 : memref<1x128xi32, #tpu.memory_space<vmem>> -> memref<128xi32, #tpu.memory_space<vmem>>
        %dma_wait3A_432 = tpu.memref_slice %arg3[%mul3A_412] : memref<319488xi32, #tpu.memory_space<hbm>> -> memref<128xi32, #tpu.memory_space<hbm>>
        %dma_wait3A_433 = arith.constant 0 : i32
        %dma_wait3A_434 = tpu.memref_slice %arg6[%select_n3A_428, %dma_wait3A_433] : memref<3x128xi32, #tpu.memory_space<vmem>> -> memref<1x128xi32, #tpu.memory_space<vmem>>
        %dma_wait3A_435 = tpu.memref_squeeze %dma_wait3A_434 : memref<1x128xi32, #tpu.memory_space<vmem>> -> memref<128xi32, #tpu.memory_space<vmem>>
        %dma_wait3A_436 = tpu.memref_slice %arg3[%mul3A_412] : memref<319488xi32, #tpu.memory_space<hbm>> -> memref<128xi32, #tpu.memory_space<hbm>>
        tpu.wait_dma2 semaphore(%arg12 : memref<!tpu.dma_semaphore, #tpu.memory_space<semaphore_mem>>) src(%dma_wait3A_436 : memref<128xi32, #tpu.memory_space<hbm>>) dst(%dma_wait3A_435 : memref<128xi32, #tpu.memory_space<vmem>>)
        %dma_wait3A_437 = arith.constant 0 : i32
        %dma_wait3A_438 = tpu.memref_slice %arg7[%select_n3A_428, %dma_wait3A_437] : memref<3x128xi32, #tpu.memory_space<vmem>> -> memref<1x128xi32, #tpu.memory_space<vmem>>
        %dma_wait3A_439 = tpu.memref_squeeze %dma_wait3A_438 : memref<1x128xi32, #tpu.memory_space<vmem>> -> memref<128xi32, #tpu.memory_space<vmem>>
        %dma_wait3A_440 = tpu.memref_slice %arg4[%mul3A_412] : memref<319488xi32, #tpu.memory_space<hbm>> -> memref<128xi32, #tpu.memory_space<hbm>>
        %dma_wait3A_441 = arith.constant 0 : i32
        %dma_wait3A_442 = tpu.memref_slice %arg7[%select_n3A_428, %dma_wait3A_441] : memref<3x128xi32, #tpu.memory_space<vmem>> -> memref<1x128xi32, #tpu.memory_space<vmem>>
        %dma_wait3A_443 = tpu.memref_squeeze %dma_wait3A_442 : memref<1x128xi32, #tpu.memory_space<vmem>> -> memref<128xi32, #tpu.memory_space<vmem>>
        %dma_wait3A_444 = tpu.memref_slice %arg4[%mul3A_412] : memref<319488xi32, #tpu.memory_space<hbm>> -> memref<128xi32, #tpu.memory_space<hbm>>
        tpu.wait_dma2 semaphore(%arg12 : memref<!tpu.dma_semaphore, #tpu.memory_space<semaphore_mem>>) src(%dma_wait3A_444 : memref<128xi32, #tpu.memory_space<hbm>>) dst(%dma_wait3A_443 : memref<128xi32, #tpu.memory_space<vmem>>)
        %add3A_445 = arith.constant 2 : i32
        %add3A_446 = arith.addi %add3A_306, %add3A_445 : i32
        %jit3A_447 = arith.constant 3 : i32
        %eq3A_448 = arith.constant 0 : i32
        %eq3A_449 = arith.cmpi eq, %jit3A_447, %eq3A_448 : i32
        %jit3A_450 = arith.constant 1 : i32
        %select_n3A_451 = arith.select %eq3A_449, %jit3A_450, %jit3A_447 : i32
        %rem3A_452 = arith.remsi %add3A_446, %select_n3A_451 : i32
        %ne3A_453 = arith.constant 0 : i32
        %ne3A_454 = arith.cmpi ne, %rem3A_452, %ne3A_453 : i32
        %lt3A_455 = arith.constant 0 : i32
        %lt3A_456 = arith.cmpi slt, %rem3A_452, %lt3A_455 : i32
        %lt3A_457 = arith.constant 0 : i32
        %lt3A_458 = arith.cmpi slt, %select_n3A_451, %lt3A_457 : i32
        %ne3A_459 = arith.xori %lt3A_456, %lt3A_458 : i1
        %and3A_460 = arith.andi %ne3A_459, %ne3A_454 : i1
        %add3A_461 = arith.addi %rem3A_452, %select_n3A_451 : i32
        %select_n3A_462 = arith.select %and3A_460, %add3A_461, %rem3A_452 : i32
        %jit3A_463 = arith.constant 3 : i32
        %eq3A_464 = arith.constant 0 : i32
        %eq3A_465 = arith.cmpi eq, %jit3A_463, %eq3A_464 : i32
        %jit3A_466 = arith.constant 1 : i32
        %select_n3A_467 = arith.select %eq3A_465, %jit3A_466, %jit3A_463 : i32
        %rem3A_468 = arith.remsi %add3A_446, %select_n3A_467 : i32
        %ne3A_469 = arith.constant 0 : i32
        %ne3A_470 = arith.cmpi ne, %rem3A_468, %ne3A_469 : i32
        %lt3A_471 = arith.constant 0 : i32
        %lt3A_472 = arith.cmpi slt, %rem3A_468, %lt3A_471 : i32
        %lt3A_473 = arith.constant 0 : i32
        %lt3A_474 = arith.cmpi slt, %select_n3A_467, %lt3A_473 : i32
        %ne3A_475 = arith.xori %lt3A_472, %lt3A_474 : i1
        %and3A_476 = arith.andi %ne3A_475, %ne3A_470 : i1
        %add3A_477 = arith.addi %rem3A_468, %select_n3A_467 : i32
        %select_n3A_478 = arith.select %and3A_476, %add3A_477, %rem3A_468 : i32
        %dma_start3A_479 = arith.constant 0 : i32
        %dma_start3A_480 = arith.constant 0 : i32
        %dma_start3A_481 = tpu.memref_slice %arg8[%select_n3A_478, %dma_start3A_479, %dma_start3A_480] : memref<3x128x128xf32, #tpu.memory_space<vmem>> -> memref<1x128x128xf32, #tpu.memory_space<vmem>>
        %dma_start3A_482 = tpu.memref_squeeze %dma_start3A_481 : memref<1x128x128xf32, #tpu.memory_space<vmem>> -> memref<128x128xf32, #tpu.memory_space<vmem>>
        %dma_start3A_483 = arith.constant 0 : i32
        %dma_start3A_484 = tpu.memref_slice %arg6[%select_n3A_462, %dma_start3A_483] : memref<3x128xi32, #tpu.memory_space<vmem>> -> memref<1x128xi32, #tpu.memory_space<vmem>>
        %dma_start3A_485 = tpu.memref_squeeze %dma_start3A_484 : memref<1x128xi32, #tpu.memory_space<vmem>> -> memref<128xi32, #tpu.memory_space<vmem>>
        %dma_start3A_486 = arith.constant 0 : i32
        %dma_start3A_487 = arith.constant 0 : i32
        %dma_start3A_488 = tpu.memref_slice %arg2[%dma_start3A_486, %dma_start3A_487] : memref<9984x128xf32, #tpu.memory_space<hbm>> -> memref<9984x128xf32, #tpu.memory_space<hbm>>
        tpu.enqueue_indirect_dma source(%dma_start3A_488 : memref<9984x128xf32, #tpu.memory_space<hbm>>) target(%dma_start3A_482 : memref<128x128xf32, #tpu.memory_space<vmem>>) offsets(%dma_start3A_485 : memref<128xi32, #tpu.memory_space<vmem>>) semaphore(%arg14 : memref<!tpu.dma_semaphore, #tpu.memory_space<semaphore_mem>>)
      } else {
      }
    }
    %while3A_192 = arith.constant 1 : i32
    scf.for %while3A_198 = %while3A_190 to %while3A_186 step %while3A_192  : i32 {
      %mul3A_199 = arith.constant 2 : i32
      %mul3A_200 = arith.muli %mul3A_199, %while3A_198 : i32
      %add3A_201 = arith.constant 0 : i32
      %add3A_202 = arith.addi %mul3A_200, %add3A_201 : i32
      %gt3A_203 = arith.constant 0 : i32
      %gt3A_204 = arith.cmpi sgt, %add3A_202, %gt3A_203 : i32
      %convert_element_type3A_205 = arith.extui %gt3A_204 : i1 to i32
      %cond3A_206 = arith.constant 0 : i32
      %cond3A_207 = arith.cmpi ne, %convert_element_type3A_205, %cond3A_206 : i32
      scf.if %cond3A_207 {
        %sub3A_408 = arith.constant 1 : i32
        %sub3A_409 = arith.subi %add3A_202, %sub3A_408 : i32
        %jit3A_410 = arith.constant 3 : i32
        %eq3A_411 = arith.constant 0 : i32
        %eq3A_412 = arith.cmpi eq, %jit3A_410, %eq3A_411 : i32
        %jit3A_413 = arith.constant 1 : i32
        %select_n3A_414 = arith.select %eq3A_412, %jit3A_413, %jit3A_410 : i32
        %rem3A_415 = arith.remsi %sub3A_409, %select_n3A_414 : i32
        %ne3A_416 = arith.constant 0 : i32
        %ne3A_417 = arith.cmpi ne, %rem3A_415, %ne3A_416 : i32
        %lt3A_418 = arith.constant 0 : i32
        %lt3A_419 = arith.cmpi slt, %rem3A_415, %lt3A_418 : i32
        %lt3A_420 = arith.constant 0 : i32
        %lt3A_421 = arith.cmpi slt, %select_n3A_414, %lt3A_420 : i32
        %ne3A_422 = arith.xori %lt3A_419, %lt3A_421 : i1
        %and3A_423 = arith.andi %ne3A_422, %ne3A_417 : i1
        %add3A_424 = arith.addi %rem3A_415, %select_n3A_414 : i32
        %select_n3A_425 = arith.select %and3A_423, %add3A_424, %rem3A_415 : i32
        %jit3A_426 = arith.constant 3 : i32
        %eq3A_427 = arith.constant 0 : i32
        %eq3A_428 = arith.cmpi eq, %jit3A_426, %eq3A_427 : i32
        %jit3A_429 = arith.constant 1 : i32
        %select_n3A_430 = arith.select %eq3A_428, %jit3A_429, %jit3A_426 : i32
        %rem3A_431 = arith.remsi %sub3A_409, %select_n3A_430 : i32
        %ne3A_432 = arith.constant 0 : i32
        %ne3A_433 = arith.cmpi ne, %rem3A_431, %ne3A_432 : i32
        %lt3A_434 = arith.constant 0 : i32
        %lt3A_435 = arith.cmpi slt, %rem3A_431, %lt3A_434 : i32
        %lt3A_436 = arith.constant 0 : i32
        %lt3A_437 = arith.cmpi slt, %select_n3A_430, %lt3A_436 : i32
        %ne3A_438 = arith.xori %lt3A_435, %lt3A_437 : i1
        %and3A_439 = arith.andi %ne3A_438, %ne3A_433 : i1
        %add3A_440 = arith.addi %rem3A_431, %select_n3A_430 : i32
        %select_n3A_441 = arith.select %and3A_439, %add3A_440, %rem3A_431 : i32
        %dma_wait3A_442 = arith.constant 0 : i32
        %dma_wait3A_443 = arith.constant 0 : i32
        %dma_wait3A_444 = tpu.memref_slice %arg8[%select_n3A_425, %dma_wait3A_442, %dma_wait3A_443] : memref<3x128x128xf32, #tpu.memory_space<vmem>> -> memref<1x128x128xf32, #tpu.memory_space<vmem>>
        %dma_wait3A_445 = tpu.memref_squeeze %dma_wait3A_444 : memref<1x128x128xf32, #tpu.memory_space<vmem>> -> memref<128x128xf32, #tpu.memory_space<vmem>>
        %dma_wait3A_446 = arith.constant 0 : i32
        %dma_wait3A_447 = tpu.memref_slice %arg7[%select_n3A_441, %dma_wait3A_446] : memref<3x128xi32, #tpu.memory_space<vmem>> -> memref<1x128xi32, #tpu.memory_space<vmem>>
        %dma_wait3A_448 = tpu.memref_squeeze %dma_wait3A_447 : memref<1x128xi32, #tpu.memory_space<vmem>> -> memref<128xi32, #tpu.memory_space<vmem>>
        %dma_wait3A_449 = arith.constant 0 : i32
        %dma_wait3A_450 = arith.constant 0 : i32
        %dma_wait3A_451 = tpu.memref_slice %arg9[%dma_wait3A_449, %dma_wait3A_450] : memref<9984x128xf32, #tpu.memory_space<vmem_shared>> -> memref<9984x128xf32, #tpu.memory_space<vmem_shared>>
        tpu.wait_indirect_dma semaphore(%arg15 : memref<!tpu.dma_semaphore, #tpu.memory_space<semaphore_mem>>) src(%dma_wait3A_445 : memref<128x128xf32, #tpu.memory_space<vmem>>) dst(%dma_wait3A_451 : memref<9984x128xf32, #tpu.memory_space<vmem_shared>>)
      } else {
      }
      %add3A_208 = arith.constant 2 : i32
      %add3A_209 = arith.addi %add3A_202, %add3A_208 : i32
      %lt3A = arith.cmpi slt, %add3A_209, %select_n3A : i32
      %convert_element_type3A_210 = arith.extui %lt3A : i1 to i32
      %cond3A_211 = arith.constant 0 : i32
      %cond3A_212 = arith.cmpi ne, %convert_element_type3A_210, %cond3A_211 : i32
      scf.if %cond3A_212 {
        %add3A_408 = arith.constant 2 : i32
        %add3A_409 = arith.addi %add3A_202, %add3A_408 : i32
        %add3A_410 = arith.addi %select_n3A_8, %add3A_409 : i32
        %mul3A_411 = arith.constant 128 : i32
        %mul3A_412 = arith.muli %add3A_410, %mul3A_411 : i32
        %jit3A_413 = arith.constant 3 : i32
        %eq3A_414 = arith.constant 0 : i32
        %eq3A_415 = arith.cmpi eq, %jit3A_413, %eq3A_414 : i32
        %jit3A_416 = arith.constant 1 : i32
        %select_n3A_417 = arith.select %eq3A_415, %jit3A_416, %jit3A_413 : i32
        %rem3A_418 = arith.remsi %add3A_409, %select_n3A_417 : i32
        %ne3A_419 = arith.constant 0 : i32
        %ne3A_420 = arith.cmpi ne, %rem3A_418, %ne3A_419 : i32
        %lt3A_421 = arith.constant 0 : i32
        %lt3A_422 = arith.cmpi slt, %rem3A_418, %lt3A_421 : i32
        %lt3A_423 = arith.constant 0 : i32
        %lt3A_424 = arith.cmpi slt, %select_n3A_417, %lt3A_423 : i32
        %ne3A_425 = arith.xori %lt3A_422, %lt3A_424 : i1
        %and3A_426 = arith.andi %ne3A_425, %ne3A_420 : i1
        %add3A_427 = arith.addi %rem3A_418, %select_n3A_417 : i32
        %select_n3A_428 = arith.select %and3A_426, %add3A_427, %rem3A_418 : i32
        %dma_start3A_429 = arith.constant 0 : i32
        %dma_start3A_430 = tpu.memref_slice %arg6[%select_n3A_428, %dma_start3A_429] : memref<3x128xi32, #tpu.memory_space<vmem>> -> memref<1x128xi32, #tpu.memory_space<vmem>>
        %dma_start3A_431 = tpu.memref_squeeze %dma_start3A_430 : memref<1x128xi32, #tpu.memory_space<vmem>> -> memref<128xi32, #tpu.memory_space<vmem>>
        %dma_start3A_432 = tpu.memref_slice %arg3[%mul3A_412] : memref<319488xi32, #tpu.memory_space<hbm>> -> memref<128xi32, #tpu.memory_space<hbm>>
        %dma_start3A_433 = arith.constant 0 : i32
        %dma_start3A_434 = tpu.memref_slice %arg6[%select_n3A_428, %dma_start3A_433] : memref<3x128xi32, #tpu.memory_space<vmem>> -> memref<1x128xi32, #tpu.memory_space<vmem>>
        %dma_start3A_435 = tpu.memref_squeeze %dma_start3A_434 : memref<1x128xi32, #tpu.memory_space<vmem>> -> memref<128xi32, #tpu.memory_space<vmem>>
        %dma_start3A_436 = tpu.memref_slice %arg3[%mul3A_412] : memref<319488xi32, #tpu.memory_space<hbm>> -> memref<128xi32, #tpu.memory_space<hbm>>
        tpu.enqueue_dma source(%dma_start3A_436 : memref<128xi32, #tpu.memory_space<hbm>>) target(%dma_start3A_435 : memref<128xi32, #tpu.memory_space<vmem>>) target_semaphore(%arg11 : memref<!tpu.dma_semaphore, #tpu.memory_space<semaphore_mem>>)
        %dma_start3A_437 = arith.constant 0 : i32
        %dma_start3A_438 = tpu.memref_slice %arg7[%select_n3A_428, %dma_start3A_437] : memref<3x128xi32, #tpu.memory_space<vmem>> -> memref<1x128xi32, #tpu.memory_space<vmem>>
        %dma_start3A_439 = tpu.memref_squeeze %dma_start3A_438 : memref<1x128xi32, #tpu.memory_space<vmem>> -> memref<128xi32, #tpu.memory_space<vmem>>
        %dma_start3A_440 = tpu.memref_slice %arg4[%mul3A_412] : memref<319488xi32, #tpu.memory_space<hbm>> -> memref<128xi32, #tpu.memory_space<hbm>>
        %dma_start3A_441 = arith.constant 0 : i32
        %dma_start3A_442 = tpu.memref_slice %arg7[%select_n3A_428, %dma_start3A_441] : memref<3x128xi32, #tpu.memory_space<vmem>> -> memref<1x128xi32, #tpu.memory_space<vmem>>
        %dma_start3A_443 = tpu.memref_squeeze %dma_start3A_442 : memref<1x128xi32, #tpu.memory_space<vmem>> -> memref<128xi32, #tpu.memory_space<vmem>>
        %dma_start3A_444 = tpu.memref_slice %arg4[%mul3A_412] : memref<319488xi32, #tpu.memory_space<hbm>> -> memref<128xi32, #tpu.memory_space<hbm>>
        tpu.enqueue_dma source(%dma_start3A_444 : memref<128xi32, #tpu.memory_space<hbm>>) target(%dma_start3A_443 : memref<128xi32, #tpu.memory_space<vmem>>) target_semaphore(%arg11 : memref<!tpu.dma_semaphore, #tpu.memory_space<semaphore_mem>>)
      } else {
      }
      %jit3A_213 = arith.constant 3 : i32
      %eq3A_214 = arith.constant 0 : i32
      %eq3A_215 = arith.cmpi eq, %jit3A_213, %eq3A_214 : i32
      %jit3A_216 = arith.constant 1 : i32
      %select_n3A_217 = arith.select %eq3A_215, %jit3A_216, %jit3A_213 : i32
      %rem3A_218 = arith.remsi %add3A_202, %select_n3A_217 : i32
      %ne3A_219 = arith.constant 0 : i32
      %ne3A_220 = arith.cmpi ne, %rem3A_218, %ne3A_219 : i32
      %lt3A_221 = arith.constant 0 : i32
      %lt3A_222 = arith.cmpi slt, %rem3A_218, %lt3A_221 : i32
      %lt3A_223 = arith.constant 0 : i32
      %lt3A_224 = arith.cmpi slt, %select_n3A_217, %lt3A_223 : i32
      %ne3A_225 = arith.xori %lt3A_222, %lt3A_224 : i1
      %and3A_226 = arith.andi %ne3A_225, %ne3A_220 : i1
      %add3A_227 = arith.addi %rem3A_218, %select_n3A_217 : i32
      %select_n3A_228 = arith.select %and3A_226, %add3A_227, %rem3A_218 : i32
      %jit3A_229 = arith.constant 3 : i32
      %eq3A_230 = arith.constant 0 : i32
      %eq3A_231 = arith.cmpi eq, %jit3A_229, %eq3A_230 : i32
      %jit3A_232 = arith.constant 1 : i32
      %select_n3A_233 = arith.select %eq3A_231, %jit3A_232, %jit3A_229 : i32
      %rem3A_234 = arith.remsi %add3A_202, %select_n3A_233 : i32
      %ne3A_235 = arith.constant 0 : i32
      %ne3A_236 = arith.cmpi ne, %rem3A_234, %ne3A_235 : i32
      %lt3A_237 = arith.constant 0 : i32
      %lt3A_238 = arith.cmpi slt, %rem3A_234, %lt3A_237 : i32
      %lt3A_239 = arith.constant 0 : i32
      %lt3A_240 = arith.cmpi slt, %select_n3A_233, %lt3A_239 : i32
      %ne3A_241 = arith.xori %lt3A_238, %lt3A_240 : i1
      %and3A_242 = arith.andi %ne3A_241, %ne3A_236 : i1
      %add3A_243 = arith.addi %rem3A_234, %select_n3A_233 : i32
      %select_n3A_244 = arith.select %and3A_242, %add3A_243, %rem3A_234 : i32
      %dma_wait3A_245 = arith.constant 0 : i32
      %dma_wait3A_246 = arith.constant 0 : i32
      %dma_wait3A_247 = tpu.memref_slice %arg8[%select_n3A_244, %dma_wait3A_245, %dma_wait3A_246] : memref<3x128x128xf32, #tpu.memory_space<vmem>> -> memref<1x128x128xf32, #tpu.memory_space<vmem>>
      %dma_wait3A_248 = tpu.memref_squeeze %dma_wait3A_247 : memref<1x128x128xf32, #tpu.memory_space<vmem>> -> memref<128x128xf32, #tpu.memory_space<vmem>>
      %dma_wait3A_249 = arith.constant 0 : i32
      %dma_wait3A_250 = tpu.memref_slice %arg6[%select_n3A_228, %dma_wait3A_249] : memref<3x128xi32, #tpu.memory_space<vmem>> -> memref<1x128xi32, #tpu.memory_space<vmem>>
      %dma_wait3A_251 = tpu.memref_squeeze %dma_wait3A_250 : memref<1x128xi32, #tpu.memory_space<vmem>> -> memref<128xi32, #tpu.memory_space<vmem>>
      %dma_wait3A_252 = arith.constant 0 : i32
      %dma_wait3A_253 = arith.constant 0 : i32
      %dma_wait3A_254 = tpu.memref_slice %arg2[%dma_wait3A_252, %dma_wait3A_253] : memref<9984x128xf32, #tpu.memory_space<hbm>> -> memref<9984x128xf32, #tpu.memory_space<hbm>>
      tpu.wait_indirect_dma semaphore(%arg13 : memref<!tpu.dma_semaphore, #tpu.memory_space<semaphore_mem>>) src(%dma_wait3A_254 : memref<9984x128xf32, #tpu.memory_space<hbm>>) dst(%dma_wait3A_248 : memref<128x128xf32, #tpu.memory_space<vmem>>)
      %jit3A_255 = arith.constant 3 : i32
      %eq3A_256 = arith.constant 0 : i32
      %eq3A_257 = arith.cmpi eq, %jit3A_255, %eq3A_256 : i32
      %jit3A_258 = arith.constant 1 : i32
      %select_n3A_259 = arith.select %eq3A_257, %jit3A_258, %jit3A_255 : i32
      %rem3A_260 = arith.remsi %add3A_202, %select_n3A_259 : i32
      %ne3A_261 = arith.constant 0 : i32
      %ne3A_262 = arith.cmpi ne, %rem3A_260, %ne3A_261 : i32
      %lt3A_263 = arith.constant 0 : i32
      %lt3A_264 = arith.cmpi slt, %rem3A_260, %lt3A_263 : i32
      %lt3A_265 = arith.constant 0 : i32
      %lt3A_266 = arith.cmpi slt, %select_n3A_259, %lt3A_265 : i32
      %ne3A_267 = arith.xori %lt3A_264, %lt3A_266 : i1
      %and3A_268 = arith.andi %ne3A_267, %ne3A_262 : i1
      %add3A_269 = arith.addi %rem3A_260, %select_n3A_259 : i32
      %select_n3A_270 = arith.select %and3A_268, %add3A_269, %rem3A_260 : i32
      %jit3A_271 = arith.constant 3 : i32
      %eq3A_272 = arith.constant 0 : i32
      %eq3A_273 = arith.cmpi eq, %jit3A_271, %eq3A_272 : i32
      %jit3A_274 = arith.constant 1 : i32
      %select_n3A_275 = arith.select %eq3A_273, %jit3A_274, %jit3A_271 : i32
      %rem3A_276 = arith.remsi %add3A_202, %select_n3A_275 : i32
      %ne3A_277 = arith.constant 0 : i32
      %ne3A_278 = arith.cmpi ne, %rem3A_276, %ne3A_277 : i32
      %lt3A_279 = arith.constant 0 : i32
      %lt3A_280 = arith.cmpi slt, %rem3A_276, %lt3A_279 : i32
      %lt3A_281 = arith.constant 0 : i32
      %lt3A_282 = arith.cmpi slt, %select_n3A_275, %lt3A_281 : i32
      %ne3A_283 = arith.xori %lt3A_280, %lt3A_282 : i1
      %and3A_284 = arith.andi %ne3A_283, %ne3A_278 : i1
      %add3A_285 = arith.addi %rem3A_276, %select_n3A_275 : i32
      %select_n3A_286 = arith.select %and3A_284, %add3A_285, %rem3A_276 : i32
      %dma_start3A_287 = arith.constant 0 : i32
      %dma_start3A_288 = arith.constant 0 : i32
      %dma_start3A_289 = tpu.memref_slice %arg8[%select_n3A_270, %dma_start3A_287, %dma_start3A_288] : memref<3x128x128xf32, #tpu.memory_space<vmem>> -> memref<1x128x128xf32, #tpu.memory_space<vmem>>
      %dma_start3A_290 = tpu.memref_squeeze %dma_start3A_289 : memref<1x128x128xf32, #tpu.memory_space<vmem>> -> memref<128x128xf32, #tpu.memory_space<vmem>>
      %dma_start3A_291 = arith.constant 0 : i32
      %dma_start3A_292 = tpu.memref_slice %arg7[%select_n3A_286, %dma_start3A_291] : memref<3x128xi32, #tpu.memory_space<vmem>> -> memref<1x128xi32, #tpu.memory_space<vmem>>
      %dma_start3A_293 = tpu.memref_squeeze %dma_start3A_292 : memref<1x128xi32, #tpu.memory_space<vmem>> -> memref<128xi32, #tpu.memory_space<vmem>>
      %dma_start3A_294 = arith.constant 0 : i32
      %dma_start3A_295 = arith.constant 0 : i32
      %dma_start3A_296 = tpu.memref_slice %arg9[%dma_start3A_294, %dma_start3A_295] : memref<9984x128xf32, #tpu.memory_space<vmem_shared>> -> memref<9984x128xf32, #tpu.memory_space<vmem_shared>>
      tpu.enqueue_indirect_dma source(%dma_start3A_290 : memref<128x128xf32, #tpu.memory_space<vmem>>) target(%dma_start3A_296 : memref<9984x128xf32, #tpu.memory_space<vmem_shared>>) offsets(%dma_start3A_293 : memref<128xi32, #tpu.memory_space<vmem>>) semaphore(%arg15 : memref<!tpu.dma_semaphore, #tpu.memory_space<semaphore_mem>>) {add = true}
      %add3A_297 = arith.constant 2 : i32
      %add3A_298 = arith.addi %add3A_202, %add3A_297 : i32
      %lt3A_299 = arith.cmpi slt, %add3A_298, %select_n3A : i32
      %convert_element_type3A_300 = arith.extui %lt3A_299 : i1 to i32
      %cond3A_301 = arith.constant 0 : i32
      %cond3A_302 = arith.cmpi ne, %convert_element_type3A_300, %cond3A_301 : i32
      scf.if %cond3A_302 {
        %add3A_408 = arith.constant 2 : i32
        %add3A_409 = arith.addi %add3A_202, %add3A_408 : i32
        %add3A_410 = arith.addi %select_n3A_8, %add3A_409 : i32
        %mul3A_411 = arith.constant 128 : i32
        %mul3A_412 = arith.muli %add3A_410, %mul3A_411 : i32
        %jit3A_413 = arith.constant 3 : i32
        %eq3A_414 = arith.constant 0 : i32
        %eq3A_415 = arith.cmpi eq, %jit3A_413, %eq3A_414 : i32
        %jit3A_416 = arith.constant 1 : i32
        %select_n3A_417 = arith.select %eq3A_415, %jit3A_416, %jit3A_413 : i32
        %rem3A_418 = arith.remsi %add3A_409, %select_n3A_417 : i32
        %ne3A_419 = arith.constant 0 : i32
        %ne3A_420 = arith.cmpi ne, %rem3A_418, %ne3A_419 : i32
        %lt3A_421 = arith.constant 0 : i32
        %lt3A_422 = arith.cmpi slt, %rem3A_418, %lt3A_421 : i32
        %lt3A_423 = arith.constant 0 : i32
        %lt3A_424 = arith.cmpi slt, %select_n3A_417, %lt3A_423 : i32
        %ne3A_425 = arith.xori %lt3A_422, %lt3A_424 : i1
        %and3A_426 = arith.andi %ne3A_425, %ne3A_420 : i1
        %add3A_427 = arith.addi %rem3A_418, %select_n3A_417 : i32
        %select_n3A_428 = arith.select %and3A_426, %add3A_427, %rem3A_418 : i32
        %dma_wait3A_429 = arith.constant 0 : i32
        %dma_wait3A_430 = tpu.memref_slice %arg6[%select_n3A_428, %dma_wait3A_429] : memref<3x128xi32, #tpu.memory_space<vmem>> -> memref<1x128xi32, #tpu.memory_space<vmem>>
        %dma_wait3A_431 = tpu.memref_squeeze %dma_wait3A_430 : memref<1x128xi32, #tpu.memory_space<vmem>> -> memref<128xi32, #tpu.memory_space<vmem>>
        %dma_wait3A_432 = tpu.memref_slice %arg3[%mul3A_412] : memref<319488xi32, #tpu.memory_space<hbm>> -> memref<128xi32, #tpu.memory_space<hbm>>
        %dma_wait3A_433 = arith.constant 0 : i32
        %dma_wait3A_434 = tpu.memref_slice %arg6[%select_n3A_428, %dma_wait3A_433] : memref<3x128xi32, #tpu.memory_space<vmem>> -> memref<1x128xi32, #tpu.memory_space<vmem>>
        %dma_wait3A_435 = tpu.memref_squeeze %dma_wait3A_434 : memref<1x128xi32, #tpu.memory_space<vmem>> -> memref<128xi32, #tpu.memory_space<vmem>>
        %dma_wait3A_436 = tpu.memref_slice %arg3[%mul3A_412] : memref<319488xi32, #tpu.memory_space<hbm>> -> memref<128xi32, #tpu.memory_space<hbm>>
        tpu.wait_dma2 semaphore(%arg11 : memref<!tpu.dma_semaphore, #tpu.memory_space<semaphore_mem>>) src(%dma_wait3A_436 : memref<128xi32, #tpu.memory_space<hbm>>) dst(%dma_wait3A_435 : memref<128xi32, #tpu.memory_space<vmem>>)
        %dma_wait3A_437 = arith.constant 0 : i32
        %dma_wait3A_438 = tpu.memref_slice %arg7[%select_n3A_428, %dma_wait3A_437] : memref<3x128xi32, #tpu.memory_space<vmem>> -> memref<1x128xi32, #tpu.memory_space<vmem>>
        %dma_wait3A_439 = tpu.memref_squeeze %dma_wait3A_438 : memref<1x128xi32, #tpu.memory_space<vmem>> -> memref<128xi32, #tpu.memory_space<vmem>>
        %dma_wait3A_440 = tpu.memref_slice %arg4[%mul3A_412] : memref<319488xi32, #tpu.memory_space<hbm>> -> memref<128xi32, #tpu.memory_space<hbm>>
        %dma_wait3A_441 = arith.constant 0 : i32
        %dma_wait3A_442 = tpu.memref_slice %arg7[%select_n3A_428, %dma_wait3A_441] : memref<3x128xi32, #tpu.memory_space<vmem>> -> memref<1x128xi32, #tpu.memory_space<vmem>>
        %dma_wait3A_443 = tpu.memref_squeeze %dma_wait3A_442 : memref<1x128xi32, #tpu.memory_space<vmem>> -> memref<128xi32, #tpu.memory_space<vmem>>
        %dma_wait3A_444 = tpu.memref_slice %arg4[%mul3A_412] : memref<319488xi32, #tpu.memory_space<hbm>> -> memref<128xi32, #tpu.memory_space<hbm>>
        tpu.wait_dma2 semaphore(%arg11 : memref<!tpu.dma_semaphore, #tpu.memory_space<semaphore_mem>>) src(%dma_wait3A_444 : memref<128xi32, #tpu.memory_space<hbm>>) dst(%dma_wait3A_443 : memref<128xi32, #tpu.memory_space<vmem>>)
        %add3A_445 = arith.constant 2 : i32
        %add3A_446 = arith.addi %add3A_202, %add3A_445 : i32
        %jit3A_447 = arith.constant 3 : i32
        %eq3A_448 = arith.constant 0 : i32
        %eq3A_449 = arith.cmpi eq, %jit3A_447, %eq3A_448 : i32
        %jit3A_450 = arith.constant 1 : i32
        %select_n3A_451 = arith.select %eq3A_449, %jit3A_450, %jit3A_447 : i32
        %rem3A_452 = arith.remsi %add3A_446, %select_n3A_451 : i32
        %ne3A_453 = arith.constant 0 : i32
        %ne3A_454 = arith.cmpi ne, %rem3A_452, %ne3A_453 : i32
        %lt3A_455 = arith.constant 0 : i32
        %lt3A_456 = arith.cmpi slt, %rem3A_452, %lt3A_455 : i32
        %lt3A_457 = arith.constant 0 : i32
        %lt3A_458 = arith.cmpi slt, %select_n3A_451, %lt3A_457 : i32
        %ne3A_459 = arith.xori %lt3A_456, %lt3A_458 : i1
        %and3A_460 = arith.andi %ne3A_459, %ne3A_454 : i1
        %add3A_461 = arith.addi %rem3A_452, %select_n3A_451 : i32
        %select_n3A_462 = arith.select %and3A_460, %add3A_461, %rem3A_452 : i32
        %jit3A_463 = arith.constant 3 : i32
        %eq3A_464 = arith.constant 0 : i32
        %eq3A_465 = arith.cmpi eq, %jit3A_463, %eq3A_464 : i32
        %jit3A_466 = arith.constant 1 : i32
        %select_n3A_467 = arith.select %eq3A_465, %jit3A_466, %jit3A_463 : i32
        %rem3A_468 = arith.remsi %add3A_446, %select_n3A_467 : i32
        %ne3A_469 = arith.constant 0 : i32
        %ne3A_470 = arith.cmpi ne, %rem3A_468, %ne3A_469 : i32
        %lt3A_471 = arith.constant 0 : i32
        %lt3A_472 = arith.cmpi slt, %rem3A_468, %lt3A_471 : i32
        %lt3A_473 = arith.constant 0 : i32
        %lt3A_474 = arith.cmpi slt, %select_n3A_467, %lt3A_473 : i32
        %ne3A_475 = arith.xori %lt3A_472, %lt3A_474 : i1
        %and3A_476 = arith.andi %ne3A_475, %ne3A_470 : i1
        %add3A_477 = arith.addi %rem3A_468, %select_n3A_467 : i32
        %select_n3A_478 = arith.select %and3A_476, %add3A_477, %rem3A_468 : i32
        %dma_start3A_479 = arith.constant 0 : i32
        %dma_start3A_480 = arith.constant 0 : i32
        %dma_start3A_481 = tpu.memref_slice %arg8[%select_n3A_478, %dma_start3A_479, %dma_start3A_480] : memref<3x128x128xf32, #tpu.memory_space<vmem>> -> memref<1x128x128xf32, #tpu.memory_space<vmem>>
        %dma_start3A_482 = tpu.memref_squeeze %dma_start3A_481 : memref<1x128x128xf32, #tpu.memory_space<vmem>> -> memref<128x128xf32, #tpu.memory_space<vmem>>
        %dma_start3A_483 = arith.constant 0 : i32
        %dma_start3A_484 = tpu.memref_slice %arg6[%select_n3A_462, %dma_start3A_483] : memref<3x128xi32, #tpu.memory_space<vmem>> -> memref<1x128xi32, #tpu.memory_space<vmem>>
        %dma_start3A_485 = tpu.memref_squeeze %dma_start3A_484 : memref<1x128xi32, #tpu.memory_space<vmem>> -> memref<128xi32, #tpu.memory_space<vmem>>
        %dma_start3A_486 = arith.constant 0 : i32
        %dma_start3A_487 = arith.constant 0 : i32
        %dma_start3A_488 = tpu.memref_slice %arg2[%dma_start3A_486, %dma_start3A_487] : memref<9984x128xf32, #tpu.memory_space<hbm>> -> memref<9984x128xf32, #tpu.memory_space<hbm>>
        tpu.enqueue_indirect_dma source(%dma_start3A_488 : memref<9984x128xf32, #tpu.memory_space<hbm>>) target(%dma_start3A_482 : memref<128x128xf32, #tpu.memory_space<vmem>>) offsets(%dma_start3A_485 : memref<128xi32, #tpu.memory_space<vmem>>) semaphore(%arg13 : memref<!tpu.dma_semaphore, #tpu.memory_space<semaphore_mem>>)
      } else {
      }
      %mul3A_303 = arith.constant 2 : i32
      %mul3A_304 = arith.muli %mul3A_303, %while3A_198 : i32
      %add3A_305 = arith.constant 1 : i32
      %add3A_306 = arith.addi %mul3A_304, %add3A_305 : i32
      %gt3A_307 = arith.constant 0 : i32
      %gt3A_308 = arith.cmpi sgt, %add3A_306, %gt3A_307 : i32
      %convert_element_type3A_309 = arith.extui %gt3A_308 : i1 to i32
      %cond3A_310 = arith.constant 0 : i32
      %cond3A_311 = arith.cmpi ne, %convert_element_type3A_309, %cond3A_310 : i32
      scf.if %cond3A_311 {
        %sub3A_408 = arith.constant 1 : i32
        %sub3A_409 = arith.subi %add3A_306, %sub3A_408 : i32
        %jit3A_410 = arith.constant 3 : i32
        %eq3A_411 = arith.constant 0 : i32
        %eq3A_412 = arith.cmpi eq, %jit3A_410, %eq3A_411 : i32
        %jit3A_413 = arith.constant 1 : i32
        %select_n3A_414 = arith.select %eq3A_412, %jit3A_413, %jit3A_410 : i32
        %rem3A_415 = arith.remsi %sub3A_409, %select_n3A_414 : i32
        %ne3A_416 = arith.constant 0 : i32
        %ne3A_417 = arith.cmpi ne, %rem3A_415, %ne3A_416 : i32
        %lt3A_418 = arith.constant 0 : i32
        %lt3A_419 = arith.cmpi slt, %rem3A_415, %lt3A_418 : i32
        %lt3A_420 = arith.constant 0 : i32
        %lt3A_421 = arith.cmpi slt, %select_n3A_414, %lt3A_420 : i32
        %ne3A_422 = arith.xori %lt3A_419, %lt3A_421 : i1
        %and3A_423 = arith.andi %ne3A_422, %ne3A_417 : i1
        %add3A_424 = arith.addi %rem3A_415, %select_n3A_414 : i32
        %select_n3A_425 = arith.select %and3A_423, %add3A_424, %rem3A_415 : i32
        %jit3A_426 = arith.constant 3 : i32
        %eq3A_427 = arith.constant 0 : i32
        %eq3A_428 = arith.cmpi eq, %jit3A_426, %eq3A_427 : i32
        %jit3A_429 = arith.constant 1 : i32
        %select_n3A_430 = arith.select %eq3A_428, %jit3A_429, %jit3A_426 : i32
        %rem3A_431 = arith.remsi %sub3A_409, %select_n3A_430 : i32
        %ne3A_432 = arith.constant 0 : i32
        %ne3A_433 = arith.cmpi ne, %rem3A_431, %ne3A_432 : i32
        %lt3A_434 = arith.constant 0 : i32
        %lt3A_435 = arith.cmpi slt, %rem3A_431, %lt3A_434 : i32
        %lt3A_436 = arith.constant 0 : i32
        %lt3A_437 = arith.cmpi slt, %select_n3A_430, %lt3A_436 : i32
        %ne3A_438 = arith.xori %lt3A_435, %lt3A_437 : i1
        %and3A_439 = arith.andi %ne3A_438, %ne3A_433 : i1
        %add3A_440 = arith.addi %rem3A_431, %select_n3A_430 : i32
        %select_n3A_441 = arith.select %and3A_439, %add3A_440, %rem3A_431 : i32
        %dma_wait3A_442 = arith.constant 0 : i32
        %dma_wait3A_443 = arith.constant 0 : i32
        %dma_wait3A_444 = tpu.memref_slice %arg8[%select_n3A_425, %dma_wait3A_442, %dma_wait3A_443] : memref<3x128x128xf32, #tpu.memory_space<vmem>> -> memref<1x128x128xf32, #tpu.memory_space<vmem>>
        %dma_wait3A_445 = tpu.memref_squeeze %dma_wait3A_444 : memref<1x128x128xf32, #tpu.memory_space<vmem>> -> memref<128x128xf32, #tpu.memory_space<vmem>>
        %dma_wait3A_446 = arith.constant 0 : i32
        %dma_wait3A_447 = tpu.memref_slice %arg7[%select_n3A_441, %dma_wait3A_446] : memref<3x128xi32, #tpu.memory_space<vmem>> -> memref<1x128xi32, #tpu.memory_space<vmem>>
        %dma_wait3A_448 = tpu.memref_squeeze %dma_wait3A_447 : memref<1x128xi32, #tpu.memory_space<vmem>> -> memref<128xi32, #tpu.memory_space<vmem>>
        %dma_wait3A_449 = arith.constant 0 : i32
        %dma_wait3A_450 = arith.constant 0 : i32
        %dma_wait3A_451 = tpu.memref_slice %arg9[%dma_wait3A_449, %dma_wait3A_450] : memref<9984x128xf32, #tpu.memory_space<vmem_shared>> -> memref<9984x128xf32, #tpu.memory_space<vmem_shared>>
        tpu.wait_indirect_dma semaphore(%arg15 : memref<!tpu.dma_semaphore, #tpu.memory_space<semaphore_mem>>) src(%dma_wait3A_445 : memref<128x128xf32, #tpu.memory_space<vmem>>) dst(%dma_wait3A_451 : memref<9984x128xf32, #tpu.memory_space<vmem_shared>>)
      } else {
      }
      %add3A_312 = arith.constant 2 : i32
      %add3A_313 = arith.addi %add3A_306, %add3A_312 : i32
      %lt3A_314 = arith.cmpi slt, %add3A_313, %select_n3A : i32
      %convert_element_type3A_315 = arith.extui %lt3A_314 : i1 to i32
      %cond3A_316 = arith.constant 0 : i32
      %cond3A_317 = arith.cmpi ne, %convert_element_type3A_315, %cond3A_316 : i32
      scf.if %cond3A_317 {
        %add3A_408 = arith.constant 2 : i32
        %add3A_409 = arith.addi %add3A_306, %add3A_408 : i32
        %add3A_410 = arith.addi %select_n3A_8, %add3A_409 : i32
        %mul3A_411 = arith.constant 128 : i32
        %mul3A_412 = arith.muli %add3A_410, %mul3A_411 : i32
        %jit3A_413 = arith.constant 3 : i32
        %eq3A_414 = arith.constant 0 : i32
        %eq3A_415 = arith.cmpi eq, %jit3A_413, %eq3A_414 : i32
        %jit3A_416 = arith.constant 1 : i32
        %select_n3A_417 = arith.select %eq3A_415, %jit3A_416, %jit3A_413 : i32
        %rem3A_418 = arith.remsi %add3A_409, %select_n3A_417 : i32
        %ne3A_419 = arith.constant 0 : i32
        %ne3A_420 = arith.cmpi ne, %rem3A_418, %ne3A_419 : i32
        %lt3A_421 = arith.constant 0 : i32
        %lt3A_422 = arith.cmpi slt, %rem3A_418, %lt3A_421 : i32
        %lt3A_423 = arith.constant 0 : i32
        %lt3A_424 = arith.cmpi slt, %select_n3A_417, %lt3A_423 : i32
        %ne3A_425 = arith.xori %lt3A_422, %lt3A_424 : i1
        %and3A_426 = arith.andi %ne3A_425, %ne3A_420 : i1
        %add3A_427 = arith.addi %rem3A_418, %select_n3A_417 : i32
        %select_n3A_428 = arith.select %and3A_426, %add3A_427, %rem3A_418 : i32
        %dma_start3A_429 = arith.constant 0 : i32
        %dma_start3A_430 = tpu.memref_slice %arg6[%select_n3A_428, %dma_start3A_429] : memref<3x128xi32, #tpu.memory_space<vmem>> -> memref<1x128xi32, #tpu.memory_space<vmem>>
        %dma_start3A_431 = tpu.memref_squeeze %dma_start3A_430 : memref<1x128xi32, #tpu.memory_space<vmem>> -> memref<128xi32, #tpu.memory_space<vmem>>
        %dma_start3A_432 = tpu.memref_slice %arg3[%mul3A_412] : memref<319488xi32, #tpu.memory_space<hbm>> -> memref<128xi32, #tpu.memory_space<hbm>>
        %dma_start3A_433 = arith.constant 0 : i32
        %dma_start3A_434 = tpu.memref_slice %arg6[%select_n3A_428, %dma_start3A_433] : memref<3x128xi32, #tpu.memory_space<vmem>> -> memref<1x128xi32, #tpu.memory_space<vmem>>
        %dma_start3A_435 = tpu.memref_squeeze %dma_start3A_434 : memref<1x128xi32, #tpu.memory_space<vmem>> -> memref<128xi32, #tpu.memory_space<vmem>>
        %dma_start3A_436 = tpu.memref_slice %arg3[%mul3A_412] : memref<319488xi32, #tpu.memory_space<hbm>> -> memref<128xi32, #tpu.memory_space<hbm>>
        tpu.enqueue_dma source(%dma_start3A_436 : memref<128xi32, #tpu.memory_space<hbm>>) target(%dma_start3A_435 : memref<128xi32, #tpu.memory_space<vmem>>) target_semaphore(%arg12 : memref<!tpu.dma_semaphore, #tpu.memory_space<semaphore_mem>>)
        %dma_start3A_437 = arith.constant 0 : i32
        %dma_start3A_438 = tpu.memref_slice %arg7[%select_n3A_428, %dma_start3A_437] : memref<3x128xi32, #tpu.memory_space<vmem>> -> memref<1x128xi32, #tpu.memory_space<vmem>>
        %dma_start3A_439 = tpu.memref_squeeze %dma_start3A_438 : memref<1x128xi32, #tpu.memory_space<vmem>> -> memref<128xi32, #tpu.memory_space<vmem>>
        %dma_start3A_440 = tpu.memref_slice %arg4[%mul3A_412] : memref<319488xi32, #tpu.memory_space<hbm>> -> memref<128xi32, #tpu.memory_space<hbm>>
        %dma_start3A_441 = arith.constant 0 : i32
        %dma_start3A_442 = tpu.memref_slice %arg7[%select_n3A_428, %dma_start3A_441] : memref<3x128xi32, #tpu.memory_space<vmem>> -> memref<1x128xi32, #tpu.memory_space<vmem>>
        %dma_start3A_443 = tpu.memref_squeeze %dma_start3A_442 : memref<1x128xi32, #tpu.memory_space<vmem>> -> memref<128xi32, #tpu.memory_space<vmem>>
        %dma_start3A_444 = tpu.memref_slice %arg4[%mul3A_412] : memref<319488xi32, #tpu.memory_space<hbm>> -> memref<128xi32, #tpu.memory_space<hbm>>
        tpu.enqueue_dma source(%dma_start3A_444 : memref<128xi32, #tpu.memory_space<hbm>>) target(%dma_start3A_443 : memref<128xi32, #tpu.memory_space<vmem>>) target_semaphore(%arg12 : memref<!tpu.dma_semaphore, #tpu.memory_space<semaphore_mem>>)
      } else {
      }
      %jit3A_318 = arith.constant 3 : i32
      %eq3A_319 = arith.constant 0 : i32
      %eq3A_320 = arith.cmpi eq, %jit3A_318, %eq3A_319 : i32
      %jit3A_321 = arith.constant 1 : i32
      %select_n3A_322 = arith.select %eq3A_320, %jit3A_321, %jit3A_318 : i32
      %rem3A_323 = arith.remsi %add3A_306, %select_n3A_322 : i32
      %ne3A_324 = arith.constant 0 : i32
      %ne3A_325 = arith.cmpi ne, %rem3A_323, %ne3A_324 : i32
      %lt3A_326 = arith.constant 0 : i32
      %lt3A_327 = arith.cmpi slt, %rem3A_323, %lt3A_326 : i32
      %lt3A_328 = arith.constant 0 : i32
      %lt3A_329 = arith.cmpi slt, %select_n3A_322, %lt3A_328 : i32
      %ne3A_330 = arith.xori %lt3A_327, %lt3A_329 : i1
      %and3A_331 = arith.andi %ne3A_330, %ne3A_325 : i1
      %add3A_332 = arith.addi %rem3A_323, %select_n3A_322 : i32
      %select_n3A_333 = arith.select %and3A_331, %add3A_332, %rem3A_323 : i32
      %jit3A_334 = arith.constant 3 : i32
      %eq3A_335 = arith.constant 0 : i32
      %eq3A_336 = arith.cmpi eq, %jit3A_334, %eq3A_335 : i32
      %jit3A_337 = arith.constant 1 : i32
      %select_n3A_338 = arith.select %eq3A_336, %jit3A_337, %jit3A_334 : i32
      %rem3A_339 = arith.remsi %add3A_306, %select_n3A_338 : i32
      %ne3A_340 = arith.constant 0 : i32
      %ne3A_341 = arith.cmpi ne, %rem3A_339, %ne3A_340 : i32
      %lt3A_342 = arith.constant 0 : i32
      %lt3A_343 = arith.cmpi slt, %rem3A_339, %lt3A_342 : i32
      %lt3A_344 = arith.constant 0 : i32
      %lt3A_345 = arith.cmpi slt, %select_n3A_338, %lt3A_344 : i32
      %ne3A_346 = arith.xori %lt3A_343, %lt3A_345 : i1
      %and3A_347 = arith.andi %ne3A_346, %ne3A_341 : i1
      %add3A_348 = arith.addi %rem3A_339, %select_n3A_338 : i32
      %select_n3A_349 = arith.select %and3A_347, %add3A_348, %rem3A_339 : i32
      %dma_wait3A_350 = arith.constant 0 : i32
      %dma_wait3A_351 = arith.constant 0 : i32
      %dma_wait3A_352 = tpu.memref_slice %arg8[%select_n3A_349, %dma_wait3A_350, %dma_wait3A_351] : memref<3x128x128xf32, #tpu.memory_space<vmem>> -> memref<1x128x128xf32, #tpu.memory_space<vmem>>
      %dma_wait3A_353 = tpu.memref_squeeze %dma_wait3A_352 : memref<1x128x128xf32, #tpu.memory_space<vmem>> -> memref<128x128xf32, #tpu.memory_space<vmem>>
      %dma_wait3A_354 = arith.constant 0 : i32
      %dma_wait3A_355 = tpu.memref_slice %arg6[%select_n3A_333, %dma_wait3A_354] : memref<3x128xi32, #tpu.memory_space<vmem>> -> memref<1x128xi32, #tpu.memory_space<vmem>>
      %dma_wait3A_356 = tpu.memref_squeeze %dma_wait3A_355 : memref<1x128xi32, #tpu.memory_space<vmem>> -> memref<128xi32, #tpu.memory_space<vmem>>
      %dma_wait3A_357 = arith.constant 0 : i32
      %dma_wait3A_358 = arith.constant 0 : i32
      %dma_wait3A_359 = tpu.memref_slice %arg2[%dma_wait3A_357, %dma_wait3A_358] : memref<9984x128xf32, #tpu.memory_space<hbm>> -> memref<9984x128xf32, #tpu.memory_space<hbm>>
      tpu.wait_indirect_dma semaphore(%arg14 : memref<!tpu.dma_semaphore, #tpu.memory_space<semaphore_mem>>) src(%dma_wait3A_359 : memref<9984x128xf32, #tpu.memory_space<hbm>>) dst(%dma_wait3A_353 : memref<128x128xf32, #tpu.memory_space<vmem>>)
      %jit3A_360 = arith.constant 3 : i32
      %eq3A_361 = arith.constant 0 : i32
      %eq3A_362 = arith.cmpi eq, %jit3A_360, %eq3A_361 : i32
      %jit3A_363 = arith.constant 1 : i32
      %select_n3A_364 = arith.select %eq3A_362, %jit3A_363, %jit3A_360 : i32
      %rem3A_365 = arith.remsi %add3A_306, %select_n3A_364 : i32
      %ne3A_366 = arith.constant 0 : i32
      %ne3A_367 = arith.cmpi ne, %rem3A_365, %ne3A_366 : i32
      %lt3A_368 = arith.constant 0 : i32
      %lt3A_369 = arith.cmpi slt, %rem3A_365, %lt3A_368 : i32
      %lt3A_370 = arith.constant 0 : i32
      %lt3A_371 = arith.cmpi slt, %select_n3A_364, %lt3A_370 : i32
      %ne3A_372 = arith.xori %lt3A_369, %lt3A_371 : i1
      %and3A_373 = arith.andi %ne3A_372, %ne3A_367 : i1
      %add3A_374 = arith.addi %rem3A_365, %select_n3A_364 : i32
      %select_n3A_375 = arith.select %and3A_373, %add3A_374, %rem3A_365 : i32
      %jit3A_376 = arith.constant 3 : i32
      %eq3A_377 = arith.constant 0 : i32
      %eq3A_378 = arith.cmpi eq, %jit3A_376, %eq3A_377 : i32
      %jit3A_379 = arith.constant 1 : i32
      %select_n3A_380 = arith.select %eq3A_378, %jit3A_379, %jit3A_376 : i32
      %rem3A_381 = arith.remsi %add3A_306, %select_n3A_380 : i32
      %ne3A_382 = arith.constant 0 : i32
      %ne3A_383 = arith.cmpi ne, %rem3A_381, %ne3A_382 : i32
      %lt3A_384 = arith.constant 0 : i32
      %lt3A_385 = arith.cmpi slt, %rem3A_381, %lt3A_384 : i32
      %lt3A_386 = arith.constant 0 : i32
      %lt3A_387 = arith.cmpi slt, %select_n3A_380, %lt3A_386 : i32
      %ne3A_388 = arith.xori %lt3A_385, %lt3A_387 : i1
      %and3A_389 = arith.andi %ne3A_388, %ne3A_383 : i1
      %add3A_390 = arith.addi %rem3A_381, %select_n3A_380 : i32
      %select_n3A_391 = arith.select %and3A_389, %add3A_390, %rem3A_381 : i32
      %dma_start3A_392 = arith.constant 0 : i32
      %dma_start3A_393 = arith.constant 0 : i32
      %dma_start3A_394 = tpu.memref_slice %arg8[%select_n3A_375, %dma_start3A_392, %dma_start3A_393] : memref<3x128x128xf32, #tpu.memory_space<vmem>> -> memref<1x128x128xf32, #tpu.memory_space<vmem>>
      %dma_start3A_395 = tpu.memref_squeeze %dma_start3A_394 : memref<1x128x128xf32, #tpu.memory_space<vmem>> -> memref<128x128xf32, #tpu.memory_space<vmem>>
      %dma_start3A_396 = arith.constant 0 : i32
      %dma_start3A_397 = tpu.memref_slice %arg7[%select_n3A_391, %dma_start3A_396] : memref<3x128xi32, #tpu.memory_space<vmem>> -> memref<1x128xi32, #tpu.memory_space<vmem>>
      %dma_start3A_398 = tpu.memref_squeeze %dma_start3A_397 : memref<1x128xi32, #tpu.memory_space<vmem>> -> memref<128xi32, #tpu.memory_space<vmem>>
      %dma_start3A_399 = arith.constant 0 : i32
      %dma_start3A_400 = arith.constant 0 : i32
      %dma_start3A_401 = tpu.memref_slice %arg9[%dma_start3A_399, %dma_start3A_400] : memref<9984x128xf32, #tpu.memory_space<vmem_shared>> -> memref<9984x128xf32, #tpu.memory_space<vmem_shared>>
      tpu.enqueue_indirect_dma source(%dma_start3A_395 : memref<128x128xf32, #tpu.memory_space<vmem>>) target(%dma_start3A_401 : memref<9984x128xf32, #tpu.memory_space<vmem_shared>>) offsets(%dma_start3A_398 : memref<128xi32, #tpu.memory_space<vmem>>) semaphore(%arg15 : memref<!tpu.dma_semaphore, #tpu.memory_space<semaphore_mem>>) {add = true}
      %add3A_402 = arith.constant 2 : i32
      %add3A_403 = arith.addi %add3A_306, %add3A_402 : i32
      %lt3A_404 = arith.cmpi slt, %add3A_403, %select_n3A : i32
      %convert_element_type3A_405 = arith.extui %lt3A_404 : i1 to i32
      %cond3A_406 = arith.constant 0 : i32
      %cond3A_407 = arith.cmpi ne, %convert_element_type3A_405, %cond3A_406 : i32
      scf.if %cond3A_407 {
        %add3A_408 = arith.constant 2 : i32
        %add3A_409 = arith.addi %add3A_306, %add3A_408 : i32
        %add3A_410 = arith.addi %select_n3A_8, %add3A_409 : i32
        %mul3A_411 = arith.constant 128 : i32
        %mul3A_412 = arith.muli %add3A_410, %mul3A_411 : i32
        %jit3A_413 = arith.constant 3 : i32
        %eq3A_414 = arith.constant 0 : i32
        %eq3A_415 = arith.cmpi eq, %jit3A_413, %eq3A_414 : i32
        %jit3A_416 = arith.constant 1 : i32
        %select_n3A_417 = arith.select %eq3A_415, %jit3A_416, %jit3A_413 : i32
        %rem3A_418 = arith.remsi %add3A_409, %select_n3A_417 : i32
        %ne3A_419 = arith.constant 0 : i32
        %ne3A_420 = arith.cmpi ne, %rem3A_418, %ne3A_419 : i32
        %lt3A_421 = arith.constant 0 : i32
        %lt3A_422 = arith.cmpi slt, %rem3A_418, %lt3A_421 : i32
        %lt3A_423 = arith.constant 0 : i32
        %lt3A_424 = arith.cmpi slt, %select_n3A_417, %lt3A_423 : i32
        %ne3A_425 = arith.xori %lt3A_422, %lt3A_424 : i1
        %and3A_426 = arith.andi %ne3A_425, %ne3A_420 : i1
        %add3A_427 = arith.addi %rem3A_418, %select_n3A_417 : i32
        %select_n3A_428 = arith.select %and3A_426, %add3A_427, %rem3A_418 : i32
        %dma_wait3A_429 = arith.constant 0 : i32
        %dma_wait3A_430 = tpu.memref_slice %arg6[%select_n3A_428, %dma_wait3A_429] : memref<3x128xi32, #tpu.memory_space<vmem>> -> memref<1x128xi32, #tpu.memory_space<vmem>>
        %dma_wait3A_431 = tpu.memref_squeeze %dma_wait3A_430 : memref<1x128xi32, #tpu.memory_space<vmem>> -> memref<128xi32, #tpu.memory_space<vmem>>
        %dma_wait3A_432 = tpu.memref_slice %arg3[%mul3A_412] : memref<319488xi32, #tpu.memory_space<hbm>> -> memref<128xi32, #tpu.memory_space<hbm>>
        %dma_wait3A_433 = arith.constant 0 : i32
        %dma_wait3A_434 = tpu.memref_slice %arg6[%select_n3A_428, %dma_wait3A_433] : memref<3x128xi32, #tpu.memory_space<vmem>> -> memref<1x128xi32, #tpu.memory_space<vmem>>
        %dma_wait3A_435 = tpu.memref_squeeze %dma_wait3A_434 : memref<1x128xi32, #tpu.memory_space<vmem>> -> memref<128xi32, #tpu.memory_space<vmem>>
        %dma_wait3A_436 = tpu.memref_slice %arg3[%mul3A_412] : memref<319488xi32, #tpu.memory_space<hbm>> -> memref<128xi32, #tpu.memory_space<hbm>>
        tpu.wait_dma2 semaphore(%arg12 : memref<!tpu.dma_semaphore, #tpu.memory_space<semaphore_mem>>) src(%dma_wait3A_436 : memref<128xi32, #tpu.memory_space<hbm>>) dst(%dma_wait3A_435 : memref<128xi32, #tpu.memory_space<vmem>>)
        %dma_wait3A_437 = arith.constant 0 : i32
        %dma_wait3A_438 = tpu.memref_slice %arg7[%select_n3A_428, %dma_wait3A_437] : memref<3x128xi32, #tpu.memory_space<vmem>> -> memref<1x128xi32, #tpu.memory_space<vmem>>
        %dma_wait3A_439 = tpu.memref_squeeze %dma_wait3A_438 : memref<1x128xi32, #tpu.memory_space<vmem>> -> memref<128xi32, #tpu.memory_space<vmem>>
        %dma_wait3A_440 = tpu.memref_slice %arg4[%mul3A_412] : memref<319488xi32, #tpu.memory_space<hbm>> -> memref<128xi32, #tpu.memory_space<hbm>>
        %dma_wait3A_441 = arith.constant 0 : i32
        %dma_wait3A_442 = tpu.memref_slice %arg7[%select_n3A_428, %dma_wait3A_441] : memref<3x128xi32, #tpu.memory_space<vmem>> -> memref<1x128xi32, #tpu.memory_space<vmem>>
        %dma_wait3A_443 = tpu.memref_squeeze %dma_wait3A_442 : memref<1x128xi32, #tpu.memory_space<vmem>> -> memref<128xi32, #tpu.memory_space<vmem>>
        %dma_wait3A_444 = tpu.memref_slice %arg4[%mul3A_412] : memref<319488xi32, #tpu.memory_space<hbm>> -> memref<128xi32, #tpu.memory_space<hbm>>
        tpu.wait_dma2 semaphore(%arg12 : memref<!tpu.dma_semaphore, #tpu.memory_space<semaphore_mem>>) src(%dma_wait3A_444 : memref<128xi32, #tpu.memory_space<hbm>>) dst(%dma_wait3A_443 : memref<128xi32, #tpu.memory_space<vmem>>)
        %add3A_445 = arith.constant 2 : i32
        %add3A_446 = arith.addi %add3A_306, %add3A_445 : i32
        %jit3A_447 = arith.constant 3 : i32
        %eq3A_448 = arith.constant 0 : i32
        %eq3A_449 = arith.cmpi eq, %jit3A_447, %eq3A_448 : i32
        %jit3A_450 = arith.constant 1 : i32
        %select_n3A_451 = arith.select %eq3A_449, %jit3A_450, %jit3A_447 : i32
        %rem3A_452 = arith.remsi %add3A_446, %select_n3A_451 : i32
        %ne3A_453 = arith.constant 0 : i32
        %ne3A_454 = arith.cmpi ne, %rem3A_452, %ne3A_453 : i32
        %lt3A_455 = arith.constant 0 : i32
        %lt3A_456 = arith.cmpi slt, %rem3A_452, %lt3A_455 : i32
        %lt3A_457 = arith.constant 0 : i32
        %lt3A_458 = arith.cmpi slt, %select_n3A_451, %lt3A_457 : i32
        %ne3A_459 = arith.xori %lt3A_456, %lt3A_458 : i1
        %and3A_460 = arith.andi %ne3A_459, %ne3A_454 : i1
        %add3A_461 = arith.addi %rem3A_452, %select_n3A_451 : i32
        %select_n3A_462 = arith.select %and3A_460, %add3A_461, %rem3A_452 : i32
        %jit3A_463 = arith.constant 3 : i32
        %eq3A_464 = arith.constant 0 : i32
        %eq3A_465 = arith.cmpi eq, %jit3A_463, %eq3A_464 : i32
        %jit3A_466 = arith.constant 1 : i32
        %select_n3A_467 = arith.select %eq3A_465, %jit3A_466, %jit3A_463 : i32
        %rem3A_468 = arith.remsi %add3A_446, %select_n3A_467 : i32
        %ne3A_469 = arith.constant 0 : i32
        %ne3A_470 = arith.cmpi ne, %rem3A_468, %ne3A_469 : i32
        %lt3A_471 = arith.constant 0 : i32
        %lt3A_472 = arith.cmpi slt, %rem3A_468, %lt3A_471 : i32
        %lt3A_473 = arith.constant 0 : i32
        %lt3A_474 = arith.cmpi slt, %select_n3A_467, %lt3A_473 : i32
        %ne3A_475 = arith.xori %lt3A_472, %lt3A_474 : i1
        %and3A_476 = arith.andi %ne3A_475, %ne3A_470 : i1
        %add3A_477 = arith.addi %rem3A_468, %select_n3A_467 : i32
        %select_n3A_478 = arith.select %and3A_476, %add3A_477, %rem3A_468 : i32
        %dma_start3A_479 = arith.constant 0 : i32
        %dma_start3A_480 = arith.constant 0 : i32
        %dma_start3A_481 = tpu.memref_slice %arg8[%select_n3A_478, %dma_start3A_479, %dma_start3A_480] : memref<3x128x128xf32, #tpu.memory_space<vmem>> -> memref<1x128x128xf32, #tpu.memory_space<vmem>>
        %dma_start3A_482 = tpu.memref_squeeze %dma_start3A_481 : memref<1x128x128xf32, #tpu.memory_space<vmem>> -> memref<128x128xf32, #tpu.memory_space<vmem>>
        %dma_start3A_483 = arith.constant 0 : i32
        %dma_start3A_484 = tpu.memref_slice %arg6[%select_n3A_462, %dma_start3A_483] : memref<3x128xi32, #tpu.memory_space<vmem>> -> memref<1x128xi32, #tpu.memory_space<vmem>>
        %dma_start3A_485 = tpu.memref_squeeze %dma_start3A_484 : memref<1x128xi32, #tpu.memory_space<vmem>> -> memref<128xi32, #tpu.memory_space<vmem>>
        %dma_start3A_486 = arith.constant 0 : i32
        %dma_start3A_487 = arith.constant 0 : i32
        %dma_start3A_488 = tpu.memref_slice %arg2[%dma_start3A_486, %dma_start3A_487] : memref<9984x128xf32, #tpu.memory_space<hbm>> -> memref<9984x128xf32, #tpu.memory_space<hbm>>
        tpu.enqueue_indirect_dma source(%dma_start3A_488 : memref<9984x128xf32, #tpu.memory_space<hbm>>) target(%dma_start3A_482 : memref<128x128xf32, #tpu.memory_space<vmem>>) offsets(%dma_start3A_485 : memref<128xi32, #tpu.memory_space<vmem>>) semaphore(%arg14 : memref<!tpu.dma_semaphore, #tpu.memory_space<semaphore_mem>>)
      } else {
      }
    }
    %gt3A = arith.constant 0 : i32
    %gt3A_193 = arith.cmpi sgt, %select_n3A, %gt3A : i32
    %convert_element_type3A_194 = arith.extui %gt3A_193 : i1 to i32
    %cond3A_195 = arith.constant 0 : i32
    %cond3A_196 = arith.cmpi ne, %convert_element_type3A_194, %cond3A_195 : i32
    scf.if %cond3A_196 {
      %sub3A_198 = arith.constant 1 : i32
      %sub3A_199 = arith.subi %select_n3A, %sub3A_198 : i32
      %jit3A_200 = arith.constant 3 : i32
      %eq3A_201 = arith.constant 0 : i32
      %eq3A_202 = arith.cmpi eq, %jit3A_200, %eq3A_201 : i32
      %jit3A_203 = arith.constant 1 : i32
      %select_n3A_204 = arith.select %eq3A_202, %jit3A_203, %jit3A_200 : i32
      %rem3A_205 = arith.remsi %sub3A_199, %select_n3A_204 : i32
      %ne3A_206 = arith.constant 0 : i32
      %ne3A_207 = arith.cmpi ne, %rem3A_205, %ne3A_206 : i32
      %lt3A = arith.constant 0 : i32
      %lt3A_208 = arith.cmpi slt, %rem3A_205, %lt3A : i32
      %lt3A_209 = arith.constant 0 : i32
      %lt3A_210 = arith.cmpi slt, %select_n3A_204, %lt3A_209 : i32
      %ne3A_211 = arith.xori %lt3A_208, %lt3A_210 : i1
      %and3A_212 = arith.andi %ne3A_211, %ne3A_207 : i1
      %add3A_213 = arith.addi %rem3A_205, %select_n3A_204 : i32
      %select_n3A_214 = arith.select %and3A_212, %add3A_213, %rem3A_205 : i32
      %jit3A_215 = arith.constant 3 : i32
      %eq3A_216 = arith.constant 0 : i32
      %eq3A_217 = arith.cmpi eq, %jit3A_215, %eq3A_216 : i32
      %jit3A_218 = arith.constant 1 : i32
      %select_n3A_219 = arith.select %eq3A_217, %jit3A_218, %jit3A_215 : i32
      %rem3A_220 = arith.remsi %sub3A_199, %select_n3A_219 : i32
      %ne3A_221 = arith.constant 0 : i32
      %ne3A_222 = arith.cmpi ne, %rem3A_220, %ne3A_221 : i32
      %lt3A_223 = arith.constant 0 : i32
      %lt3A_224 = arith.cmpi slt, %rem3A_220, %lt3A_223 : i32
      %lt3A_225 = arith.constant 0 : i32
      %lt3A_226 = arith.cmpi slt, %select_n3A_219, %lt3A_225 : i32
      %ne3A_227 = arith.xori %lt3A_224, %lt3A_226 : i1
      %and3A_228 = arith.andi %ne3A_227, %ne3A_222 : i1
      %add3A_229 = arith.addi %rem3A_220, %select_n3A_219 : i32
      %select_n3A_230 = arith.select %and3A_228, %add3A_229, %rem3A_220 : i32
      %dma_wait3A_231 = arith.constant 0 : i32
      %dma_wait3A_232 = arith.constant 0 : i32
      %dma_wait3A_233 = tpu.memref_slice %arg8[%select_n3A_214, %dma_wait3A_231, %dma_wait3A_232] : memref<3x128x128xf32, #tpu.memory_space<vmem>> -> memref<1x128x128xf32, #tpu.memory_space<vmem>>
      %dma_wait3A_234 = tpu.memref_squeeze %dma_wait3A_233 : memref<1x128x128xf32, #tpu.memory_space<vmem>> -> memref<128x128xf32, #tpu.memory_space<vmem>>
      %dma_wait3A_235 = arith.constant 0 : i32
      %dma_wait3A_236 = tpu.memref_slice %arg7[%select_n3A_230, %dma_wait3A_235] : memref<3x128xi32, #tpu.memory_space<vmem>> -> memref<1x128xi32, #tpu.memory_space<vmem>>
      %dma_wait3A_237 = tpu.memref_squeeze %dma_wait3A_236 : memref<1x128xi32, #tpu.memory_space<vmem>> -> memref<128xi32, #tpu.memory_space<vmem>>
      %dma_wait3A_238 = arith.constant 0 : i32
      %dma_wait3A_239 = arith.constant 0 : i32
      %dma_wait3A_240 = tpu.memref_slice %arg9[%dma_wait3A_238, %dma_wait3A_239] : memref<9984x128xf32, #tpu.memory_space<vmem_shared>> -> memref<9984x128xf32, #tpu.memory_space<vmem_shared>>
      tpu.wait_indirect_dma semaphore(%arg15 : memref<!tpu.dma_semaphore, #tpu.memory_space<semaphore_mem>>) src(%dma_wait3A_234 : memref<128x128xf32, #tpu.memory_space<vmem>>) dst(%dma_wait3A_240 : memref<9984x128xf32, #tpu.memory_space<vmem_shared>>)
    } else {
    }
    %barrier3A_197 = arith.constant 0 : index
    tpu.barrier barrier_id(%barrier3A_197)
    "tpu.region"() ({
      %run_scoped3A = tpu.sem_alloc : memref<!tpu.dma_semaphore, #tpu.memory_space<semaphore_mem>>
      %dma_start3A_198 = arith.constant 0 : i32
      %dma_start3A_199 = tpu.memref_slice %arg5[%arg0, %mul3A_10, %dma_start3A_198] : memref<2x9984x128xf32, #tpu.memory_space<hbm>> -> memref<1x624x128xf32, #tpu.memory_space<hbm>>
      %dma_start3A_200 = tpu.memref_squeeze %dma_start3A_199 : memref<1x624x128xf32, #tpu.memory_space<hbm>> -> memref<624x128xf32, #tpu.memory_space<hbm>>
      %dma_start3A_201 = arith.constant 0 : i32
      %dma_start3A_202 = tpu.memref_slice %arg9[%mul3A_10, %dma_start3A_201] : memref<9984x128xf32, #tpu.memory_space<vmem_shared>> -> memref<624x128xf32, #tpu.memory_space<vmem_shared>>
      tpu.enqueue_dma source(%dma_start3A_202 : memref<624x128xf32, #tpu.memory_space<vmem_shared>>) target(%dma_start3A_200 : memref<624x128xf32, #tpu.memory_space<hbm>>) target_semaphore(%run_scoped3A : memref<!tpu.dma_semaphore, #tpu.memory_space<semaphore_mem>>)
      %dma_wait3A_203 = arith.constant 0 : i32
      %dma_wait3A_204 = tpu.memref_slice %arg5[%arg0, %mul3A_10, %dma_wait3A_203] : memref<2x9984x128xf32, #tpu.memory_space<hbm>> -> memref<1x624x128xf32, #tpu.memory_space<hbm>>
      %dma_wait3A_205 = tpu.memref_squeeze %dma_wait3A_204 : memref<1x624x128xf32, #tpu.memory_space<hbm>> -> memref<624x128xf32, #tpu.memory_space<hbm>>
      %dma_wait3A_206 = arith.constant 0 : i32
      %dma_wait3A_207 = tpu.memref_slice %arg9[%mul3A_10, %dma_wait3A_206] : memref<9984x128xf32, #tpu.memory_space<vmem_shared>> -> memref<624x128xf32, #tpu.memory_space<vmem_shared>>
      tpu.wait_dma2 semaphore(%run_scoped3A : memref<!tpu.dma_semaphore, #tpu.memory_space<semaphore_mem>>) src(%dma_wait3A_207 : memref<624x128xf32, #tpu.memory_space<vmem_shared>>) dst(%dma_wait3A_205 : memref<624x128xf32, #tpu.memory_space<hbm>>)
      tpu.yield
    }) : () -> ()
    return
  }
}

module attributes {stable_mosaic.version = 14 : i64} {
  func.func @_stage_a_body(%arg0: i32, %arg1: i32, %arg2: memref<1x624x128xf32, #tpu.memory_space<vmem>>, %arg3: memref<1x128x128xf32, #tpu.memory_space<vmem>>, %arg4: memref<1x1x128xf32, #tpu.memory_space<vmem>>, %arg5: memref<1x128x128xf32, #tpu.memory_space<vmem>>, %arg6: memref<1x1x128xf32, #tpu.memory_space<vmem>>, %arg7: memref<128x128xf32, #tpu.memory_space<vmem>>, %arg8: memref<1x128xf32, #tpu.memory_space<vmem>>, %arg9: memref<624x128xf32, #tpu.memory_space<vmem>>) attributes {dimension_semantics = [#tpu.dimension_semantics<arbitrary>, #tpu.dimension_semantics<arbitrary>], iteration_bounds = array<i64: 2, 8>, scalar_prefetch = 0 : i64, scratch_operands = 0 : i64, tpu.core_type = #tpu.core_type<tc>, window_params = [{transform_indices = @transform_0, window_bounds = array<i64: 1, 624, 128>}, {transform_indices = @transform_1, window_bounds = array<i64: 1, 128, 128>}, {transform_indices = @transform_2, window_bounds = array<i64: 1, 1, 128>}, {transform_indices = @transform_3, window_bounds = array<i64: 1, 128, 128>}, {transform_indices = @transform_4, window_bounds = array<i64: 1, 1, 128>}, {pipeline_mode = #tpu.pipeline_mode<synchronous>, transform_indices = @transform_5, window_bounds = array<i64: 128, 128>}, {pipeline_mode = #tpu.pipeline_mode<synchronous>, transform_indices = @transform_6, window_bounds = array<i64: 1, 128>}, {transform_indices = @transform_7, window_bounds = array<i64: 624, 128>}]} {
    %get3A = arith.constant 0 : index
    %get3A_0 = arith.constant 0 : index
    %get3A_1 = arith.constant 0 : index
    %get3A_2 = vector.load %arg2[%get3A, %get3A_0, %get3A_1] : memref<1x624x128xf32, #tpu.memory_space<vmem>>, vector<1x624x128xf32>
    %get3A_3 = vector.shape_cast %get3A_2 : vector<1x624x128xf32> to vector<624x128xf32>
    %get3A_4 = arith.constant 0 : index
    %get3A_5 = arith.constant 0 : index
    %get3A_6 = arith.constant 0 : index
    %get3A_7 = vector.load %arg3[%get3A_4, %get3A_5, %get3A_6] : memref<1x128x128xf32, #tpu.memory_space<vmem>>, vector<1x128x128xf32>
    %get3A_8 = vector.shape_cast %get3A_7 : vector<1x128x128xf32> to vector<128x128xf32>
    %dot_general3A = arith.constant dense<0.000000e+00> : vector<624x128xf32>
    %dot_general3A_9 = tpu.matmul %get3A_3, %get3A_8, %dot_general3A {dimension_numbers = #tpu.dot_dimension_numbers<[1], [1], [0], [0], [0, 0, 1, 0], [], []>, precision = #tpu.contract_precision<fp32>, transpose_lhs_hint = false} : vector<624x128xf32>, vector<128x128xf32>, vector<624x128xf32> -> vector<624x128xf32>
    %get3A_10 = arith.constant 0 : index
    %get3A_11 = arith.constant 0 : index
    %get3A_12 = arith.constant 0 : index
    %get3A_13 = vector.load %arg4[%get3A_10, %get3A_11, %get3A_12] : memref<1x1x128xf32, #tpu.memory_space<vmem>>, vector<1x1x128xf32>
    %get3A_14 = vector.shape_cast %get3A_13 : vector<1x1x128xf32> to vector<1x128xf32>
    %add3A = vector.broadcast %get3A_14 : vector<1x128xf32> to vector<624x128xf32>
    %add3A_15 = arith.addf %dot_general3A_9, %add3A : vector<624x128xf32>
    %mul3A = arith.constant 0.999994993 : f32
    %mul3A_16 = vector.broadcast %mul3A : f32 to vector<624x128xf32>
    %mul3A_17 = arith.mulf %add3A_15, %mul3A_16 : vector<624x128xf32>
    %max3A = arith.constant 0.000000e+00 : f32
    %max3A_18 = vector.broadcast %max3A : f32 to vector<624x128xf32>
    %max3A_19 = arith.maximumf %mul3A_17, %max3A_18 : vector<624x128xf32>
    %get3A_20 = arith.constant 0 : index
    %get3A_21 = arith.constant 0 : index
    %get3A_22 = arith.constant 0 : index
    %get3A_23 = vector.load %arg5[%get3A_20, %get3A_21, %get3A_22] : memref<1x128x128xf32, #tpu.memory_space<vmem>>, vector<1x128x128xf32>
    %get3A_24 = vector.shape_cast %get3A_23 : vector<1x128x128xf32> to vector<128x128xf32>
    %dot_general3A_25 = arith.constant dense<0.000000e+00> : vector<624x128xf32>
    %dot_general3A_26 = tpu.matmul %max3A_19, %get3A_24, %dot_general3A_25 {dimension_numbers = #tpu.dot_dimension_numbers<[1], [1], [0], [0], [0, 0, 1, 0], [], []>, precision = #tpu.contract_precision<fp32>, transpose_lhs_hint = false} : vector<624x128xf32>, vector<128x128xf32>, vector<624x128xf32> -> vector<624x128xf32>
    %get3A_27 = arith.constant 0 : index
    %get3A_28 = arith.constant 0 : index
    %get3A_29 = arith.constant 0 : index
    %get3A_30 = vector.load %arg6[%get3A_27, %get3A_28, %get3A_29] : memref<1x1x128xf32, #tpu.memory_space<vmem>>, vector<1x1x128xf32>
    %get3A_31 = vector.shape_cast %get3A_30 : vector<1x1x128xf32> to vector<1x128xf32>
    %add3A_32 = vector.broadcast %get3A_31 : vector<1x128xf32> to vector<624x128xf32>
    %add3A_33 = arith.addf %dot_general3A_26, %add3A_32 : vector<624x128xf32>
    %mul3A_34 = arith.constant 0.999994993 : f32
    %mul3A_35 = vector.broadcast %mul3A_34 : f32 to vector<624x128xf32>
    %mul3A_36 = arith.mulf %add3A_33, %mul3A_35 : vector<624x128xf32>
    %max3A_37 = arith.constant 0.000000e+00 : f32
    %max3A_38 = vector.broadcast %max3A_37 : f32 to vector<624x128xf32>
    %max3A_39 = arith.maximumf %mul3A_36, %max3A_38 : vector<624x128xf32>
    %mul3A_40 = arith.mulf %max3A_39, %max3A_39 : vector<624x128xf32>
    %reduce_sum3A = arith.constant dense<0.000000e+00> : vector<624xf32>
    %reduce_sum3A_41 = vector.multi_reduction <add>, %mul3A_40, %reduce_sum3A [1] : vector<624x128xf32> to vector<624xf32>
    %broadcast_in_dim3A = vector.shape_cast %reduce_sum3A_41 : vector<624xf32> to vector<624x1xf32>
    %sqrt3A = math.sqrt %broadcast_in_dim3A : vector<624x1xf32>
    %jit3A = arith.constant 1.000000e-15 : f32
    %max3A_42 = vector.broadcast %jit3A : f32 to vector<624x1xf32>
    %max3A_43 = arith.maximumf %max3A_42, %sqrt3A : vector<624x1xf32>
    %mul3A_44 = arith.constant 1.000000e+00 : f32
    %mul3A_45 = vector.broadcast %mul3A_44 : f32 to vector<624x1xf32>
    %mul3A_46 = arith.mulf %mul3A_45, %max3A_43 : vector<624x1xf32>
    %tanh3A = math.tanh %mul3A_46 : vector<624x1xf32>
    %mul3A_47 = vector.broadcast %tanh3A : vector<624x1xf32> to vector<624x128xf32>
    %mul3A_48 = arith.mulf %mul3A_47, %max3A_39 : vector<624x128xf32>
    %mul3A_49 = arith.constant 1.000000e+00 : f32
    %mul3A_50 = vector.broadcast %mul3A_49 : f32 to vector<624x1xf32>
    %mul3A_51 = arith.mulf %mul3A_50, %max3A_43 : vector<624x1xf32>
    %div3A = vector.broadcast %mul3A_51 : vector<624x1xf32> to vector<624x128xf32>
    %div3A_52 = arith.divf %mul3A_48, %div3A : vector<624x128xf32>
    %mul3A_53 = arith.mulf %div3A_52, %div3A_52 : vector<624x128xf32>
    %reduce_sum3A_54 = arith.constant dense<0.000000e+00> : vector<624xf32>
    %reduce_sum3A_55 = vector.multi_reduction <add>, %mul3A_53, %reduce_sum3A_54 [1] : vector<624x128xf32> to vector<624xf32>
    %broadcast_in_dim3A_56 = vector.shape_cast %reduce_sum3A_55 : vector<624xf32> to vector<624x1xf32>
    %sqrt3A_57 = math.sqrt %broadcast_in_dim3A_56 : vector<624x1xf32>
    %jit3A_58 = arith.constant 1.000000e-15 : f32
    %max3A_59 = vector.broadcast %jit3A_58 : f32 to vector<624x1xf32>
    %max3A_60 = arith.maximumf %max3A_59, %sqrt3A_57 : vector<624x1xf32>
    %gt3A = arith.constant 0.999989986 : f32
    %gt3A_61 = vector.broadcast %gt3A : f32 to vector<624x1xf32>
    %gt3A_62 = arith.cmpf ogt, %max3A_60, %gt3A_61 : vector<624x1xf32>
    %div3A_63 = vector.broadcast %max3A_60 : vector<624x1xf32> to vector<624x128xf32>
    %div3A_64 = arith.divf %div3A_52, %div3A_63 : vector<624x128xf32>
    %mul3A_65 = arith.constant 0.999989986 : f32
    %mul3A_66 = vector.broadcast %mul3A_65 : f32 to vector<624x128xf32>
    %mul3A_67 = arith.mulf %div3A_64, %mul3A_66 : vector<624x128xf32>
    %broadcast_in_dim3A_68 = vector.shape_cast %gt3A_62 : vector<624x1xi1> to vector<624x1xi1>
    %broadcast_in_dim3A_69 = vector.broadcast %broadcast_in_dim3A_68 : vector<624x1xi1> to vector<624x128xi1>
    %select_n3A = arith.select %broadcast_in_dim3A_69, %mul3A_67, %div3A_52 : vector<624x128xi1>, vector<624x128xf32>
    %get3A_70 = arith.constant 0 : index
    %get3A_71 = arith.constant 0 : index
    %get3A_72 = vector.load %arg7[%get3A_70, %get3A_71] : memref<128x128xf32, #tpu.memory_space<vmem>>, vector<128x128xf32>
    %mul3A_73 = arith.mulf %select_n3A, %select_n3A : vector<624x128xf32>
    %reduce_sum3A_74 = arith.constant dense<0.000000e+00> : vector<624xf32>
    %reduce_sum3A_75 = vector.multi_reduction <add>, %mul3A_73, %reduce_sum3A_74 [1] : vector<624x128xf32> to vector<624xf32>
    %broadcast_in_dim3A_76 = vector.shape_cast %reduce_sum3A_75 : vector<624xf32> to vector<624x1xf32>
    %sqrt3A_77 = math.sqrt %broadcast_in_dim3A_76 : vector<624x1xf32>
    %max3A_78 = arith.constant 1.000000e-15 : f32
    %max3A_79 = vector.broadcast %max3A_78 : f32 to vector<624x1xf32>
    %max3A_80 = arith.maximumf %sqrt3A_77, %max3A_79 : vector<624x1xf32>
    %dot_general3A_81 = arith.constant dense<0.000000e+00> : vector<624x128xf32>
    %dot_general3A_82 = tpu.matmul %select_n3A, %get3A_72, %dot_general3A_81 {dimension_numbers = #tpu.dot_dimension_numbers<[1], [1], [0], [0], [0, 0, 1, 0], [], []>, precision = #tpu.contract_precision<fp32>, transpose_lhs_hint = false} : vector<624x128xf32>, vector<128x128xf32>, vector<624x128xf32> -> vector<624x128xf32>
    %mul3A_83 = arith.mulf %dot_general3A_82, %dot_general3A_82 : vector<624x128xf32>
    %reduce_sum3A_84 = arith.constant dense<0.000000e+00> : vector<624xf32>
    %reduce_sum3A_85 = vector.multi_reduction <add>, %mul3A_83, %reduce_sum3A_84 [1] : vector<624x128xf32> to vector<624xf32>
    %broadcast_in_dim3A_86 = vector.shape_cast %reduce_sum3A_85 : vector<624xf32> to vector<624x1xf32>
    %sqrt3A_87 = math.sqrt %broadcast_in_dim3A_86 : vector<624x1xf32>
    %max3A_88 = arith.constant 1.000000e-15 : f32
    %max3A_89 = vector.broadcast %max3A_88 : f32 to vector<624x1xf32>
    %max3A_90 = arith.maximumf %sqrt3A_87, %max3A_89 : vector<624x1xf32>
    %div3A_91 = arith.divf %max3A_90, %max3A_80 : vector<624x1xf32>
    %jit3A_92 = arith.constant -0.99999988 : f32
    %jit3A_93 = arith.constant 0.99999988 : f32
    %max3A_94 = vector.broadcast %jit3A_92 : f32 to vector<624x1xf32>
    %max3A_95 = arith.maximumf %max3A_94, %max3A_80 : vector<624x1xf32>
    %min3A = vector.broadcast %jit3A_93 : f32 to vector<624x1xf32>
    %min3A_96 = arith.minimumf %min3A, %max3A_95 : vector<624x1xf32>
    %log1p3A = math.log1p %min3A_96 : vector<624x1xf32>
    %neg3A = arith.constant 0.000000e+00 : f32
    %neg3A_97 = vector.broadcast %neg3A : f32 to vector<624x1xf32>
    %neg3A_98 = arith.subf %neg3A_97, %min3A_96 : vector<624x1xf32>
    %log1p3A_99 = math.log1p %neg3A_98 : vector<624x1xf32>
    %sub3A = arith.subf %log1p3A, %log1p3A_99 : vector<624x1xf32>
    %mul3A_100 = arith.constant 5.000000e-01 : f32
    %mul3A_101 = vector.broadcast %mul3A_100 : f32 to vector<624x1xf32>
    %mul3A_102 = arith.mulf %mul3A_101, %sub3A : vector<624x1xf32>
    %mul3A_103 = arith.mulf %div3A_91, %mul3A_102 : vector<624x1xf32>
    %tanh3A_104 = math.tanh %mul3A_103 : vector<624x1xf32>
    %mul3A_105 = vector.broadcast %tanh3A_104 : vector<624x1xf32> to vector<624x128xf32>
    %mul3A_106 = arith.mulf %mul3A_105, %dot_general3A_82 : vector<624x128xf32>
    %div3A_107 = vector.broadcast %max3A_90 : vector<624x1xf32> to vector<624x128xf32>
    %div3A_108 = arith.divf %mul3A_106, %div3A_107 : vector<624x128xf32>
    %mul3A_109 = arith.mulf %div3A_108, %div3A_108 : vector<624x128xf32>
    %reduce_sum3A_110 = arith.constant dense<0.000000e+00> : vector<624xf32>
    %reduce_sum3A_111 = vector.multi_reduction <add>, %mul3A_109, %reduce_sum3A_110 [1] : vector<624x128xf32> to vector<624xf32>
    %broadcast_in_dim3A_112 = vector.shape_cast %reduce_sum3A_111 : vector<624xf32> to vector<624x1xf32>
    %sqrt3A_113 = math.sqrt %broadcast_in_dim3A_112 : vector<624x1xf32>
    %jit3A_114 = arith.constant 1.000000e-15 : f32
    %max3A_115 = vector.broadcast %jit3A_114 : f32 to vector<624x1xf32>
    %max3A_116 = arith.maximumf %max3A_115, %sqrt3A_113 : vector<624x1xf32>
    %gt3A_117 = arith.constant 0.999989986 : f32
    %gt3A_118 = vector.broadcast %gt3A_117 : f32 to vector<624x1xf32>
    %gt3A_119 = arith.cmpf ogt, %max3A_116, %gt3A_118 : vector<624x1xf32>
    %div3A_120 = vector.broadcast %max3A_116 : vector<624x1xf32> to vector<624x128xf32>
    %div3A_121 = arith.divf %div3A_108, %div3A_120 : vector<624x128xf32>
    %mul3A_122 = arith.constant 0.999989986 : f32
    %mul3A_123 = vector.broadcast %mul3A_122 : f32 to vector<624x128xf32>
    %mul3A_124 = arith.mulf %div3A_121, %mul3A_123 : vector<624x128xf32>
    %broadcast_in_dim3A_125 = vector.shape_cast %gt3A_119 : vector<624x1xi1> to vector<624x1xi1>
    %broadcast_in_dim3A_126 = vector.broadcast %broadcast_in_dim3A_125 : vector<624x1xi1> to vector<624x128xi1>
    %select_n3A_127 = arith.select %broadcast_in_dim3A_126, %mul3A_124, %div3A_108 : vector<624x128xi1>, vector<624x128xf32>
    %get3A_128 = arith.constant 0 : index
    %get3A_129 = arith.constant 0 : index
    %get3A_130 = vector.load %arg8[%get3A_128, %get3A_129] : memref<1x128xf32, #tpu.memory_space<vmem>>, vector<1x128xf32>
    %mul3A_131 = arith.mulf %get3A_130, %get3A_130 : vector<1x128xf32>
    %reduce_sum3A_132 = arith.constant dense<0.000000e+00> : vector<1xf32>
    %reduce_sum3A_133 = vector.multi_reduction <add>, %mul3A_131, %reduce_sum3A_132 [1] : vector<1x128xf32> to vector<1xf32>
    %broadcast_in_dim3A_134 = vector.shape_cast %reduce_sum3A_133 : vector<1xf32> to vector<1x1xf32>
    %sqrt3A_135 = math.sqrt %broadcast_in_dim3A_134 : vector<1x1xf32>
    %jit3A_136 = arith.constant 1.000000e-15 : f32
    %max3A_137 = vector.broadcast %jit3A_136 : f32 to vector<1x1xf32>
    %max3A_138 = arith.maximumf %max3A_137, %sqrt3A_135 : vector<1x1xf32>
    %mul3A_139 = arith.constant 1.000000e+00 : f32
    %mul3A_140 = vector.broadcast %mul3A_139 : f32 to vector<1x1xf32>
    %mul3A_141 = arith.mulf %mul3A_140, %max3A_138 : vector<1x1xf32>
    %tanh3A_142 = math.tanh %mul3A_141 : vector<1x1xf32>
    %mul3A_143 = vector.broadcast %tanh3A_142 : vector<1x1xf32> to vector<1x128xf32>
    %mul3A_144 = arith.mulf %mul3A_143, %get3A_130 : vector<1x128xf32>
    %mul3A_145 = arith.constant 1.000000e+00 : f32
    %mul3A_146 = vector.broadcast %mul3A_145 : f32 to vector<1x1xf32>
    %mul3A_147 = arith.mulf %mul3A_146, %max3A_138 : vector<1x1xf32>
    %div3A_148 = vector.broadcast %mul3A_147 : vector<1x1xf32> to vector<1x128xf32>
    %div3A_149 = arith.divf %mul3A_144, %div3A_148 : vector<1x128xf32>
    %mul3A_150 = arith.mulf %div3A_149, %div3A_149 : vector<1x128xf32>
    %reduce_sum3A_151 = arith.constant dense<0.000000e+00> : vector<1xf32>
    %reduce_sum3A_152 = vector.multi_reduction <add>, %mul3A_150, %reduce_sum3A_151 [1] : vector<1x128xf32> to vector<1xf32>
    %broadcast_in_dim3A_153 = vector.shape_cast %reduce_sum3A_152 : vector<1xf32> to vector<1x1xf32>
    %sqrt3A_154 = math.sqrt %broadcast_in_dim3A_153 : vector<1x1xf32>
    %jit3A_155 = arith.constant 1.000000e-15 : f32
    %max3A_156 = vector.broadcast %jit3A_155 : f32 to vector<1x1xf32>
    %max3A_157 = arith.maximumf %max3A_156, %sqrt3A_154 : vector<1x1xf32>
    %gt3A_158 = arith.constant 0.999989986 : f32
    %gt3A_159 = vector.broadcast %gt3A_158 : f32 to vector<1x1xf32>
    %gt3A_160 = arith.cmpf ogt, %max3A_157, %gt3A_159 : vector<1x1xf32>
    %div3A_161 = vector.broadcast %max3A_157 : vector<1x1xf32> to vector<1x128xf32>
    %div3A_162 = arith.divf %div3A_149, %div3A_161 : vector<1x128xf32>
    %mul3A_163 = arith.constant 0.999989986 : f32
    %mul3A_164 = vector.broadcast %mul3A_163 : f32 to vector<1x128xf32>
    %mul3A_165 = arith.mulf %div3A_162, %mul3A_164 : vector<1x128xf32>
    %broadcast_in_dim3A_166 = vector.shape_cast %gt3A_160 : vector<1x1xi1> to vector<1x1xi1>
    %broadcast_in_dim3A_167 = vector.broadcast %broadcast_in_dim3A_166 : vector<1x1xi1> to vector<1x128xi1>
    %select_n3A_168 = arith.select %broadcast_in_dim3A_167, %mul3A_165, %div3A_149 : vector<1x128xi1>, vector<1x128xf32>
    %mul3A_169 = arith.mulf %select_n3A_127, %select_n3A_127 : vector<624x128xf32>
    %reduce_sum3A_170 = arith.constant dense<0.000000e+00> : vector<624xf32>
    %reduce_sum3A_171 = vector.multi_reduction <add>, %mul3A_169, %reduce_sum3A_170 [1] : vector<624x128xf32> to vector<624xf32>
    %broadcast_in_dim3A_172 = vector.shape_cast %reduce_sum3A_171 : vector<624xf32> to vector<624x1xf32>
    %mul3A_173 = arith.mulf %select_n3A_168, %select_n3A_168 : vector<1x128xf32>
    %reduce_sum3A_174 = arith.constant dense<0.000000e+00> : vector<1xf32>
    %reduce_sum3A_175 = vector.multi_reduction <add>, %mul3A_173, %reduce_sum3A_174 [1] : vector<1x128xf32> to vector<1xf32>
    %broadcast_in_dim3A_176 = vector.shape_cast %reduce_sum3A_175 : vector<1xf32> to vector<1x1xf32>
    %mul3A_177 = vector.broadcast %select_n3A_168 : vector<1x128xf32> to vector<624x128xf32>
    %mul3A_178 = arith.mulf %select_n3A_127, %mul3A_177 : vector<624x128xf32>
    %reduce_sum3A_179 = arith.constant dense<0.000000e+00> : vector<624xf32>
    %reduce_sum3A_180 = vector.multi_reduction <add>, %mul3A_178, %reduce_sum3A_179 [1] : vector<624x128xf32> to vector<624xf32>
    %broadcast_in_dim3A_181 = vector.shape_cast %reduce_sum3A_180 : vector<624xf32> to vector<624x1xf32>
    %mul3A_182 = arith.constant 2.000000e+00 : f32
    %mul3A_183 = vector.broadcast %mul3A_182 : f32 to vector<624x1xf32>
    %mul3A_184 = arith.mulf %mul3A_183, %broadcast_in_dim3A_181 : vector<624x1xf32>
    %add3A_185 = arith.constant 1.000000e+00 : f32
    %add3A_186 = vector.broadcast %add3A_185 : f32 to vector<624x1xf32>
    %add3A_187 = arith.addf %add3A_186, %mul3A_184 : vector<624x1xf32>
    %mul3A_188 = arith.constant 1.000000e+00 : f32
    %mul3A_189 = vector.broadcast %mul3A_188 : f32 to vector<1x1xf32>
    %mul3A_190 = arith.mulf %mul3A_189, %broadcast_in_dim3A_176 : vector<1x1xf32>
    %add3A_191 = vector.broadcast %mul3A_190 : vector<1x1xf32> to vector<624x1xf32>
    %add3A_192 = arith.addf %add3A_187, %add3A_191 : vector<624x1xf32>
    %mul3A_193 = vector.broadcast %add3A_192 : vector<624x1xf32> to vector<624x128xf32>
    %mul3A_194 = arith.mulf %mul3A_193, %select_n3A_127 : vector<624x128xf32>
    %mul3A_195 = arith.constant 1.000000e+00 : f32
    %mul3A_196 = vector.broadcast %mul3A_195 : f32 to vector<624x1xf32>
    %mul3A_197 = arith.mulf %mul3A_196, %broadcast_in_dim3A_172 : vector<624x1xf32>
    %sub3A_198 = arith.constant 1.000000e+00 : f32
    %sub3A_199 = vector.broadcast %sub3A_198 : f32 to vector<624x1xf32>
    %sub3A_200 = arith.subf %sub3A_199, %mul3A_197 : vector<624x1xf32>
    %mul3A_201 = vector.broadcast %sub3A_200 : vector<624x1xf32> to vector<624x128xf32>
    %mul3A_202 = vector.broadcast %select_n3A_168 : vector<1x128xf32> to vector<624x128xf32>
    %mul3A_203 = arith.mulf %mul3A_201, %mul3A_202 : vector<624x128xf32>
    %add3A_204 = arith.addf %mul3A_194, %mul3A_203 : vector<624x128xf32>
    %mul3A_205 = arith.constant 2.000000e+00 : f32
    %mul3A_206 = vector.broadcast %mul3A_205 : f32 to vector<624x1xf32>
    %mul3A_207 = arith.mulf %mul3A_206, %broadcast_in_dim3A_181 : vector<624x1xf32>
    %add3A_208 = arith.constant 1.000000e+00 : f32
    %add3A_209 = vector.broadcast %add3A_208 : f32 to vector<624x1xf32>
    %add3A_210 = arith.addf %add3A_209, %mul3A_207 : vector<624x1xf32>
    %mul3A_211 = arith.constant 1.000000e+00 : f32
    %mul3A_212 = vector.broadcast %mul3A_211 : f32 to vector<624x1xf32>
    %mul3A_213 = arith.mulf %mul3A_212, %broadcast_in_dim3A_172 : vector<624x1xf32>
    %mul3A_214 = vector.broadcast %broadcast_in_dim3A_176 : vector<1x1xf32> to vector<624x1xf32>
    %mul3A_215 = arith.mulf %mul3A_213, %mul3A_214 : vector<624x1xf32>
    %add3A_216 = arith.addf %add3A_210, %mul3A_215 : vector<624x1xf32>
    %jit3A_217 = arith.constant 1.000000e-15 : f32
    %max3A_218 = vector.broadcast %jit3A_217 : f32 to vector<624x1xf32>
    %max3A_219 = arith.maximumf %max3A_218, %add3A_216 : vector<624x1xf32>
    %div3A_220 = vector.broadcast %max3A_219 : vector<624x1xf32> to vector<624x128xf32>
    %div3A_221 = arith.divf %add3A_204, %div3A_220 : vector<624x128xf32>
    %mul3A_222 = arith.mulf %div3A_221, %div3A_221 : vector<624x128xf32>
    %reduce_sum3A_223 = arith.constant dense<0.000000e+00> : vector<624xf32>
    %reduce_sum3A_224 = vector.multi_reduction <add>, %mul3A_222, %reduce_sum3A_223 [1] : vector<624x128xf32> to vector<624xf32>
    %broadcast_in_dim3A_225 = vector.shape_cast %reduce_sum3A_224 : vector<624xf32> to vector<624x1xf32>
    %sqrt3A_226 = math.sqrt %broadcast_in_dim3A_225 : vector<624x1xf32>
    %jit3A_227 = arith.constant 1.000000e-15 : f32
    %max3A_228 = vector.broadcast %jit3A_227 : f32 to vector<624x1xf32>
    %max3A_229 = arith.maximumf %max3A_228, %sqrt3A_226 : vector<624x1xf32>
    %gt3A_230 = arith.constant 0.999989986 : f32
    %gt3A_231 = vector.broadcast %gt3A_230 : f32 to vector<624x1xf32>
    %gt3A_232 = arith.cmpf ogt, %max3A_229, %gt3A_231 : vector<624x1xf32>
    %div3A_233 = vector.broadcast %max3A_229 : vector<624x1xf32> to vector<624x128xf32>
    %div3A_234 = arith.divf %div3A_221, %div3A_233 : vector<624x128xf32>
    %mul3A_235 = arith.constant 0.999989986 : f32
    %mul3A_236 = vector.broadcast %mul3A_235 : f32 to vector<624x128xf32>
    %mul3A_237 = arith.mulf %div3A_234, %mul3A_236 : vector<624x128xf32>
    %broadcast_in_dim3A_238 = vector.shape_cast %gt3A_232 : vector<624x1xi1> to vector<624x1xi1>
    %broadcast_in_dim3A_239 = vector.broadcast %broadcast_in_dim3A_238 : vector<624x1xi1> to vector<624x128xi1>
    %select_n3A_240 = arith.select %broadcast_in_dim3A_239, %mul3A_237, %div3A_221 : vector<624x128xi1>, vector<624x128xf32>
    %mul3A_241 = arith.mulf %select_n3A_240, %select_n3A_240 : vector<624x128xf32>
    %reduce_sum3A_242 = arith.constant dense<0.000000e+00> : vector<624xf32>
    %reduce_sum3A_243 = vector.multi_reduction <add>, %mul3A_241, %reduce_sum3A_242 [1] : vector<624x128xf32> to vector<624xf32>
    %broadcast_in_dim3A_244 = vector.shape_cast %reduce_sum3A_243 : vector<624xf32> to vector<624x1xf32>
    %sqrt3A_245 = math.sqrt %broadcast_in_dim3A_244 : vector<624x1xf32>
    %jit3A_246 = arith.constant 1.000000e-15 : f32
    %max3A_247 = vector.broadcast %jit3A_246 : f32 to vector<624x1xf32>
    %max3A_248 = arith.maximumf %max3A_247, %sqrt3A_245 : vector<624x1xf32>
    %mul3A_249 = arith.constant 1.000000e+00 : f32
    %mul3A_250 = vector.broadcast %mul3A_249 : f32 to vector<624x1xf32>
    %mul3A_251 = arith.mulf %mul3A_250, %max3A_248 : vector<624x1xf32>
    %jit3A_252 = arith.constant -0.99999988 : f32
    %jit3A_253 = arith.constant 0.99999988 : f32
    %max3A_254 = vector.broadcast %jit3A_252 : f32 to vector<624x1xf32>
    %max3A_255 = arith.maximumf %max3A_254, %mul3A_251 : vector<624x1xf32>
    %min3A_256 = vector.broadcast %jit3A_253 : f32 to vector<624x1xf32>
    %min3A_257 = arith.minimumf %min3A_256, %max3A_255 : vector<624x1xf32>
    %log1p3A_258 = math.log1p %min3A_257 : vector<624x1xf32>
    %neg3A_259 = arith.constant 0.000000e+00 : f32
    %neg3A_260 = vector.broadcast %neg3A_259 : f32 to vector<624x1xf32>
    %neg3A_261 = arith.subf %neg3A_260, %min3A_257 : vector<624x1xf32>
    %log1p3A_262 = math.log1p %neg3A_261 : vector<624x1xf32>
    %sub3A_263 = arith.subf %log1p3A_258, %log1p3A_262 : vector<624x1xf32>
    %mul3A_264 = arith.constant 5.000000e-01 : f32
    %mul3A_265 = vector.broadcast %mul3A_264 : f32 to vector<624x1xf32>
    %mul3A_266 = arith.mulf %mul3A_265, %sub3A_263 : vector<624x1xf32>
    %mul3A_267 = vector.broadcast %mul3A_266 : vector<624x1xf32> to vector<624x128xf32>
    %mul3A_268 = arith.mulf %mul3A_267, %select_n3A_240 : vector<624x128xf32>
    %mul3A_269 = arith.constant 1.000000e+00 : f32
    %mul3A_270 = vector.broadcast %mul3A_269 : f32 to vector<624x1xf32>
    %mul3A_271 = arith.mulf %mul3A_270, %max3A_248 : vector<624x1xf32>
    %div3A_272 = vector.broadcast %mul3A_271 : vector<624x1xf32> to vector<624x128xf32>
    %div3A_273 = arith.divf %mul3A_268, %div3A_272 : vector<624x128xf32>
    %swap3A = arith.constant 0 : index
    %swap3A_274 = arith.constant 0 : index
    %swap3A_275 = vector.load %arg9[%swap3A, %swap3A_274] : memref<624x128xf32, #tpu.memory_space<vmem>>, vector<624x128xf32>
    tpu.vector_store %arg9[%swap3A, %swap3A_274], %div3A_273 {strides = array<i32>} : memref<624x128xf32, #tpu.memory_space<vmem>>, vector<624x128xf32>,
    return
  }
  func.func @transform_0(%arg0: i32, %arg1: i32) -> (i32, i32, i32) {
    %c0_i32 = arith.constant 0 : i32
    %c0_i32_0 = arith.constant 0 : i32
    return %arg0, %arg1, %c0_i32 : i32, i32, i32
  }
  func.func @transform_1(%arg0: i32, %arg1: i32) -> (i32, i32, i32) {
    %c0_i32 = arith.constant 0 : i32
    %c0_i32_0 = arith.constant 0 : i32
    %c0_i32_1 = arith.constant 0 : i32
    return %arg0, %c0_i32, %c0_i32_0 : i32, i32, i32
  }
  func.func @transform_2(%arg0: i32, %arg1: i32) -> (i32, i32, i32) {
    %c0_i32 = arith.constant 0 : i32
    %c0_i32_0 = arith.constant 0 : i32
    %c0_i32_1 = arith.constant 0 : i32
    return %arg0, %c0_i32, %c0_i32_0 : i32, i32, i32
  }
  func.func @transform_3(%arg0: i32, %arg1: i32) -> (i32, i32, i32) {
    %c0_i32 = arith.constant 0 : i32
    %c0_i32_0 = arith.constant 0 : i32
    %c0_i32_1 = arith.constant 0 : i32
    return %arg0, %c0_i32, %c0_i32_0 : i32, i32, i32
  }
  func.func @transform_4(%arg0: i32, %arg1: i32) -> (i32, i32, i32) {
    %c0_i32 = arith.constant 0 : i32
    %c0_i32_0 = arith.constant 0 : i32
    %c0_i32_1 = arith.constant 0 : i32
    return %arg0, %c0_i32, %c0_i32_0 : i32, i32, i32
  }
  func.func @transform_5(%arg0: i32, %arg1: i32) -> (i32, i32) {
    %c0_i32 = arith.constant 0 : i32
    %c0_i32_0 = arith.constant 0 : i32
    %c0_i32_1 = arith.constant 0 : i32
    return %c0_i32, %c0_i32_0 : i32, i32
  }
  func.func @transform_6(%arg0: i32, %arg1: i32) -> (i32, i32) {
    %c0_i32 = arith.constant 0 : i32
    %c0_i32_0 = arith.constant 0 : i32
    %c0_i32_1 = arith.constant 0 : i32
    return %c0_i32, %c0_i32_0 : i32, i32
  }
  func.func @transform_7(%arg0: i32, %arg1: i32) -> (i32, i32) {
    %mul3A = arith.constant 8 : i32
    %mul3A_0 = arith.muli %arg0, %mul3A : i32
    %add3A = arith.addi %mul3A_0, %arg1 : i32
    %c0_i32 = arith.constant 0 : i32
    %c0_i32_1 = arith.constant 0 : i32
    return %add3A, %c0_i32 : i32, i32
  }
}

module attributes {stable_mosaic.version = 14 : i64} {
  func.func @_stage_d_body(%arg0: i32, %arg1: memref<1x624x128xf32, #tpu.memory_space<vmem>>, %arg2: memref<1x624x128xf32, #tpu.memory_space<vmem>>, %arg3: memref<624x128xf32, #tpu.memory_space<vmem>>, %arg4: memref<128x128xf32, #tpu.memory_space<vmem>>, %arg5: memref<1x128xf32, #tpu.memory_space<vmem>>, %arg6: memref<624x128xf32, #tpu.memory_space<vmem>>) attributes {dimension_semantics = [#tpu.dimension_semantics<arbitrary>], iteration_bounds = array<i64: 16>, scalar_prefetch = 0 : i64, scratch_operands = 0 : i64, tpu.core_type = #tpu.core_type<tc>, window_params = [{transform_indices = @transform_0, window_bounds = array<i64: 1, 624, 128>}, {transform_indices = @transform_1, window_bounds = array<i64: 1, 624, 128>}, {transform_indices = @transform_2, window_bounds = array<i64: 624, 128>}, {pipeline_mode = #tpu.pipeline_mode<synchronous>, transform_indices = @transform_3, window_bounds = array<i64: 128, 128>}, {pipeline_mode = #tpu.pipeline_mode<synchronous>, transform_indices = @transform_4, window_bounds = array<i64: 1, 128>}, {transform_indices = @transform_5, window_bounds = array<i64: 624, 128>}]} {
    %get3A = arith.constant 0 : index
    %get3A_0 = arith.constant 0 : index
    %get3A_1 = arith.constant 0 : index
    %get3A_2 = vector.load %arg1[%get3A, %get3A_0, %get3A_1] : memref<1x624x128xf32, #tpu.memory_space<vmem>>, vector<1x624x128xf32>
    %get3A_3 = vector.shape_cast %get3A_2 : vector<1x624x128xf32> to vector<624x128xf32>
    %get3A_4 = arith.constant 0 : index
    %get3A_5 = arith.constant 0 : index
    %get3A_6 = arith.constant 0 : index
    %get3A_7 = vector.load %arg2[%get3A_4, %get3A_5, %get3A_6] : memref<1x624x128xf32, #tpu.memory_space<vmem>>, vector<1x624x128xf32>
    %get3A_8 = vector.shape_cast %get3A_7 : vector<1x624x128xf32> to vector<624x128xf32>
    %add3A = arith.addf %get3A_3, %get3A_8 : vector<624x128xf32>
    %get3A_9 = arith.constant 0 : index
    %get3A_10 = arith.constant 0 : index
    %get3A_11 = vector.load %arg3[%get3A_9, %get3A_10] : memref<624x128xf32, #tpu.memory_space<vmem>>, vector<624x128xf32>
    %add3A_12 = arith.addf %add3A, %get3A_11 : vector<624x128xf32>
    %mul3A = arith.mulf %add3A_12, %add3A_12 : vector<624x128xf32>
    %reduce_sum3A = arith.constant dense<0.000000e+00> : vector<624xf32>
    %reduce_sum3A_13 = vector.multi_reduction <add>, %mul3A, %reduce_sum3A [1] : vector<624x128xf32> to vector<624xf32>
    %broadcast_in_dim3A = vector.shape_cast %reduce_sum3A_13 : vector<624xf32> to vector<624x1xf32>
    %sqrt3A = math.sqrt %broadcast_in_dim3A : vector<624x1xf32>
    %jit3A = arith.constant 1.000000e-15 : f32
    %max3A = vector.broadcast %jit3A : f32 to vector<624x1xf32>
    %max3A_14 = arith.maximumf %max3A, %sqrt3A : vector<624x1xf32>
    %mul3A_15 = arith.constant 1.000000e+00 : f32
    %mul3A_16 = vector.broadcast %mul3A_15 : f32 to vector<624x1xf32>
    %mul3A_17 = arith.mulf %mul3A_16, %max3A_14 : vector<624x1xf32>
    %tanh3A = math.tanh %mul3A_17 : vector<624x1xf32>
    %mul3A_18 = vector.broadcast %tanh3A : vector<624x1xf32> to vector<624x128xf32>
    %mul3A_19 = arith.mulf %mul3A_18, %add3A_12 : vector<624x128xf32>
    %mul3A_20 = arith.constant 1.000000e+00 : f32
    %mul3A_21 = vector.broadcast %mul3A_20 : f32 to vector<624x1xf32>
    %mul3A_22 = arith.mulf %mul3A_21, %max3A_14 : vector<624x1xf32>
    %div3A = vector.broadcast %mul3A_22 : vector<624x1xf32> to vector<624x128xf32>
    %div3A_23 = arith.divf %mul3A_19, %div3A : vector<624x128xf32>
    %mul3A_24 = arith.mulf %div3A_23, %div3A_23 : vector<624x128xf32>
    %reduce_sum3A_25 = arith.constant dense<0.000000e+00> : vector<624xf32>
    %reduce_sum3A_26 = vector.multi_reduction <add>, %mul3A_24, %reduce_sum3A_25 [1] : vector<624x128xf32> to vector<624xf32>
    %broadcast_in_dim3A_27 = vector.shape_cast %reduce_sum3A_26 : vector<624xf32> to vector<624x1xf32>
    %sqrt3A_28 = math.sqrt %broadcast_in_dim3A_27 : vector<624x1xf32>
    %jit3A_29 = arith.constant 1.000000e-15 : f32
    %max3A_30 = vector.broadcast %jit3A_29 : f32 to vector<624x1xf32>
    %max3A_31 = arith.maximumf %max3A_30, %sqrt3A_28 : vector<624x1xf32>
    %gt3A = arith.constant 0.999989986 : f32
    %gt3A_32 = vector.broadcast %gt3A : f32 to vector<624x1xf32>
    %gt3A_33 = arith.cmpf ogt, %max3A_31, %gt3A_32 : vector<624x1xf32>
    %div3A_34 = vector.broadcast %max3A_31 : vector<624x1xf32> to vector<624x128xf32>
    %div3A_35 = arith.divf %div3A_23, %div3A_34 : vector<624x128xf32>
    %mul3A_36 = arith.constant 0.999989986 : f32
    %mul3A_37 = vector.broadcast %mul3A_36 : f32 to vector<624x128xf32>
    %mul3A_38 = arith.mulf %div3A_35, %mul3A_37 : vector<624x128xf32>
    %broadcast_in_dim3A_39 = vector.shape_cast %gt3A_33 : vector<624x1xi1> to vector<624x1xi1>
    %broadcast_in_dim3A_40 = vector.broadcast %broadcast_in_dim3A_39 : vector<624x1xi1> to vector<624x128xi1>
    %select_n3A = arith.select %broadcast_in_dim3A_40, %mul3A_38, %div3A_23 : vector<624x128xi1>, vector<624x128xf32>
    %mul3A_41 = arith.mulf %select_n3A, %select_n3A : vector<624x128xf32>
    %reduce_sum3A_42 = arith.constant dense<0.000000e+00> : vector<624xf32>
    %reduce_sum3A_43 = vector.multi_reduction <add>, %mul3A_41, %reduce_sum3A_42 [1] : vector<624x128xf32> to vector<624xf32>
    %broadcast_in_dim3A_44 = vector.shape_cast %reduce_sum3A_43 : vector<624xf32> to vector<624x1xf32>
    %sqrt3A_45 = math.sqrt %broadcast_in_dim3A_44 : vector<624x1xf32>
    %jit3A_46 = arith.constant 1.000000e-15 : f32
    %max3A_47 = vector.broadcast %jit3A_46 : f32 to vector<624x1xf32>
    %max3A_48 = arith.maximumf %max3A_47, %sqrt3A_45 : vector<624x1xf32>
    %mul3A_49 = arith.constant 1.000000e+00 : f32
    %mul3A_50 = vector.broadcast %mul3A_49 : f32 to vector<624x1xf32>
    %mul3A_51 = arith.mulf %mul3A_50, %max3A_48 : vector<624x1xf32>
    %jit3A_52 = arith.constant -0.99999988 : f32
    %jit3A_53 = arith.constant 0.99999988 : f32
    %max3A_54 = vector.broadcast %jit3A_52 : f32 to vector<624x1xf32>
    %max3A_55 = arith.maximumf %max3A_54, %mul3A_51 : vector<624x1xf32>
    %min3A = vector.broadcast %jit3A_53 : f32 to vector<624x1xf32>
    %min3A_56 = arith.minimumf %min3A, %max3A_55 : vector<624x1xf32>
    %log1p3A = math.log1p %min3A_56 : vector<624x1xf32>
    %neg3A = arith.constant 0.000000e+00 : f32
    %neg3A_57 = vector.broadcast %neg3A : f32 to vector<624x1xf32>
    %neg3A_58 = arith.subf %neg3A_57, %min3A_56 : vector<624x1xf32>
    %log1p3A_59 = math.log1p %neg3A_58 : vector<624x1xf32>
    %sub3A = arith.subf %log1p3A, %log1p3A_59 : vector<624x1xf32>
    %mul3A_60 = arith.constant 5.000000e-01 : f32
    %mul3A_61 = vector.broadcast %mul3A_60 : f32 to vector<624x1xf32>
    %mul3A_62 = arith.mulf %mul3A_61, %sub3A : vector<624x1xf32>
    %mul3A_63 = vector.broadcast %mul3A_62 : vector<624x1xf32> to vector<624x128xf32>
    %mul3A_64 = arith.mulf %mul3A_63, %select_n3A : vector<624x128xf32>
    %mul3A_65 = arith.constant 1.000000e+00 : f32
    %mul3A_66 = vector.broadcast %mul3A_65 : f32 to vector<624x1xf32>
    %mul3A_67 = arith.mulf %mul3A_66, %max3A_48 : vector<624x1xf32>
    %div3A_68 = vector.broadcast %mul3A_67 : vector<624x1xf32> to vector<624x128xf32>
    %div3A_69 = arith.divf %mul3A_64, %div3A_68 : vector<624x128xf32>
    %max3A_70 = arith.constant 0.000000e+00 : f32
    %max3A_71 = vector.broadcast %max3A_70 : f32 to vector<624x128xf32>
    %max3A_72 = arith.maximumf %div3A_69, %max3A_71 : vector<624x128xf32>
    %mul3A_73 = arith.mulf %max3A_72, %max3A_72 : vector<624x128xf32>
    %reduce_sum3A_74 = arith.constant dense<0.000000e+00> : vector<624xf32>
    %reduce_sum3A_75 = vector.multi_reduction <add>, %mul3A_73, %reduce_sum3A_74 [1] : vector<624x128xf32> to vector<624xf32>
    %broadcast_in_dim3A_76 = vector.shape_cast %reduce_sum3A_75 : vector<624xf32> to vector<624x1xf32>
    %sqrt3A_77 = math.sqrt %broadcast_in_dim3A_76 : vector<624x1xf32>
    %jit3A_78 = arith.constant 1.000000e-15 : f32
    %max3A_79 = vector.broadcast %jit3A_78 : f32 to vector<624x1xf32>
    %max3A_80 = arith.maximumf %max3A_79, %sqrt3A_77 : vector<624x1xf32>
    %mul3A_81 = arith.constant 1.000000e+00 : f32
    %mul3A_82 = vector.broadcast %mul3A_81 : f32 to vector<624x1xf32>
    %mul3A_83 = arith.mulf %mul3A_82, %max3A_80 : vector<624x1xf32>
    %tanh3A_84 = math.tanh %mul3A_83 : vector<624x1xf32>
    %mul3A_85 = vector.broadcast %tanh3A_84 : vector<624x1xf32> to vector<624x128xf32>
    %mul3A_86 = arith.mulf %mul3A_85, %max3A_72 : vector<624x128xf32>
    %mul3A_87 = arith.constant 1.000000e+00 : f32
    %mul3A_88 = vector.broadcast %mul3A_87 : f32 to vector<624x1xf32>
    %mul3A_89 = arith.mulf %mul3A_88, %max3A_80 : vector<624x1xf32>
    %div3A_90 = vector.broadcast %mul3A_89 : vector<624x1xf32> to vector<624x128xf32>
    %div3A_91 = arith.divf %mul3A_86, %div3A_90 : vector<624x128xf32>
    %mul3A_92 = arith.mulf %div3A_91, %div3A_91 : vector<624x128xf32>
    %reduce_sum3A_93 = arith.constant dense<0.000000e+00> : vector<624xf32>
    %reduce_sum3A_94 = vector.multi_reduction <add>, %mul3A_92, %reduce_sum3A_93 [1] : vector<624x128xf32> to vector<624xf32>
    %broadcast_in_dim3A_95 = vector.shape_cast %reduce_sum3A_94 : vector<624xf32> to vector<624x1xf32>
    %sqrt3A_96 = math.sqrt %broadcast_in_dim3A_95 : vector<624x1xf32>
    %jit3A_97 = arith.constant 1.000000e-15 : f32
    %max3A_98 = vector.broadcast %jit3A_97 : f32 to vector<624x1xf32>
    %max3A_99 = arith.maximumf %max3A_98, %sqrt3A_96 : vector<624x1xf32>
    %gt3A_100 = arith.constant 0.999989986 : f32
    %gt3A_101 = vector.broadcast %gt3A_100 : f32 to vector<624x1xf32>
    %gt3A_102 = arith.cmpf ogt, %max3A_99, %gt3A_101 : vector<624x1xf32>
    %div3A_103 = vector.broadcast %max3A_99 : vector<624x1xf32> to vector<624x128xf32>
    %div3A_104 = arith.divf %div3A_91, %div3A_103 : vector<624x128xf32>
    %mul3A_105 = arith.constant 0.999989986 : f32
    %mul3A_106 = vector.broadcast %mul3A_105 : f32 to vector<624x128xf32>
    %mul3A_107 = arith.mulf %div3A_104, %mul3A_106 : vector<624x128xf32>
    %broadcast_in_dim3A_108 = vector.shape_cast %gt3A_102 : vector<624x1xi1> to vector<624x1xi1>
    %broadcast_in_dim3A_109 = vector.broadcast %broadcast_in_dim3A_108 : vector<624x1xi1> to vector<624x128xi1>
    %select_n3A_110 = arith.select %broadcast_in_dim3A_109, %mul3A_107, %div3A_91 : vector<624x128xi1>, vector<624x128xf32>
    %get3A_111 = arith.constant 0 : index
    %get3A_112 = arith.constant 0 : index
    %get3A_113 = vector.load %arg4[%get3A_111, %get3A_112] : memref<128x128xf32, #tpu.memory_space<vmem>>, vector<128x128xf32>
    %mul3A_114 = arith.mulf %select_n3A_110, %select_n3A_110 : vector<624x128xf32>
    %reduce_sum3A_115 = arith.constant dense<0.000000e+00> : vector<624xf32>
    %reduce_sum3A_116 = vector.multi_reduction <add>, %mul3A_114, %reduce_sum3A_115 [1] : vector<624x128xf32> to vector<624xf32>
    %broadcast_in_dim3A_117 = vector.shape_cast %reduce_sum3A_116 : vector<624xf32> to vector<624x1xf32>
    %sqrt3A_118 = math.sqrt %broadcast_in_dim3A_117 : vector<624x1xf32>
    %max3A_119 = arith.constant 1.000000e-15 : f32
    %max3A_120 = vector.broadcast %max3A_119 : f32 to vector<624x1xf32>
    %max3A_121 = arith.maximumf %sqrt3A_118, %max3A_120 : vector<624x1xf32>
    %dot_general3A = arith.constant dense<0.000000e+00> : vector<624x128xf32>
    %dot_general3A_122 = tpu.matmul %select_n3A_110, %get3A_113, %dot_general3A {dimension_numbers = #tpu.dot_dimension_numbers<[1], [1], [0], [0], [0, 0, 1, 0], [], []>, precision = #tpu.contract_precision<fp32>, transpose_lhs_hint = false} : vector<624x128xf32>, vector<128x128xf32>, vector<624x128xf32> -> vector<624x128xf32>
    %mul3A_123 = arith.mulf %dot_general3A_122, %dot_general3A_122 : vector<624x128xf32>
    %reduce_sum3A_124 = arith.constant dense<0.000000e+00> : vector<624xf32>
    %reduce_sum3A_125 = vector.multi_reduction <add>, %mul3A_123, %reduce_sum3A_124 [1] : vector<624x128xf32> to vector<624xf32>
    %broadcast_in_dim3A_126 = vector.shape_cast %reduce_sum3A_125 : vector<624xf32> to vector<624x1xf32>
    %sqrt3A_127 = math.sqrt %broadcast_in_dim3A_126 : vector<624x1xf32>
    %max3A_128 = arith.constant 1.000000e-15 : f32
    %max3A_129 = vector.broadcast %max3A_128 : f32 to vector<624x1xf32>
    %max3A_130 = arith.maximumf %sqrt3A_127, %max3A_129 : vector<624x1xf32>
    %div3A_131 = arith.divf %max3A_130, %max3A_121 : vector<624x1xf32>
    %jit3A_132 = arith.constant -0.99999988 : f32
    %jit3A_133 = arith.constant 0.99999988 : f32
    %max3A_134 = vector.broadcast %jit3A_132 : f32 to vector<624x1xf32>
    %max3A_135 = arith.maximumf %max3A_134, %max3A_121 : vector<624x1xf32>
    %min3A_136 = vector.broadcast %jit3A_133 : f32 to vector<624x1xf32>
    %min3A_137 = arith.minimumf %min3A_136, %max3A_135 : vector<624x1xf32>
    %log1p3A_138 = math.log1p %min3A_137 : vector<624x1xf32>
    %neg3A_139 = arith.constant 0.000000e+00 : f32
    %neg3A_140 = vector.broadcast %neg3A_139 : f32 to vector<624x1xf32>
    %neg3A_141 = arith.subf %neg3A_140, %min3A_137 : vector<624x1xf32>
    %log1p3A_142 = math.log1p %neg3A_141 : vector<624x1xf32>
    %sub3A_143 = arith.subf %log1p3A_138, %log1p3A_142 : vector<624x1xf32>
    %mul3A_144 = arith.constant 5.000000e-01 : f32
    %mul3A_145 = vector.broadcast %mul3A_144 : f32 to vector<624x1xf32>
    %mul3A_146 = arith.mulf %mul3A_145, %sub3A_143 : vector<624x1xf32>
    %mul3A_147 = arith.mulf %div3A_131, %mul3A_146 : vector<624x1xf32>
    %tanh3A_148 = math.tanh %mul3A_147 : vector<624x1xf32>
    %mul3A_149 = vector.broadcast %tanh3A_148 : vector<624x1xf32> to vector<624x128xf32>
    %mul3A_150 = arith.mulf %mul3A_149, %dot_general3A_122 : vector<624x128xf32>
    %div3A_151 = vector.broadcast %max3A_130 : vector<624x1xf32> to vector<624x128xf32>
    %div3A_152 = arith.divf %mul3A_150, %div3A_151 : vector<624x128xf32>
    %mul3A_153 = arith.mulf %div3A_152, %div3A_152 : vector<624x128xf32>
    %reduce_sum3A_154 = arith.constant dense<0.000000e+00> : vector<624xf32>
    %reduce_sum3A_155 = vector.multi_reduction <add>, %mul3A_153, %reduce_sum3A_154 [1] : vector<624x128xf32> to vector<624xf32>
    %broadcast_in_dim3A_156 = vector.shape_cast %reduce_sum3A_155 : vector<624xf32> to vector<624x1xf32>
    %sqrt3A_157 = math.sqrt %broadcast_in_dim3A_156 : vector<624x1xf32>
    %jit3A_158 = arith.constant 1.000000e-15 : f32
    %max3A_159 = vector.broadcast %jit3A_158 : f32 to vector<624x1xf32>
    %max3A_160 = arith.maximumf %max3A_159, %sqrt3A_157 : vector<624x1xf32>
    %gt3A_161 = arith.constant 0.999989986 : f32
    %gt3A_162 = vector.broadcast %gt3A_161 : f32 to vector<624x1xf32>
    %gt3A_163 = arith.cmpf ogt, %max3A_160, %gt3A_162 : vector<624x1xf32>
    %div3A_164 = vector.broadcast %max3A_160 : vector<624x1xf32> to vector<624x128xf32>
    %div3A_165 = arith.divf %div3A_152, %div3A_164 : vector<624x128xf32>
    %mul3A_166 = arith.constant 0.999989986 : f32
    %mul3A_167 = vector.broadcast %mul3A_166 : f32 to vector<624x128xf32>
    %mul3A_168 = arith.mulf %div3A_165, %mul3A_167 : vector<624x128xf32>
    %broadcast_in_dim3A_169 = vector.shape_cast %gt3A_163 : vector<624x1xi1> to vector<624x1xi1>
    %broadcast_in_dim3A_170 = vector.broadcast %broadcast_in_dim3A_169 : vector<624x1xi1> to vector<624x128xi1>
    %select_n3A_171 = arith.select %broadcast_in_dim3A_170, %mul3A_168, %div3A_152 : vector<624x128xi1>, vector<624x128xf32>
    %get3A_172 = arith.constant 0 : index
    %get3A_173 = arith.constant 0 : index
    %get3A_174 = vector.load %arg5[%get3A_172, %get3A_173] : memref<1x128xf32, #tpu.memory_space<vmem>>, vector<1x128xf32>
    %mul3A_175 = arith.mulf %get3A_174, %get3A_174 : vector<1x128xf32>
    %reduce_sum3A_176 = arith.constant dense<0.000000e+00> : vector<1xf32>
    %reduce_sum3A_177 = vector.multi_reduction <add>, %mul3A_175, %reduce_sum3A_176 [1] : vector<1x128xf32> to vector<1xf32>
    %broadcast_in_dim3A_178 = vector.shape_cast %reduce_sum3A_177 : vector<1xf32> to vector<1x1xf32>
    %sqrt3A_179 = math.sqrt %broadcast_in_dim3A_178 : vector<1x1xf32>
    %jit3A_180 = arith.constant 1.000000e-15 : f32
    %max3A_181 = vector.broadcast %jit3A_180 : f32 to vector<1x1xf32>
    %max3A_182 = arith.maximumf %max3A_181, %sqrt3A_179 : vector<1x1xf32>
    %mul3A_183 = arith.constant 1.000000e+00 : f32
    %mul3A_184 = vector.broadcast %mul3A_183 : f32 to vector<1x1xf32>
    %mul3A_185 = arith.mulf %mul3A_184, %max3A_182 : vector<1x1xf32>
    %tanh3A_186 = math.tanh %mul3A_185 : vector<1x1xf32>
    %mul3A_187 = vector.broadcast %tanh3A_186 : vector<1x1xf32> to vector<1x128xf32>
    %mul3A_188 = arith.mulf %mul3A_187, %get3A_174 : vector<1x128xf32>
    %mul3A_189 = arith.constant 1.000000e+00 : f32
    %mul3A_190 = vector.broadcast %mul3A_189 : f32 to vector<1x1xf32>
    %mul3A_191 = arith.mulf %mul3A_190, %max3A_182 : vector<1x1xf32>
    %div3A_192 = vector.broadcast %mul3A_191 : vector<1x1xf32> to vector<1x128xf32>
    %div3A_193 = arith.divf %mul3A_188, %div3A_192 : vector<1x128xf32>
    %mul3A_194 = arith.mulf %div3A_193, %div3A_193 : vector<1x128xf32>
    %reduce_sum3A_195 = arith.constant dense<0.000000e+00> : vector<1xf32>
    %reduce_sum3A_196 = vector.multi_reduction <add>, %mul3A_194, %reduce_sum3A_195 [1] : vector<1x128xf32> to vector<1xf32>
    %broadcast_in_dim3A_197 = vector.shape_cast %reduce_sum3A_196 : vector<1xf32> to vector<1x1xf32>
    %sqrt3A_198 = math.sqrt %broadcast_in_dim3A_197 : vector<1x1xf32>
    %jit3A_199 = arith.constant 1.000000e-15 : f32
    %max3A_200 = vector.broadcast %jit3A_199 : f32 to vector<1x1xf32>
    %max3A_201 = arith.maximumf %max3A_200, %sqrt3A_198 : vector<1x1xf32>
    %gt3A_202 = arith.constant 0.999989986 : f32
    %gt3A_203 = vector.broadcast %gt3A_202 : f32 to vector<1x1xf32>
    %gt3A_204 = arith.cmpf ogt, %max3A_201, %gt3A_203 : vector<1x1xf32>
    %div3A_205 = vector.broadcast %max3A_201 : vector<1x1xf32> to vector<1x128xf32>
    %div3A_206 = arith.divf %div3A_193, %div3A_205 : vector<1x128xf32>
    %mul3A_207 = arith.constant 0.999989986 : f32
    %mul3A_208 = vector.broadcast %mul3A_207 : f32 to vector<1x128xf32>
    %mul3A_209 = arith.mulf %div3A_206, %mul3A_208 : vector<1x128xf32>
    %broadcast_in_dim3A_210 = vector.shape_cast %gt3A_204 : vector<1x1xi1> to vector<1x1xi1>
    %broadcast_in_dim3A_211 = vector.broadcast %broadcast_in_dim3A_210 : vector<1x1xi1> to vector<1x128xi1>
    %select_n3A_212 = arith.select %broadcast_in_dim3A_211, %mul3A_209, %div3A_193 : vector<1x128xi1>, vector<1x128xf32>
    %mul3A_213 = arith.mulf %select_n3A_171, %select_n3A_171 : vector<624x128xf32>
    %reduce_sum3A_214 = arith.constant dense<0.000000e+00> : vector<624xf32>
    %reduce_sum3A_215 = vector.multi_reduction <add>, %mul3A_213, %reduce_sum3A_214 [1] : vector<624x128xf32> to vector<624xf32>
    %broadcast_in_dim3A_216 = vector.shape_cast %reduce_sum3A_215 : vector<624xf32> to vector<624x1xf32>
    %mul3A_217 = arith.mulf %select_n3A_212, %select_n3A_212 : vector<1x128xf32>
    %reduce_sum3A_218 = arith.constant dense<0.000000e+00> : vector<1xf32>
    %reduce_sum3A_219 = vector.multi_reduction <add>, %mul3A_217, %reduce_sum3A_218 [1] : vector<1x128xf32> to vector<1xf32>
    %broadcast_in_dim3A_220 = vector.shape_cast %reduce_sum3A_219 : vector<1xf32> to vector<1x1xf32>
    %mul3A_221 = vector.broadcast %select_n3A_212 : vector<1x128xf32> to vector<624x128xf32>
    %mul3A_222 = arith.mulf %select_n3A_171, %mul3A_221 : vector<624x128xf32>
    %reduce_sum3A_223 = arith.constant dense<0.000000e+00> : vector<624xf32>
    %reduce_sum3A_224 = vector.multi_reduction <add>, %mul3A_222, %reduce_sum3A_223 [1] : vector<624x128xf32> to vector<624xf32>
    %broadcast_in_dim3A_225 = vector.shape_cast %reduce_sum3A_224 : vector<624xf32> to vector<624x1xf32>
    %mul3A_226 = arith.constant 2.000000e+00 : f32
    %mul3A_227 = vector.broadcast %mul3A_226 : f32 to vector<624x1xf32>
    %mul3A_228 = arith.mulf %mul3A_227, %broadcast_in_dim3A_225 : vector<624x1xf32>
    %add3A_229 = arith.constant 1.000000e+00 : f32
    %add3A_230 = vector.broadcast %add3A_229 : f32 to vector<624x1xf32>
    %add3A_231 = arith.addf %add3A_230, %mul3A_228 : vector<624x1xf32>
    %mul3A_232 = arith.constant 1.000000e+00 : f32
    %mul3A_233 = vector.broadcast %mul3A_232 : f32 to vector<1x1xf32>
    %mul3A_234 = arith.mulf %mul3A_233, %broadcast_in_dim3A_220 : vector<1x1xf32>
    %add3A_235 = vector.broadcast %mul3A_234 : vector<1x1xf32> to vector<624x1xf32>
    %add3A_236 = arith.addf %add3A_231, %add3A_235 : vector<624x1xf32>
    %mul3A_237 = vector.broadcast %add3A_236 : vector<624x1xf32> to vector<624x128xf32>
    %mul3A_238 = arith.mulf %mul3A_237, %select_n3A_171 : vector<624x128xf32>
    %mul3A_239 = arith.constant 1.000000e+00 : f32
    %mul3A_240 = vector.broadcast %mul3A_239 : f32 to vector<624x1xf32>
    %mul3A_241 = arith.mulf %mul3A_240, %broadcast_in_dim3A_216 : vector<624x1xf32>
    %sub3A_242 = arith.constant 1.000000e+00 : f32
    %sub3A_243 = vector.broadcast %sub3A_242 : f32 to vector<624x1xf32>
    %sub3A_244 = arith.subf %sub3A_243, %mul3A_241 : vector<624x1xf32>
    %mul3A_245 = vector.broadcast %sub3A_244 : vector<624x1xf32> to vector<624x128xf32>
    %mul3A_246 = vector.broadcast %select_n3A_212 : vector<1x128xf32> to vector<624x128xf32>
    %mul3A_247 = arith.mulf %mul3A_245, %mul3A_246 : vector<624x128xf32>
    %add3A_248 = arith.addf %mul3A_238, %mul3A_247 : vector<624x128xf32>
    %mul3A_249 = arith.constant 2.000000e+00 : f32
    %mul3A_250 = vector.broadcast %mul3A_249 : f32 to vector<624x1xf32>
    %mul3A_251 = arith.mulf %mul3A_250, %broadcast_in_dim3A_225 : vector<624x1xf32>
    %add3A_252 = arith.constant 1.000000e+00 : f32
    %add3A_253 = vector.broadcast %add3A_252 : f32 to vector<624x1xf32>
    %add3A_254 = arith.addf %add3A_253, %mul3A_251 : vector<624x1xf32>
    %mul3A_255 = arith.constant 1.000000e+00 : f32
    %mul3A_256 = vector.broadcast %mul3A_255 : f32 to vector<624x1xf32>
    %mul3A_257 = arith.mulf %mul3A_256, %broadcast_in_dim3A_216 : vector<624x1xf32>
    %mul3A_258 = vector.broadcast %broadcast_in_dim3A_220 : vector<1x1xf32> to vector<624x1xf32>
    %mul3A_259 = arith.mulf %mul3A_257, %mul3A_258 : vector<624x1xf32>
    %add3A_260 = arith.addf %add3A_254, %mul3A_259 : vector<624x1xf32>
    %jit3A_261 = arith.constant 1.000000e-15 : f32
    %max3A_262 = vector.broadcast %jit3A_261 : f32 to vector<624x1xf32>
    %max3A_263 = arith.maximumf %max3A_262, %add3A_260 : vector<624x1xf32>
    %div3A_264 = vector.broadcast %max3A_263 : vector<624x1xf32> to vector<624x128xf32>
    %div3A_265 = arith.divf %add3A_248, %div3A_264 : vector<624x128xf32>
    %mul3A_266 = arith.mulf %div3A_265, %div3A_265 : vector<624x128xf32>
    %reduce_sum3A_267 = arith.constant dense<0.000000e+00> : vector<624xf32>
    %reduce_sum3A_268 = vector.multi_reduction <add>, %mul3A_266, %reduce_sum3A_267 [1] : vector<624x128xf32> to vector<624xf32>
    %broadcast_in_dim3A_269 = vector.shape_cast %reduce_sum3A_268 : vector<624xf32> to vector<624x1xf32>
    %sqrt3A_270 = math.sqrt %broadcast_in_dim3A_269 : vector<624x1xf32>
    %jit3A_271 = arith.constant 1.000000e-15 : f32
    %max3A_272 = vector.broadcast %jit3A_271 : f32 to vector<624x1xf32>
    %max3A_273 = arith.maximumf %max3A_272, %sqrt3A_270 : vector<624x1xf32>
    %gt3A_274 = arith.constant 0.999989986 : f32
    %gt3A_275 = vector.broadcast %gt3A_274 : f32 to vector<624x1xf32>
    %gt3A_276 = arith.cmpf ogt, %max3A_273, %gt3A_275 : vector<624x1xf32>
    %div3A_277 = vector.broadcast %max3A_273 : vector<624x1xf32> to vector<624x128xf32>
    %div3A_278 = arith.divf %div3A_265, %div3A_277 : vector<624x128xf32>
    %mul3A_279 = arith.constant 0.999989986 : f32
    %mul3A_280 = vector.broadcast %mul3A_279 : f32 to vector<624x128xf32>
    %mul3A_281 = arith.mulf %div3A_278, %mul3A_280 : vector<624x128xf32>
    %broadcast_in_dim3A_282 = vector.shape_cast %gt3A_276 : vector<624x1xi1> to vector<624x1xi1>
    %broadcast_in_dim3A_283 = vector.broadcast %broadcast_in_dim3A_282 : vector<624x1xi1> to vector<624x128xi1>
    %select_n3A_284 = arith.select %broadcast_in_dim3A_283, %mul3A_281, %div3A_265 : vector<624x128xi1>, vector<624x128xf32>
    %mul3A_285 = arith.mulf %select_n3A_284, %select_n3A_284 : vector<624x128xf32>
    %reduce_sum3A_286 = arith.constant dense<0.000000e+00> : vector<624xf32>
    %reduce_sum3A_287 = vector.multi_reduction <add>, %mul3A_285, %reduce_sum3A_286 [1] : vector<624x128xf32> to vector<624xf32>
    %broadcast_in_dim3A_288 = vector.shape_cast %reduce_sum3A_287 : vector<624xf32> to vector<624x1xf32>
    %sqrt3A_289 = math.sqrt %broadcast_in_dim3A_288 : vector<624x1xf32>
    %jit3A_290 = arith.constant 1.000000e-15 : f32
    %max3A_291 = vector.broadcast %jit3A_290 : f32 to vector<624x1xf32>
    %max3A_292 = arith.maximumf %max3A_291, %sqrt3A_289 : vector<624x1xf32>
    %mul3A_293 = arith.constant 1.000000e+00 : f32
    %mul3A_294 = vector.broadcast %mul3A_293 : f32 to vector<624x1xf32>
    %mul3A_295 = arith.mulf %mul3A_294, %max3A_292 : vector<624x1xf32>
    %jit3A_296 = arith.constant -0.99999988 : f32
    %jit3A_297 = arith.constant 0.99999988 : f32
    %max3A_298 = vector.broadcast %jit3A_296 : f32 to vector<624x1xf32>
    %max3A_299 = arith.maximumf %max3A_298, %mul3A_295 : vector<624x1xf32>
    %min3A_300 = vector.broadcast %jit3A_297 : f32 to vector<624x1xf32>
    %min3A_301 = arith.minimumf %min3A_300, %max3A_299 : vector<624x1xf32>
    %log1p3A_302 = math.log1p %min3A_301 : vector<624x1xf32>
    %neg3A_303 = arith.constant 0.000000e+00 : f32
    %neg3A_304 = vector.broadcast %neg3A_303 : f32 to vector<624x1xf32>
    %neg3A_305 = arith.subf %neg3A_304, %min3A_301 : vector<624x1xf32>
    %log1p3A_306 = math.log1p %neg3A_305 : vector<624x1xf32>
    %sub3A_307 = arith.subf %log1p3A_302, %log1p3A_306 : vector<624x1xf32>
    %mul3A_308 = arith.constant 5.000000e-01 : f32
    %mul3A_309 = vector.broadcast %mul3A_308 : f32 to vector<624x1xf32>
    %mul3A_310 = arith.mulf %mul3A_309, %sub3A_307 : vector<624x1xf32>
    %mul3A_311 = vector.broadcast %mul3A_310 : vector<624x1xf32> to vector<624x128xf32>
    %mul3A_312 = arith.mulf %mul3A_311, %select_n3A_284 : vector<624x128xf32>
    %mul3A_313 = arith.constant 1.000000e+00 : f32
    %mul3A_314 = vector.broadcast %mul3A_313 : f32 to vector<624x1xf32>
    %mul3A_315 = arith.mulf %mul3A_314, %max3A_292 : vector<624x1xf32>
    %div3A_316 = vector.broadcast %mul3A_315 : vector<624x1xf32> to vector<624x128xf32>
    %div3A_317 = arith.divf %mul3A_312, %div3A_316 : vector<624x128xf32>
    %swap3A = arith.constant 0 : index
    %swap3A_318 = arith.constant 0 : index
    %swap3A_319 = vector.load %arg6[%swap3A, %swap3A_318] : memref<624x128xf32, #tpu.memory_space<vmem>>, vector<624x128xf32>
    tpu.vector_store %arg6[%swap3A, %swap3A_318], %div3A_317 {strides = array<i32>} : memref<624x128xf32, #tpu.memory_space<vmem>>, vector<624x128xf32>,
    return
  }
  func.func @transform_0(%arg0: i32) -> (i32, i32, i32) {
    %c0_i32 = arith.constant 0 : i32
    %c0_i32_0 = arith.constant 0 : i32
    %c0_i32_1 = arith.constant 0 : i32
    return %c0_i32, %arg0, %c0_i32_0 : i32, i32, i32
  }
  func.func @transform_1(%arg0: i32) -> (i32, i32, i32) {
    %c1_i32 = arith.constant 1 : i32
    %c0_i32 = arith.constant 0 : i32
    %c0_i32_0 = arith.constant 0 : i32
    return %c1_i32, %arg0, %c0_i32 : i32, i32, i32
  }
  func.func @transform_2(%arg0: i32) -> (i32, i32) {
    %c0_i32 = arith.constant 0 : i32
    %c0_i32_0 = arith.constant 0 : i32
    return %arg0, %c0_i32 : i32, i32
  }
  func.func @transform_3(%arg0: i32) -> (i32, i32) {
    %c0_i32 = arith.constant 0 : i32
    %c0_i32_0 = arith.constant 0 : i32
    %c0_i32_1 = arith.constant 0 : i32
    return %c0_i32, %c0_i32_0 : i32, i32
  }
  func.func @transform_4(%arg0: i32) -> (i32, i32) {
    %c0_i32 = arith.constant 0 : i32
    %c0_i32_0 = arith.constant 0 : i32
    %c0_i32_1 = arith.constant 0 : i32
    return %c0_i32, %c0_i32_0 : i32, i32
  }
  func.func @transform_5(%arg0: i32) -> (i32, i32) {
    %c0_i32 = arith.constant 0 : i32
    %c0_i32_0 = arith.constant 0 : i32
    return %arg0, %c0_i32 : i32, i32
  }
}

module attributes {stable_mosaic.version = 14 : i64} {
  func.func @_stage_f_body(%arg0: i32, %arg1: memref<1x624x128xf32, #tpu.memory_space<vmem>>, %arg2: memref<1x624x128xf32, #tpu.memory_space<vmem>>, %arg3: memref<624x128xf32, #tpu.memory_space<vmem>>, %arg4: memref<256x624xi32, #tpu.memory_space<vmem>>, %arg5: memref<100x128xf32, #tpu.memory_space<vmem>>, %arg6: memref<100x128xf32, #tpu.memory_space<vmem>>, %arg7: memref<256x128xf32, #tpu.memory_space<vmem>>) attributes {dimension_semantics = [#tpu.dimension_semantics<arbitrary>], iteration_bounds = array<i64: 16>, scalar_prefetch = 0 : i64, scratch_operands = 1 : i64, tpu.core_type = #tpu.core_type<tc>, window_params = [{transform_indices = @transform_0, window_bounds = array<i64: 1, 624, 128>}, {transform_indices = @transform_1, window_bounds = array<i64: 1, 624, 128>}, {transform_indices = @transform_2, window_bounds = array<i64: 624, 128>}, {pipeline_mode = #tpu.pipeline_mode<synchronous>, transform_indices = @transform_3, window_bounds = array<i64: 256, 624>}, {pipeline_mode = #tpu.pipeline_mode<synchronous>, transform_indices = @transform_4, window_bounds = array<i64: 100, 128>}, {pipeline_mode = #tpu.pipeline_mode<synchronous>, transform_indices = @transform_5, window_bounds = array<i64: 100, 128>}]} {
    %eq3A = arith.constant 0 : i32
    %eq3A_0 = arith.cmpi eq, %arg0, %eq3A : i32
    %convert_element_type3A = arith.extui %eq3A_0 : i1 to i32
    %cond3A = arith.constant 0 : i32
    %cond3A_1 = arith.cmpi ne, %convert_element_type3A, %cond3A : i32
    scf.if %cond3A_1 {
      %broadcast_in_dim3A = arith.constant 0.000000e+00 : f32
      %broadcast_in_dim3A_36 = vector.broadcast %broadcast_in_dim3A : f32 to vector<256x128xf32>
      %swap3A_37 = arith.constant 0 : index
      %swap3A_38 = arith.constant 0 : index
      %swap3A_39 = vector.load %arg7[%swap3A_37, %swap3A_38] : memref<256x128xf32, #tpu.memory_space<vmem>>, vector<256x128xf32>
      tpu.vector_store %arg7[%swap3A_37, %swap3A_38], %broadcast_in_dim3A_36 {strides = array<i32>} : memref<256x128xf32, #tpu.memory_space<vmem>>, vector<256x128xf32>,
    } else {
    }
    %get3A = arith.constant 0 : index
    %get3A_2 = arith.constant 0 : index
    %get3A_3 = arith.constant 0 : index
    %get3A_4 = vector.load %arg1[%get3A, %get3A_2, %get3A_3] : memref<1x624x128xf32, #tpu.memory_space<vmem>>, vector<1x624x128xf32>
    %get3A_5 = vector.shape_cast %get3A_4 : vector<1x624x128xf32> to vector<624x128xf32>
    %get3A_6 = arith.constant 0 : index
    %get3A_7 = arith.constant 0 : index
    %get3A_8 = arith.constant 0 : index
    %get3A_9 = vector.load %arg2[%get3A_6, %get3A_7, %get3A_8] : memref<1x624x128xf32, #tpu.memory_space<vmem>>, vector<1x624x128xf32>
    %get3A_10 = vector.shape_cast %get3A_9 : vector<1x624x128xf32> to vector<624x128xf32>
    %add3A = arith.addf %get3A_5, %get3A_10 : vector<624x128xf32>
    %get3A_11 = arith.constant 0 : index
    %get3A_12 = arith.constant 0 : index
    %get3A_13 = vector.load %arg3[%get3A_11, %get3A_12] : memref<624x128xf32, #tpu.memory_space<vmem>>, vector<624x128xf32>
    %add3A_14 = arith.addf %add3A, %get3A_13 : vector<624x128xf32>
    %iota3A = tpu.iota {dimensions = array<i32: 1>} : vector<256x624xi32>
    %mul3A = arith.constant 624 : i32
    %mul3A_15 = arith.muli %arg0, %mul3A : i32
    %add3A_16 = vector.broadcast %mul3A_15 : i32 to vector<256x624xi32>
    %add3A_17 = arith.addi %iota3A, %add3A_16 : vector<256x624xi32>
    %get3A_18 = arith.constant 0 : index
    %get3A_19 = arith.constant 0 : index
    %get3A_20 = vector.load %arg4[%get3A_18, %get3A_19] : memref<256x624xi32, #tpu.memory_space<vmem>>, vector<256x624xi32>
    %eq3A_21 = arith.cmpi eq, %get3A_20, %add3A_17 : vector<256x624xi32>
    %convert_element_type3A_22 = arith.extui %eq3A_21 : vector<256x624xi1> to vector<256x624xi32>
    %convert_element_type3A_23 = arith.sitofp %convert_element_type3A_22 : vector<256x624xi32> to vector<256x624xf32>
    %get3A_24 = arith.constant 0 : index
    %get3A_25 = arith.constant 0 : index
    %get3A_26 = vector.load %arg7[%get3A_24, %get3A_25] : memref<256x128xf32, #tpu.memory_space<vmem>>, vector<256x128xf32>
    %dot_general3A = arith.constant dense<0.000000e+00> : vector<256x128xf32>
    %dot_general3A_27 = tpu.matmul %convert_element_type3A_23, %add3A_14, %dot_general3A {dimension_numbers = #tpu.dot_dimension_numbers<[1], [0], [0], [1], [0, 0, 1, 1], [], []>, precision = #tpu.contract_precision<fp32>, transpose_lhs_hint = false} : vector<256x624xf32>, vector<624x128xf32>, vector<256x128xf32> -> vector<256x128xf32>
    %add3A_28 = arith.addf %get3A_26, %dot_general3A_27 : vector<256x128xf32>
    %swap3A = arith.constant 0 : index
    %swap3A_29 = arith.constant 0 : index
    %swap3A_30 = vector.load %arg7[%swap3A, %swap3A_29] : memref<256x128xf32, #tpu.memory_space<vmem>>, vector<256x128xf32>
    tpu.vector_store %arg7[%swap3A, %swap3A_29], %add3A_28 {strides = array<i32>} : memref<256x128xf32, #tpu.memory_space<vmem>>, vector<256x128xf32>,
    %eq3A_31 = arith.constant 15 : i32
    %eq3A_32 = arith.cmpi eq, %arg0, %eq3A_31 : i32
    %convert_element_type3A_33 = arith.extui %eq3A_32 : i1 to i32
    %cond3A_34 = arith.constant 0 : i32
    %cond3A_35 = arith.cmpi ne, %convert_element_type3A_33, %cond3A_34 : i32
    scf.if %cond3A_35 {
      %get3A_36 = arith.constant 0 : index
      %get3A_37 = arith.constant 0 : index
      %get3A_38 = vector.load %arg7[%get3A_36, %get3A_37] : memref<256x128xf32, #tpu.memory_space<vmem>>, vector<256x128xf32>
      %mul3A_39 = arith.mulf %get3A_38, %get3A_38 : vector<256x128xf32>
      %reduce_sum3A = arith.constant dense<0.000000e+00> : vector<256xf32>
      %reduce_sum3A_40 = vector.multi_reduction <add>, %mul3A_39, %reduce_sum3A [1] : vector<256x128xf32> to vector<256xf32>
      %broadcast_in_dim3A = vector.shape_cast %reduce_sum3A_40 : vector<256xf32> to vector<256x1xf32>
      %sqrt3A = math.sqrt %broadcast_in_dim3A : vector<256x1xf32>
      %jit3A = arith.constant 1.000000e-15 : f32
      %max3A = vector.broadcast %jit3A : f32 to vector<256x1xf32>
      %max3A_41 = arith.maximumf %max3A, %sqrt3A : vector<256x1xf32>
      %mul3A_42 = arith.constant 1.000000e+00 : f32
      %mul3A_43 = vector.broadcast %mul3A_42 : f32 to vector<256x1xf32>
      %mul3A_44 = arith.mulf %mul3A_43, %max3A_41 : vector<256x1xf32>
      %tanh3A = math.tanh %mul3A_44 : vector<256x1xf32>
      %mul3A_45 = vector.broadcast %tanh3A : vector<256x1xf32> to vector<256x128xf32>
      %mul3A_46 = arith.mulf %mul3A_45, %get3A_38 : vector<256x128xf32>
      %mul3A_47 = arith.constant 1.000000e+00 : f32
      %mul3A_48 = vector.broadcast %mul3A_47 : f32 to vector<256x1xf32>
      %mul3A_49 = arith.mulf %mul3A_48, %max3A_41 : vector<256x1xf32>
      %div3A = vector.broadcast %mul3A_49 : vector<256x1xf32> to vector<256x128xf32>
      %div3A_50 = arith.divf %mul3A_46, %div3A : vector<256x128xf32>
      %mul3A_51 = arith.mulf %div3A_50, %div3A_50 : vector<256x128xf32>
      %reduce_sum3A_52 = arith.constant dense<0.000000e+00> : vector<256xf32>
      %reduce_sum3A_53 = vector.multi_reduction <add>, %mul3A_51, %reduce_sum3A_52 [1] : vector<256x128xf32> to vector<256xf32>
      %broadcast_in_dim3A_54 = vector.shape_cast %reduce_sum3A_53 : vector<256xf32> to vector<256x1xf32>
      %sqrt3A_55 = math.sqrt %broadcast_in_dim3A_54 : vector<256x1xf32>
      %jit3A_56 = arith.constant 1.000000e-15 : f32
      %max3A_57 = vector.broadcast %jit3A_56 : f32 to vector<256x1xf32>
      %max3A_58 = arith.maximumf %max3A_57, %sqrt3A_55 : vector<256x1xf32>
      %gt3A = arith.constant 0.999989986 : f32
      %gt3A_59 = vector.broadcast %gt3A : f32 to vector<256x1xf32>
      %gt3A_60 = arith.cmpf ogt, %max3A_58, %gt3A_59 : vector<256x1xf32>
      %div3A_61 = vector.broadcast %max3A_58 : vector<256x1xf32> to vector<256x128xf32>
      %div3A_62 = arith.divf %div3A_50, %div3A_61 : vector<256x128xf32>
      %mul3A_63 = arith.constant 0.999989986 : f32
      %mul3A_64 = vector.broadcast %mul3A_63 : f32 to vector<256x128xf32>
      %mul3A_65 = arith.mulf %div3A_62, %mul3A_64 : vector<256x128xf32>
      %broadcast_in_dim3A_66 = vector.shape_cast %gt3A_60 : vector<256x1xi1> to vector<256x1xi1>
      %broadcast_in_dim3A_67 = vector.broadcast %broadcast_in_dim3A_66 : vector<256x1xi1> to vector<256x128xi1>
      %select_n3A = arith.select %broadcast_in_dim3A_67, %mul3A_65, %div3A_50 : vector<256x128xi1>, vector<256x128xf32>
      %mul3A_68 = arith.mulf %select_n3A, %select_n3A : vector<256x128xf32>
      %reduce_sum3A_69 = arith.constant dense<0.000000e+00> : vector<256xf32>
      %reduce_sum3A_70 = vector.multi_reduction <add>, %mul3A_68, %reduce_sum3A_69 [1] : vector<256x128xf32> to vector<256xf32>
      %broadcast_in_dim3A_71 = vector.shape_cast %reduce_sum3A_70 : vector<256xf32> to vector<256x1xf32>
      %sqrt3A_72 = math.sqrt %broadcast_in_dim3A_71 : vector<256x1xf32>
      %jit3A_73 = arith.constant 1.000000e-15 : f32
      %max3A_74 = vector.broadcast %jit3A_73 : f32 to vector<256x1xf32>
      %max3A_75 = arith.maximumf %max3A_74, %sqrt3A_72 : vector<256x1xf32>
      %mul3A_76 = arith.constant 1.000000e+00 : f32
      %mul3A_77 = vector.broadcast %mul3A_76 : f32 to vector<256x1xf32>
      %mul3A_78 = arith.mulf %mul3A_77, %max3A_75 : vector<256x1xf32>
      %jit3A_79 = arith.constant -0.99999988 : f32
      %jit3A_80 = arith.constant 0.99999988 : f32
      %max3A_81 = vector.broadcast %jit3A_79 : f32 to vector<256x1xf32>
      %max3A_82 = arith.maximumf %max3A_81, %mul3A_78 : vector<256x1xf32>
      %min3A = vector.broadcast %jit3A_80 : f32 to vector<256x1xf32>
      %min3A_83 = arith.minimumf %min3A, %max3A_82 : vector<256x1xf32>
      %log1p3A = math.log1p %min3A_83 : vector<256x1xf32>
      %neg3A = arith.constant 0.000000e+00 : f32
      %neg3A_84 = vector.broadcast %neg3A : f32 to vector<256x1xf32>
      %neg3A_85 = arith.subf %neg3A_84, %min3A_83 : vector<256x1xf32>
      %log1p3A_86 = math.log1p %neg3A_85 : vector<256x1xf32>
      %sub3A = arith.subf %log1p3A, %log1p3A_86 : vector<256x1xf32>
      %mul3A_87 = arith.constant 5.000000e-01 : f32
      %mul3A_88 = vector.broadcast %mul3A_87 : f32 to vector<256x1xf32>
      %mul3A_89 = arith.mulf %mul3A_88, %sub3A : vector<256x1xf32>
      %mul3A_90 = vector.broadcast %mul3A_89 : vector<256x1xf32> to vector<256x128xf32>
      %mul3A_91 = arith.mulf %mul3A_90, %select_n3A : vector<256x128xf32>
      %mul3A_92 = arith.constant 1.000000e+00 : f32
      %mul3A_93 = vector.broadcast %mul3A_92 : f32 to vector<256x1xf32>
      %mul3A_94 = arith.mulf %mul3A_93, %max3A_75 : vector<256x1xf32>
      %div3A_95 = vector.broadcast %mul3A_94 : vector<256x1xf32> to vector<256x128xf32>
      %div3A_96 = arith.divf %mul3A_91, %div3A_95 : vector<256x128xf32>
      %max3A_97 = arith.constant 0.000000e+00 : f32
      %max3A_98 = vector.broadcast %max3A_97 : f32 to vector<256x128xf32>
      %max3A_99 = arith.maximumf %div3A_96, %max3A_98 : vector<256x128xf32>
      %mul3A_100 = arith.mulf %max3A_99, %max3A_99 : vector<256x128xf32>
      %reduce_sum3A_101 = arith.constant dense<0.000000e+00> : vector<256xf32>
      %reduce_sum3A_102 = vector.multi_reduction <add>, %mul3A_100, %reduce_sum3A_101 [1] : vector<256x128xf32> to vector<256xf32>
      %broadcast_in_dim3A_103 = vector.shape_cast %reduce_sum3A_102 : vector<256xf32> to vector<256x1xf32>
      %sqrt3A_104 = math.sqrt %broadcast_in_dim3A_103 : vector<256x1xf32>
      %jit3A_105 = arith.constant 1.000000e-15 : f32
      %max3A_106 = vector.broadcast %jit3A_105 : f32 to vector<256x1xf32>
      %max3A_107 = arith.maximumf %max3A_106, %sqrt3A_104 : vector<256x1xf32>
      %mul3A_108 = arith.constant 1.000000e+00 : f32
      %mul3A_109 = vector.broadcast %mul3A_108 : f32 to vector<256x1xf32>
      %mul3A_110 = arith.mulf %mul3A_109, %max3A_107 : vector<256x1xf32>
      %tanh3A_111 = math.tanh %mul3A_110 : vector<256x1xf32>
      %mul3A_112 = vector.broadcast %tanh3A_111 : vector<256x1xf32> to vector<256x128xf32>
      %mul3A_113 = arith.mulf %mul3A_112, %max3A_99 : vector<256x128xf32>
      %mul3A_114 = arith.constant 1.000000e+00 : f32
      %mul3A_115 = vector.broadcast %mul3A_114 : f32 to vector<256x1xf32>
      %mul3A_116 = arith.mulf %mul3A_115, %max3A_107 : vector<256x1xf32>
      %div3A_117 = vector.broadcast %mul3A_116 : vector<256x1xf32> to vector<256x128xf32>
      %div3A_118 = arith.divf %mul3A_113, %div3A_117 : vector<256x128xf32>
      %mul3A_119 = arith.mulf %div3A_118, %div3A_118 : vector<256x128xf32>
      %reduce_sum3A_120 = arith.constant dense<0.000000e+00> : vector<256xf32>
      %reduce_sum3A_121 = vector.multi_reduction <add>, %mul3A_119, %reduce_sum3A_120 [1] : vector<256x128xf32> to vector<256xf32>
      %broadcast_in_dim3A_122 = vector.shape_cast %reduce_sum3A_121 : vector<256xf32> to vector<256x1xf32>
      %sqrt3A_123 = math.sqrt %broadcast_in_dim3A_122 : vector<256x1xf32>
      %jit3A_124 = arith.constant 1.000000e-15 : f32
      %max3A_125 = vector.broadcast %jit3A_124 : f32 to vector<256x1xf32>
      %max3A_126 = arith.maximumf %max3A_125, %sqrt3A_123 : vector<256x1xf32>
      %gt3A_127 = arith.constant 0.999989986 : f32
      %gt3A_128 = vector.broadcast %gt3A_127 : f32 to vector<256x1xf32>
      %gt3A_129 = arith.cmpf ogt, %max3A_126, %gt3A_128 : vector<256x1xf32>
      %div3A_130 = vector.broadcast %max3A_126 : vector<256x1xf32> to vector<256x128xf32>
      %div3A_131 = arith.divf %div3A_118, %div3A_130 : vector<256x128xf32>
      %mul3A_132 = arith.constant 0.999989986 : f32
      %mul3A_133 = vector.broadcast %mul3A_132 : f32 to vector<256x128xf32>
      %mul3A_134 = arith.mulf %div3A_131, %mul3A_133 : vector<256x128xf32>
      %broadcast_in_dim3A_135 = vector.shape_cast %gt3A_129 : vector<256x1xi1> to vector<256x1xi1>
      %broadcast_in_dim3A_136 = vector.broadcast %broadcast_in_dim3A_135 : vector<256x1xi1> to vector<256x128xi1>
      %select_n3A_137 = arith.select %broadcast_in_dim3A_136, %mul3A_134, %div3A_118 : vector<256x128xi1>, vector<256x128xf32>
      %mul3A_138 = arith.mulf %select_n3A_137, %select_n3A_137 : vector<256x128xf32>
      %reduce_sum3A_139 = arith.constant dense<0.000000e+00> : vector<256xf32>
      %reduce_sum3A_140 = vector.multi_reduction <add>, %mul3A_138, %reduce_sum3A_139 [1] : vector<256x128xf32> to vector<256xf32>
      %broadcast_in_dim3A_141 = vector.shape_cast %reduce_sum3A_140 : vector<256xf32> to vector<256x1xf32>
      %sqrt3A_142 = math.sqrt %broadcast_in_dim3A_141 : vector<256x1xf32>
      %jit3A_143 = arith.constant 1.000000e-15 : f32
      %max3A_144 = vector.broadcast %jit3A_143 : f32 to vector<256x1xf32>
      %max3A_145 = arith.maximumf %max3A_144, %sqrt3A_142 : vector<256x1xf32>
      %mul3A_146 = arith.constant 1.000000e+00 : f32
      %mul3A_147 = vector.broadcast %mul3A_146 : f32 to vector<256x1xf32>
      %mul3A_148 = arith.mulf %mul3A_147, %max3A_145 : vector<256x1xf32>
      %jit3A_149 = arith.constant -0.99999988 : f32
      %jit3A_150 = arith.constant 0.99999988 : f32
      %max3A_151 = vector.broadcast %jit3A_149 : f32 to vector<256x1xf32>
      %max3A_152 = arith.maximumf %max3A_151, %mul3A_148 : vector<256x1xf32>
      %min3A_153 = vector.broadcast %jit3A_150 : f32 to vector<256x1xf32>
      %min3A_154 = arith.minimumf %min3A_153, %max3A_152 : vector<256x1xf32>
      %log1p3A_155 = math.log1p %min3A_154 : vector<256x1xf32>
      %neg3A_156 = arith.constant 0.000000e+00 : f32
      %neg3A_157 = vector.broadcast %neg3A_156 : f32 to vector<256x1xf32>
      %neg3A_158 = arith.subf %neg3A_157, %min3A_154 : vector<256x1xf32>
      %log1p3A_159 = math.log1p %neg3A_158 : vector<256x1xf32>
      %sub3A_160 = arith.subf %log1p3A_155, %log1p3A_159 : vector<256x1xf32>
      %mul3A_161 = arith.constant 5.000000e-01 : f32
      %mul3A_162 = vector.broadcast %mul3A_161 : f32 to vector<256x1xf32>
      %mul3A_163 = arith.mulf %mul3A_162, %sub3A_160 : vector<256x1xf32>
      %mul3A_164 = vector.broadcast %mul3A_163 : vector<256x1xf32> to vector<256x128xf32>
      %mul3A_165 = arith.mulf %mul3A_164, %select_n3A_137 : vector<256x128xf32>
      %mul3A_166 = arith.constant 1.000000e+00 : f32
      %mul3A_167 = vector.broadcast %mul3A_166 : f32 to vector<256x1xf32>
      %mul3A_168 = arith.mulf %mul3A_167, %max3A_145 : vector<256x1xf32>
      %div3A_169 = vector.broadcast %mul3A_168 : vector<256x1xf32> to vector<256x128xf32>
      %div3A_170 = arith.divf %mul3A_165, %div3A_169 : vector<256x128xf32>
      %mul3A_171 = arith.mulf %div3A_170, %div3A_170 : vector<256x128xf32>
      %reduce_sum3A_172 = arith.constant dense<0.000000e+00> : vector<256xf32>
      %reduce_sum3A_173 = vector.multi_reduction <add>, %mul3A_171, %reduce_sum3A_172 [1] : vector<256x128xf32> to vector<256xf32>
      %broadcast_in_dim3A_174 = vector.shape_cast %reduce_sum3A_173 : vector<256xf32> to vector<256x1xf32>
      %sqrt3A_175 = math.sqrt %broadcast_in_dim3A_174 : vector<256x1xf32>
      %jit3A_176 = arith.constant 1.000000e-15 : f32
      %max3A_177 = vector.broadcast %jit3A_176 : f32 to vector<256x1xf32>
      %max3A_178 = arith.maximumf %max3A_177, %sqrt3A_175 : vector<256x1xf32>
      %mul3A_179 = arith.constant 1.000000e+00 : f32
      %mul3A_180 = vector.broadcast %mul3A_179 : f32 to vector<256x1xf32>
      %mul3A_181 = arith.mulf %mul3A_180, %max3A_178 : vector<256x1xf32>
      %tanh3A_182 = math.tanh %mul3A_181 : vector<256x1xf32>
      %mul3A_183 = vector.broadcast %tanh3A_182 : vector<256x1xf32> to vector<256x128xf32>
      %mul3A_184 = arith.mulf %mul3A_183, %div3A_170 : vector<256x128xf32>
      %mul3A_185 = arith.constant 1.000000e+00 : f32
      %mul3A_186 = vector.broadcast %mul3A_185 : f32 to vector<256x1xf32>
      %mul3A_187 = arith.mulf %mul3A_186, %max3A_178 : vector<256x1xf32>
      %div3A_188 = vector.broadcast %mul3A_187 : vector<256x1xf32> to vector<256x128xf32>
      %div3A_189 = arith.divf %mul3A_184, %div3A_188 : vector<256x128xf32>
      %mul3A_190 = arith.mulf %div3A_189, %div3A_189 : vector<256x128xf32>
      %reduce_sum3A_191 = arith.constant dense<0.000000e+00> : vector<256xf32>
      %reduce_sum3A_192 = vector.multi_reduction <add>, %mul3A_190, %reduce_sum3A_191 [1] : vector<256x128xf32> to vector<256xf32>
      %broadcast_in_dim3A_193 = vector.shape_cast %reduce_sum3A_192 : vector<256xf32> to vector<256x1xf32>
      %sqrt3A_194 = math.sqrt %broadcast_in_dim3A_193 : vector<256x1xf32>
      %jit3A_195 = arith.constant 1.000000e-15 : f32
      %max3A_196 = vector.broadcast %jit3A_195 : f32 to vector<256x1xf32>
      %max3A_197 = arith.maximumf %max3A_196, %sqrt3A_194 : vector<256x1xf32>
      %gt3A_198 = arith.constant 0.999989986 : f32
      %gt3A_199 = vector.broadcast %gt3A_198 : f32 to vector<256x1xf32>
      %gt3A_200 = arith.cmpf ogt, %max3A_197, %gt3A_199 : vector<256x1xf32>
      %div3A_201 = vector.broadcast %max3A_197 : vector<256x1xf32> to vector<256x128xf32>
      %div3A_202 = arith.divf %div3A_189, %div3A_201 : vector<256x128xf32>
      %mul3A_203 = arith.constant 0.999989986 : f32
      %mul3A_204 = vector.broadcast %mul3A_203 : f32 to vector<256x128xf32>
      %mul3A_205 = arith.mulf %div3A_202, %mul3A_204 : vector<256x128xf32>
      %broadcast_in_dim3A_206 = vector.shape_cast %gt3A_200 : vector<256x1xi1> to vector<256x1xi1>
      %broadcast_in_dim3A_207 = vector.broadcast %broadcast_in_dim3A_206 : vector<256x1xi1> to vector<256x128xi1>
      %select_n3A_208 = arith.select %broadcast_in_dim3A_207, %mul3A_205, %div3A_189 : vector<256x128xi1>, vector<256x128xf32>
      %slice3A = vector.extract_strided_slice %select_n3A_208 {offsets = [0, 0], sizes = [100, 128], strides = [1, 1]} : vector<256x128xf32> to vector<100x128xf32>
      %swap3A_209 = arith.constant 0 : index
      %swap3A_210 = arith.constant 0 : index
      %swap3A_211 = vector.load %arg5[%swap3A_209, %swap3A_210] : memref<100x128xf32, #tpu.memory_space<vmem>>, vector<100x128xf32>
      tpu.vector_store %arg5[%swap3A_209, %swap3A_210], %slice3A {strides = array<i32>} : memref<100x128xf32, #tpu.memory_space<vmem>>, vector<100x128xf32>,
      %slice3A_212 = vector.extract_strided_slice %select_n3A_208 {offsets = [100, 0], sizes = [100, 128], strides = [1, 1]} : vector<256x128xf32> to vector<100x128xf32>
      %swap3A_213 = arith.constant 0 : index
      %swap3A_214 = arith.constant 0 : index
      %swap3A_215 = vector.load %arg6[%swap3A_213, %swap3A_214] : memref<100x128xf32, #tpu.memory_space<vmem>>, vector<100x128xf32>
      tpu.vector_store %arg6[%swap3A_213, %swap3A_214], %slice3A_212 {strides = array<i32>} : memref<100x128xf32, #tpu.memory_space<vmem>>, vector<100x128xf32>,
    } else {
    }
    return
  }
  func.func @transform_0(%arg0: i32) -> (i32, i32, i32) {
    %c0_i32 = arith.constant 0 : i32
    %c0_i32_0 = arith.constant 0 : i32
    %c0_i32_1 = arith.constant 0 : i32
    return %c0_i32, %arg0, %c0_i32_0 : i32, i32, i32
  }
  func.func @transform_1(%arg0: i32) -> (i32, i32, i32) {
    %c1_i32 = arith.constant 1 : i32
    %c0_i32 = arith.constant 0 : i32
    %c0_i32_0 = arith.constant 0 : i32
    return %c1_i32, %arg0, %c0_i32 : i32, i32, i32
  }
  func.func @transform_2(%arg0: i32) -> (i32, i32) {
    %c0_i32 = arith.constant 0 : i32
    %c0_i32_0 = arith.constant 0 : i32
    return %arg0, %c0_i32 : i32, i32
  }
  func.func @transform_3(%arg0: i32) -> (i32, i32) {
    %c0_i32 = arith.constant 0 : i32
    %c0_i32_0 = arith.constant 0 : i32
    %c0_i32_1 = arith.constant 0 : i32
    return %c0_i32, %c0_i32_0 : i32, i32
  }
  func.func @transform_4(%arg0: i32) -> (i32, i32) {
    %c0_i32 = arith.constant 0 : i32
    %c0_i32_0 = arith.constant 0 : i32
    %c0_i32_1 = arith.constant 0 : i32
    return %c0_i32, %c0_i32_0 : i32, i32
  }
  func.func @transform_5(%arg0: i32) -> (i32, i32) {
    %c0_i32 = arith.constant 0 : i32
    %c0_i32_0 = arith.constant 0 : i32
    %c0_i32_1 = arith.constant 0 : i32
    return %c0_i32, %c0_i32_0 : i32, i32
  }
}

</mosaic_0001>

<sc_bundles>
// kernel: kernel.11.cloned.1.call-start
scs
__scs_entry_jumppad:
0x0: {  	(pc) =	sbr.rel $0x88, $3  }
0x1: {  	(tag) =	ssettag $0x0;
	lr =	simm.s32 $0x1  }
0x2: {  	[smem:$0x3F90] =	sst lr;
	_ =	strace $0xD0000000  }
0x3: {  	_ = 	snop  }
0x4: {  	_ = 	snop  }
0x5: {  	_ = 	snop  }
0x6: {  	_ = 	snop  }
0x7: {  	_ = 	snop  }
__scs_overlays_trampoline_lowered:
0x8: {  	[smem:$0x3F9F] =	sst s0  }
0x9: {  	[smem:$0x3FA0] =	sst s1  }
0xa: {  	[smem:$0x3FA1] =	sst s2  }
0xb: {  	[smem:$0x3FA2] =	sst s3  }
0xc: {  	[smem:$0x3FA3] =	sst s4  }
0xd: {  	[smem:$0x3FA4] =	sst s5  }
0xe: {  	[smem:$0x3FA5] =	sst s6  }
0xf: {  	[smem:$0x3FA6] =	sst s7  }
0x10: {  	[smem:$0x3FA7] =	sst s8  }
0x11: {  	[smem:$0x3FA8] =	sst s9;
	s0 =	simm.s32 @!p0 $0x0  }
0x12: {  	s1 =	sld [smem:$0x3F8E];
	s0 =	simm.s32 @p0 $0x1  }
0x13: {  	[smem:$0x3FA9] =	sst s0;
	s0 =	simm.s32 @!p1 $0x0  }
0x14: {  	s2 =	sld [smem:$0x3F8D];
	s0 =	simm.s32 @p1 $0x1  }
0x15: {  	[smem:$0x3FAA] =	sst s0;
	s0 =	simm.s32 @!p2 $0x0  }
0x16: {  	s3 =	sld [smem:$0x3FDB];
	s0 =	simm.s32 @p2 $0x1  }
0x17: {  	s4 =	simm.s32 $0x1BF5;
	[smem:$0x3FAC] =	sst s0  }
0x18: {  	s0 =	sld [smem:$0x3F8F];
	_ =	swait.ge [sflag:s4], $0x0  }
0x19: {  	s7 =	sld [smem:$0x3F90]  }
0x1a: {  	s8 =	sadd.s32 $0xFFFFE003, lr  }
0x1b: {  	s9 =	sadd.s32 $0xFFFFFEF7, lr;
	s5 =	simm.s32 $0xFFFFFFFF;
	p2 =	slt.u32 s8, $0xFFFFF086  }
0x1c: {  	p1 =	slt.u32 s9, $0xF7A;
	s5 =	simm.s32 @!p2 $0x0  }
0x1d: {  	s5 =	simm.s32 @p1 $0x1;
	p0 =	seq.s32 s7, s2  }
0x1e: {  	s7 =	smul.u32 @!p0 $0xF7A, s2;
	p2 =	seq.s32 @!p0 s5, $0x0  }
0x1f: {  	s9 =	smul.u32 $0xF7A, s1;
	s8 =	simm.s32 @!p0 $0x1BF5;
	p2 =	por !p2, p0  }
0x20: {  	[sflag:s8] =	ssyncset.s32 @!p0 $0xFFFFF086;
	s6 =	sadd.s32 @!p0 s3, s7;
	s7 =	simm.s32 @!p0 $0x108  }
0x21: {  	s3 =	sadd.s32 s3, s9;
	s6 =	sadd.s32 @!p0 $0x88, s6;
	s7 =	simm.s32 @p2 $0x1082  }
0x22: {  	[simem:s7], [sflag:s8] =	dma.local @!p0 [hbm:s6], $0xF7A  }
0x23: {  	s9 =	sor.u32 $0xD0000000, s2;
	s6 =	simm.s32 $0x108;
	_ =	swait.ge @!p0 [sflag:s8], $0x0  }
0x24: {  	s3 =	sadd.s32 $0x88, s3;
	s6 =	simm.s32 @!p1 $0x1082;
	[sflag:s4] =	ssyncset.s32 $0xFFFFF086  }
0x25: {  	[simem:s6], [sflag:s4] =	dma.local [hbm:s3], $0xF7A  }
0x26: {  	[smem:$0x3F90] =	sst s1;
	(tag) =	ssettag s2;
	_ =	strace s9  }
0x27: {  	s1 =	sld [smem:$0x3FA0]  }
0x28: {  	s2 =	sld [smem:$0x3FA1]  }
0x29: {  	s4 =	sld [smem:$0x3FA3]  }
0x2a: {  	p0 =	seq.s32 s5, $0x0;
	s5 =	sld [smem:$0x3FA4]  }
0x2b: {  	s6 =	sld [smem:$0x3FA5]  }
0x2c: {  	s7 =	sld [smem:$0x3FA6]  }
0x2d: {  	s3 =	simm.s32 $0x108;
	s8 =	sld [smem:$0x3FA7]  }
0x2e: {  	s3 =	simm.s32 @!p0 $0x1082;
	s9 =	sld [smem:$0x3FA8]  }
0x2f: {  	lr =	sadd.s32 s0, s3;
	s0 =	sld [smem:$0x3F9F]  }
0x30: {  	s3 =	sld [smem:$0x3FA2]  }
0x31: {  	[smem:$0x3FAB] =	sst s10  }
0x32: {  	s10 =	sld [smem:$0x3FA9];
	_ =	sdelay $0x3  }
0x33: {  	p0 =	seq.s32 s10, $0x1;
	s10 =	sld [smem:$0x3FAB];
	_ =	sdelay $0x3  }
0x34: {  	[smem:$0x3FAB] =	sst s10  }
0x35: {  	s10 =	sld [smem:$0x3FAA];
	_ =	sdelay $0x3  }
0x36: {  	p1 =	seq.s32 s10, $0x1;
	s10 =	sld [smem:$0x3FAB];
	_ =	sdelay $0x3  }
0x37: {  	[smem:$0x3FAB] =	sst s10  }
0x38: {  	s10 =	sld [smem:$0x3FAC]  }
0x39: {  	_ = 	snop;
	(pc) =	sbr.ind lr, $3  }
0x3a: {  	_ = 	snop  }
0x3b: {  	_ = 	snop  }
0x3c: {  	p2 =	seq.s32 s10, $0x1;
	s10 =	sld [smem:$0x3FAB]  }
0x3d: {  	_ =	shalt  }
0x3e: {  	_ =	shalt  }
0x3f: {  	_ =	shalt  }
0x40: {  	_ =	shalt  }
0x41: {  	_ =	shalt  }
0x42: {  	_ =	shalt  }
0x43: {  	_ =	shalt  }
0x44: {  	_ =	shalt  }
0x45: {  	_ =	shalt  }
0x46: {  	_ =	shalt  }
0x47: {  	_ =	shalt  }
0x48: {  	_ =	shalt  }
0x49: {  	_ =	shalt  }
0x4a: {  	_ =	shalt  }
0x4b: {  	_ =	shalt  }
0x4c: {  	_ =	shalt  }
0x4d: {  	_ =	shalt  }
0x4e: {  	_ =	shalt  }
0x4f: {  	_ =	shalt  }
0x50: {  	_ =	shalt  }
0x51: {  	_ =	shalt  }
0x52: {  	_ =	shalt  }
0x53: {  	_ =	shalt  }
0x54: {  	_ =	shalt  }
0x55: {  	_ =	shalt  }
0x56: {  	_ =	shalt  }
0x57: {  	_ =	shalt  }
0x58: {  	_ =	shalt  }
0x59: {  	_ =	shalt  }
0x5a: {  	_ =	shalt  }
0x5b: {  	_ =	shalt  }
0x5c: {  	_ =	shalt  }
0x5d: {  	_ =	shalt  }
0x5e: {  	_ =	shalt  }
0x5f: {  	_ =	shalt  }
0x60: {  	_ =	shalt  }
0x61: {  	_ =	shalt  }
0x62: {  	_ =	shalt  }
0x63: {  	_ =	shalt  }
0x64: {  	_ =	shalt  }
0x65: {  	_ =	shalt  }
0x66: {  	_ =	shalt  }
0x67: {  	_ =	shalt  }
0x68: {  	_ =	shalt  }
0x69: {  	_ =	shalt  }
0x6a: {  	_ =	shalt  }
0x6b: {  	_ =	shalt  }
0x6c: {  	_ =	shalt  }
0x6d: {  	_ =	shalt  }
0x6e: {  	_ =	shalt  }
0x6f: {  	_ =	shalt  }
0x70: {  	_ =	shalt  }
0x71: {  	_ =	shalt  }
0x72: {  	_ =	shalt  }
0x73: {  	_ =	shalt  }
0x74: {  	_ =	shalt  }
0x75: {  	_ =	shalt  }
0x76: {  	_ =	shalt  }
0x77: {  	_ =	shalt  }
0x78: {  	_ =	shalt  }
0x79: {  	_ =	shalt  }
0x7a: {  	_ =	shalt  }
0x7b: {  	_ =	shalt  }
0x7c: {  	_ =	shalt  }
0x7d: {  	_ =	shalt  }
0x7e: {  	_ =	shalt  }
0x7f: {  	_ =	shalt  }
0x80: {  	_ =	shalt  }
0x81: {  	_ =	shalt  }
0x82: {  	_ =	shalt  }
0x83: {  	_ =	shalt  }
0x84: {  	_ =	shalt  }
0x85: {  	_ =	shalt  }
0x86: {  	_ =	shalt  }
0x87: {  	_ =	shalt  }
.Lfunc_end0:
.L_simem_size_0:
called_computation.1_lowered:
.L_overlay_start_0:
0x88: {  	s2 =	sld [smem:$0x3FD9]  }
0x89: {  	s3 =	sld [smem:$0x3FFE];
	_ =	sdelay $0x1  }
0x8a: {  	s1 =	srdreg.scid  }
0x8b: {  	s0 =	sand.u32 $0x1, s1  }
0x8c: {  	s16 =	sshll.u32 s0, $0xA;
	s2 =	sadd.s32 s3, s2  }
0x8d: {  	s2 =	sadd.s32 s2, s16  }
0x8e: {  	[smem:$0x3FB7] =	sst s2  }
0x8f: {  	_ = 	snop  }
0x90: {  	(tm) =	ssettm $0x1  }
0x91: {  	s17 =	sld [smem:$0x3FFB];
	_ =	sdelay $0x3  }
0x92: {  	_ =	strace s17  }
0x93: {  	s2 =	sld [smem:$0x3FFC];
	_ =	sdelay $0x3  }
0x94: {  	_ =	strace s2  }
0x95: {  	s2 =	sld [smem:$0x3FFD];
	_ =	sdelay $0x3  }
0x96: {  	_ =	strace s2  }
0x97: {  	_ =	strace $0x8FFFFFFF  }
0x98: {  	s18 =	sld [smem:$0x3FDB];
	_ =	sdelay $0x1  }
0x99: {  	s19 =	simm.s32 $_scs_section_size  }
0x9a: {  	s4 =	simm.s32 $_size__tile_overlayer_lowered;
	s5 =	simm.s32 $_tile_overlayer_lowered  }
0x9b: {  	s22 =	simm.s32 $0x1BFF;
	s21 =	sshll.u32 s5, $0x1;
	s2 =	sadd.s32 s19, s18  }
0x9c: {  	s6 =	simm.s32 $0x0;
	s20 =	sshll.u32 s4, $0x1;
	s4 =	sadd.s32 s21, s2  }
0x9d: {  	[timem:s6], [sflag:s22] =	dma.local [hbm:s4], s20  }
0x9e: {  	_ =	swait.ge [sflag:s22], s20  }
0x9f: {  	s3 =	ssub.s32 $0x0, s20;
	[sflag:s22] =	ssyncset.done $0x0  }
0xa0: {  	[sflag:s22] =	ssyncadd.s32 s3;
	_ =	sdelay $0x1  }
0xa1: {  	s23 =	simm.s32 $0x1B8B  }
0xa2: {  	_ =	swait.ge [sflag:s23], $0x1  }
0xa3: {  	[sflag:s23] =	ssyncset.done $0x0  }
0xa4: {  	s25 =	simm.s32 $0x1B8E;
	s24 =	sld [smem:$0x3FFE];
	[sflag:s23] =	ssyncadd.s32 $0xFFFFFFFF  }
0xa5: {  	s26 =	simm.s32 $execute0_lowered;
	[smem:$0x3FD2] =	sst s25  }
0xa6: {  	s4 =	sshll.u32 s26, $0x1;
	_ =	strace $0x80000049;
	[dreg:$0x1] =	wrdreg $0xFFFFFFFF  }
0xa7: {  	s28 =	simm.s32 $_size_execute0_lowered;
	s2 =	sadd.s32 s2, s4;
	[dreg:$0x0] =	wrdreg $0x0  }
0xa8: {  	s4 =	sshll.u32 s28, $0x1;
	[dreg:$0x2] =	wrdreg s2  }
0xa9: {  	[dreg:$0x3] =	wrdreg s4  }
0xaa: {  	[dreg:$0x4] =	wrdreg $0xC0  }
0xab: {  	_ =	task [dreg:s6], $0x5FFFF  }
0xac: {  	[dreg:$0x1] =	wrdreg $0xFFFFFFFF  }
0xad: {  	[dreg:$0x0] =	wrdreg $0x60  }
0xae: {  	[dreg:$0x2] =	wrdreg s24  }
0xaf: {  	[dreg:$0x3] =	wrdreg $0xC4000  }
0xb0: {  	[dreg:$0x4] =	wrdreg $0x9  }
0xb1: {  	_ =	task.clear_ibuf [dreg:s6], $0x5FFFF;
	_ =	strace $0x90000049  }
0xb2: {  	s29 =	simm.s32 $0x9;
	_ =	strace $0x8000004B  }
0xb3: {  	_ =	swait.ge [sflag:s29], $0x1  }
0xb4: {  	[sflag:s29] =	ssyncadd.s32 $0xFFFFFFFF  }
0xb5: {  	_ =	strace $0x9000004B  }
0xb6: {  	_ =	sfence  }
0xb7: {  	s30 =	sld [smem:$0x0];
	_ =	sdelay $0x2  }
0xb8: {  	s31 =	sshll.u32 s1, $0xD;
	s1 =	sshrl.u32 s1, $0x2  }
0xb9: {  	s3 =	sand.u32 $0x4000, s31;
	s1 =	sadd.s32 s1, s30  }
0xba: {  	s0 =	sor.u32 s3, s0;
	s1 =	sshll.u32 s1, $0x11  }
0xbb: {  	s0 =	sor.u32 s1, s0  }
0xbc: {  	s0 =	sadd.s32 $0x8F2B, s0  }
0xbd: {  	[sflag:s0] =	ssyncadd.remote.s32 $0x1  }
0xbe: {  	_ =	sfence.sel $0xFFFF  }
0xbf: {  	[dreg:$0x0] =	wrdreg $0xFFFFFFFF;
	(pc) =	sbr.abs _section_cstart, $3  }
0xc0: {  	[dreg:$0x1] =	wrdreg $0xFFFFFFFF  }
0xc1: {  	_ =	task.clear_ibuf [dreg:s6], $0x2FFFF;
	_ =	strace $0x9FFFFFFF  }
0xc2: {  	(tm) =	ssettm $0x7FFFFFFF  }
0xc3: {  	_ =	shalt  }
tec
execute0_lowered:
.L_overlay_start_1:
0x0: {  	(tag) =	ssettag $0x1  }
0x1: {  	s0 =	rddreg [dreg:$0x0]  }
0x2: {  	s1 =	rddreg [dreg:$0x1]  }
0x3: {  	s2 =	srdreg.scid;
	s18 =	stileid.u32  }
0x4: {  	s3 =	simm.s32 $0x0;
	s5 =	sand.u32 $0x1, s2;
	s7 =	smul.u32 $0x13800, s18  }
0x5: {  	[smem:$0x7FF] =	sst s3;
	s4 =	sadd.s32 $0x27400, s0;
	s8 =	smul.u32 $0x34, s18  }
0x6: {  	s19 =	sadd.s32 $0x13C00, s0;
	s10 =	sadd.s32 $0x1D800, s0;
	s9 =	smul.u32 $0x4E000, s18  }
0x7: {  	s6 =	smul.u32 $0x138000, s5;
	_ =	strace $0x8000004A;
	s20 =	ssub.s32 $0x2, s5  }
0x8: {  	p0 =	seq.s32 s5, $0x0;
	s5 =	smul.u32 $0x68, s18;
	s14 =	smov.u32 s19  }
0x9: {  	s15 =	smov.u32 s10;
	s21 =	sshrl.u32 s20, $0x1;
	s22 =	sshrl.u32 s9, $0x2  }
0xa: {  	s11 =	sadd.s32 $0x680, s8;
	s6 =	sadd.s32 s7, s6;
	s8 =	sadd.s32 s22, s1  }
0xb: {  	s7 =	simm.s32 $0x68;
	s11 =	smov.u32 @p0 s5;
	s23 =	sadd.s32 $0x4000, s8  }
0xc: {  	s6 =	sshrl.u32 s6, $0x3;
	s24 =	sadd.s32 $0x8000, s8;
	[dreg:$0x4] =	wrdreg s23  }
0xd: {  	s7 =	simm.s32 @!p0 $0x34;
	s25 =	sadd.s32 $0xC000, s8;
	[dreg:$0x5] =	wrdreg s24  }
0xe: {  	s11 =	sshll.u32 s11, $0x4;
	s26 =	sadd.s32 $0x10000, s8;
	[dreg:$0x6] =	wrdreg s25  }
0xf: {  	s0 =	sadd.s32 s6, s0;
	s6 =	ssub.s32 s20, s21;
	[dreg:$0x7] =	wrdreg s26  }
0x10: {  	s28 =	sor.u32 $0x10, s11;
	s29 =	sadd.s32 s19, s11;
	s30 =	sadd.s32 s10, s11  }
0x11: {  	s31 =	sshll.u32 s7, $0x9;
	s21 =	simm.s32 $0x80;
	s24 =	simm.s32 $0x6  }
0x12: {  	s25 =	simm.s32 $0x7;
	s26 =	simm.s32 $0x0;
	[dreg:$0x8] =	wrdreg s29  }
0x13: {  	[dreg:$0x9] =	wrdreg s30;
	s16 =	sadd.s32 s19, s28;
	s17 =	sadd.s32 s10, s28  }
0x14: {  	v0 =	vimm.f32 $0.0e+00;
	s18 =	sadd.s32 $0x4E400, s0;
	s19 =	smax.u32 s6, $0x1;
	[dreg:$0x3] =	wrdreg s31  }
.LBB2_1:
0x15: {  	s0 =	simm.s32 $0x0  }
0x16: {  	s5 =	sand.u32 $0xFFFFFF80, s0  }
0x17: {  	s5 =	ssub.s32 $0x0, s5  }
0x18: {  	s2 =	simm.s32 $0x0;
	s0 =	sand.u32 $0x3FFFFF80, s0;
	s5 =	sand.u32 $0xFFFFFF80, s5  }
0x19: {  	s6 =	sand.u32 $0x70, s2;
	s5 =	sadd.s32 s5, s0  }
0x1a: {  	s0 =	simm.s32 $0x1;
	s6 =	sor.u32 s6, s5;
	s5 =	simm.s32 $0x0  }
.LBB2_2:
0x1b: {  	s20 =	sshll.u32 s0, $0x4;
	p0 =	sne.s32 s0, $0x3FF;
	s0 =	sadd.s32 $0x1, s0;
	[tilespmem:s6+$0x400] =	vst v0  }
.Ltmp0:
0x1c: {  	s5 =	sadd.s32 $0x10, s5;
	s6 =	sand.u32 $0xFFFFFF80, s20;
	(pc) =	sbr.rel @p0 .LBB2_2-.Ltmp0, $4  }
0x1d: {  	s6 =	ssub.s32 s5, s6  }
0x1e: {  	s20 =	sand.u32 $0x3FFFFF80, s20;
	s6 =	sand.u32 $0xFFFFFF80, s6  }
0x1f: {  	s28 =	sand.u32 $0x70, s5;
	s6 =	sadd.s32 s6, s20  }
0x20: {  	s6 =	sor.u32 s28, s6  }
0x21: {  	[tilespmem:s6+$0x400] =	vst v0;
	s28 =	simm.s32 $0x400  }
0x22: {  	[spmem:s8] =	stream.linear.scatter [tilespmem:s28], [sflag:$0x1], $0x4000, $0x38;
	[tilespmem:$0x1FC00] =	vst v63  }
0x23: {  	s0 =	rddreg [dreg:$0x4]  }
0x24: {  	[spmem:s0] =	stream.linear.scatter [tilespmem:s28], [sflag:$0x1], $0x4000, $0x38;
	[tilespmem:$0x1FC00] =	vst v63  }
0x25: {  	s9 =	rddreg [dreg:$0x5]  }
0x26: {  	[spmem:s9] =	stream.linear.scatter [tilespmem:s28], [sflag:$0x1], $0x4000, $0x38;
	[tilespmem:$0x1FC00] =	vst v63  }
0x27: {  	s10 =	rddreg [dreg:$0x6]  }
0x28: {  	[spmem:s10] =	stream.linear.scatter [tilespmem:s28], [sflag:$0x1], $0x4000, $0x38;
	[tilespmem:$0x1FC00] =	vst v63  }
0x29: {  	s12 =	rddreg [dreg:$0x7];
	s29 =	simm.s32 $0x1  }
0x2a: {  	[spmem:s12] =	stream.linear.scatter [tilespmem:s28], [sflag:$0x1], $0x3800, $0x38;
	[tilespmem:$0x1FC00] =	vst v63  }
0x2b: {  	_ =	swait.ge [sflag:s29], $0x4000  }
0x2c: {  	[sflag:s29] =	ssyncset.done $0x0  }
0x2d: {  	[sflag:s29] =	ssyncadd.s32 $0xFFFFC000  }
0x2e: {  	_ =	swait.ge [sflag:s29], $0x4000  }
0x2f: {  	[sflag:s29] =	ssyncset.done $0x0  }
0x30: {  	[sflag:s29] =	ssyncadd.s32 $0xFFFFC000  }
0x31: {  	_ =	swait.ge [sflag:s29], $0x4000  }
0x32: {  	[sflag:s29] =	ssyncset.done $0x0  }
0x33: {  	[sflag:s29] =	ssyncadd.s32 $0xFFFFC000  }
0x34: {  	_ =	swait.ge [sflag:s29], $0x4000  }
0x35: {  	[sflag:s29] =	ssyncset.done $0x0  }
0x36: {  	[sflag:s29] =	ssyncadd.s32 $0xFFFFC000  }
0x37: {  	_ =	swait.ge [sflag:s29], $0x3800  }
0x38: {  	[sflag:s29] =	ssyncset.done $0x0  }
0x39: {  	[sflag:s29] =	ssyncadd.s32 $0xFFFFC800  }
0x3a: {  	[bflag:$0x0] =	sbarrier.arrive $0xFFFF  }
0x3b: {  	s30 =	simm.s32 $0x0;
	s13 =	rddreg [dreg:$0x8]  }
0x3c: {  	[tilespmem:s30], [sflag:$0x2] =	stream.linear.gather [hbm4b:s13+s30], $0x80, $0x38;
	[tilespmem:$0x1FC00] =	vst v63  }
0x3d: {  	s2 =	simm.s32 $0x200;
	s20 =	rddreg [dreg:$0x9]  }
0x3e: {  	[tilespmem:s2], [sflag:$0x2] =	stream.linear.gather [hbm4b:s20+s30], $0x80, $0x38;
	[tilespmem:$0x1FC00] =	vst v63  }
0x3f: {  	_ = 	snop  }
0x40: {  	[tilespmem:s21], [sflag:$0x3] =	stream.linear.gather [hbm4b:s16+s30], $0x80, $0x38;
	[tilespmem:$0x1FC00] =	vst v63  }
0x41: {  	s22 =	simm.s32 $0x280;
	s31 =	simm.s32 $0x2  }
0x42: {  	[tilespmem:s22], [sflag:$0x3] =	stream.linear.gather [hbm4b:s17+s30], $0x80, $0x38;
	[tilespmem:$0x1FC00] =	vst v63  }
0x43: {  	_ =	swait.ge [sflag:s31], $0x80  }
0x44: {  	[sflag:s31] =	ssyncset.done $0x0  }
0x45: {  	[sflag:s31] =	ssyncadd.s32 $0xFFFFFF80  }
0x46: {  	_ =	swait.ge [sflag:s31], $0x80  }
0x47: {  	[sflag:s31] =	ssyncset.done $0x0  }
0x48: {  	s0 =	simm.s32 $0x3;
	[sflag:s31] =	ssyncadd.s32 $0xFFFFFF80  }
0x49: {  	[tilespmem:s28], [sflag:$0x4] =	stream.indirect.gather [hbm4b:s4+s21], $0x80, s30, s21, $0xb8;
	[tilespmem:$0x1FC00] =	vst v63  }
0x4a: {  	_ =	swait.ge [sflag:s0], $0x80  }
0x4b: {  	[sflag:s0] =	ssyncset.done $0x0  }
0x4c: {  	[sflag:s0] =	ssyncadd.s32 $0xFFFFFF80  }
0x4d: {  	_ =	swait.ge [sflag:s0], $0x80  }
0x4e: {  	s23 =	simm.s32 $0x4400;
	s5 =	smov.u32 s14;
	[sflag:s0] =	ssyncset.done $0x0  }
0x4f: {  	s6 =	smov.u32 s15;
	s20 =	simm.s32 $0x0;
	[sflag:s0] =	ssyncadd.s32 $0xFFFFFF80  }
0x50: {  	[tilespmem:s23], [sflag:$0x5] =	stream.indirect.gather [hbm4b:s4+s21], $0x80, s21, s21, $0xb8;
	[tilespmem:$0x1FC00] =	vst v63  }
.LBB2_4:
0x51: {  	s22 =	smulhi.u32 $0xAAAAAAAB, s30;
	_ =	sdelay $0x1  }
0x52: {  	s9 =	smulhi.u32 $0xAAAAAAAB, s31;
	p1 =	seq.s32 s20, $0x0;
	s22 =	sshrl.u32 s22, $0x1  }
0x53: {  	p0 =	sge.u32 s31, s7;
	s10 =	simm.s32 @!p1 $0x6;
	s23 =	smul.u32 $0xFFFFFA00, s22  }
0x54: {  	s9 =	sshrl.u32 s9, $0x1;
	_ =	swait.ge @!p1 [sflag:s10], $0x4000;
	s22 =	smul.u32 $0xFFFD0000, s22  }
0x55: {  	s3 =	smul.u32 $0xFFFFFA00, s9;
	[sflag:s10] =	ssyncset.done @!p1 $0x0;
	s23 =	sshra.s32 s23, $0x2  }
0x56: {  	[sflag:s10] =	ssyncadd.s32 @!p1 $0xFFFFC000;
	s10 =	sadd.s32 $0x200, s23;
	s23 =	simm.s32 @p0 $0x4  }
0x57: {  	s12 =	sshra.s32 @p0 s20, $0x2;
	s2 =	sshra.s32 @p0 s22, $0x2;
	_ =	swait.ge @p0 [sflag:s23], $0x4000  }
0x58: {  	s3 =	sshra.s32 s3, $0x2;
	s2 =	sadd.s32 @p0 s2, s28;
	[sflag:s23] =	ssyncset.done @p0 $0x0  }
0x59: {  	s12 =	sadd.s32 @p0 s12, s10;
	[sflag:s23] =	ssyncadd.s32 @p0 $0xFFFFC000;
	s23 =	simm.s32 @p0 $0x80  }
0x5a: {  	[spmem:s1] =	stream.indirect.scatter.add.f32 @p0 [tilespmem:s2], [sflag:$0x6], $0x80, s12, s23, $0xb8;
	[tilespmem:$0x1FC00] =	vst v63  }
0x5b: {  	s2 =	sadd.s32 $0x100, s3;
	s12 =	sshra.s32 @!p0 s20, $0x2;
	s23 =	sadd.s32 @!p0 s5, s11  }
0x5c: {  	s13 =	simm.s32 @!p0 $0x0;
	s2 =	sadd.s32 @!p0 s12, s2;
	s23 =	sadd.s32 @!p0 $0x20, s23  }
0x5d: {  	[tilespmem:s2], [sflag:$0x2] =	stream.linear.gather @!p0 [hbm4b:s23+s13], $0x80, $0x38;
	[tilespmem:$0x1FC00] =	vst v63  }
0x5e: {  	s3 =	sadd.s32 $0x300, s3;
	s23 =	sadd.s32 @!p0 s6, s11  }
0x5f: {  	s3 =	sadd.s32 @!p0 s12, s3;
	s23 =	sadd.s32 @!p0 $0x20, s23  }
0x60: {  	[tilespmem:s3], [sflag:$0x2] =	stream.linear.gather @!p0 [hbm4b:s23+s13], $0x80, $0x38;
	[tilespmem:$0x1FC00] =	vst v63  }
0x61: {  	s3 =	simm.s32 @!p0 $0x4  }
0x62: {  	_ =	swait.ge @!p0 [sflag:s3], $0x4000  }
0x63: {  	s9 =	smul.u32 $0xFFFD0000, s9;
	s13 =	sshra.s32 @!p0 s22, $0x2;
	[sflag:s3] =	ssyncset.done @!p0 $0x0  }
0x64: {  	s23 =	smulhi.u32 $0xAAAAAAAB, s29;
	s13 =	sadd.s32 @!p0 s13, s28;
	[sflag:s3] =	ssyncadd.s32 @!p0 $0xFFFFC000  }
0x65: {  	s3 =	sadd.s32 @!p0 s12, s10;
	s10 =	simm.s32 @!p0 $0x80;
	s12 =	simm.s32 @!p0 $0x2  }
0x66: {  	[spmem:s1] =	stream.indirect.scatter.add.f32 @!p0 [tilespmem:s13], [sflag:$0x6], $0x80, s3, s10, $0xb8;
	[tilespmem:$0x1FC00] =	vst v63  }
0x67: {  	_ =	swait.ge @!p0 [sflag:s12], $0x80  }
0x68: {  	s9 =	sshra.s32 @!p0 s9, $0x2;
	s23 =	sshrl.u32 s23, $0x1;
	[sflag:s12] =	ssyncset.done @!p0 $0x0  }
0x69: {  	s9 =	sadd.s32 @!p0 s9, s28;
	s22 =	smul.u32 $0xFFFFFA00, s23;
	[sflag:s12] =	ssyncadd.s32 @!p0 $0xFFFFFF80  }
0x6a: {  	s9 =	sadd.s32 @!p0 $0x8000, s9;
	_ =	swait.ge @!p0 [sflag:s12], $0x80  }
0x6b: {  	s3 =	smul.u32 $0xFFFD0000, s23;
	s13 =	sshra.s32 s22, $0x2;
	[sflag:s12] =	ssyncset.done @!p0 $0x0  }
0x6c: {  	s23 =	smulhi.u32 $0xAAAAAAAB, s0;
	s13 =	sadd.s32 $0x280, s13;
	[sflag:s12] =	ssyncadd.s32 @!p0 $0xFFFFFF80  }
0x6d: {  	[tilespmem:s9], [sflag:$0x4] =	stream.indirect.gather @!p0 [hbm4b:s4+s10], $0x80, s2, s10, $0xb8;
	[tilespmem:$0x1FC00] =	vst v63  }
0x6e: {  	s12 =	sadd.s32 $0x1, s31;
	s2 =	sshrl.u32 s23, $0x1;
	_ =	swait.ge [sflag:s24], $0x4000  }
0x6f: {  	p0 =	sge.u32 s12, s7;
	s22 =	smul.u32 $0xFFFFFA00, s2;
	[sflag:s24] =	ssyncset.done $0x0  }
0x70: {  	s9 =	sshra.s32 @p0 s3, $0x2;
	s12 =	simm.s32 @p0 $0x5;
	[sflag:s24] =	ssyncadd.s32 $0xFFFFC000  }
0x71: {  	s9 =	sadd.s32 @p0 s9, s28;
	s10 =	sshra.s32 s22, $0x2;
	_ =	swait.ge @p0 [sflag:s12], $0x4000  }
0x72: {  	s9 =	sadd.s32 @p0 $0x4000, s9;
	s22 =	sshra.s32 @p0 s20, $0x2;
	[sflag:s12] =	ssyncset.done @p0 $0x0  }
0x73: {  	[sflag:s12] =	ssyncadd.s32 @p0 $0xFFFFC000;
	s12 =	sadd.s32 @p0 s22, s13;
	s22 =	simm.s32 @p0 $0x80  }
0x74: {  	[spmem:s1] =	stream.indirect.scatter.add.f32 @p0 [tilespmem:s9], [sflag:$0x6], $0x80, s12, s22, $0xb8;
	[tilespmem:$0x1FC00] =	vst v63  }
0x75: {  	s9 =	sadd.s32 $0x180, s10;
	s12 =	sshra.s32 @!p0 s20, $0x2;
	s22 =	sadd.s32 @!p0 s5, s11  }
0x76: {  	s23 =	simm.s32 @!p0 $0x0;
	s9 =	sadd.s32 @!p0 s12, s9;
	s22 =	sadd.s32 @!p0 $0x30, s22  }
0x77: {  	[tilespmem:s9], [sflag:$0x3] =	stream.linear.gather @!p0 [hbm4b:s22+s23], $0x80, $0x38;
	[tilespmem:$0x1FC00] =	vst v63  }
0x78: {  	s10 =	sadd.s32 $0x380, s10;
	s22 =	sadd.s32 @!p0 s6, s11  }
0x79: {  	s10 =	sadd.s32 @!p0 s12, s10;
	s22 =	sadd.s32 @!p0 $0x30, s22  }
0x7a: {  	[tilespmem:s10], [sflag:$0x3] =	stream.linear.gather @!p0 [hbm4b:s22+s23], $0x80, $0x38;
	[tilespmem:$0x1FC00] =	vst v63  }
0x7b: {  	s3 =	sshra.s32 @!p0 s3, $0x2;
	s10 =	simm.s32 @!p0 $0x5  }
0x7c: {  	s3 =	sadd.s32 @!p0 s3, s28;
	_ =	swait.ge @!p0 [sflag:s10], $0x4000  }
0x7d: {  	s3 =	sadd.s32 @!p0 $0x4000, s3;
	[sflag:s10] =	ssyncset.done @!p0 $0x0  }
0x7e: {  	[sflag:s10] =	ssyncadd.s32 @!p0 $0xFFFFC000;
	s10 =	sadd.s32 @!p0 s12, s13;
	s12 =	simm.s32 @!p0 $0x80  }
0x7f: {  	[spmem:s1] =	stream.indirect.scatter.add.f32 @!p0 [tilespmem:s3], [sflag:$0x6], $0x80, s10, s12, $0xb8;
	[tilespmem:$0x1FC00] =	vst v63  }
0x80: {  	s3 =	simm.s32 @!p0 $0x3  }
0x81: {  	s2 =	smul.u32 $0xFFFD0000, s2;
	_ =	swait.ge @!p0 [sflag:s3], $0x80  }
0x82: {  	[sflag:s3] =	ssyncset.done @!p0 $0x0  }
0x83: {  	s2 =	sshra.s32 @!p0 s2, $0x2;
	[sflag:s3] =	ssyncadd.s32 @!p0 $0xFFFFFF80  }
0x84: {  	s2 =	sadd.s32 @!p0 s2, s28;
	_ =	swait.ge @!p0 [sflag:s3], $0x80  }
0x85: {  	s2 =	sadd.s32 @!p0 $0xC000, s2;
	[sflag:s3] =	ssyncset.done @!p0 $0x0  }
0x86: {  	s20 =	sadd.s32 $0x400, s20;
	s23 =	rddreg [dreg:$0x3];
	[sflag:s3] =	ssyncadd.s32 @!p0 $0xFFFFFF80  }
0x87: {  	[tilespmem:s2], [sflag:$0x5] =	stream.indirect.gather @!p0 [hbm4b:s4+s12], $0x80, s9, s12, $0xb8;
	[tilespmem:$0x1FC00] =	vst v63  }
0x88: {  	p0 =	sne.s32 s23, s20  }
.Ltmp1:
0x89: {  	_ = 	snop;
	(pc) =	sbr.rel @p0 .LBB2_4-.Ltmp1, $4  }
0x8a: {  	_ = 	snop  }
0x8b: {  	s30 =	sadd.s32 $0x2, s30  }
0x8c: {  	s29 =	sadd.s32 $0x2, s29;
	s0 =	sadd.s32 $0x2, s0;
	s31 =	sadd.s32 $0x2, s31  }
0x8d: {  	s28 =	sadd.s32 $0x8000, s28;
	s5 =	sadd.s32 $0x20, s5;
	s6 =	sadd.s32 $0x20, s6  }
0x8e: {  	_ =	swait.ge [sflag:s24], $0x4000;
	s0 =	stileid.u32  }
0x8f: {  	s2 =	sshrl.u32 s8, $0x3;
	s26 =	sadd.s32 $0x1, s26;
	[sflag:s24] =	ssyncset.done $0x0  }
0x90: {  	s0 =	sshll.u32 s0, $0x6;
	p0 =	sne.s32 s26, s19;
	[sflag:s24] =	ssyncadd.s32 $0xFFFFC000  }
.Ltmp2:
0x91: {  	s0 =	sor.u32 $0x1C07, s0;
	[bflag:$0x0] =	sbarrier.arrive $0xFFFF;
	(pc) =	sbr.rel @p0 .LBB2_1-.Ltmp2, $4  }
0x92: {  	[hbm:s18], [sflag:s0] =	dma.local [spmem:s2], $0x2700  }
0x93: {  	_ =	swait.ge [sflag:s25], $0x2700  }
0x94: {  	[sflag:s25] =	ssyncset.done $0x0  }
0x95: {  	[sflag:s25] =	ssyncadd.s32 $0xFFFFD900  }
0x96: {  	_ =	sfence.sel $0x180000  }
0x97: {  	[bflag:$0x0] =	sbarrier.arrive $0xFFFF  }
0x98: {  	_ =	strace $0x9000004A  }
0x99: {  	s0 =	stileid.u32;
	[bflag:$0x2] =	sbarrier.arrive $0xFFFF  }
0x9a: {  	p0 =	sne.s32 s0, $0x0;
	s0 =	rddreg [dreg:$0x2]  }
0x9b: {  	s0 =	sadd.s32 @!p0 $0x100000, s0  }
0x9c: {  	[sflag:s0] =	ssyncadd.tile.s32 @!p0 $0x1;
	_ =	shalt  }
.Lfunc_end2:
_tile_overlayer_lowered:
.L_overlay_start_2:
0x9d: {  	(tag) =	ssettag $0x2  }
0x9e: {  	s0 =	rddreg [dreg:$0x0];
	s2 =	stileid.u32  }
0x9f: {  	s1 =	rddreg [dreg:$0x1];
	p0 =	sne.s32 s2, $0x0  }
0xa0: {  	s3 =	rddreg [dreg:$0x2];
	[bflag:$0x3] =	sbarrier.arrive $0xFFFF;
	s2 =	simm.s32 @!p0 $0x1C07  }
0xa1: {  	[timem:s3], [sflag:s2] =	dma.local @!p0 [hbm:s0], s1  }
0xa2: {  	s0 =	simm.s32 @!p0 $0x7  }
0xa3: {  	_ =	swait.ge @!p0 [sflag:s0], s1  }
0xa4: {  	s1 =	ssub.s32 @!p0 $0x0, s1;
	[sflag:s0] =	ssyncset.done @!p0 $0x0  }
0xa5: {  	[sflag:s0] =	ssyncadd.s32 @!p0 s1  }
0xa6: {  	[bflag:$0x3] =	sbarrier.arrive $0xFFFF  }
0xa7: {  	_ =	shalt  }

// kernel: kernel.14.cloned.1.call-start
scs
__scs_entry_jumppad:
0x0: {  	(pc) =	sbr.rel $0x88, $3  }
0x1: {  	(tag) =	ssettag $0x0;
	lr =	simm.s32 $0x1  }
0x2: {  	[smem:$0x3F90] =	sst lr;
	_ =	strace $0xD0000000  }
0x3: {  	_ = 	snop  }
0x4: {  	_ = 	snop  }
0x5: {  	_ = 	snop  }
0x6: {  	_ = 	snop  }
0x7: {  	_ = 	snop  }
__scs_overlays_trampoline_lowered:
0x8: {  	[smem:$0x3F9F] =	sst s0  }
0x9: {  	[smem:$0x3FA0] =	sst s1  }
0xa: {  	[smem:$0x3FA1] =	sst s2  }
0xb: {  	[smem:$0x3FA2] =	sst s3  }
0xc: {  	[smem:$0x3FA3] =	sst s4  }
0xd: {  	[smem:$0x3FA4] =	sst s5  }
0xe: {  	[smem:$0x3FA5] =	sst s6  }
0xf: {  	[smem:$0x3FA6] =	sst s7  }
0x10: {  	[smem:$0x3FA7] =	sst s8  }
0x11: {  	[smem:$0x3FA8] =	sst s9;
	s0 =	simm.s32 @!p0 $0x0  }
0x12: {  	s1 =	sld [smem:$0x3F8E];
	s0 =	simm.s32 @p0 $0x1  }
0x13: {  	[smem:$0x3FA9] =	sst s0;
	s0 =	simm.s32 @!p1 $0x0  }
0x14: {  	s2 =	sld [smem:$0x3F8D];
	s0 =	simm.s32 @p1 $0x1  }
0x15: {  	[smem:$0x3FAA] =	sst s0;
	s0 =	simm.s32 @!p2 $0x0  }
0x16: {  	s3 =	sld [smem:$0x3FDB];
	s0 =	simm.s32 @p2 $0x1  }
0x17: {  	s4 =	simm.s32 $0x1BF5;
	[smem:$0x3FAC] =	sst s0  }
0x18: {  	s0 =	sld [smem:$0x3F8F];
	_ =	swait.ge [sflag:s4], $0x0  }
0x19: {  	s7 =	sld [smem:$0x3F90]  }
0x1a: {  	s8 =	sadd.s32 $0xFFFFE003, lr  }
0x1b: {  	s9 =	sadd.s32 $0xFFFFFEF7, lr;
	s5 =	simm.s32 $0xFFFFFFFF;
	p2 =	slt.u32 s8, $0xFFFFF086  }
0x1c: {  	p1 =	slt.u32 s9, $0xF7A;
	s5 =	simm.s32 @!p2 $0x0  }
0x1d: {  	s5 =	simm.s32 @p1 $0x1;
	p0 =	seq.s32 s7, s2  }
0x1e: {  	s7 =	smul.u32 @!p0 $0xF7A, s2;
	p2 =	seq.s32 @!p0 s5, $0x0  }
0x1f: {  	s9 =	smul.u32 $0xF7A, s1;
	s8 =	simm.s32 @!p0 $0x1BF5;
	p2 =	por !p2, p0  }
0x20: {  	[sflag:s8] =	ssyncset.s32 @!p0 $0xFFFFF086;
	s6 =	sadd.s32 @!p0 s3, s7;
	s7 =	simm.s32 @!p0 $0x108  }
0x21: {  	s3 =	sadd.s32 s3, s9;
	s6 =	sadd.s32 @!p0 $0x88, s6;
	s7 =	simm.s32 @p2 $0x1082  }
0x22: {  	[simem:s7], [sflag:s8] =	dma.local @!p0 [hbm:s6], $0xF7A  }
0x23: {  	s9 =	sor.u32 $0xD0000000, s2;
	s6 =	simm.s32 $0x108;
	_ =	swait.ge @!p0 [sflag:s8], $0x0  }
0x24: {  	s3 =	sadd.s32 $0x88, s3;
	s6 =	simm.s32 @!p1 $0x1082;
	[sflag:s4] =	ssyncset.s32 $0xFFFFF086  }
0x25: {  	[simem:s6], [sflag:s4] =	dma.local [hbm:s3], $0xF7A  }
0x26: {  	[smem:$0x3F90] =	sst s1;
	(tag) =	ssettag s2;
	_ =	strace s9  }
0x27: {  	s1 =	sld [smem:$0x3FA0]  }
0x28: {  	s2 =	sld [smem:$0x3FA1]  }
0x29: {  	s4 =	sld [smem:$0x3FA3]  }
0x2a: {  	p0 =	seq.s32 s5, $0x0;
	s5 =	sld [smem:$0x3FA4]  }
0x2b: {  	s6 =	sld [smem:$0x3FA5]  }
0x2c: {  	s7 =	sld [smem:$0x3FA6]  }
0x2d: {  	s3 =	simm.s32 $0x108;
	s8 =	sld [smem:$0x3FA7]  }
0x2e: {  	s3 =	simm.s32 @!p0 $0x1082;
	s9 =	sld [smem:$0x3FA8]  }
0x2f: {  	lr =	sadd.s32 s0, s3;
	s0 =	sld [smem:$0x3F9F]  }
0x30: {  	s3 =	sld [smem:$0x3FA2]  }
0x31: {  	[smem:$0x3FAB] =	sst s10  }
0x32: {  	s10 =	sld [smem:$0x3FA9];
	_ =	sdelay $0x3  }
0x33: {  	p0 =	seq.s32 s10, $0x1;
	s10 =	sld [smem:$0x3FAB];
	_ =	sdelay $0x3  }
0x34: {  	[smem:$0x3FAB] =	sst s10  }
0x35: {  	s10 =	sld [smem:$0x3FAA];
	_ =	sdelay $0x3  }
0x36: {  	p1 =	seq.s32 s10, $0x1;
	s10 =	sld [smem:$0x3FAB];
	_ =	sdelay $0x3  }
0x37: {  	[smem:$0x3FAB] =	sst s10  }
0x38: {  	s10 =	sld [smem:$0x3FAC]  }
0x39: {  	_ = 	snop;
	(pc) =	sbr.ind lr, $3  }
0x3a: {  	_ = 	snop  }
0x3b: {  	_ = 	snop  }
0x3c: {  	p2 =	seq.s32 s10, $0x1;
	s10 =	sld [smem:$0x3FAB]  }
0x3d: {  	_ =	shalt  }
0x3e: {  	_ =	shalt  }
0x3f: {  	_ =	shalt  }
0x40: {  	_ =	shalt  }
0x41: {  	_ =	shalt  }
0x42: {  	_ =	shalt  }
0x43: {  	_ =	shalt  }
0x44: {  	_ =	shalt  }
0x45: {  	_ =	shalt  }
0x46: {  	_ =	shalt  }
0x47: {  	_ =	shalt  }
0x48: {  	_ =	shalt  }
0x49: {  	_ =	shalt  }
0x4a: {  	_ =	shalt  }
0x4b: {  	_ =	shalt  }
0x4c: {  	_ =	shalt  }
0x4d: {  	_ =	shalt  }
0x4e: {  	_ =	shalt  }
0x4f: {  	_ =	shalt  }
0x50: {  	_ =	shalt  }
0x51: {  	_ =	shalt  }
0x52: {  	_ =	shalt  }
0x53: {  	_ =	shalt  }
0x54: {  	_ =	shalt  }
0x55: {  	_ =	shalt  }
0x56: {  	_ =	shalt  }
0x57: {  	_ =	shalt  }
0x58: {  	_ =	shalt  }
0x59: {  	_ =	shalt  }
0x5a: {  	_ =	shalt  }
0x5b: {  	_ =	shalt  }
0x5c: {  	_ =	shalt  }
0x5d: {  	_ =	shalt  }
0x5e: {  	_ =	shalt  }
0x5f: {  	_ =	shalt  }
0x60: {  	_ =	shalt  }
0x61: {  	_ =	shalt  }
0x62: {  	_ =	shalt  }
0x63: {  	_ =	shalt  }
0x64: {  	_ =	shalt  }
0x65: {  	_ =	shalt  }
0x66: {  	_ =	shalt  }
0x67: {  	_ =	shalt  }
0x68: {  	_ =	shalt  }
0x69: {  	_ =	shalt  }
0x6a: {  	_ =	shalt  }
0x6b: {  	_ =	shalt  }
0x6c: {  	_ =	shalt  }
0x6d: {  	_ =	shalt  }
0x6e: {  	_ =	shalt  }
0x6f: {  	_ =	shalt  }
0x70: {  	_ =	shalt  }
0x71: {  	_ =	shalt  }
0x72: {  	_ =	shalt  }
0x73: {  	_ =	shalt  }
0x74: {  	_ =	shalt  }
0x75: {  	_ =	shalt  }
0x76: {  	_ =	shalt  }
0x77: {  	_ =	shalt  }
0x78: {  	_ =	shalt  }
0x79: {  	_ =	shalt  }
0x7a: {  	_ =	shalt  }
0x7b: {  	_ =	shalt  }
0x7c: {  	_ =	shalt  }
0x7d: {  	_ =	shalt  }
0x7e: {  	_ =	shalt  }
0x7f: {  	_ =	shalt  }
0x80: {  	_ =	shalt  }
0x81: {  	_ =	shalt  }
0x82: {  	_ =	shalt  }
0x83: {  	_ =	shalt  }
0x84: {  	_ =	shalt  }
0x85: {  	_ =	shalt  }
0x86: {  	_ =	shalt  }
0x87: {  	_ =	shalt  }
.Lfunc_end0:
.L_simem_size_0:
called_computation.2_lowered:
.L_overlay_start_0:
0x88: {  	s2 =	sld [smem:$0x3FD9]  }
0x89: {  	s3 =	sld [smem:$0x3FFE];
	_ =	sdelay $0x1  }
0x8a: {  	s1 =	srdreg.scid  }
0x8b: {  	s0 =	sand.u32 $0x1, s1  }
0x8c: {  	s16 =	sshll.u32 s0, $0xA;
	s2 =	sadd.s32 s3, s2  }
0x8d: {  	s2 =	sadd.s32 s2, s16  }
0x8e: {  	[smem:$0x3FB7] =	sst s2  }
0x8f: {  	_ = 	snop  }
0x90: {  	(tm) =	ssettm $0x1  }
0x91: {  	s17 =	sld [smem:$0x3FFB];
	_ =	sdelay $0x3  }
0x92: {  	_ =	strace s17  }
0x93: {  	s2 =	sld [smem:$0x3FFC];
	_ =	sdelay $0x3  }
0x94: {  	_ =	strace s2  }
0x95: {  	s2 =	sld [smem:$0x3FFD];
	_ =	sdelay $0x3  }
0x96: {  	_ =	strace s2  }
0x97: {  	_ =	strace $0x8FFFFFFF  }
0x98: {  	s18 =	sld [smem:$0x3FDB];
	_ =	sdelay $0x1  }
0x99: {  	s19 =	simm.s32 $_scs_section_size  }
0x9a: {  	s4 =	simm.s32 $_size__tile_overlayer_lowered;
	s5 =	simm.s32 $_tile_overlayer_lowered  }
0x9b: {  	s22 =	simm.s32 $0x1BFF;
	s21 =	sshll.u32 s5, $0x1;
	s2 =	sadd.s32 s19, s18  }
0x9c: {  	s6 =	simm.s32 $0x0;
	s20 =	sshll.u32 s4, $0x1;
	s4 =	sadd.s32 s21, s2  }
0x9d: {  	[timem:s6], [sflag:s22] =	dma.local [hbm:s4], s20  }
0x9e: {  	_ =	swait.ge [sflag:s22], s20  }
0x9f: {  	s3 =	ssub.s32 $0x0, s20;
	[sflag:s22] =	ssyncset.done $0x0  }
0xa0: {  	[sflag:s22] =	ssyncadd.s32 s3;
	_ =	sdelay $0x1  }
0xa1: {  	s23 =	simm.s32 $0x1B8B  }
0xa2: {  	_ =	swait.ge [sflag:s23], $0x1  }
0xa3: {  	[sflag:s23] =	ssyncset.done $0x0  }
0xa4: {  	s25 =	simm.s32 $0x1B8E;
	s24 =	sld [smem:$0x3FFE];
	[sflag:s23] =	ssyncadd.s32 $0xFFFFFFFF  }
0xa5: {  	s26 =	simm.s32 $execute0_lowered;
	[smem:$0x3FD2] =	sst s25  }
0xa6: {  	s4 =	sshll.u32 s26, $0x1;
	_ =	strace $0x8000004C;
	[dreg:$0x1] =	wrdreg $0xFFFFFFFF  }
0xa7: {  	s28 =	simm.s32 $_size_execute0_lowered;
	s2 =	sadd.s32 s2, s4;
	[dreg:$0x0] =	wrdreg $0x0  }
0xa8: {  	s4 =	sshll.u32 s28, $0x1;
	[dreg:$0x2] =	wrdreg s2  }
0xa9: {  	[dreg:$0x3] =	wrdreg s4  }
0xaa: {  	[dreg:$0x4] =	wrdreg $0xC0  }
0xab: {  	_ =	task [dreg:s6], $0x5FFFF  }
0xac: {  	[dreg:$0x1] =	wrdreg $0xFFFFFFFF  }
0xad: {  	[dreg:$0x0] =	wrdreg $0x60  }
0xae: {  	[dreg:$0x2] =	wrdreg s24  }
0xaf: {  	[dreg:$0x3] =	wrdreg $0xC4000  }
0xb0: {  	[dreg:$0x4] =	wrdreg $0x9  }
0xb1: {  	_ =	task.clear_ibuf [dreg:s6], $0x5FFFF;
	_ =	strace $0x9000004C  }
0xb2: {  	s29 =	simm.s32 $0x9;
	_ =	strace $0x8000004E  }
0xb3: {  	_ =	swait.ge [sflag:s29], $0x1  }
0xb4: {  	[sflag:s29] =	ssyncadd.s32 $0xFFFFFFFF  }
0xb5: {  	_ =	strace $0x9000004E  }
0xb6: {  	_ =	sfence  }
0xb7: {  	s30 =	sld [smem:$0x0];
	_ =	sdelay $0x2  }
0xb8: {  	s31 =	sshll.u32 s1, $0xD;
	s1 =	sshrl.u32 s1, $0x2  }
0xb9: {  	s3 =	sand.u32 $0x4000, s31;
	s1 =	sadd.s32 s1, s30  }
0xba: {  	s0 =	sor.u32 s3, s0;
	s1 =	sshll.u32 s1, $0x11  }
0xbb: {  	s0 =	sor.u32 s1, s0  }
0xbc: {  	s0 =	sadd.s32 $0x8F2B, s0  }
0xbd: {  	[sflag:s0] =	ssyncadd.remote.s32 $0x1  }
0xbe: {  	_ =	sfence.sel $0xFFFF  }
0xbf: {  	[dreg:$0x0] =	wrdreg $0xFFFFFFFF;
	(pc) =	sbr.abs _section_cstart, $3  }
0xc0: {  	[dreg:$0x1] =	wrdreg $0xFFFFFFFF  }
0xc1: {  	_ =	task.clear_ibuf [dreg:s6], $0x2FFFF;
	_ =	strace $0x9FFFFFFF  }
0xc2: {  	(tm) =	ssettm $0x7FFFFFFF  }
0xc3: {  	_ =	shalt  }
tec
execute0_lowered:
.L_overlay_start_1:
0x0: {  	(tag) =	ssettag $0x1  }
0x1: {  	s0 =	rddreg [dreg:$0x0]  }
0x2: {  	s1 =	rddreg [dreg:$0x1]  }
0x3: {  	s2 =	srdreg.scid;
	s18 =	stileid.u32  }
0x4: {  	s3 =	simm.s32 $0x0;
	s5 =	sand.u32 $0x1, s2;
	s7 =	smul.u32 $0x13800, s18  }
0x5: {  	[smem:$0x7FF] =	sst s3;
	s4 =	sadd.s32 $0x27400, s0;
	s8 =	smul.u32 $0x34, s18  }
0x6: {  	s19 =	sadd.s32 $0x13C00, s0;
	s10 =	sadd.s32 $0x1D800, s0;
	s9 =	smul.u32 $0x4E000, s18  }
0x7: {  	s6 =	smul.u32 $0x138000, s5;
	_ =	strace $0x8000004D;
	s20 =	ssub.s32 $0x2, s5  }
0x8: {  	p0 =	seq.s32 s5, $0x0;
	s5 =	smul.u32 $0x68, s18;
	s14 =	smov.u32 s19  }
0x9: {  	s15 =	smov.u32 s10;
	s21 =	sshrl.u32 s20, $0x1;
	s22 =	sshrl.u32 s9, $0x2  }
0xa: {  	s11 =	sadd.s32 $0x680, s8;
	s6 =	sadd.s32 s7, s6;
	s8 =	sadd.s32 s22, s1  }
0xb: {  	s7 =	simm.s32 $0x68;
	s11 =	smov.u32 @p0 s5;
	s23 =	sadd.s32 $0x4000, s8  }
0xc: {  	s6 =	sshrl.u32 s6, $0x3;
	s24 =	sadd.s32 $0x8000, s8;
	[dreg:$0x4] =	wrdreg s23  }
0xd: {  	s7 =	simm.s32 @!p0 $0x34;
	s25 =	sadd.s32 $0xC000, s8;
	[dreg:$0x5] =	wrdreg s24  }
0xe: {  	s11 =	sshll.u32 s11, $0x4;
	s26 =	sadd.s32 $0x10000, s8;
	[dreg:$0x6] =	wrdreg s25  }
0xf: {  	s0 =	sadd.s32 s6, s0;
	s6 =	ssub.s32 s20, s21;
	[dreg:$0x7] =	wrdreg s26  }
0x10: {  	s28 =	sor.u32 $0x10, s11;
	s29 =	sadd.s32 s19, s11;
	s30 =	sadd.s32 s10, s11  }
0x11: {  	s31 =	sshll.u32 s7, $0x9;
	s21 =	simm.s32 $0x80;
	s24 =	simm.s32 $0x6  }
0x12: {  	s25 =	simm.s32 $0x7;
	s26 =	simm.s32 $0x0;
	[dreg:$0x8] =	wrdreg s29  }
0x13: {  	[dreg:$0x9] =	wrdreg s30;
	s16 =	sadd.s32 s19, s28;
	s17 =	sadd.s32 s10, s28  }
0x14: {  	v0 =	vimm.f32 $0.0e+00;
	s18 =	sadd.s32 $0x4E400, s0;
	s19 =	smax.u32 s6, $0x1;
	[dreg:$0x3] =	wrdreg s31  }
.LBB2_1:
0x15: {  	s0 =	simm.s32 $0x0  }
0x16: {  	s5 =	sand.u32 $0xFFFFFF80, s0  }
0x17: {  	s5 =	ssub.s32 $0x0, s5  }
0x18: {  	s2 =	simm.s32 $0x0;
	s0 =	sand.u32 $0x3FFFFF80, s0;
	s5 =	sand.u32 $0xFFFFFF80, s5  }
0x19: {  	s6 =	sand.u32 $0x70, s2;
	s5 =	sadd.s32 s5, s0  }
0x1a: {  	s0 =	simm.s32 $0x1;
	s6 =	sor.u32 s6, s5;
	s5 =	simm.s32 $0x0  }
.LBB2_2:
0x1b: {  	s20 =	sshll.u32 s0, $0x4;
	p0 =	sne.s32 s0, $0x3FF;
	s0 =	sadd.s32 $0x1, s0;
	[tilespmem:s6+$0x400] =	vst v0  }
.Ltmp0:
0x1c: {  	s5 =	sadd.s32 $0x10, s5;
	s6 =	sand.u32 $0xFFFFFF80, s20;
	(pc) =	sbr.rel @p0 .LBB2_2-.Ltmp0, $4  }
0x1d: {  	s6 =	ssub.s32 s5, s6  }
0x1e: {  	s20 =	sand.u32 $0x3FFFFF80, s20;
	s6 =	sand.u32 $0xFFFFFF80, s6  }
0x1f: {  	s28 =	sand.u32 $0x70, s5;
	s6 =	sadd.s32 s6, s20  }
0x20: {  	s6 =	sor.u32 s28, s6  }
0x21: {  	[tilespmem:s6+$0x400] =	vst v0;
	s28 =	simm.s32 $0x400  }
0x22: {  	[spmem:s8] =	stream.linear.scatter [tilespmem:s28], [sflag:$0x1], $0x4000, $0x38;
	[tilespmem:$0x1FC00] =	vst v63  }
0x23: {  	s0 =	rddreg [dreg:$0x4]  }
0x24: {  	[spmem:s0] =	stream.linear.scatter [tilespmem:s28], [sflag:$0x1], $0x4000, $0x38;
	[tilespmem:$0x1FC00] =	vst v63  }
0x25: {  	s9 =	rddreg [dreg:$0x5]  }
0x26: {  	[spmem:s9] =	stream.linear.scatter [tilespmem:s28], [sflag:$0x1], $0x4000, $0x38;
	[tilespmem:$0x1FC00] =	vst v63  }
0x27: {  	s10 =	rddreg [dreg:$0x6]  }
0x28: {  	[spmem:s10] =	stream.linear.scatter [tilespmem:s28], [sflag:$0x1], $0x4000, $0x38;
	[tilespmem:$0x1FC00] =	vst v63  }
0x29: {  	s12 =	rddreg [dreg:$0x7];
	s29 =	simm.s32 $0x1  }
0x2a: {  	[spmem:s12] =	stream.linear.scatter [tilespmem:s28], [sflag:$0x1], $0x3800, $0x38;
	[tilespmem:$0x1FC00] =	vst v63  }
0x2b: {  	_ =	swait.ge [sflag:s29], $0x4000  }
0x2c: {  	[sflag:s29] =	ssyncset.done $0x0  }
0x2d: {  	[sflag:s29] =	ssyncadd.s32 $0xFFFFC000  }
0x2e: {  	_ =	swait.ge [sflag:s29], $0x4000  }
0x2f: {  	[sflag:s29] =	ssyncset.done $0x0  }
0x30: {  	[sflag:s29] =	ssyncadd.s32 $0xFFFFC000  }
0x31: {  	_ =	swait.ge [sflag:s29], $0x4000  }
0x32: {  	[sflag:s29] =	ssyncset.done $0x0  }
0x33: {  	[sflag:s29] =	ssyncadd.s32 $0xFFFFC000  }
0x34: {  	_ =	swait.ge [sflag:s29], $0x4000  }
0x35: {  	[sflag:s29] =	ssyncset.done $0x0  }
0x36: {  	[sflag:s29] =	ssyncadd.s32 $0xFFFFC000  }
0x37: {  	_ =	swait.ge [sflag:s29], $0x3800  }
0x38: {  	[sflag:s29] =	ssyncset.done $0x0  }
0x39: {  	[sflag:s29] =	ssyncadd.s32 $0xFFFFC800  }
0x3a: {  	[bflag:$0x0] =	sbarrier.arrive $0xFFFF  }
0x3b: {  	s30 =	simm.s32 $0x0;
	s13 =	rddreg [dreg:$0x8]  }
0x3c: {  	[tilespmem:s30], [sflag:$0x2] =	stream.linear.gather [hbm4b:s13+s30], $0x80, $0x38;
	[tilespmem:$0x1FC00] =	vst v63  }
0x3d: {  	s2 =	simm.s32 $0x200;
	s20 =	rddreg [dreg:$0x9]  }
0x3e: {  	[tilespmem:s2], [sflag:$0x2] =	stream.linear.gather [hbm4b:s20+s30], $0x80, $0x38;
	[tilespmem:$0x1FC00] =	vst v63  }
0x3f: {  	_ = 	snop  }
0x40: {  	[tilespmem:s21], [sflag:$0x3] =	stream.linear.gather [hbm4b:s16+s30], $0x80, $0x38;
	[tilespmem:$0x1FC00] =	vst v63  }
0x41: {  	s22 =	simm.s32 $0x280;
	s31 =	simm.s32 $0x2  }
0x42: {  	[tilespmem:s22], [sflag:$0x3] =	stream.linear.gather [hbm4b:s17+s30], $0x80, $0x38;
	[tilespmem:$0x1FC00] =	vst v63  }
0x43: {  	_ =	swait.ge [sflag:s31], $0x80  }
0x44: {  	[sflag:s31] =	ssyncset.done $0x0  }
0x45: {  	[sflag:s31] =	ssyncadd.s32 $0xFFFFFF80  }
0x46: {  	_ =	swait.ge [sflag:s31], $0x80  }
0x47: {  	[sflag:s31] =	ssyncset.done $0x0  }
0x48: {  	s0 =	simm.s32 $0x3;
	[sflag:s31] =	ssyncadd.s32 $0xFFFFFF80  }
0x49: {  	[tilespmem:s28], [sflag:$0x4] =	stream.indirect.gather [hbm4b:s4+s21], $0x80, s30, s21, $0xb8;
	[tilespmem:$0x1FC00] =	vst v63  }
0x4a: {  	_ =	swait.ge [sflag:s0], $0x80  }
0x4b: {  	[sflag:s0] =	ssyncset.done $0x0  }
0x4c: {  	[sflag:s0] =	ssyncadd.s32 $0xFFFFFF80  }
0x4d: {  	_ =	swait.ge [sflag:s0], $0x80  }
0x4e: {  	s23 =	simm.s32 $0x4400;
	s5 =	smov.u32 s14;
	[sflag:s0] =	ssyncset.done $0x0  }
0x4f: {  	s6 =	smov.u32 s15;
	s20 =	simm.s32 $0x0;
	[sflag:s0] =	ssyncadd.s32 $0xFFFFFF80  }
0x50: {  	[tilespmem:s23], [sflag:$0x5] =	stream.indirect.gather [hbm4b:s4+s21], $0x80, s21, s21, $0xb8;
	[tilespmem:$0x1FC00] =	vst v63  }
.LBB2_4:
0x51: {  	s22 =	smulhi.u32 $0xAAAAAAAB, s30;
	_ =	sdelay $0x1  }
0x52: {  	s9 =	smulhi.u32 $0xAAAAAAAB, s31;
	p1 =	seq.s32 s20, $0x0;
	s22 =	sshrl.u32 s22, $0x1  }
0x53: {  	p0 =	sge.u32 s31, s7;
	s10 =	simm.s32 @!p1 $0x6;
	s23 =	smul.u32 $0xFFFFFA00, s22  }
0x54: {  	s9 =	sshrl.u32 s9, $0x1;
	_ =	swait.ge @!p1 [sflag:s10], $0x4000;
	s22 =	smul.u32 $0xFFFD0000, s22  }
0x55: {  	s3 =	smul.u32 $0xFFFFFA00, s9;
	[sflag:s10] =	ssyncset.done @!p1 $0x0;
	s23 =	sshra.s32 s23, $0x2  }
0x56: {  	[sflag:s10] =	ssyncadd.s32 @!p1 $0xFFFFC000;
	s10 =	sadd.s32 $0x200, s23;
	s23 =	simm.s32 @p0 $0x4  }
0x57: {  	s12 =	sshra.s32 @p0 s20, $0x2;
	s2 =	sshra.s32 @p0 s22, $0x2;
	_ =	swait.ge @p0 [sflag:s23], $0x4000  }
0x58: {  	s3 =	sshra.s32 s3, $0x2;
	s2 =	sadd.s32 @p0 s2, s28;
	[sflag:s23] =	ssyncset.done @p0 $0x0  }
0x59: {  	s12 =	sadd.s32 @p0 s12, s10;
	[sflag:s23] =	ssyncadd.s32 @p0 $0xFFFFC000;
	s23 =	simm.s32 @p0 $0x80  }
0x5a: {  	[spmem:s1] =	stream.indirect.scatter.add.f32 @p0 [tilespmem:s2], [sflag:$0x6], $0x80, s12, s23, $0xb8;
	[tilespmem:$0x1FC00] =	vst v63  }
0x5b: {  	s2 =	sadd.s32 $0x100, s3;
	s12 =	sshra.s32 @!p0 s20, $0x2;
	s23 =	sadd.s32 @!p0 s5, s11  }
0x5c: {  	s13 =	simm.s32 @!p0 $0x0;
	s2 =	sadd.s32 @!p0 s12, s2;
	s23 =	sadd.s32 @!p0 $0x20, s23  }
0x5d: {  	[tilespmem:s2], [sflag:$0x2] =	stream.linear.gather @!p0 [hbm4b:s23+s13], $0x80, $0x38;
	[tilespmem:$0x1FC00] =	vst v63  }
0x5e: {  	s3 =	sadd.s32 $0x300, s3;
	s23 =	sadd.s32 @!p0 s6, s11  }
0x5f: {  	s3 =	sadd.s32 @!p0 s12, s3;
	s23 =	sadd.s32 @!p0 $0x20, s23  }
0x60: {  	[tilespmem:s3], [sflag:$0x2] =	stream.linear.gather @!p0 [hbm4b:s23+s13], $0x80, $0x38;
	[tilespmem:$0x1FC00] =	vst v63  }
0x61: {  	s3 =	simm.s32 @!p0 $0x4  }
0x62: {  	_ =	swait.ge @!p0 [sflag:s3], $0x4000  }
0x63: {  	s9 =	smul.u32 $0xFFFD0000, s9;
	s13 =	sshra.s32 @!p0 s22, $0x2;
	[sflag:s3] =	ssyncset.done @!p0 $0x0  }
0x64: {  	s23 =	smulhi.u32 $0xAAAAAAAB, s29;
	s13 =	sadd.s32 @!p0 s13, s28;
	[sflag:s3] =	ssyncadd.s32 @!p0 $0xFFFFC000  }
0x65: {  	s3 =	sadd.s32 @!p0 s12, s10;
	s10 =	simm.s32 @!p0 $0x80;
	s12 =	simm.s32 @!p0 $0x2  }
0x66: {  	[spmem:s1] =	stream.indirect.scatter.add.f32 @!p0 [tilespmem:s13], [sflag:$0x6], $0x80, s3, s10, $0xb8;
	[tilespmem:$0x1FC00] =	vst v63  }
0x67: {  	_ =	swait.ge @!p0 [sflag:s12], $0x80  }
0x68: {  	s9 =	sshra.s32 @!p0 s9, $0x2;
	s23 =	sshrl.u32 s23, $0x1;
	[sflag:s12] =	ssyncset.done @!p0 $0x0  }
0x69: {  	s9 =	sadd.s32 @!p0 s9, s28;
	s22 =	smul.u32 $0xFFFFFA00, s23;
	[sflag:s12] =	ssyncadd.s32 @!p0 $0xFFFFFF80  }
0x6a: {  	s9 =	sadd.s32 @!p0 $0x8000, s9;
	_ =	swait.ge @!p0 [sflag:s12], $0x80  }
0x6b: {  	s3 =	smul.u32 $0xFFFD0000, s23;
	s13 =	sshra.s32 s22, $0x2;
	[sflag:s12] =	ssyncset.done @!p0 $0x0  }
0x6c: {  	s23 =	smulhi.u32 $0xAAAAAAAB, s0;
	s13 =	sadd.s32 $0x280, s13;
	[sflag:s12] =	ssyncadd.s32 @!p0 $0xFFFFFF80  }
0x6d: {  	[tilespmem:s9], [sflag:$0x4] =	stream.indirect.gather @!p0 [hbm4b:s4+s10], $0x80, s2, s10, $0xb8;
	[tilespmem:$0x1FC00] =	vst v63  }
0x6e: {  	s12 =	sadd.s32 $0x1, s31;
	s2 =	sshrl.u32 s23, $0x1;
	_ =	swait.ge [sflag:s24], $0x4000  }
0x6f: {  	p0 =	sge.u32 s12, s7;
	s22 =	smul.u32 $0xFFFFFA00, s2;
	[sflag:s24] =	ssyncset.done $0x0  }
0x70: {  	s9 =	sshra.s32 @p0 s3, $0x2;
	s12 =	simm.s32 @p0 $0x5;
	[sflag:s24] =	ssyncadd.s32 $0xFFFFC000  }
0x71: {  	s9 =	sadd.s32 @p0 s9, s28;
	s10 =	sshra.s32 s22, $0x2;
	_ =	swait.ge @p0 [sflag:s12], $0x4000  }
0x72: {  	s9 =	sadd.s32 @p0 $0x4000, s9;
	s22 =	sshra.s32 @p0 s20, $0x2;
	[sflag:s12] =	ssyncset.done @p0 $0x0  }
0x73: {  	[sflag:s12] =	ssyncadd.s32 @p0 $0xFFFFC000;
	s12 =	sadd.s32 @p0 s22, s13;
	s22 =	simm.s32 @p0 $0x80  }
0x74: {  	[spmem:s1] =	stream.indirect.scatter.add.f32 @p0 [tilespmem:s9], [sflag:$0x6], $0x80, s12, s22, $0xb8;
	[tilespmem:$0x1FC00] =	vst v63  }
0x75: {  	s9 =	sadd.s32 $0x180, s10;
	s12 =	sshra.s32 @!p0 s20, $0x2;
	s22 =	sadd.s32 @!p0 s5, s11  }
0x76: {  	s23 =	simm.s32 @!p0 $0x0;
	s9 =	sadd.s32 @!p0 s12, s9;
	s22 =	sadd.s32 @!p0 $0x30, s22  }
0x77: {  	[tilespmem:s9], [sflag:$0x3] =	stream.linear.gather @!p0 [hbm4b:s22+s23], $0x80, $0x38;
	[tilespmem:$0x1FC00] =	vst v63  }
0x78: {  	s10 =	sadd.s32 $0x380, s10;
	s22 =	sadd.s32 @!p0 s6, s11  }
0x79: {  	s10 =	sadd.s32 @!p0 s12, s10;
	s22 =	sadd.s32 @!p0 $0x30, s22  }
0x7a: {  	[tilespmem:s10], [sflag:$0x3] =	stream.linear.gather @!p0 [hbm4b:s22+s23], $0x80, $0x38;
	[tilespmem:$0x1FC00] =	vst v63  }
0x7b: {  	s3 =	sshra.s32 @!p0 s3, $0x2;
	s10 =	simm.s32 @!p0 $0x5  }
0x7c: {  	s3 =	sadd.s32 @!p0 s3, s28;
	_ =	swait.ge @!p0 [sflag:s10], $0x4000  }
0x7d: {  	s3 =	sadd.s32 @!p0 $0x4000, s3;
	[sflag:s10] =	ssyncset.done @!p0 $0x0  }
0x7e: {  	[sflag:s10] =	ssyncadd.s32 @!p0 $0xFFFFC000;
	s10 =	sadd.s32 @!p0 s12, s13;
	s12 =	simm.s32 @!p0 $0x80  }
0x7f: {  	[spmem:s1] =	stream.indirect.scatter.add.f32 @!p0 [tilespmem:s3], [sflag:$0x6], $0x80, s10, s12, $0xb8;
	[tilespmem:$0x1FC00] =	vst v63  }
0x80: {  	s3 =	simm.s32 @!p0 $0x3  }
0x81: {  	s2 =	smul.u32 $0xFFFD0000, s2;
	_ =	swait.ge @!p0 [sflag:s3], $0x80  }
0x82: {  	[sflag:s3] =	ssyncset.done @!p0 $0x0  }
0x83: {  	s2 =	sshra.s32 @!p0 s2, $0x2;
	[sflag:s3] =	ssyncadd.s32 @!p0 $0xFFFFFF80  }
0x84: {  	s2 =	sadd.s32 @!p0 s2, s28;
	_ =	swait.ge @!p0 [sflag:s3], $0x80  }
0x85: {  	s2 =	sadd.s32 @!p0 $0xC000, s2;
	[sflag:s3] =	ssyncset.done @!p0 $0x0  }
0x86: {  	s20 =	sadd.s32 $0x400, s20;
	s23 =	rddreg [dreg:$0x3];
	[sflag:s3] =	ssyncadd.s32 @!p0 $0xFFFFFF80  }
0x87: {  	[tilespmem:s2], [sflag:$0x5] =	stream.indirect.gather @!p0 [hbm4b:s4+s12], $0x80, s9, s12, $0xb8;
	[tilespmem:$0x1FC00] =	vst v63  }
0x88: {  	p0 =	sne.s32 s23, s20  }
.Ltmp1:
0x89: {  	_ = 	snop;
	(pc) =	sbr.rel @p0 .LBB2_4-.Ltmp1, $4  }
0x8a: {  	_ = 	snop  }
0x8b: {  	s30 =	sadd.s32 $0x2, s30  }
0x8c: {  	s29 =	sadd.s32 $0x2, s29;
	s0 =	sadd.s32 $0x2, s0;
	s31 =	sadd.s32 $0x2, s31  }
0x8d: {  	s28 =	sadd.s32 $0x8000, s28;
	s5 =	sadd.s32 $0x20, s5;
	s6 =	sadd.s32 $0x20, s6  }
0x8e: {  	_ =	swait.ge [sflag:s24], $0x4000;
	s0 =	stileid.u32  }
0x8f: {  	s2 =	sshrl.u32 s8, $0x3;
	s26 =	sadd.s32 $0x1, s26;
	[sflag:s24] =	ssyncset.done $0x0  }
0x90: {  	s0 =	sshll.u32 s0, $0x6;
	p0 =	sne.s32 s26, s19;
	[sflag:s24] =	ssyncadd.s32 $0xFFFFC000  }
.Ltmp2:
0x91: {  	s0 =	sor.u32 $0x1C07, s0;
	[bflag:$0x0] =	sbarrier.arrive $0xFFFF;
	(pc) =	sbr.rel @p0 .LBB2_1-.Ltmp2, $4  }
0x92: {  	[hbm:s18], [sflag:s0] =	dma.local [spmem:s2], $0x2700  }
0x93: {  	_ =	swait.ge [sflag:s25], $0x2700  }
0x94: {  	[sflag:s25] =	ssyncset.done $0x0  }
0x95: {  	[sflag:s25] =	ssyncadd.s32 $0xFFFFD900  }
0x96: {  	_ =	sfence.sel $0x180000  }
0x97: {  	[bflag:$0x0] =	sbarrier.arrive $0xFFFF  }
0x98: {  	_ =	strace $0x9000004D  }
0x99: {  	s0 =	stileid.u32;
	[bflag:$0x2] =	sbarrier.arrive $0xFFFF  }
0x9a: {  	p0 =	sne.s32 s0, $0x0;
	s0 =	rddreg [dreg:$0x2]  }
0x9b: {  	s0 =	sadd.s32 @!p0 $0x100000, s0  }
0x9c: {  	[sflag:s0] =	ssyncadd.tile.s32 @!p0 $0x1;
	_ =	shalt  }
.Lfunc_end2:
_tile_overlayer_lowered:
.L_overlay_start_2:
0x9d: {  	(tag) =	ssettag $0x2  }
0x9e: {  	s0 =	rddreg [dreg:$0x0];
	s2 =	stileid.u32  }
0x9f: {  	s1 =	rddreg [dreg:$0x1];
	p0 =	sne.s32 s2, $0x0  }
0xa0: {  	s3 =	rddreg [dreg:$0x2];
	[bflag:$0x3] =	sbarrier.arrive $0xFFFF;
	s2 =	simm.s32 @!p0 $0x1C07  }
0xa1: {  	[timem:s3], [sflag:s2] =	dma.local @!p0 [hbm:s0], s1  }
0xa2: {  	s0 =	simm.s32 @!p0 $0x7  }
0xa3: {  	_ =	swait.ge @!p0 [sflag:s0], s1  }
0xa4: {  	s1 =	ssub.s32 @!p0 $0x0, s1;
	[sflag:s0] =	ssyncset.done @!p0 $0x0  }
0xa5: {  	[sflag:s0] =	ssyncadd.s32 @!p0 s1  }
0xa6: {  	[bflag:$0x3] =	sbarrier.arrive $0xFFFF  }
0xa7: {  	_ =	shalt  }

// kernel: kernel.8.cloned.1.call-start
scs
__scs_entry_jumppad:
0x0: {  	(pc) =	sbr.rel $0x88, $3  }
0x1: {  	(tag) =	ssettag $0x0;
	lr =	simm.s32 $0x1  }
0x2: {  	[smem:$0x3F90] =	sst lr;
	_ =	strace $0xD0000000  }
0x3: {  	_ = 	snop  }
0x4: {  	_ = 	snop  }
0x5: {  	_ = 	snop  }
0x6: {  	_ = 	snop  }
0x7: {  	_ = 	snop  }
__scs_overlays_trampoline_lowered:
0x8: {  	[smem:$0x3F9F] =	sst s0  }
0x9: {  	[smem:$0x3FA0] =	sst s1  }
0xa: {  	[smem:$0x3FA1] =	sst s2  }
0xb: {  	[smem:$0x3FA2] =	sst s3  }
0xc: {  	[smem:$0x3FA3] =	sst s4  }
0xd: {  	[smem:$0x3FA4] =	sst s5  }
0xe: {  	[smem:$0x3FA5] =	sst s6  }
0xf: {  	[smem:$0x3FA6] =	sst s7  }
0x10: {  	[smem:$0x3FA7] =	sst s8  }
0x11: {  	[smem:$0x3FA8] =	sst s9;
	s0 =	simm.s32 @!p0 $0x0  }
0x12: {  	s1 =	sld [smem:$0x3F8E];
	s0 =	simm.s32 @p0 $0x1  }
0x13: {  	[smem:$0x3FA9] =	sst s0;
	s0 =	simm.s32 @!p1 $0x0  }
0x14: {  	s2 =	sld [smem:$0x3F8D];
	s0 =	simm.s32 @p1 $0x1  }
0x15: {  	[smem:$0x3FAA] =	sst s0;
	s0 =	simm.s32 @!p2 $0x0  }
0x16: {  	s3 =	sld [smem:$0x3FDB];
	s0 =	simm.s32 @p2 $0x1  }
0x17: {  	s4 =	simm.s32 $0x1BF5;
	[smem:$0x3FAC] =	sst s0  }
0x18: {  	s0 =	sld [smem:$0x3F8F];
	_ =	swait.ge [sflag:s4], $0x0  }
0x19: {  	s7 =	sld [smem:$0x3F90]  }
0x1a: {  	s8 =	sadd.s32 $0xFFFFE003, lr  }
0x1b: {  	s9 =	sadd.s32 $0xFFFFFEF7, lr;
	s5 =	simm.s32 $0xFFFFFFFF;
	p2 =	slt.u32 s8, $0xFFFFF086  }
0x1c: {  	p1 =	slt.u32 s9, $0xF7A;
	s5 =	simm.s32 @!p2 $0x0  }
0x1d: {  	s5 =	simm.s32 @p1 $0x1;
	p0 =	seq.s32 s7, s2  }
0x1e: {  	s7 =	smul.u32 @!p0 $0xF7A, s2;
	p2 =	seq.s32 @!p0 s5, $0x0  }
0x1f: {  	s9 =	smul.u32 $0xF7A, s1;
	s8 =	simm.s32 @!p0 $0x1BF5;
	p2 =	por !p2, p0  }
0x20: {  	[sflag:s8] =	ssyncset.s32 @!p0 $0xFFFFF086;
	s6 =	sadd.s32 @!p0 s3, s7;
	s7 =	simm.s32 @!p0 $0x108  }
0x21: {  	s3 =	sadd.s32 s3, s9;
	s6 =	sadd.s32 @!p0 $0x88, s6;
	s7 =	simm.s32 @p2 $0x1082  }
0x22: {  	[simem:s7], [sflag:s8] =	dma.local @!p0 [hbm:s6], $0xF7A  }
0x23: {  	s9 =	sor.u32 $0xD0000000, s2;
	s6 =	simm.s32 $0x108;
	_ =	swait.ge @!p0 [sflag:s8], $0x0  }
0x24: {  	s3 =	sadd.s32 $0x88, s3;
	s6 =	simm.s32 @!p1 $0x1082;
	[sflag:s4] =	ssyncset.s32 $0xFFFFF086  }
0x25: {  	[simem:s6], [sflag:s4] =	dma.local [hbm:s3], $0xF7A  }
0x26: {  	[smem:$0x3F90] =	sst s1;
	(tag) =	ssettag s2;
	_ =	strace s9  }
0x27: {  	s1 =	sld [smem:$0x3FA0]  }
0x28: {  	s2 =	sld [smem:$0x3FA1]  }
0x29: {  	s4 =	sld [smem:$0x3FA3]  }
0x2a: {  	p0 =	seq.s32 s5, $0x0;
	s5 =	sld [smem:$0x3FA4]  }
0x2b: {  	s6 =	sld [smem:$0x3FA5]  }
0x2c: {  	s7 =	sld [smem:$0x3FA6]  }
0x2d: {  	s3 =	simm.s32 $0x108;
	s8 =	sld [smem:$0x3FA7]  }
0x2e: {  	s3 =	simm.s32 @!p0 $0x1082;
	s9 =	sld [smem:$0x3FA8]  }
0x2f: {  	lr =	sadd.s32 s0, s3;
	s0 =	sld [smem:$0x3F9F]  }
0x30: {  	s3 =	sld [smem:$0x3FA2]  }
0x31: {  	[smem:$0x3FAB] =	sst s10  }
0x32: {  	s10 =	sld [smem:$0x3FA9];
	_ =	sdelay $0x3  }
0x33: {  	p0 =	seq.s32 s10, $0x1;
	s10 =	sld [smem:$0x3FAB];
	_ =	sdelay $0x3  }
0x34: {  	[smem:$0x3FAB] =	sst s10  }
0x35: {  	s10 =	sld [smem:$0x3FAA];
	_ =	sdelay $0x3  }
0x36: {  	p1 =	seq.s32 s10, $0x1;
	s10 =	sld [smem:$0x3FAB];
	_ =	sdelay $0x3  }
0x37: {  	[smem:$0x3FAB] =	sst s10  }
0x38: {  	s10 =	sld [smem:$0x3FAC]  }
0x39: {  	_ = 	snop;
	(pc) =	sbr.ind lr, $3  }
0x3a: {  	_ = 	snop  }
0x3b: {  	_ = 	snop  }
0x3c: {  	p2 =	seq.s32 s10, $0x1;
	s10 =	sld [smem:$0x3FAB]  }
0x3d: {  	_ =	shalt  }
0x3e: {  	_ =	shalt  }
0x3f: {  	_ =	shalt  }
0x40: {  	_ =	shalt  }
0x41: {  	_ =	shalt  }
0x42: {  	_ =	shalt  }
0x43: {  	_ =	shalt  }
0x44: {  	_ =	shalt  }
0x45: {  	_ =	shalt  }
0x46: {  	_ =	shalt  }
0x47: {  	_ =	shalt  }
0x48: {  	_ =	shalt  }
0x49: {  	_ =	shalt  }
0x4a: {  	_ =	shalt  }
0x4b: {  	_ =	shalt  }
0x4c: {  	_ =	shalt  }
0x4d: {  	_ =	shalt  }
0x4e: {  	_ =	shalt  }
0x4f: {  	_ =	shalt  }
0x50: {  	_ =	shalt  }
0x51: {  	_ =	shalt  }
0x52: {  	_ =	shalt  }
0x53: {  	_ =	shalt  }
0x54: {  	_ =	shalt  }
0x55: {  	_ =	shalt  }
0x56: {  	_ =	shalt  }
0x57: {  	_ =	shalt  }
0x58: {  	_ =	shalt  }
0x59: {  	_ =	shalt  }
0x5a: {  	_ =	shalt  }
0x5b: {  	_ =	shalt  }
0x5c: {  	_ =	shalt  }
0x5d: {  	_ =	shalt  }
0x5e: {  	_ =	shalt  }
0x5f: {  	_ =	shalt  }
0x60: {  	_ =	shalt  }
0x61: {  	_ =	shalt  }
0x62: {  	_ =	shalt  }
0x63: {  	_ =	shalt  }
0x64: {  	_ =	shalt  }
0x65: {  	_ =	shalt  }
0x66: {  	_ =	shalt  }
0x67: {  	_ =	shalt  }
0x68: {  	_ =	shalt  }
0x69: {  	_ =	shalt  }
0x6a: {  	_ =	shalt  }
0x6b: {  	_ =	shalt  }
0x6c: {  	_ =	shalt  }
0x6d: {  	_ =	shalt  }
0x6e: {  	_ =	shalt  }
0x6f: {  	_ =	shalt  }
0x70: {  	_ =	shalt  }
0x71: {  	_ =	shalt  }
0x72: {  	_ =	shalt  }
0x73: {  	_ =	shalt  }
0x74: {  	_ =	shalt  }
0x75: {  	_ =	shalt  }
0x76: {  	_ =	shalt  }
0x77: {  	_ =	shalt  }
0x78: {  	_ =	shalt  }
0x79: {  	_ =	shalt  }
0x7a: {  	_ =	shalt  }
0x7b: {  	_ =	shalt  }
0x7c: {  	_ =	shalt  }
0x7d: {  	_ =	shalt  }
0x7e: {  	_ =	shalt  }
0x7f: {  	_ =	shalt  }
0x80: {  	_ =	shalt  }
0x81: {  	_ =	shalt  }
0x82: {  	_ =	shalt  }
0x83: {  	_ =	shalt  }
0x84: {  	_ =	shalt  }
0x85: {  	_ =	shalt  }
0x86: {  	_ =	shalt  }
0x87: {  	_ =	shalt  }
.Lfunc_end0:
.L_simem_size_0:
called_computation_lowered:
.L_overlay_start_0:
0x88: {  	s2 =	sld [smem:$0x3FD9]  }
0x89: {  	s3 =	sld [smem:$0x3FFE];
	_ =	sdelay $0x1  }
0x8a: {  	s1 =	srdreg.scid  }
0x8b: {  	s0 =	sand.u32 $0x1, s1  }
0x8c: {  	s14 =	sshll.u32 s0, $0xA;
	s2 =	sadd.s32 s3, s2  }
0x8d: {  	s2 =	sadd.s32 s2, s14  }
0x8e: {  	[smem:$0x3FB7] =	sst s2  }
0x8f: {  	_ = 	snop  }
0x90: {  	s2 =	sld [smem:$0x3FD0];
	_ =	sdelay $0x2  }
0x91: {  	s15 =	simm.s32 $0xA;
	s4 =	simm.s32 $0x10  }
0x92: {  	[smem:s4], [sflag:s15] =	dma.local [hbm:s2], $0x1  }
0x93: {  	_ =	swait.eq [sflag:s15], $0x1  }
0x94: {  	[sflag:s15] =	ssyncset.done $0x0  }
0x95: {  	[sflag:s15] =	ssyncadd.s32 $0xFFFFFFFF  }
0x96: {  	s16 =	sld [smem:$0x11];
	(tm) =	ssettm $0x1  }
0x97: {  	s17 =	sld [smem:$0x3FFB];
	_ =	sdelay $0x3  }
0x98: {  	_ =	strace s17  }
0x99: {  	s3 =	sld [smem:$0x3FFC];
	_ =	sdelay $0x3  }
0x9a: {  	_ =	strace s3  }
0x9b: {  	s3 =	sld [smem:$0x3FFD];
	_ =	sdelay $0x3  }
0x9c: {  	_ =	strace s3  }
0x9d: {  	_ =	strace $0x8FFFFFFF  }
0x9e: {  	s18 =	sld [smem:$0x3FDB];
	_ =	sdelay $0x1  }
0x9f: {  	s19 =	simm.s32 $_scs_section_size  }
0xa0: {  	s5 =	simm.s32 $_size__tile_overlayer_lowered;
	s6 =	simm.s32 $_tile_overlayer_lowered  }
0xa1: {  	s22 =	simm.s32 $0x1BFF;
	s21 =	sshll.u32 s6, $0x1;
	s3 =	sadd.s32 s19, s18  }
0xa2: {  	s7 =	simm.s32 $0x0;
	s20 =	sshll.u32 s5, $0x1;
	s5 =	sadd.s32 s21, s3  }
0xa3: {  	[timem:s7], [sflag:s22] =	dma.local [hbm:s5], s20  }
0xa4: {  	_ =	swait.ge [sflag:s22], s20  }
0xa5: {  	s4 =	ssub.s32 $0x0, s20;
	[sflag:s22] =	ssyncset.done $0x0  }
0xa6: {  	[sflag:s22] =	ssyncadd.s32 s4;
	_ =	sdelay $0x1  }
0xa7: {  	s23 =	simm.s32 $0x1B8B  }
0xa8: {  	_ =	swait.ge [sflag:s23], $0x1  }
0xa9: {  	[sflag:s23] =	ssyncset.done $0x0  }
0xaa: {  	s25 =	simm.s32 $0x1B8E;
	s24 =	sld [smem:$0x3FFE];
	[sflag:s23] =	ssyncadd.s32 $0xFFFFFFFF  }
0xab: {  	s26 =	simm.s32 $execute0_lowered;
	[smem:$0x3FD2] =	sst s25  }
0xac: {  	s5 =	sshll.u32 s26, $0x1;
	_ =	strace $0x80000046;
	[dreg:$0x1] =	wrdreg $0xFFFFFFFF  }
0xad: {  	s28 =	simm.s32 $_size_execute0_lowered;
	s3 =	sadd.s32 s3, s5;
	[dreg:$0x0] =	wrdreg $0x0  }
0xae: {  	s5 =	sshll.u32 s28, $0x1;
	[dreg:$0x2] =	wrdreg s3  }
0xaf: {  	[dreg:$0x3] =	wrdreg s5  }
0xb0: {  	[dreg:$0x4] =	wrdreg $0xC0  }
0xb1: {  	_ =	task [dreg:s7], $0x5FFFF  }
0xb2: {  	[dreg:$0x1] =	wrdreg $0xFFFFFFFF  }
0xb3: {  	[dreg:$0x0] =	wrdreg $0x60  }
0xb4: {  	[dreg:$0x2] =	wrdreg s24  }
0xb5: {  	[dreg:$0x3] =	wrdreg s16  }
0xb6: {  	[dreg:$0x4] =	wrdreg $0x9  }
0xb7: {  	_ =	task.clear_ibuf [dreg:s7], $0x5FFFF;
	_ =	strace $0x90000046  }
0xb8: {  	s29 =	simm.s32 $0x9;
	_ =	strace $0x80000048  }
0xb9: {  	_ =	swait.ge [sflag:s29], $0x1  }
0xba: {  	[sflag:s29] =	ssyncadd.s32 $0xFFFFFFFF  }
0xbb: {  	_ =	strace $0x90000048  }
0xbc: {  	_ =	sfence  }
0xbd: {  	s30 =	sld [smem:$0x0];
	_ =	sdelay $0x2  }
0xbe: {  	s31 =	sshll.u32 s1, $0xD;
	s1 =	sshrl.u32 s1, $0x2  }
0xbf: {  	s3 =	sand.u32 $0x4000, s31;
	s1 =	sadd.s32 s1, s30  }
0xc0: {  	s0 =	sor.u32 s3, s0;
	s1 =	sshll.u32 s1, $0x11  }
0xc1: {  	s0 =	sor.u32 s1, s0  }
0xc2: {  	s0 =	sadd.s32 $0x8F2B, s0  }
0xc3: {  	[sflag:s0] =	ssyncadd.remote.s32 $0x1  }
0xc4: {  	_ =	sfence.sel $0xFFFF  }
0xc5: {  	[dreg:$0x0] =	wrdreg $0xFFFFFFFF;
	(pc) =	sbr.abs _section_cstart, $3  }
0xc6: {  	[dreg:$0x1] =	wrdreg $0xFFFFFFFF  }
0xc7: {  	_ =	task.clear_ibuf [dreg:s7], $0x2FFFF;
	_ =	strace $0x9FFFFFFF  }
0xc8: {  	(tm) =	ssettm $0x7FFFFFFF  }
0xc9: {  	_ =	shalt  }
tec
execute0_lowered:
.L_overlay_start_1:
0x0: {  	(tag) =	ssettag $0x1  }
0x1: {  	s4 =	rddreg [dreg:$0x0]  }
0x2: {  	s1 =	rddreg [dreg:$0x1]  }
0x3: {  	s0 =	rddreg [dreg:$0x2];
	s3 =	simm.s32 $0x0;
	s5 =	srdreg.scid  }
0x4: {  	s2 =	stileid.u32;
	s18 =	simm.s32 $0x1;
	s19 =	simm.s32 $0x200  }
0x5: {  	s20 =	simm.s32 $0x300;
	s21 =	simm.s32 $0x3;
	s22 =	simm.s32 $0x2  }
0x6: {  	s23 =	simm.s32 $0x280;
	s28 =	simm.s32 $0x0;
	[smem:$0x7FF] =	sst s3  }
0x7: {  	s11 =	sadd.s32 $0x400, s4;
	s12 =	sand.u32 $0x1, s5;
	s24 =	smul.u32 $0x9C, s2  }
0x8: {  	s13 =	sadd.s32 $0xA000, s4;
	s6 =	sshll.u32 s2, $0x1;
	s17 =	smul.u32 $0x9C0, s2  }
0x9: {  	s14 =	sadd.s32 $0x13C00, s4;
	s15 =	sadd.s32 $0x1D800, s4;
	s7 =	smul.u32 $0x4E, s12  }
0xa: {  	s8 =	ssub.s32 $0x2, s12;
	s6 =	sor.u32 s12, s6;
	s30 =	smul.u32 $0x4E0, s12  }
0xb: {  	_ =	strace $0x80000047;
	s9 =	sshrl.u32 s8, $0x1;
	s6 =	smul.u32 $0x4E0, s6  }
0xc: {  	s31 =	sadd.s32 s17, s15;
	s5 =	sadd.s32 s7, s24;
	s25 =	ssub.s32 s8, s9  }
0xd: {  	s24 =	simm.s32 $0x380;
	s16 =	sshll.u32 s5, $0x4;
	s4 =	sadd.s32 s11, s6  }
0xe: {  	s5 =	sadd.s32 s13, s6;
	s6 =	smax.u32 s25, $0x1;
	s25 =	simm.s32 $0x4  }
0xf: {  	s26 =	sadd.s32 $0x20, s16;
	s29 =	sadd.s32 s16, s15;
	s10 =	sadd.s32 s16, s14  }
0x10: {  	s14 =	sadd.s32 s17, s14;
	s15 =	simm.s32 $0x100;
	s17 =	simm.s32 $0x180  }
0x11: {  	s7 =	sadd.s32 s26, s11;
	s8 =	sadd.s32 s26, s13;
	s9 =	sadd.s32 $0x10, s29  }
0x12: {  	s10 =	sadd.s32 $0x10, s10;
	s11 =	sadd.s32 s16, s11;
	s13 =	sadd.s32 s16, s13  }
0x13: {  	s14 =	sadd.s32 s30, s14;
	s16 =	simm.s32 $0x80;
	s26 =	simm.s32 $0x5  }
0x14: {  	s11 =	sadd.s32 $0x10, s11;
	s12 =	sadd.s32 $0x10, s13;
	s13 =	sadd.s32 s30, s31  }
.LBB2_1:
0x15: {  	[tilespmem:s3], [sflag:$0x1] =	stream.linear.gather [hbm4b:s4+s3], $0x80, $0x38;
	[tilespmem:$0x400] =	vst v63  }
0x16: {  	s29 =	simm.s32 $0x0  }
0x17: {  	[tilespmem:s15], [sflag:$0x1] =	stream.linear.gather [hbm4b:s5+s3], $0x80, $0x38;
	[tilespmem:$0x400] =	vst v63  }
.LBB2_2:
0x18: {  	p0 =	seq.s32 s29, $0x0  }
0x19: {  	s30 =	simm.s32 @!p0 $0x4  }
0x1a: {  	_ =	swait.ge @!p0 [sflag:s30], $0x80  }
0x1b: {  	[sflag:s30] =	ssyncset.done @!p0 $0x0  }
0x1c: {  	[sflag:s30] =	ssyncadd.s32 @!p0 $0xFFFFFF80  }
0x1d: {  	_ =	swait.ge @!p0 [sflag:s30], $0x80  }
0x1e: {  	[sflag:s30] =	ssyncset.done @!p0 $0x0  }
0x1f: {  	s31 =	sadd.s32 s29, s11;
	[sflag:s30] =	ssyncadd.s32 @!p0 $0xFFFFFF80  }
0x20: {  	[tilespmem:s16], [sflag:$0x2] =	stream.linear.gather [hbm4b:s31+s3], $0x80, $0x38;
	[tilespmem:$0x400] =	vst v63  }
0x21: {  	s31 =	sadd.s32 s29, s12  }
0x22: {  	[tilespmem:s17], [sflag:$0x2] =	stream.linear.gather [hbm4b:s31+s3], $0x80, $0x38;
	[tilespmem:$0x400] =	vst v63  }
0x23: {  	_ =	swait.ge [sflag:s18], $0x80  }
0x24: {  	[sflag:s18] =	ssyncset.done $0x0  }
0x25: {  	[sflag:s18] =	ssyncadd.s32 $0xFFFFFF80  }
0x26: {  	_ =	swait.ge [sflag:s18], $0x80  }
0x27: {  	[sflag:s18] =	ssyncset.done $0x0  }
0x28: {  	[sflag:s18] =	ssyncadd.s32 $0xFFFFFF80  }
0x29: {  	[tilespmem:s19], [sflag:$0x3] =	stream.indirect.gather [hbm4b:s1+s16], $0x1, s3, s16, $0xb8;
	[tilespmem:$0x400] =	vst v63  }
0x2a: {  	_ = 	snop  }
0x2b: {  	[tilespmem:s20], [sflag:$0x3] =	stream.indirect.gather [hbm4b:s1+s16], $0x1, s15, s16, $0xb8;
	[tilespmem:$0x400] =	vst v63  }
0x2c: {  	_ =	swait.ge [sflag:s21], $0x80  }
0x2d: {  	[sflag:s21] =	ssyncset.done $0x0  }
0x2e: {  	[sflag:s21] =	ssyncadd.s32 $0xFFFFFF80  }
0x2f: {  	_ =	swait.ge [sflag:s21], $0x80  }
0x30: {  	[sflag:s21] =	ssyncset.done $0x0  }
0x31: {  	s31 =	sadd.s32 s29, s14;
	[sflag:s21] =	ssyncadd.s32 $0xFFFFFF80  }
0x32: {  	[hbm4b:s31+s3] =	stream.linear.scatter [tilespmem:s19], [sflag:$0x4], $0x80, $0x38;
	[tilespmem:$0x400] =	vst v63  }
0x33: {  	s30 =	simm.s32 @!p0 $0x5;
	s31 =	sadd.s32 s29, s13  }
0x34: {  	[hbm4b:s31+s3] =	stream.linear.scatter [tilespmem:s20], [sflag:$0x4], $0x80, $0x38;
	[tilespmem:$0x400] =	vst v63  }
0x35: {  	_ =	swait.ge @!p0 [sflag:s30], $0x80  }
0x36: {  	[sflag:s30] =	ssyncset.done @!p0 $0x0  }
0x37: {  	[sflag:s30] =	ssyncadd.s32 @!p0 $0xFFFFFF80  }
0x38: {  	p1 =	seq.s32 @!p0 s29, $0x4C0;
	_ =	swait.ge @!p0 [sflag:s30], $0x80  }
0x39: {  	p1 =	por p0, !p1;
	[sflag:s30] =	ssyncset.done @!p0 $0x0  }
0x3a: {  	[sflag:s30] =	ssyncadd.s32 @!p0 $0xFFFFFF80;
	s30 =	sadd.s32 @p1 s29, s7  }
0x3b: {  	[tilespmem:s3], [sflag:$0x1] =	stream.linear.gather @p1 [hbm4b:s30+s3], $0x80, $0x38;
	[tilespmem:$0x400] =	vst v63  }
0x3c: {  	s30 =	sadd.s32 @p1 s29, s8  }
0x3d: {  	[tilespmem:s15], [sflag:$0x1] =	stream.linear.gather @p1 [hbm4b:s30+s3], $0x80, $0x38;
	[tilespmem:$0x400] =	vst v63  }
0x3e: {  	_ =	swait.ge [sflag:s22], $0x80  }
0x3f: {  	[sflag:s22] =	ssyncset.done $0x0  }
0x40: {  	[sflag:s22] =	ssyncadd.s32 $0xFFFFFF80  }
0x41: {  	_ =	swait.ge [sflag:s22], $0x80  }
0x42: {  	[sflag:s22] =	ssyncset.done $0x0  }
0x43: {  	[sflag:s22] =	ssyncadd.s32 $0xFFFFFF80  }
0x44: {  	[tilespmem:s23], [sflag:$0x3] =	stream.indirect.gather [hbm4b:s1+s16], $0x1, s16, s16, $0xb8;
	[tilespmem:$0x400] =	vst v63  }
0x45: {  	_ = 	snop  }
0x46: {  	[tilespmem:s24], [sflag:$0x3] =	stream.indirect.gather [hbm4b:s1+s16], $0x1, s17, s16, $0xb8;
	[tilespmem:$0x400] =	vst v63  }
0x47: {  	_ =	swait.ge [sflag:s21], $0x80  }
0x48: {  	[sflag:s21] =	ssyncset.done $0x0  }
0x49: {  	[sflag:s21] =	ssyncadd.s32 $0xFFFFFF80  }
0x4a: {  	_ =	swait.ge [sflag:s21], $0x80  }
0x4b: {  	[sflag:s21] =	ssyncset.done $0x0  }
0x4c: {  	s31 =	sadd.s32 s29, s10;
	[sflag:s21] =	ssyncadd.s32 $0xFFFFFF80  }
0x4d: {  	[hbm4b:s31+s3] =	stream.linear.scatter [tilespmem:s23], [sflag:$0x5], $0x80, $0x38;
	[tilespmem:$0x400] =	vst v63  }
0x4e: {  	s31 =	sadd.s32 s29, s9;
	s29 =	sadd.s32 $0x20, s29  }
0x4f: {  	p0 =	sne.s32 s29, $0x4E0  }
.Ltmp0:
0x50: {  	_ = 	snop;
	(pc) =	sbr.rel @p0 .LBB2_2-.Ltmp0, $2  }
0x51: {  	_ =	sdelay $0x2  }
0x52: {  	[hbm4b:s31+s3] =	stream.linear.scatter [tilespmem:s24], [sflag:$0x5], $0x80, $0x38;
	[tilespmem:$0x400] =	vst v63  }
0x53: {  	_ =	swait.ge [sflag:s25], $0x80  }
0x54: {  	[sflag:s25] =	ssyncset.done $0x0  }
0x55: {  	[sflag:s25] =	ssyncadd.s32 $0xFFFFFF80  }
0x56: {  	_ =	swait.ge [sflag:s25], $0x80  }
0x57: {  	[sflag:s25] =	ssyncset.done $0x0  }
0x58: {  	s28 =	sadd.s32 $0x1, s28;
	[sflag:s25] =	ssyncadd.s32 $0xFFFFFF80  }
0x59: {  	p0 =	sne.s32 s28, s6;
	_ =	swait.ge [sflag:s26], $0x80  }
.Ltmp1:
0x5a: {  	[sflag:s26] =	ssyncset.done $0x0;
	(pc) =	sbr.rel @p0 .LBB2_1-.Ltmp1, $4  }
0x5b: {  	[sflag:s26] =	ssyncadd.s32 $0xFFFFFF80  }
0x5c: {  	_ =	swait.ge [sflag:s26], $0x80  }
0x5d: {  	[sflag:s26] =	ssyncset.done $0x0  }
0x5e: {  	[sflag:s26] =	ssyncadd.s32 $0xFFFFFF80  }
0x5f: {  	_ =	sfence.sel $0x180000  }
0x60: {  	[bflag:$0x0] =	sbarrier.arrive $0xFFFF  }
0x61: {  	p0 =	sne.s32 s2, $0x0;
	_ =	strace $0x90000047  }
0x62: {  	s0 =	sadd.s32 @!p0 $0x100000, s0;
	[bflag:$0x2] =	sbarrier.arrive $0xFFFF  }
0x63: {  	[sflag:s0] =	ssyncadd.tile.s32 @!p0 $0x1;
	_ =	shalt  }
.Lfunc_end2:
_tile_overlayer_lowered:
.L_overlay_start_2:
0x64: {  	(tag) =	ssettag $0x2  }
0x65: {  	s0 =	rddreg [dreg:$0x0];
	s2 =	stileid.u32  }
0x66: {  	s1 =	rddreg [dreg:$0x1];
	p0 =	sne.s32 s2, $0x0  }
0x67: {  	s3 =	rddreg [dreg:$0x2];
	[bflag:$0x3] =	sbarrier.arrive $0xFFFF;
	s2 =	simm.s32 @!p0 $0x1C06  }
0x68: {  	[timem:s3], [sflag:s2] =	dma.local @!p0 [hbm:s0], s1  }
0x69: {  	s0 =	simm.s32 @!p0 $0x6  }
0x6a: {  	_ =	swait.ge @!p0 [sflag:s0], s1  }
0x6b: {  	s1 =	ssub.s32 @!p0 $0x0, s1;
	[sflag:s0] =	ssyncset.done @!p0 $0x0  }
0x6c: {  	[sflag:s0] =	ssyncadd.s32 @!p0 s1  }
0x6d: {  	[bflag:$0x3] =	sbarrier.arrive $0xFFFF  }
0x6e: {  	_ =	shalt  }

</sc_bundles>
